<compile_context>
chip_gen: v7x
topology: tpu7x:2x2x1
jax: 0.10.2.dev20260603
libtpu: 0.0.44.dev20260713+nightly
codegen_flags: <defaults>
</compile_context>

<pallas_src>
import functools

import jax
import jax.numpy as jnp
from jax import lax
from jax.experimental import pallas as pl
from jax.experimental.pallas import tpu as pltpu
from jax.experimental.pallas import tpu_sc as plsc

NC = 2
NS = 16
NW = NC * NS
L = 16
D = 128
DA = 144
K = 128
EBLK = 2048


def _t1_body(u2e_ref, w1a_ref, w1b_ref, b1_ref, pa_ref, pb_ref, aug_ref):
    x = u2e_ref[...]
    pa_ref[...] = jnp.dot(
        x, w1a_ref[...], preferred_element_type=jnp.float32
    ).astype(jnp.bfloat16)
    pb_ref[...] = (
        jnp.dot(x, w1b_ref[...], preferred_element_type=jnp.float32) + b1_ref[...]
    ).astype(jnp.bfloat16)
    one_col = (
        lax.broadcasted_iota(jnp.int32, (x.shape[0], DA - D), 1) == 0
    ).astype(jnp.float32)
    aug_ref[...] = jnp.concatenate([x, one_col], axis=1)


def _node_projections(u2e, W1, b1):
    n = u2e.shape[0]
    nblk = 1000
    return pl.pallas_call(
        _t1_body,
        grid=(n // nblk,),
        in_specs=[
            pl.BlockSpec((nblk, D), lambda i: (i, 0)),
            pl.BlockSpec((D, D), lambda i: (0, 0)),
            pl.BlockSpec((D, D), lambda i: (0, 0)),
            pl.BlockSpec((1, D), lambda i: (0, 0)),
        ],
        out_specs=[
            pl.BlockSpec((nblk, D), lambda i: (i, 0)),
            pl.BlockSpec((nblk, D), lambda i: (i, 0)),
            pl.BlockSpec((nblk, DA), lambda i: (i, 0)),
        ],
        out_shape=[
            jax.ShapeDtypeStruct((n, D), jnp.bfloat16),
            jax.ShapeDtypeStruct((n, D), jnp.bfloat16),
            jax.ShapeDtypeStruct((n, DA), jnp.float32),
        ],
    )(u2e, W1[:D], W1[D:], b1.reshape(1, D))


def _t2_body(e_real, h1_ref, w2_ref, b2_ref, w3_ref, lg_ref, gmax_ref):
    i = pl.program_id(0)
    half = EBLK // 2
    dp = D // 2
    u = lax.bitcast_convert_type(h1_ref[...], jnp.uint32)
    lo = lax.bitcast_convert_type(u << jnp.uint32(16), jnp.float32)
    hi = lax.bitcast_convert_type(u & jnp.uint32(0xFFFF0000), jnp.float32)

    def logits_half(xcat):
        x = jnp.maximum(xcat, 0.0).astype(jnp.bfloat16)
        h2 = jnp.maximum(
            jnp.dot(x, w2_ref[...], preferred_element_type=jnp.float32)
            + b2_ref[...],
            0.0,
        )
        return jnp.sum(h2 * w3_ref[...], axis=1, keepdims=True)

    lge = logits_half(jnp.concatenate([lo[:, :dp], hi[:, :dp]], axis=1))
    lgo = logits_half(jnp.concatenate([lo[:, dp:], hi[:, dp:]], axis=1))
    lg = jnp.concatenate([lge, lgo], axis=1)
    eidx = (i * EBLK
            + 2 * lax.broadcasted_iota(jnp.int32, (half, 2), 0)
            + lax.broadcasted_iota(jnp.int32, (half, 2), 1))
    lg = jnp.where(eidx < e_real, lg, -1e30)
    lg_ref[...] = lg
    m = jnp.max(lg, axis=(0, 1), keepdims=True)

    @pl.when(i == 0)
    def _():
        gmax_ref[...] = m

    @pl.when(i != 0)
    def _():
        gmax_ref[...] = jnp.maximum(gmax_ref[...], m)


def _edge_logits(h1, W2, b2, W3, e_real):
    e_pad = h1.shape[0] // (D // 2)
    w2p = jnp.concatenate([W2[0::2], W2[1::2]], axis=0).astype(jnp.bfloat16)
    h1_2d = h1.reshape(e_pad // 2, D)
    return pl.pallas_call(
        functools.partial(_t2_body, e_real),
        grid=(e_pad // EBLK,),
        in_specs=[
            pl.BlockSpec((EBLK // 2, D), lambda i: (i, 0)),
            pl.BlockSpec((D, D), lambda i: (0, 0)),
            pl.BlockSpec((1, D), lambda i: (0, 0)),
            pl.BlockSpec((1, D), lambda i: (0, 0)),
        ],
        out_specs=[
            pl.BlockSpec((EBLK // 2, 2), lambda i: (i, 0)),
            pl.BlockSpec((1, 1), lambda i: (0, 0)),
        ],
        out_shape=[
            jax.ShapeDtypeStruct((e_pad // 2, 2), jnp.float32),
            jax.ShapeDtypeStruct((1, 1), jnp.float32),
        ],
    )(h1_2d, w2p, b2.reshape(1, D), W3.reshape(1, D))


def _sc_mesh():
    return plsc.VectorSubcoreMesh(
        core_axis_name="c", subcore_axis_name="s", num_cores=NC, num_subcores=NS
    )


_SC_PARAMS = pltpu.CompilerParams(
    use_tc_tiling_on_sc=False, needs_layout_passes=False
)


def _make_s1(e_pad, n):
    epw = e_pad // NW

    nch = epw // K

    @functools.partial(
        pl.kernel,
        mesh=_sc_mesh(),
        compiler_params=_SC_PARAMS,
        out_type=jax.ShapeDtypeStruct((e_pad * (D // 2),), jnp.float32),
        scratch_types=[
            pltpu.VMEM((K,), jnp.int32), pltpu.VMEM((K,), jnp.int32),
            pltpu.VMEM((K,), jnp.int32), pltpu.VMEM((K,), jnp.int32),
            pltpu.VMEM((K, D), jnp.bfloat16), pltpu.VMEM((K, D), jnp.bfloat16),
            pltpu.VMEM((K, D), jnp.bfloat16), pltpu.VMEM((K, D), jnp.bfloat16),
            pltpu.VMEM((K * (D // 2),), jnp.float32),
            pltpu.VMEM((K * (D // 2),), jnp.float32),
            pltpu.SemaphoreType.DMA, pltpu.SemaphoreType.DMA,
            pltpu.SemaphoreType.DMA, pltpu.SemaphoreType.DMA,
            pltpu.SemaphoreType.DMA, pltpu.SemaphoreType.DMA,
        ],
    )
    def s1(pa_hbm, pb_hbm, row_hbm, col_hbm, h1_hbm,
           r0, r1, c0, c1, a0, a1, b0, b1, o0, o1,
           si0, si1, sg0, sg1, sw0, sw1):
        c = lax.axis_index("c")
        s = lax.axis_index("s")
        base = (s * NC + c) * epw
        ring = ((r0, c0, a0, b0, o0, si0, sg0, sw0),
                (r1, c1, a1, b1, o1, si1, sg1, sw1))

        pltpu.sync_copy(row_hbm.at[pl.ds(base, K)], r0)
        pltpu.sync_copy(col_hbm.at[pl.ds(base, K)], c0)
        pltpu.async_copy(row_hbm.at[pl.ds(base + K, K)], r1, si1)
        pltpu.async_copy(col_hbm.at[pl.ds(base + K, K)], c1, si1)
        pltpu.async_copy(pa_hbm.at[r0], a0, sg0)
        pltpu.async_copy(pb_hbm.at[c0], b0, sg0)

        def pair(t, _):
            for p in (0, 1):
                ch = 2 * t + p
                rp, cp, ap, bp, op, sip, sgp, swp = ring[p]
                rq, cq, aq, bq, oq, siq, sgq, swq = ring[1 - p]

                @pl.when(ch + 1 < nch)
                def _():
                    pltpu.make_async_copy(row_hbm.at[pl.ds(base, K)], rq, siq).wait()
                    pltpu.make_async_copy(col_hbm.at[pl.ds(base, K)], cq, siq).wait()
                    pltpu.async_copy(pa_hbm.at[rq], aq, sgq)
                    pltpu.async_copy(pb_hbm.at[cq], bq, sgq)

                pltpu.make_async_copy(pa_hbm.at[rp], ap, sgp).wait()
                pltpu.make_async_copy(pb_hbm.at[cp], bp, sgp).wait()

                @pl.when(ch >= 2)
                def _():
                    pltpu.make_async_copy(
                        op, h1_hbm.at[pl.ds(base * (D // 2), K * (D // 2))], swp
                    ).wait()

                def edge(e, _):
                    eb = e * (D // 2)
                    for j in range(D // (2 * L)):
                        sl = pl.ds(j * 2 * L, 2 * L)
                        op[pl.ds(eb + j * L, L)] = plsc.bitcast(
                            ap[e, sl] + bp[e, sl], jnp.float32
                        )
                    return 0

                lax.fori_loop(0, K, edge, 0)
                pltpu.async_copy(
                    op,
                    h1_hbm.at[pl.ds((base + ch * K) * (D // 2), K * (D // 2))],
                    swp,
                )

                @pl.when(ch + 2 < nch)
                def _():
                    off2 = base + (ch + 2) * K
                    pltpu.async_copy(row_hbm.at[pl.ds(off2, K)], rp, sip)
                    pltpu.async_copy(col_hbm.at[pl.ds(off2, K)], cp, sip)
            return 0

        lax.fori_loop(0, nch // 2, pair, 0)
        sl_last = pl.ds(base * (D // 2), K * (D // 2))
        pltpu.make_async_copy(o0, h1_hbm.at[sl_last], sw0).wait()
        pltpu.make_async_copy(o1, h1_hbm.at[sl_last], sw1).wait()

    return s1


def _make_s2(e_pad, n):
    epw = e_pad // NW
    npw = -(-n // NS)

    def _rows_per_tile(s_static):
        lo = s_static * npw
        hi = min(n, lo + npw)
        return lo, hi - lo

    @functools.partial(
        pl.kernel,
        mesh=_sc_mesh(),
        compiler_params=_SC_PARAMS,
        out_type=[
            jax.ShapeDtypeStruct((n, DA), jnp.float32),
            jax.ShapeDtypeStruct((n, DA), jnp.float32),
        ],
        scratch_types=[
            pltpu.VMEM((K,), jnp.int32), pltpu.VMEM((K,), jnp.int32),
            pltpu.VMEM((K,), jnp.int32), pltpu.VMEM((K,), jnp.int32),
            pltpu.VMEM((K,), jnp.float32), pltpu.VMEM((K,), jnp.float32),
            pltpu.VMEM((K, DA), jnp.float32), pltpu.VMEM((K, DA), jnp.float32),
            pltpu.VMEM((L,), jnp.float32),
            pltpu.VMEM_SHARED((n, DA), jnp.float32),
            pltpu.SemaphoreType.DMA, pltpu.SemaphoreType.DMA,
            pltpu.SemaphoreType.DMA, pltpu.SemaphoreType.DMA,
        ],
    )
    def s2(aug_hbm, row_hbm, col_hbm, lg_hbm, gv_hbm, p0_hbm, p1_hbm,
           r0, r1, c0, c1, w0, w1, u0, u1, g_v, acc,
           si0, si1, sg0, sg1):
        c = lax.axis_index("c")
        s = lax.axis_index("s")
        base = (s * NC + c) * epw
        nch = epw // K
        ring = ((r0, c0, w0, u0, si0, sg0), (r1, c1, w1, u1, si1, sg1))

        def zrow(r, _):
            for j in range(DA // L):
                u0[r, pl.ds(j * L, L)] = jnp.zeros((L,), jnp.float32)
            return 0

        lax.fori_loop(0, K, zrow, 0)

        for s_static in range(NS):
            @pl.when(s == s_static)
            def _():
                lo, cnt = _rows_per_tile(s_static)
                full, rem = cnt // K, cnt % K
                for t in range(full):
                    pltpu.sync_copy(u0, acc.at[pl.ds(lo + t * K, K)])
                if rem:
                    pltpu.sync_copy(
                        u0.at[pl.ds(0, rem)], acc.at[pl.ds(lo + full * K, rem)]
                    )

        pltpu.sync_copy(gv_hbm, g_v)
        plsc.subcore_barrier()

        pltpu.sync_copy(row_hbm.at[pl.ds(base, K)], r0)
        pltpu.sync_copy(col_hbm.at[pl.ds(base, K)], c0)
        pltpu.sync_copy(lg_hbm.at[pl.ds(base, K)], w0)
        pltpu.async_copy(row_hbm.at[pl.ds(base + K, K)], r1, si1)
        pltpu.async_copy(col_hbm.at[pl.ds(base + K, K)], c1, si1)
        pltpu.async_copy(lg_hbm.at[pl.ds(base + K, K)], w1, si1)
        pltpu.async_copy(aug_hbm.at[r0], u0, sg0)

        def pair(t, _):
            for p in (0, 1):
                ch = 2 * t + p
                rp, cp, wp, up, sip, sgp = ring[p]
                rq, cq, wq, uq, siq, sgq = ring[1 - p]

                @pl.when(ch + 1 < nch)
                def _():
                    pltpu.make_async_copy(row_hbm.at[pl.ds(base, K)], rq, siq).wait()
                    pltpu.make_async_copy(col_hbm.at[pl.ds(base, K)], cq, siq).wait()
                    pltpu.make_async_copy(lg_hbm.at[pl.ds(base, K)], wq, siq).wait()
                    pltpu.async_copy(aug_hbm.at[rq], uq, sgq)

                pltpu.make_async_copy(aug_hbm.at[rp], up, sgp).wait()
                g = g_v[...]

                def wexp(j, _):
                    sl = pl.ds(j * L, L)
                    wp[sl] = jnp.exp(wp[sl] - g)
                    return 0

                lax.fori_loop(0, K // L, wexp, 0)

                def edge(e, _):
                    wv = plsc.load_gather(wp, [jnp.full((L,), e, jnp.int32)])
                    for j in range(DA // L):
                        sl = pl.ds(j * L, L)
                        up[e, sl] = up[e, sl] * wv
                    return 0

                lax.fori_loop(0, K, edge, 0)
                pltpu.sync_copy(up, acc.at[cp], add=True)

                @pl.when(ch + 2 < nch)
                def _():
                    off2 = base + (ch + 2) * K
                    pltpu.async_copy(row_hbm.at[pl.ds(off2, K)], rp, sip)
                    pltpu.async_copy(col_hbm.at[pl.ds(off2, K)], cp, sip)
                    pltpu.async_copy(lg_hbm.at[pl.ds(off2, K)], wp, sip)
            return 0

        lax.fori_loop(0, nch // 2, pair, 0)
        plsc.subcore_barrier()

        for s_static in range(NS):
            @pl.when(s == s_static)
            def _():
                lo, cnt = _rows_per_tile(s_static)

                @pl.when(c == 0)
                def _():
                    pltpu.sync_copy(acc.at[pl.ds(lo, cnt)], p0_hbm.at[pl.ds(lo, cnt)])

                @pl.when(c == 1)
                def _():
                    pltpu.sync_copy(acc.at[pl.ds(lo, cnt)], p1_hbm.at[pl.ds(lo, cnt)])

    return s2


def _make_s3(b):
    bpw = b // NW

    @functools.partial(
        pl.kernel,
        mesh=_sc_mesh(),
        compiler_params=_SC_PARAMS,
        out_type=jax.ShapeDtypeStruct((b, D), jnp.float32),
        scratch_types=[
            pltpu.VMEM((bpw,), jnp.int32),
            pltpu.VMEM((bpw, DA), jnp.float32),
            pltpu.VMEM((bpw, DA), jnp.float32),
            pltpu.VMEM((bpw, D), jnp.float32),
        ],
    )
    def s3(p0_hbm, p1_hbm, nodes_hbm, feat_hbm, idx_v, u0, u1, o_v):
        c = lax.axis_index("c")
        s = lax.axis_index("s")
        base = (s * NC + c) * bpw
        pltpu.sync_copy(nodes_hbm.at[pl.ds(base, bpw)], idx_v)
        pltpu.sync_copy(p0_hbm.at[idx_v], u0)
        pltpu.sync_copy(p1_hbm.at[idx_v], u1)

        def node(r, _):
            ri = jnp.full((L,), r, jnp.int32)
            di = jnp.full((L,), D, jnp.int32)
            dv = plsc.load_gather(u0, [ri, di]) + plsc.load_gather(u1, [ri, di])
            rv = jnp.where(dv > 0.0, 1.0 / dv, 0.0)
            for j in range(D // L):
                sl = pl.ds(j * L, L)
                o_v[r, sl] = (u0[r, sl] + u1[r, sl]) * rv
            return 0

        lax.fori_loop(0, bpw, node, 0)
        pltpu.sync_copy(o_v, feat_hbm.at[pl.ds(base, bpw)])

    return s3


def kernel(nodes, row_idxs, col_idxs, u2e_weight, W1, b1, W2, b2, W3, b3):
    n = u2e_weight.shape[0]
    e = row_idxs.shape[0]
    b = nodes.shape[0]

    row = row_idxs.astype(jnp.int32)
    col = col_idxs.astype(jnp.int32)
    nds = nodes.astype(jnp.int32)

    quantum = NW * K * 2
    e_pad = -(-e // quantum) * quantum
    rowp = jnp.pad(row, (0, e_pad - e))
    colp = jnp.pad(col, (0, e_pad - e))

    pa, pb, aug = _node_projections(u2e_weight, W1, b1)
    h1 = _make_s1(e_pad, n)(pa, pb, rowp, colp)
    lg, gmax = _edge_logits(h1, W2, b2, W3, e)
    gv = jnp.broadcast_to(gmax.reshape(1), (L,))
    p0, p1 = _make_s2(e_pad, n)(aug, rowp, colp, lg.reshape(e_pad), gv)
    feat = _make_s3(b)(p0, p1, nds)
    return feat

# --- scband reference (transcript-rebuilt; emitter-appended) ---
"""Pipeline reference for scband-social-aggregator-35210141892982 (READ-ONLY COPY).

The authoritative reference and input builder live on the scoring server;
editing this copy changes nothing except your own understanding.
"""

import jax, jax.numpy as jnp
import numpy as np

N_NODES = 10000
N_EDGES = 320000
EMBED_DIM = 128
BATCH = 4096


def setup_inputs(seed: int = 0) -> dict:
    key = jax.random.key(seed)
    ks = jax.random.split(key, 10)
    nodes = jax.random.randint(ks[0], (BATCH,), 0, N_NODES)
    row_idxs = jax.random.randint(ks[1], (N_EDGES,), 0, N_NODES)
    col_idxs = jnp.sort(jax.random.randint(ks[2], (N_EDGES,), 0, N_NODES))
    u2e_weight = jax.random.normal(ks[3], (N_NODES, EMBED_DIM), dtype=jnp.float32)
    W1 = jax.random.normal(ks[4], (2 * EMBED_DIM, EMBED_DIM), dtype=jnp.float32) * 0.05
    b1 = jnp.zeros((EMBED_DIM,), dtype=jnp.float32)
    W2 = jax.random.normal(ks[5], (EMBED_DIM, EMBED_DIM), dtype=jnp.float32) * 0.05
    b2 = jnp.zeros((EMBED_DIM,), dtype=jnp.float32)
    W3 = jax.random.normal(ks[6], (EMBED_DIM, 1), dtype=jnp.float32) * 0.05
    b3 = jnp.zeros((1,), dtype=jnp.float32)
    return {
        "nodes": nodes,
        "row_idxs": row_idxs,
        "col_idxs": col_idxs,
        "u2e_weight": u2e_weight,
        "W1": W1, "b1": b1,
        "W2": W2, "b2": b2,
        "W3": W3, "b3": b3,
    }


def reference(nodes, row_idxs, col_idxs, u2e_weight, W1, b1, W2, b2, W3, b3):
    num_nodes = u2e_weight.shape[0]
    # gather per-edge embeddings: embed_u = neighbor (src), rep = center (dst)
    embed_u = jnp.take(u2e_weight, row_idxs, axis=0)          # [E, D]
    rep = jnp.take(u2e_weight, col_idxs, axis=0)              # [E, D]
    # GraphRec-style Attention MLP (dropout is identity in eval mode)
    x = jnp.concatenate([embed_u, rep], axis=1)               # [E, 2D]
    x = jax.nn.relu(x @ W1 + b1)
    x = jax.nn.relu(x @ W2 + b2)
    att_logits = (x @ W3 + b3)[:, 0]                          # [E]
    # edge_softmax over edges sharing the same dst node (col_idxs)
    seg_max = jax.ops.segment_max(att_logits, col_idxs, num_segments=num_nodes)
    a = jnp.exp(att_logits - seg_max[col_idxs])
    denom = jax.ops.segment_sum(a, col_idxs, num_segments=num_nodes)
    attention = (a / denom[col_idxs])[:, None]                # [E, 1]
    # message = embed_u * attention; reduce = sum over incoming edges per dst
    msg = embed_u * attention                                 # [E, D]
    node_feat = jax.ops.segment_sum(msg, col_idxs, num_segments=num_nodes)  # [N, D]
    feat = jnp.take(node_feat, nodes, axis=0)                 # [B, D]
    return feat

if __name__ == "__main__":
    import jax
    _d = setup_inputs()
    print(jax.jit(kernel)(*tuple(_d.values())))

</pallas_src>

<mosaic_0001>
#map = affine_map<(d0, d1) -> (0, 0)>
#map1 = affine_map<(d0, d1) -> (0)>
module attributes {stable_mosaic.version = 14 : i64} {
  func.func @s1(%arg0: i32, %arg1: i32, %arg2: memref<10000x128xbf16, #tpu.memory_space<hbm>>, %arg3: memref<10000x128xbf16, #tpu.memory_space<hbm>>, %arg4: memref<327680xi32, #tpu.memory_space<hbm>>, %arg5: memref<327680xi32, #tpu.memory_space<hbm>>, %arg6: memref<20971520xf32, #tpu.memory_space<hbm>>, %arg7: memref<128xi32, #tpu.memory_space<vmem>>, %arg8: memref<128xi32, #tpu.memory_space<vmem>>, %arg9: memref<128xi32, #tpu.memory_space<vmem>>, %arg10: memref<128xi32, #tpu.memory_space<vmem>>, %arg11: memref<128x128xbf16, #tpu.memory_space<vmem>>, %arg12: memref<128x128xbf16, #tpu.memory_space<vmem>>, %arg13: memref<128x128xbf16, #tpu.memory_space<vmem>>, %arg14: memref<128x128xbf16, #tpu.memory_space<vmem>>, %arg15: memref<8192xf32, #tpu.memory_space<vmem>>, %arg16: memref<8192xf32, #tpu.memory_space<vmem>>, %arg17: memref<!tpu.dma_semaphore, #tpu.memory_space<semaphore_mem>>, %arg18: memref<!tpu.dma_semaphore, #tpu.memory_space<semaphore_mem>>, %arg19: memref<!tpu.dma_semaphore, #tpu.memory_space<semaphore_mem>>, %arg20: memref<!tpu.dma_semaphore, #tpu.memory_space<semaphore_mem>>, %arg21: memref<!tpu.dma_semaphore, #tpu.memory_space<semaphore_mem>>, %arg22: memref<!tpu.dma_semaphore, #tpu.memory_space<semaphore_mem>>) attributes {dimension_semantics = [#tpu.dimension_semantics<core_parallel>, #tpu.dimension_semantics<subcore_parallel>], iteration_bounds = array<i64: 2, 16>, scalar_prefetch = 0 : i64, scratch_operands = 16 : i64, tpu.core_type = #tpu.core_type<sc_vector_subcore>, window_params = [{transform_indices = #map}, {transform_indices = #map}, {transform_indices = #map1}, {transform_indices = #map1}, {transform_indices = #map1}]} {
    %mul3A = arith.constant 2 : i32
    %mul3A_0 = arith.muli %arg1, %mul3A : i32
    %add3A = arith.addi %mul3A_0, %arg0 : i32
    %mul3A_1 = arith.constant 10240 : i32
    %mul3A_2 = arith.muli %add3A, %mul3A_1 : i32
    "tpu.region"() ({
      %run_scoped3A = tpu.sem_alloc : memref<!tpu.dma_semaphore, #tpu.memory_space<semaphore_mem>>
      %dma_start3A_27 = tpu.memref_slice %arg4[%mul3A_2] : memref<327680xi32, #tpu.memory_space<hbm>> -> memref<128xi32, #tpu.memory_space<hbm>>
      %dma_start3A_28 = tpu.memref_slice %arg4[%mul3A_2] : memref<327680xi32, #tpu.memory_space<hbm>> -> memref<128xi32, #tpu.memory_space<hbm>>
      tpu.enqueue_dma source(%dma_start3A_28 : memref<128xi32, #tpu.memory_space<hbm>>) target(%arg7 : memref<128xi32, #tpu.memory_space<vmem>>) target_semaphore(%run_scoped3A : memref<!tpu.dma_semaphore, #tpu.memory_space<semaphore_mem>>)
      %dma_wait3A_29 = tpu.memref_slice %arg4[%mul3A_2] : memref<327680xi32, #tpu.memory_space<hbm>> -> memref<128xi32, #tpu.memory_space<hbm>>
      %dma_wait3A_30 = tpu.memref_slice %arg4[%mul3A_2] : memref<327680xi32, #tpu.memory_space<hbm>> -> memref<128xi32, #tpu.memory_space<hbm>>
      tpu.wait_dma2 semaphore(%run_scoped3A : memref<!tpu.dma_semaphore, #tpu.memory_space<semaphore_mem>>) src(%dma_wait3A_30 : memref<128xi32, #tpu.memory_space<hbm>>) dst(%arg7 : memref<128xi32, #tpu.memory_space<vmem>>)
      tpu.yield
    }) : () -> ()
    "tpu.region"() ({
      %run_scoped3A = tpu.sem_alloc : memref<!tpu.dma_semaphore, #tpu.memory_space<semaphore_mem>>
      %dma_start3A_27 = tpu.memref_slice %arg5[%mul3A_2] : memref<327680xi32, #tpu.memory_space<hbm>> -> memref<128xi32, #tpu.memory_space<hbm>>
      %dma_start3A_28 = tpu.memref_slice %arg5[%mul3A_2] : memref<327680xi32, #tpu.memory_space<hbm>> -> memref<128xi32, #tpu.memory_space<hbm>>
      tpu.enqueue_dma source(%dma_start3A_28 : memref<128xi32, #tpu.memory_space<hbm>>) target(%arg9 : memref<128xi32, #tpu.memory_space<vmem>>) target_semaphore(%run_scoped3A : memref<!tpu.dma_semaphore, #tpu.memory_space<semaphore_mem>>)
      %dma_wait3A_29 = tpu.memref_slice %arg5[%mul3A_2] : memref<327680xi32, #tpu.memory_space<hbm>> -> memref<128xi32, #tpu.memory_space<hbm>>
      %dma_wait3A_30 = tpu.memref_slice %arg5[%mul3A_2] : memref<327680xi32, #tpu.memory_space<hbm>> -> memref<128xi32, #tpu.memory_space<hbm>>
      tpu.wait_dma2 semaphore(%run_scoped3A : memref<!tpu.dma_semaphore, #tpu.memory_space<semaphore_mem>>) src(%dma_wait3A_30 : memref<128xi32, #tpu.memory_space<hbm>>) dst(%arg9 : memref<128xi32, #tpu.memory_space<vmem>>)
      tpu.yield
    }) : () -> ()
    %add3A_3 = arith.constant 128 : i32
    %add3A_4 = arith.addi %mul3A_2, %add3A_3 : i32
    %dma_start3A = tpu.memref_slice %arg4[%add3A_4] : memref<327680xi32, #tpu.memory_space<hbm>> -> memref<128xi32, #tpu.memory_space<hbm>>
    %dma_start3A_5 = tpu.memref_slice %arg4[%add3A_4] : memref<327680xi32, #tpu.memory_space<hbm>> -> memref<128xi32, #tpu.memory_space<hbm>>
    tpu.enqueue_dma source(%dma_start3A_5 : memref<128xi32, #tpu.memory_space<hbm>>) target(%arg8 : memref<128xi32, #tpu.memory_space<vmem>>) target_semaphore(%arg18 : memref<!tpu.dma_semaphore, #tpu.memory_space<semaphore_mem>>)
    %add3A_6 = arith.constant 128 : i32
    %add3A_7 = arith.addi %mul3A_2, %add3A_6 : i32
    %dma_start3A_8 = tpu.memref_slice %arg5[%add3A_7] : memref<327680xi32, #tpu.memory_space<hbm>> -> memref<128xi32, #tpu.memory_space<hbm>>
    %dma_start3A_9 = tpu.memref_slice %arg5[%add3A_7] : memref<327680xi32, #tpu.memory_space<hbm>> -> memref<128xi32, #tpu.memory_space<hbm>>
    tpu.enqueue_dma source(%dma_start3A_9 : memref<128xi32, #tpu.memory_space<hbm>>) target(%arg10 : memref<128xi32, #tpu.memory_space<vmem>>) target_semaphore(%arg18 : memref<!tpu.dma_semaphore, #tpu.memory_space<semaphore_mem>>)
    %dma_start3A_10 = arith.constant 0 : i32
    %dma_start3A_11 = arith.constant 0 : i32
    %dma_start3A_12 = tpu.memref_slice %arg2[%dma_start3A_10, %dma_start3A_11] : memref<10000x128xbf16, #tpu.memory_space<hbm>> -> memref<10000x128xbf16, #tpu.memory_space<hbm>>
    tpu.enqueue_indirect_dma source(%dma_start3A_12 : memref<10000x128xbf16, #tpu.memory_space<hbm>>) target(%arg11 : memref<128x128xbf16, #tpu.memory_space<vmem>>) offsets(%arg7 : memref<128xi32, #tpu.memory_space<vmem>>) semaphore(%arg19 : memref<!tpu.dma_semaphore, #tpu.memory_space<semaphore_mem>>)
    %dma_start3A_13 = arith.constant 0 : i32
    %dma_start3A_14 = arith.constant 0 : i32
    %dma_start3A_15 = tpu.memref_slice %arg3[%dma_start3A_13, %dma_start3A_14] : memref<10000x128xbf16, #tpu.memory_space<hbm>> -> memref<10000x128xbf16, #tpu.memory_space<hbm>>
    tpu.enqueue_indirect_dma source(%dma_start3A_15 : memref<10000x128xbf16, #tpu.memory_space<hbm>>) target(%arg13 : memref<128x128xbf16, #tpu.memory_space<vmem>>) offsets(%arg9 : memref<128xi32, #tpu.memory_space<vmem>>) semaphore(%arg19 : memref<!tpu.dma_semaphore, #tpu.memory_space<semaphore_mem>>)
    %scan3A = arith.constant 0 : i32
    %scan3A_16 = arith.constant 0 : i32
    %scan3A_17 = arith.constant 40 : i32
    %scan3A_18 = arith.addi %scan3A_16, %scan3A_17 : i32
    %scan3A_19 = arith.constant 1 : i32
    %scan3A_20 = scf.for %scan3A_27 = %scan3A_16 to %scan3A_18 step %scan3A_19 iter_args(%scan3A_28 = %scan3A) -> (i32)  : i32 {
      %mul3A_29 = arith.constant 2 : i32
      %mul3A_30 = arith.muli %mul3A_29, %scan3A_27 : i32
      %add3A_31 = arith.constant 0 : i32
      %add3A_32 = arith.addi %mul3A_30, %add3A_31 : i32
      %add3A_33 = arith.constant 1 : i32
      %add3A_34 = arith.addi %add3A_32, %add3A_33 : i32
      %lt3A = arith.constant 80 : i32
      %lt3A_35 = arith.cmpi slt, %add3A_34, %lt3A : i32
      %convert_element_type3A = arith.extui %lt3A_35 : i1 to i32
      %cond3A = arith.constant 0 : i32
      %cond3A_36 = arith.cmpi ne, %convert_element_type3A, %cond3A : i32
      scf.if %cond3A_36 {
        %dma_wait3A_112 = tpu.memref_slice %arg4[%mul3A_2] : memref<327680xi32, #tpu.memory_space<hbm>> -> memref<128xi32, #tpu.memory_space<hbm>>
        %dma_wait3A_113 = tpu.memref_slice %arg4[%mul3A_2] : memref<327680xi32, #tpu.memory_space<hbm>> -> memref<128xi32, #tpu.memory_space<hbm>>
        tpu.wait_dma2 semaphore(%arg18 : memref<!tpu.dma_semaphore, #tpu.memory_space<semaphore_mem>>) src(%dma_wait3A_113 : memref<128xi32, #tpu.memory_space<hbm>>) dst(%arg8 : memref<128xi32, #tpu.memory_space<vmem>>)
        %dma_wait3A_114 = tpu.memref_slice %arg5[%mul3A_2] : memref<327680xi32, #tpu.memory_space<hbm>> -> memref<128xi32, #tpu.memory_space<hbm>>
        %dma_wait3A_115 = tpu.memref_slice %arg5[%mul3A_2] : memref<327680xi32, #tpu.memory_space<hbm>> -> memref<128xi32, #tpu.memory_space<hbm>>
        tpu.wait_dma2 semaphore(%arg18 : memref<!tpu.dma_semaphore, #tpu.memory_space<semaphore_mem>>) src(%dma_wait3A_115 : memref<128xi32, #tpu.memory_space<hbm>>) dst(%arg10 : memref<128xi32, #tpu.memory_space<vmem>>)
        %dma_start3A_116 = arith.constant 0 : i32
        %dma_start3A_117 = arith.constant 0 : i32
        %dma_start3A_118 = tpu.memref_slice %arg2[%dma_start3A_116, %dma_start3A_117] : memref<10000x128xbf16, #tpu.memory_space<hbm>> -> memref<10000x128xbf16, #tpu.memory_space<hbm>>
        tpu.enqueue_indirect_dma source(%dma_start3A_118 : memref<10000x128xbf16, #tpu.memory_space<hbm>>) target(%arg12 : memref<128x128xbf16, #tpu.memory_space<vmem>>) offsets(%arg8 : memref<128xi32, #tpu.memory_space<vmem>>) semaphore(%arg20 : memref<!tpu.dma_semaphore, #tpu.memory_space<semaphore_mem>>)
        %dma_start3A_119 = arith.constant 0 : i32
        %dma_start3A_120 = arith.constant 0 : i32
        %dma_start3A_121 = tpu.memref_slice %arg3[%dma_start3A_119, %dma_start3A_120] : memref<10000x128xbf16, #tpu.memory_space<hbm>> -> memref<10000x128xbf16, #tpu.memory_space<hbm>>
        tpu.enqueue_indirect_dma source(%dma_start3A_121 : memref<10000x128xbf16, #tpu.memory_space<hbm>>) target(%arg14 : memref<128x128xbf16, #tpu.memory_space<vmem>>) offsets(%arg10 : memref<128xi32, #tpu.memory_space<vmem>>) semaphore(%arg20 : memref<!tpu.dma_semaphore, #tpu.memory_space<semaphore_mem>>)
      } else {
      }
      %dma_wait3A_37 = arith.constant 0 : i32
      %dma_wait3A_38 = arith.constant 0 : i32
      %dma_wait3A_39 = tpu.memref_slice %arg2[%dma_wait3A_37, %dma_wait3A_38] : memref<10000x128xbf16, #tpu.memory_space<hbm>> -> memref<10000x128xbf16, #tpu.memory_space<hbm>>
      tpu.wait_indirect_dma semaphore(%arg19 : memref<!tpu.dma_semaphore, #tpu.memory_space<semaphore_mem>>) src(%dma_wait3A_39 : memref<10000x128xbf16, #tpu.memory_space<hbm>>) dst(%arg11 : memref<128x128xbf16, #tpu.memory_space<vmem>>)
      %dma_wait3A_40 = arith.constant 0 : i32
      %dma_wait3A_41 = arith.constant 0 : i32
      %dma_wait3A_42 = tpu.memref_slice %arg3[%dma_wait3A_40, %dma_wait3A_41] : memref<10000x128xbf16, #tpu.memory_space<hbm>> -> memref<10000x128xbf16, #tpu.memory_space<hbm>>
      tpu.wait_indirect_dma semaphore(%arg19 : memref<!tpu.dma_semaphore, #tpu.memory_space<semaphore_mem>>) src(%dma_wait3A_42 : memref<10000x128xbf16, #tpu.memory_space<hbm>>) dst(%arg13 : memref<128x128xbf16, #tpu.memory_space<vmem>>)
      %ge3A = arith.constant 2 : i32
      %ge3A_43 = arith.cmpi sge, %add3A_32, %ge3A : i32
      %convert_element_type3A_44 = arith.extui %ge3A_43 : i1 to i32
      %cond3A_45 = arith.constant 0 : i32
      %cond3A_46 = arith.cmpi ne, %convert_element_type3A_44, %cond3A_45 : i32
      scf.if %cond3A_46 {
        %mul3A_112 = arith.constant 64 : i32
        %mul3A_113 = arith.muli %mul3A_2, %mul3A_112 : i32
        %dma_wait3A_114 = tpu.memref_slice %arg6[%mul3A_113] : memref<20971520xf32, #tpu.memory_space<hbm>> -> memref<8192xf32, #tpu.memory_space<hbm>>
        %dma_wait3A_115 = tpu.memref_slice %arg6[%mul3A_113] : memref<20971520xf32, #tpu.memory_space<hbm>> -> memref<8192xf32, #tpu.memory_space<hbm>>
        tpu.wait_dma2 semaphore(%arg21 : memref<!tpu.dma_semaphore, #tpu.memory_space<semaphore_mem>>) src(%arg15 : memref<8192xf32, #tpu.memory_space<vmem>>) dst(%dma_wait3A_115 : memref<8192xf32, #tpu.memory_space<hbm>>)
      } else {
      }
      %scan3A_47 = arith.constant 0 : i32
      %scan3A_48 = arith.constant 0 : i32
      %scan3A_49 = arith.constant 128 : i32
      %scan3A_50 = arith.addi %scan3A_48, %scan3A_49 : i32
      %scan3A_51 = arith.constant 1 : i32
      %scan3A_52 = scf.for %scan3A_112 = %scan3A_48 to %scan3A_50 step %scan3A_51 iter_args(%scan3A_113 = %scan3A_47) -> (i32)  : i32 {
        %mul3A_114 = arith.constant 64 : i32
        %mul3A_115 = arith.muli %scan3A_112, %mul3A_114 : i32
        %get3A = arith.index_cast %scan3A_112 : i32 to index
        %get3A_116 = arith.constant 0 : index
        %get3A_117 = tpu.vector_load %arg11[%get3A, %get3A_116] {strides = array<i32>} : memref<128x128xbf16, #tpu.memory_space<vmem>>, vector<32xbf16>,
        %get3A_118 = arith.index_cast %scan3A_112 : i32 to index
        %get3A_119 = arith.constant 0 : index
        %get3A_120 = tpu.vector_load %arg13[%get3A_118, %get3A_119] {strides = array<i32>} : memref<128x128xbf16, #tpu.memory_space<vmem>>, vector<32xbf16>,
        %add3A_121 = arith.addf %get3A_117, %get3A_120 : vector<32xbf16>
        %bitcast3A = vector.bitcast %add3A_121 : vector<32xbf16> to vector<16xf32>
        %add3A_122 = arith.constant 0 : i32
        %add3A_123 = arith.addi %mul3A_115, %add3A_122 : i32
        %swap3A = arith.index_cast %add3A_123 : i32 to index
        %swap3A_124 = tpu.vector_load %arg15[%swap3A] {strides = array<i32>} : memref<8192xf32, #tpu.memory_space<vmem>>, vector<16xf32>,
        tpu.vector_store %arg15[%swap3A], %bitcast3A {strides = array<i32>} : memref<8192xf32, #tpu.memory_space<vmem>>, vector<16xf32>,
        %get3A_125 = arith.index_cast %scan3A_112 : i32 to index
        %get3A_126 = arith.constant 32 : index
        %get3A_127 = tpu.vector_load %arg11[%get3A_125, %get3A_126] {strides = array<i32>} : memref<128x128xbf16, #tpu.memory_space<vmem>>, vector<32xbf16>,
        %get3A_128 = arith.index_cast %scan3A_112 : i32 to index
        %get3A_129 = arith.constant 32 : index
        %get3A_130 = tpu.vector_load %arg13[%get3A_128, %get3A_129] {strides = array<i32>} : memref<128x128xbf16, #tpu.memory_space<vmem>>, vector<32xbf16>,
        %add3A_131 = arith.addf %get3A_127, %get3A_130 : vector<32xbf16>
        %bitcast3A_132 = vector.bitcast %add3A_131 : vector<32xbf16> to vector<16xf32>
        %add3A_133 = arith.constant 16 : i32
        %add3A_134 = arith.addi %mul3A_115, %add3A_133 : i32
        %swap3A_135 = arith.index_cast %add3A_134 : i32 to index
        %swap3A_136 = tpu.vector_load %arg15[%swap3A_135] {strides = array<i32>} : memref<8192xf32, #tpu.memory_space<vmem>>, vector<16xf32>,
        tpu.vector_store %arg15[%swap3A_135], %bitcast3A_132 {strides = array<i32>} : memref<8192xf32, #tpu.memory_space<vmem>>, vector<16xf32>,
        %get3A_137 = arith.index_cast %scan3A_112 : i32 to index
        %get3A_138 = arith.constant 64 : index
        %get3A_139 = tpu.vector_load %arg11[%get3A_137, %get3A_138] {strides = array<i32>} : memref<128x128xbf16, #tpu.memory_space<vmem>>, vector<32xbf16>,
        %get3A_140 = arith.index_cast %scan3A_112 : i32 to index
        %get3A_141 = arith.constant 64 : index
        %get3A_142 = tpu.vector_load %arg13[%get3A_140, %get3A_141] {strides = array<i32>} : memref<128x128xbf16, #tpu.memory_space<vmem>>, vector<32xbf16>,
        %add3A_143 = arith.addf %get3A_139, %get3A_142 : vector<32xbf16>
        %bitcast3A_144 = vector.bitcast %add3A_143 : vector<32xbf16> to vector<16xf32>
        %add3A_145 = arith.constant 32 : i32
        %add3A_146 = arith.addi %mul3A_115, %add3A_145 : i32
        %swap3A_147 = arith.index_cast %add3A_146 : i32 to index
        %swap3A_148 = tpu.vector_load %arg15[%swap3A_147] {strides = array<i32>} : memref<8192xf32, #tpu.memory_space<vmem>>, vector<16xf32>,
        tpu.vector_store %arg15[%swap3A_147], %bitcast3A_144 {strides = array<i32>} : memref<8192xf32, #tpu.memory_space<vmem>>, vector<16xf32>,
        %get3A_149 = arith.index_cast %scan3A_112 : i32 to index
        %get3A_150 = arith.constant 96 : index
        %get3A_151 = tpu.vector_load %arg11[%get3A_149, %get3A_150] {strides = array<i32>} : memref<128x128xbf16, #tpu.memory_space<vmem>>, vector<32xbf16>,
        %get3A_152 = arith.index_cast %scan3A_112 : i32 to index
        %get3A_153 = arith.constant 96 : index
        %get3A_154 = tpu.vector_load %arg13[%get3A_152, %get3A_153] {strides = array<i32>} : memref<128x128xbf16, #tpu.memory_space<vmem>>, vector<32xbf16>,
        %add3A_155 = arith.addf %get3A_151, %get3A_154 : vector<32xbf16>
        %bitcast3A_156 = vector.bitcast %add3A_155 : vector<32xbf16> to vector<16xf32>
        %add3A_157 = arith.constant 48 : i32
        %add3A_158 = arith.addi %mul3A_115, %add3A_157 : i32
        %swap3A_159 = arith.index_cast %add3A_158 : i32 to index
        %swap3A_160 = tpu.vector_load %arg15[%swap3A_159] {strides = array<i32>} : memref<8192xf32, #tpu.memory_space<vmem>>, vector<16xf32>,
        tpu.vector_store %arg15[%swap3A_159], %bitcast3A_156 {strides = array<i32>} : memref<8192xf32, #tpu.memory_space<vmem>>, vector<16xf32>,
        %scan3A_161 = arith.constant 0 : i32
        scf.yield %scan3A_161 : i32
      }
      %scan3A_53 = arith.constant 128 : i32
      %mul3A_54 = arith.constant 128 : i32
      %mul3A_55 = arith.muli %add3A_32, %mul3A_54 : i32
      %add3A_56 = arith.addi %mul3A_2, %mul3A_55 : i32
      %mul3A_57 = arith.constant 64 : i32
      %mul3A_58 = arith.muli %add3A_56, %mul3A_57 : i32
      %dma_start3A_59 = tpu.memref_slice %arg6[%mul3A_58] : memref<20971520xf32, #tpu.memory_space<hbm>> -> memref<8192xf32, #tpu.memory_space<hbm>>
      %dma_start3A_60 = tpu.memref_slice %arg6[%mul3A_58] : memref<20971520xf32, #tpu.memory_space<hbm>> -> memref<8192xf32, #tpu.memory_space<hbm>>
      tpu.enqueue_dma source(%arg15 : memref<8192xf32, #tpu.memory_space<vmem>>) target(%dma_start3A_60 : memref<8192xf32, #tpu.memory_space<hbm>>) target_semaphore(%arg21 : memref<!tpu.dma_semaphore, #tpu.memory_space<semaphore_mem>>)
      %add3A_61 = arith.constant 2 : i32
      %add3A_62 = arith.addi %add3A_32, %add3A_61 : i32
      %lt3A_63 = arith.constant 80 : i32
      %lt3A_64 = arith.cmpi slt, %add3A_62, %lt3A_63 : i32
      %convert_element_type3A_65 = arith.extui %lt3A_64 : i1 to i32
      %cond3A_66 = arith.constant 0 : i32
      %cond3A_67 = arith.cmpi ne, %convert_element_type3A_65, %cond3A_66 : i32
      scf.if %cond3A_67 {
        %add3A_112 = arith.constant 2 : i32
        %add3A_113 = arith.addi %add3A_32, %add3A_112 : i32
        %mul3A_114 = arith.constant 128 : i32
        %mul3A_115 = arith.muli %add3A_113, %mul3A_114 : i32
        %add3A_116 = arith.addi %mul3A_2, %mul3A_115 : i32
        %dma_start3A_117 = tpu.memref_slice %arg4[%add3A_116] : memref<327680xi32, #tpu.memory_space<hbm>> -> memref<128xi32, #tpu.memory_space<hbm>>
        %dma_start3A_118 = tpu.memref_slice %arg4[%add3A_116] : memref<327680xi32, #tpu.memory_space<hbm>> -> memref<128xi32, #tpu.memory_space<hbm>>
        tpu.enqueue_dma source(%dma_start3A_118 : memref<128xi32, #tpu.memory_space<hbm>>) target(%arg7 : memref<128xi32, #tpu.memory_space<vmem>>) target_semaphore(%arg17 : memref<!tpu.dma_semaphore, #tpu.memory_space<semaphore_mem>>)
        %dma_start3A_119 = tpu.memref_slice %arg5[%add3A_116] : memref<327680xi32, #tpu.memory_space<hbm>> -> memref<128xi32, #tpu.memory_space<hbm>>
        %dma_start3A_120 = tpu.memref_slice %arg5[%add3A_116] : memref<327680xi32, #tpu.memory_space<hbm>> -> memref<128xi32, #tpu.memory_space<hbm>>
        tpu.enqueue_dma source(%dma_start3A_120 : memref<128xi32, #tpu.memory_space<hbm>>) target(%arg9 : memref<128xi32, #tpu.memory_space<vmem>>) target_semaphore(%arg17 : memref<!tpu.dma_semaphore, #tpu.memory_space<semaphore_mem>>)
      } else {
      }
      %mul3A_68 = arith.constant 2 : i32
      %mul3A_69 = arith.muli %mul3A_68, %scan3A_27 : i32
      %add3A_70 = arith.constant 1 : i32
      %add3A_71 = arith.addi %mul3A_69, %add3A_70 : i32
      %add3A_72 = arith.constant 1 : i32
      %add3A_73 = arith.addi %add3A_71, %add3A_72 : i32
      %lt3A_74 = arith.constant 80 : i32
      %lt3A_75 = arith.cmpi slt, %add3A_73, %lt3A_74 : i32
      %convert_element_type3A_76 = arith.extui %lt3A_75 : i1 to i32
      %cond3A_77 = arith.constant 0 : i32
      %cond3A_78 = arith.cmpi ne, %convert_element_type3A_76, %cond3A_77 : i32
      scf.if %cond3A_78 {
        %dma_wait3A_112 = tpu.memref_slice %arg4[%mul3A_2] : memref<327680xi32, #tpu.memory_space<hbm>> -> memref<128xi32, #tpu.memory_space<hbm>>
        %dma_wait3A_113 = tpu.memref_slice %arg4[%mul3A_2] : memref<327680xi32, #tpu.memory_space<hbm>> -> memref<128xi32, #tpu.memory_space<hbm>>
        tpu.wait_dma2 semaphore(%arg17 : memref<!tpu.dma_semaphore, #tpu.memory_space<semaphore_mem>>) src(%dma_wait3A_113 : memref<128xi32, #tpu.memory_space<hbm>>) dst(%arg7 : memref<128xi32, #tpu.memory_space<vmem>>)
        %dma_wait3A_114 = tpu.memref_slice %arg5[%mul3A_2] : memref<327680xi32, #tpu.memory_space<hbm>> -> memref<128xi32, #tpu.memory_space<hbm>>
        %dma_wait3A_115 = tpu.memref_slice %arg5[%mul3A_2] : memref<327680xi32, #tpu.memory_space<hbm>> -> memref<128xi32, #tpu.memory_space<hbm>>
        tpu.wait_dma2 semaphore(%arg17 : memref<!tpu.dma_semaphore, #tpu.memory_space<semaphore_mem>>) src(%dma_wait3A_115 : memref<128xi32, #tpu.memory_space<hbm>>) dst(%arg9 : memref<128xi32, #tpu.memory_space<vmem>>)
        %dma_start3A_116 = arith.constant 0 : i32
        %dma_start3A_117 = arith.constant 0 : i32
        %dma_start3A_118 = tpu.memref_slice %arg2[%dma_start3A_116, %dma_start3A_117] : memref<10000x128xbf16, #tpu.memory_space<hbm>> -> memref<10000x128xbf16, #tpu.memory_space<hbm>>
        tpu.enqueue_indirect_dma source(%dma_start3A_118 : memref<10000x128xbf16, #tpu.memory_space<hbm>>) target(%arg11 : memref<128x128xbf16, #tpu.memory_space<vmem>>) offsets(%arg7 : memref<128xi32, #tpu.memory_space<vmem>>) semaphore(%arg19 : memref<!tpu.dma_semaphore, #tpu.memory_space<semaphore_mem>>)
        %dma_start3A_119 = arith.constant 0 : i32
        %dma_start3A_120 = arith.constant 0 : i32
        %dma_start3A_121 = tpu.memref_slice %arg3[%dma_start3A_119, %dma_start3A_120] : memref<10000x128xbf16, #tpu.memory_space<hbm>> -> memref<10000x128xbf16, #tpu.memory_space<hbm>>
        tpu.enqueue_indirect_dma source(%dma_start3A_121 : memref<10000x128xbf16, #tpu.memory_space<hbm>>) target(%arg13 : memref<128x128xbf16, #tpu.memory_space<vmem>>) offsets(%arg9 : memref<128xi32, #tpu.memory_space<vmem>>) semaphore(%arg19 : memref<!tpu.dma_semaphore, #tpu.memory_space<semaphore_mem>>)
      } else {
      }
      %dma_wait3A_79 = arith.constant 0 : i32
      %dma_wait3A_80 = arith.constant 0 : i32
      %dma_wait3A_81 = tpu.memref_slice %arg2[%dma_wait3A_79, %dma_wait3A_80] : memref<10000x128xbf16, #tpu.memory_space<hbm>> -> memref<10000x128xbf16, #tpu.memory_space<hbm>>
      tpu.wait_indirect_dma semaphore(%arg20 : memref<!tpu.dma_semaphore, #tpu.memory_space<semaphore_mem>>) src(%dma_wait3A_81 : memref<10000x128xbf16, #tpu.memory_space<hbm>>) dst(%arg12 : memref<128x128xbf16, #tpu.memory_space<vmem>>)
      %dma_wait3A_82 = arith.constant 0 : i32
      %dma_wait3A_83 = arith.constant 0 : i32
      %dma_wait3A_84 = tpu.memref_slice %arg3[%dma_wait3A_82, %dma_wait3A_83] : memref<10000x128xbf16, #tpu.memory_space<hbm>> -> memref<10000x128xbf16, #tpu.memory_space<hbm>>
      tpu.wait_indirect_dma semaphore(%arg20 : memref<!tpu.dma_semaphore, #tpu.memory_space<semaphore_mem>>) src(%dma_wait3A_84 : memref<10000x128xbf16, #tpu.memory_space<hbm>>) dst(%arg14 : memref<128x128xbf16, #tpu.memory_space<vmem>>)
      %ge3A_85 = arith.constant 2 : i32
      %ge3A_86 = arith.cmpi sge, %add3A_71, %ge3A_85 : i32
      %convert_element_type3A_87 = arith.extui %ge3A_86 : i1 to i32
      %cond3A_88 = arith.constant 0 : i32
      %cond3A_89 = arith.cmpi ne, %convert_element_type3A_87, %cond3A_88 : i32
      scf.if %cond3A_89 {
        %mul3A_112 = arith.constant 64 : i32
        %mul3A_113 = arith.muli %mul3A_2, %mul3A_112 : i32
        %dma_wait3A_114 = tpu.memref_slice %arg6[%mul3A_113] : memref<20971520xf32, #tpu.memory_space<hbm>> -> memref<8192xf32, #tpu.memory_space<hbm>>
        %dma_wait3A_115 = tpu.memref_slice %arg6[%mul3A_113] : memref<20971520xf32, #tpu.memory_space<hbm>> -> memref<8192xf32, #tpu.memory_space<hbm>>
        tpu.wait_dma2 semaphore(%arg22 : memref<!tpu.dma_semaphore, #tpu.memory_space<semaphore_mem>>) src(%arg16 : memref<8192xf32, #tpu.memory_space<vmem>>) dst(%dma_wait3A_115 : memref<8192xf32, #tpu.memory_space<hbm>>)
      } else {
      }
      %scan3A_90 = arith.constant 0 : i32
      %scan3A_91 = arith.constant 0 : i32
      %scan3A_92 = arith.constant 128 : i32
      %scan3A_93 = arith.addi %scan3A_91, %scan3A_92 : i32
      %scan3A_94 = arith.constant 1 : i32
      %scan3A_95 = scf.for %scan3A_112 = %scan3A_91 to %scan3A_93 step %scan3A_94 iter_args(%scan3A_113 = %scan3A_90) -> (i32)  : i32 {
        %mul3A_114 = arith.constant 64 : i32
        %mul3A_115 = arith.muli %scan3A_112, %mul3A_114 : i32
        %get3A = arith.index_cast %scan3A_112 : i32 to index
        %get3A_116 = arith.constant 0 : index
        %get3A_117 = tpu.vector_load %arg12[%get3A, %get3A_116] {strides = array<i32>} : memref<128x128xbf16, #tpu.memory_space<vmem>>, vector<32xbf16>,
        %get3A_118 = arith.index_cast %scan3A_112 : i32 to index
        %get3A_119 = arith.constant 0 : index
        %get3A_120 = tpu.vector_load %arg14[%get3A_118, %get3A_119] {strides = array<i32>} : memref<128x128xbf16, #tpu.memory_space<vmem>>, vector<32xbf16>,
        %add3A_121 = arith.addf %get3A_117, %get3A_120 : vector<32xbf16>
        %bitcast3A = vector.bitcast %add3A_121 : vector<32xbf16> to vector<16xf32>
        %add3A_122 = arith.constant 0 : i32
        %add3A_123 = arith.addi %mul3A_115, %add3A_122 : i32
        %swap3A = arith.index_cast %add3A_123 : i32 to index
        %swap3A_124 = tpu.vector_load %arg16[%swap3A] {strides = array<i32>} : memref<8192xf32, #tpu.memory_space<vmem>>, vector<16xf32>,
        tpu.vector_store %arg16[%swap3A], %bitcast3A {strides = array<i32>} : memref<8192xf32, #tpu.memory_space<vmem>>, vector<16xf32>,
        %get3A_125 = arith.index_cast %scan3A_112 : i32 to index
        %get3A_126 = arith.constant 32 : index
        %get3A_127 = tpu.vector_load %arg12[%get3A_125, %get3A_126] {strides = array<i32>} : memref<128x128xbf16, #tpu.memory_space<vmem>>, vector<32xbf16>,
        %get3A_128 = arith.index_cast %scan3A_112 : i32 to index
        %get3A_129 = arith.constant 32 : index
        %get3A_130 = tpu.vector_load %arg14[%get3A_128, %get3A_129] {strides = array<i32>} : memref<128x128xbf16, #tpu.memory_space<vmem>>, vector<32xbf16>,
        %add3A_131 = arith.addf %get3A_127, %get3A_130 : vector<32xbf16>
        %bitcast3A_132 = vector.bitcast %add3A_131 : vector<32xbf16> to vector<16xf32>
        %add3A_133 = arith.constant 16 : i32
        %add3A_134 = arith.addi %mul3A_115, %add3A_133 : i32
        %swap3A_135 = arith.index_cast %add3A_134 : i32 to index
        %swap3A_136 = tpu.vector_load %arg16[%swap3A_135] {strides = array<i32>} : memref<8192xf32, #tpu.memory_space<vmem>>, vector<16xf32>,
        tpu.vector_store %arg16[%swap3A_135], %bitcast3A_132 {strides = array<i32>} : memref<8192xf32, #tpu.memory_space<vmem>>, vector<16xf32>,
        %get3A_137 = arith.index_cast %scan3A_112 : i32 to index
        %get3A_138 = arith.constant 64 : index
        %get3A_139 = tpu.vector_load %arg12[%get3A_137, %get3A_138] {strides = array<i32>} : memref<128x128xbf16, #tpu.memory_space<vmem>>, vector<32xbf16>,
        %get3A_140 = arith.index_cast %scan3A_112 : i32 to index
        %get3A_141 = arith.constant 64 : index
        %get3A_142 = tpu.vector_load %arg14[%get3A_140, %get3A_141] {strides = array<i32>} : memref<128x128xbf16, #tpu.memory_space<vmem>>, vector<32xbf16>,
        %add3A_143 = arith.addf %get3A_139, %get3A_142 : vector<32xbf16>
        %bitcast3A_144 = vector.bitcast %add3A_143 : vector<32xbf16> to vector<16xf32>
        %add3A_145 = arith.constant 32 : i32
        %add3A_146 = arith.addi %mul3A_115, %add3A_145 : i32
        %swap3A_147 = arith.index_cast %add3A_146 : i32 to index
        %swap3A_148 = tpu.vector_load %arg16[%swap3A_147] {strides = array<i32>} : memref<8192xf32, #tpu.memory_space<vmem>>, vector<16xf32>,
        tpu.vector_store %arg16[%swap3A_147], %bitcast3A_144 {strides = array<i32>} : memref<8192xf32, #tpu.memory_space<vmem>>, vector<16xf32>,
        %get3A_149 = arith.index_cast %scan3A_112 : i32 to index
        %get3A_150 = arith.constant 96 : index
        %get3A_151 = tpu.vector_load %arg12[%get3A_149, %get3A_150] {strides = array<i32>} : memref<128x128xbf16, #tpu.memory_space<vmem>>, vector<32xbf16>,
        %get3A_152 = arith.index_cast %scan3A_112 : i32 to index
        %get3A_153 = arith.constant 96 : index
        %get3A_154 = tpu.vector_load %arg14[%get3A_152, %get3A_153] {strides = array<i32>} : memref<128x128xbf16, #tpu.memory_space<vmem>>, vector<32xbf16>,
        %add3A_155 = arith.addf %get3A_151, %get3A_154 : vector<32xbf16>
        %bitcast3A_156 = vector.bitcast %add3A_155 : vector<32xbf16> to vector<16xf32>
        %add3A_157 = arith.constant 48 : i32
        %add3A_158 = arith.addi %mul3A_115, %add3A_157 : i32
        %swap3A_159 = arith.index_cast %add3A_158 : i32 to index
        %swap3A_160 = tpu.vector_load %arg16[%swap3A_159] {strides = array<i32>} : memref<8192xf32, #tpu.memory_space<vmem>>, vector<16xf32>,
        tpu.vector_store %arg16[%swap3A_159], %bitcast3A_156 {strides = array<i32>} : memref<8192xf32, #tpu.memory_space<vmem>>, vector<16xf32>,
        %scan3A_161 = arith.constant 0 : i32
        scf.yield %scan3A_161 : i32
      }
      %scan3A_96 = arith.constant 128 : i32
      %mul3A_97 = arith.constant 128 : i32
      %mul3A_98 = arith.muli %add3A_71, %mul3A_97 : i32
      %add3A_99 = arith.addi %mul3A_2, %mul3A_98 : i32
      %mul3A_100 = arith.constant 64 : i32
      %mul3A_101 = arith.muli %add3A_99, %mul3A_100 : i32
      %dma_start3A_102 = tpu.memref_slice %arg6[%mul3A_101] : memref<20971520xf32, #tpu.memory_space<hbm>> -> memref<8192xf32, #tpu.memory_space<hbm>>
      %dma_start3A_103 = tpu.memref_slice %arg6[%mul3A_101] : memref<20971520xf32, #tpu.memory_space<hbm>> -> memref<8192xf32, #tpu.memory_space<hbm>>
      tpu.enqueue_dma source(%arg16 : memref<8192xf32, #tpu.memory_space<vmem>>) target(%dma_start3A_103 : memref<8192xf32, #tpu.memory_space<hbm>>) target_semaphore(%arg22 : memref<!tpu.dma_semaphore, #tpu.memory_space<semaphore_mem>>)
      %add3A_104 = arith.constant 2 : i32
      %add3A_105 = arith.addi %add3A_71, %add3A_104 : i32
      %lt3A_106 = arith.constant 80 : i32
      %lt3A_107 = arith.cmpi slt, %add3A_105, %lt3A_106 : i32
      %convert_element_type3A_108 = arith.extui %lt3A_107 : i1 to i32
      %cond3A_109 = arith.constant 0 : i32
      %cond3A_110 = arith.cmpi ne, %convert_element_type3A_108, %cond3A_109 : i32
      scf.if %cond3A_110 {
        %add3A_112 = arith.constant 2 : i32
        %add3A_113 = arith.addi %add3A_71, %add3A_112 : i32
        %mul3A_114 = arith.constant 128 : i32
        %mul3A_115 = arith.muli %add3A_113, %mul3A_114 : i32
        %add3A_116 = arith.addi %mul3A_2, %mul3A_115 : i32
        %dma_start3A_117 = tpu.memref_slice %arg4[%add3A_116] : memref<327680xi32, #tpu.memory_space<hbm>> -> memref<128xi32, #tpu.memory_space<hbm>>
        %dma_start3A_118 = tpu.memref_slice %arg4[%add3A_116] : memref<327680xi32, #tpu.memory_space<hbm>> -> memref<128xi32, #tpu.memory_space<hbm>>
        tpu.enqueue_dma source(%dma_start3A_118 : memref<128xi32, #tpu.memory_space<hbm>>) target(%arg8 : memref<128xi32, #tpu.memory_space<vmem>>) target_semaphore(%arg18 : memref<!tpu.dma_semaphore, #tpu.memory_space<semaphore_mem>>)
        %dma_start3A_119 = tpu.memref_slice %arg5[%add3A_116] : memref<327680xi32, #tpu.memory_space<hbm>> -> memref<128xi32, #tpu.memory_space<hbm>>
        %dma_start3A_120 = tpu.memref_slice %arg5[%add3A_116] : memref<327680xi32, #tpu.memory_space<hbm>> -> memref<128xi32, #tpu.memory_space<hbm>>
        tpu.enqueue_dma source(%dma_start3A_120 : memref<128xi32, #tpu.memory_space<hbm>>) target(%arg10 : memref<128xi32, #tpu.memory_space<vmem>>) target_semaphore(%arg18 : memref<!tpu.dma_semaphore, #tpu.memory_space<semaphore_mem>>)
      } else {
      }
      %scan3A_111 = arith.constant 0 : i32
      scf.yield %scan3A_111 : i32
    }
    %scan3A_21 = arith.constant 40 : i32
    %mul3A_22 = arith.constant 64 : i32
    %mul3A_23 = arith.muli %mul3A_2, %mul3A_22 : i32
    %dma_wait3A = tpu.memref_slice %arg6[%mul3A_23] : memref<20971520xf32, #tpu.memory_space<hbm>> -> memref<8192xf32, #tpu.memory_space<hbm>>
    %dma_wait3A_24 = tpu.memref_slice %arg6[%mul3A_23] : memref<20971520xf32, #tpu.memory_space<hbm>> -> memref<8192xf32, #tpu.memory_space<hbm>>
    tpu.wait_dma2 semaphore(%arg21 : memref<!tpu.dma_semaphore, #tpu.memory_space<semaphore_mem>>) src(%arg15 : memref<8192xf32, #tpu.memory_space<vmem>>) dst(%dma_wait3A_24 : memref<8192xf32, #tpu.memory_space<hbm>>)
    %dma_wait3A_25 = tpu.memref_slice %arg6[%mul3A_23] : memref<20971520xf32, #tpu.memory_space<hbm>> -> memref<8192xf32, #tpu.memory_space<hbm>>
    %dma_wait3A_26 = tpu.memref_slice %arg6[%mul3A_23] : memref<20971520xf32, #tpu.memory_space<hbm>> -> memref<8192xf32, #tpu.memory_space<hbm>>
    tpu.wait_dma2 semaphore(%arg22 : memref<!tpu.dma_semaphore, #tpu.memory_space<semaphore_mem>>) src(%arg16 : memref<8192xf32, #tpu.memory_space<vmem>>) dst(%dma_wait3A_26 : memref<8192xf32, #tpu.memory_space<hbm>>)
    return
  }
}

#map = affine_map<(d0, d1) -> (0, 0)>
#map1 = affine_map<(d0, d1) -> (0)>
module attributes {stable_mosaic.version = 14 : i64} {
  func.func @s2(%arg0: i32, %arg1: i32, %arg2: memref<10000x144xf32, #tpu.memory_space<hbm>>, %arg3: memref<327680xi32, #tpu.memory_space<hbm>>, %arg4: memref<327680xi32, #tpu.memory_space<hbm>>, %arg5: memref<327680xf32, #tpu.memory_space<hbm>>, %arg6: memref<16xf32, #tpu.memory_space<hbm>>, %arg7: memref<10000x144xf32, #tpu.memory_space<hbm>>, %arg8: memref<10000x144xf32, #tpu.memory_space<hbm>>, %arg9: memref<128xi32, #tpu.memory_space<vmem>>, %arg10: memref<128xi32, #tpu.memory_space<vmem>>, %arg11: memref<128xi32, #tpu.memory_space<vmem>>, %arg12: memref<128xi32, #tpu.memory_space<vmem>>, %arg13: memref<128xf32, #tpu.memory_space<vmem>>, %arg14: memref<128xf32, #tpu.memory_space<vmem>>, %arg15: memref<128x144xf32, #tpu.memory_space<vmem>>, %arg16: memref<128x144xf32, #tpu.memory_space<vmem>>, %arg17: memref<16xf32, #tpu.memory_space<vmem>>, %arg18: memref<10000x144xf32, #tpu.memory_space<vmem_shared>>, %arg19: memref<!tpu.dma_semaphore, #tpu.memory_space<semaphore_mem>>, %arg20: memref<!tpu.dma_semaphore, #tpu.memory_space<semaphore_mem>>, %arg21: memref<!tpu.dma_semaphore, #tpu.memory_space<semaphore_mem>>, %arg22: memref<!tpu.dma_semaphore, #tpu.memory_space<semaphore_mem>>) attributes {dimension_semantics = [#tpu.dimension_semantics<core_parallel>, #tpu.dimension_semantics<subcore_parallel>], iteration_bounds = array<i64: 2, 16>, scalar_prefetch = 0 : i64, scratch_operands = 14 : i64, tpu.core_type = #tpu.core_type<sc_vector_subcore>, window_params = [{transform_indices = #map}, {transform_indices = #map1}, {transform_indices = #map1}, {transform_indices = #map1}, {transform_indices = #map1}, {transform_indices = #map}, {transform_indices = #map}]} {
    %mul3A = arith.constant 2 : i32
    %mul3A_0 = arith.muli %arg1, %mul3A : i32
    %add3A = arith.addi %mul3A_0, %arg0 : i32
    %mul3A_1 = arith.constant 10240 : i32
    %mul3A_2 = arith.muli %add3A, %mul3A_1 : i32
    %scan3A = arith.constant 0 : i32
    %scan3A_3 = arith.constant 0 : i32
    %scan3A_4 = arith.constant 128 : i32
    %scan3A_5 = arith.addi %scan3A_3, %scan3A_4 : i32
    %scan3A_6 = arith.constant 1 : i32
    %scan3A_7 = scf.for %scan3A_188 = %scan3A_3 to %scan3A_5 step %scan3A_6 iter_args(%scan3A_189 = %scan3A) -> (i32)  : i32 {
      %broadcast_in_dim3A = arith.constant 0.000000e+00 : f32
      %broadcast_in_dim3A_190 = vector.broadcast %broadcast_in_dim3A : f32 to vector<16xf32>
      %swap3A = arith.index_cast %scan3A_188 : i32 to index
      %swap3A_191 = arith.constant 0 : index
      %swap3A_192 = tpu.vector_load %arg15[%swap3A, %swap3A_191] {strides = array<i32>} : memref<128x144xf32, #tpu.memory_space<vmem>>, vector<16xf32>,
      tpu.vector_store %arg15[%swap3A, %swap3A_191], %broadcast_in_dim3A_190 {strides = array<i32>} : memref<128x144xf32, #tpu.memory_space<vmem>>, vector<16xf32>,
      %broadcast_in_dim3A_193 = arith.constant 0.000000e+00 : f32
      %broadcast_in_dim3A_194 = vector.broadcast %broadcast_in_dim3A_193 : f32 to vector<16xf32>
      %swap3A_195 = arith.index_cast %scan3A_188 : i32 to index
      %swap3A_196 = arith.constant 16 : index
      %swap3A_197 = tpu.vector_load %arg15[%swap3A_195, %swap3A_196] {strides = array<i32>} : memref<128x144xf32, #tpu.memory_space<vmem>>, vector<16xf32>,
      tpu.vector_store %arg15[%swap3A_195, %swap3A_196], %broadcast_in_dim3A_194 {strides = array<i32>} : memref<128x144xf32, #tpu.memory_space<vmem>>, vector<16xf32>,
      %broadcast_in_dim3A_198 = arith.constant 0.000000e+00 : f32
      %broadcast_in_dim3A_199 = vector.broadcast %broadcast_in_dim3A_198 : f32 to vector<16xf32>
      %swap3A_200 = arith.index_cast %scan3A_188 : i32 to index
      %swap3A_201 = arith.constant 32 : index
      %swap3A_202 = tpu.vector_load %arg15[%swap3A_200, %swap3A_201] {strides = array<i32>} : memref<128x144xf32, #tpu.memory_space<vmem>>, vector<16xf32>,
      tpu.vector_store %arg15[%swap3A_200, %swap3A_201], %broadcast_in_dim3A_199 {strides = array<i32>} : memref<128x144xf32, #tpu.memory_space<vmem>>, vector<16xf32>,
      %broadcast_in_dim3A_203 = arith.constant 0.000000e+00 : f32
      %broadcast_in_dim3A_204 = vector.broadcast %broadcast_in_dim3A_203 : f32 to vector<16xf32>
      %swap3A_205 = arith.index_cast %scan3A_188 : i32 to index
      %swap3A_206 = arith.constant 48 : index
      %swap3A_207 = tpu.vector_load %arg15[%swap3A_205, %swap3A_206] {strides = array<i32>} : memref<128x144xf32, #tpu.memory_space<vmem>>, vector<16xf32>,
      tpu.vector_store %arg15[%swap3A_205, %swap3A_206], %broadcast_in_dim3A_204 {strides = array<i32>} : memref<128x144xf32, #tpu.memory_space<vmem>>, vector<16xf32>,
      %broadcast_in_dim3A_208 = arith.constant 0.000000e+00 : f32
      %broadcast_in_dim3A_209 = vector.broadcast %broadcast_in_dim3A_208 : f32 to vector<16xf32>
      %swap3A_210 = arith.index_cast %scan3A_188 : i32 to index
      %swap3A_211 = arith.constant 64 : index
      %swap3A_212 = tpu.vector_load %arg15[%swap3A_210, %swap3A_211] {strides = array<i32>} : memref<128x144xf32, #tpu.memory_space<vmem>>, vector<16xf32>,
      tpu.vector_store %arg15[%swap3A_210, %swap3A_211], %broadcast_in_dim3A_209 {strides = array<i32>} : memref<128x144xf32, #tpu.memory_space<vmem>>, vector<16xf32>,
      %broadcast_in_dim3A_213 = arith.constant 0.000000e+00 : f32
      %broadcast_in_dim3A_214 = vector.broadcast %broadcast_in_dim3A_213 : f32 to vector<16xf32>
      %swap3A_215 = arith.index_cast %scan3A_188 : i32 to index
      %swap3A_216 = arith.constant 80 : index
      %swap3A_217 = tpu.vector_load %arg15[%swap3A_215, %swap3A_216] {strides = array<i32>} : memref<128x144xf32, #tpu.memory_space<vmem>>, vector<16xf32>,
      tpu.vector_store %arg15[%swap3A_215, %swap3A_216], %broadcast_in_dim3A_214 {strides = array<i32>} : memref<128x144xf32, #tpu.memory_space<vmem>>, vector<16xf32>,
      %broadcast_in_dim3A_218 = arith.constant 0.000000e+00 : f32
      %broadcast_in_dim3A_219 = vector.broadcast %broadcast_in_dim3A_218 : f32 to vector<16xf32>
      %swap3A_220 = arith.index_cast %scan3A_188 : i32 to index
      %swap3A_221 = arith.constant 96 : index
      %swap3A_222 = tpu.vector_load %arg15[%swap3A_220, %swap3A_221] {strides = array<i32>} : memref<128x144xf32, #tpu.memory_space<vmem>>, vector<16xf32>,
      tpu.vector_store %arg15[%swap3A_220, %swap3A_221], %broadcast_in_dim3A_219 {strides = array<i32>} : memref<128x144xf32, #tpu.memory_space<vmem>>, vector<16xf32>,
      %broadcast_in_dim3A_223 = arith.constant 0.000000e+00 : f32
      %broadcast_in_dim3A_224 = vector.broadcast %broadcast_in_dim3A_223 : f32 to vector<16xf32>
      %swap3A_225 = arith.index_cast %scan3A_188 : i32 to index
      %swap3A_226 = arith.constant 112 : index
      %swap3A_227 = tpu.vector_load %arg15[%swap3A_225, %swap3A_226] {strides = array<i32>} : memref<128x144xf32, #tpu.memory_space<vmem>>, vector<16xf32>,
      tpu.vector_store %arg15[%swap3A_225, %swap3A_226], %broadcast_in_dim3A_224 {strides = array<i32>} : memref<128x144xf32, #tpu.memory_space<vmem>>, vector<16xf32>,
      %broadcast_in_dim3A_228 = arith.constant 0.000000e+00 : f32
      %broadcast_in_dim3A_229 = vector.broadcast %broadcast_in_dim3A_228 : f32 to vector<16xf32>
      %swap3A_230 = arith.index_cast %scan3A_188 : i32 to index
      %swap3A_231 = arith.constant 128 : index
      %swap3A_232 = tpu.vector_load %arg15[%swap3A_230, %swap3A_231] {strides = array<i32>} : memref<128x144xf32, #tpu.memory_space<vmem>>, vector<16xf32>,
      tpu.vector_store %arg15[%swap3A_230, %swap3A_231], %broadcast_in_dim3A_229 {strides = array<i32>} : memref<128x144xf32, #tpu.memory_space<vmem>>, vector<16xf32>,
      %scan3A_233 = arith.constant 0 : i32
      scf.yield %scan3A_233 : i32
    }
    %scan3A_8 = arith.constant 128 : i32
    %eq3A = arith.constant 0 : i32
    %eq3A_9 = arith.cmpi eq, %arg1, %eq3A : i32
    %convert_element_type3A = arith.extui %eq3A_9 : i1 to i32
    %cond3A = arith.constant 0 : i32
    %cond3A_10 = arith.cmpi ne, %convert_element_type3A, %cond3A : i32
    scf.if %cond3A_10 {
      "tpu.region"() ({
        %run_scoped3A = tpu.sem_alloc : memref<!tpu.dma_semaphore, #tpu.memory_space<semaphore_mem>>
        %dma_start3A_188 = arith.constant 0 : i32
        %dma_start3A_189 = arith.constant 0 : i32
        %dma_start3A_190 = tpu.memref_slice %arg18[%dma_start3A_188, %dma_start3A_189] : memref<10000x144xf32, #tpu.memory_space<vmem_shared>> -> memref<128x144xf32, #tpu.memory_space<vmem_shared>>
        %dma_start3A_191 = arith.constant 0 : i32
        %dma_start3A_192 = arith.constant 0 : i32
        %dma_start3A_193 = tpu.memref_slice %arg18[%dma_start3A_191, %dma_start3A_192] : memref<10000x144xf32, #tpu.memory_space<vmem_shared>> -> memref<128x144xf32, #tpu.memory_space<vmem_shared>>
        tpu.enqueue_dma source(%arg15 : memref<128x144xf32, #tpu.memory_space<vmem>>) target(%dma_start3A_193 : memref<128x144xf32, #tpu.memory_space<vmem_shared>>) target_semaphore(%run_scoped3A : memref<!tpu.dma_semaphore, #tpu.memory_space<semaphore_mem>>)
        %dma_wait3A = arith.constant 0 : i32
        %dma_wait3A_194 = arith.constant 0 : i32
        %dma_wait3A_195 = tpu.memref_slice %arg18[%dma_wait3A, %dma_wait3A_194] : memref<10000x144xf32, #tpu.memory_space<vmem_shared>> -> memref<128x144xf32, #tpu.memory_space<vmem_shared>>
        %dma_wait3A_196 = arith.constant 0 : i32
        %dma_wait3A_197 = arith.constant 0 : i32
        %dma_wait3A_198 = tpu.memref_slice %arg18[%dma_wait3A_196, %dma_wait3A_197] : memref<10000x144xf32, #tpu.memory_space<vmem_shared>> -> memref<128x144xf32, #tpu.memory_space<vmem_shared>>
        tpu.wait_dma2 semaphore(%run_scoped3A : memref<!tpu.dma_semaphore, #tpu.memory_space<semaphore_mem>>) src(%arg15 : memref<128x144xf32, #tpu.memory_space<vmem>>) dst(%dma_wait3A_198 : memref<128x144xf32, #tpu.memory_space<vmem_shared>>)
        tpu.yield
      }) : () -> ()
      "tpu.region"() ({
        %run_scoped3A = tpu.sem_alloc : memref<!tpu.dma_semaphore, #tpu.memory_space<semaphore_mem>>
        %dma_start3A_188 = arith.constant 128 : i32
        %dma_start3A_189 = arith.constant 0 : i32
        %dma_start3A_190 = tpu.memref_slice %arg18[%dma_start3A_188, %dma_start3A_189] : memref<10000x144xf32, #tpu.memory_space<vmem_shared>> -> memref<128x144xf32, #tpu.memory_space<vmem_shared>>
        %dma_start3A_191 = arith.constant 128 : i32
        %dma_start3A_192 = arith.constant 0 : i32
        %dma_start3A_193 = tpu.memref_slice %arg18[%dma_start3A_191, %dma_start3A_192] : memref<10000x144xf32, #tpu.memory_space<vmem_shared>> -> memref<128x144xf32, #tpu.memory_space<vmem_shared>>
        tpu.enqueue_dma source(%arg15 : memref<128x144xf32, #tpu.memory_space<vmem>>) target(%dma_start3A_193 : memref<128x144xf32, #tpu.memory_space<vmem_shared>>) target_semaphore(%run_scoped3A : memref<!tpu.dma_semaphore, #tpu.memory_space<semaphore_mem>>)
        %dma_wait3A = arith.constant 128 : i32
        %dma_wait3A_194 = arith.constant 0 : i32
        %dma_wait3A_195 = tpu.memref_slice %arg18[%dma_wait3A, %dma_wait3A_194] : memref<10000x144xf32, #tpu.memory_space<vmem_shared>> -> memref<128x144xf32, #tpu.memory_space<vmem_shared>>
        %dma_wait3A_196 = arith.constant 128 : i32
        %dma_wait3A_197 = arith.constant 0 : i32
        %dma_wait3A_198 = tpu.memref_slice %arg18[%dma_wait3A_196, %dma_wait3A_197] : memref<10000x144xf32, #tpu.memory_space<vmem_shared>> -> memref<128x144xf32, #tpu.memory_space<vmem_shared>>
        tpu.wait_dma2 semaphore(%run_scoped3A : memref<!tpu.dma_semaphore, #tpu.memory_space<semaphore_mem>>) src(%arg15 : memref<128x144xf32, #tpu.memory_space<vmem>>) dst(%dma_wait3A_198 : memref<128x144xf32, #tpu.memory_space<vmem_shared>>)
        tpu.yield
      }) : () -> ()
      "tpu.region"() ({
        %run_scoped3A = tpu.sem_alloc : memref<!tpu.dma_semaphore, #tpu.memory_space<semaphore_mem>>
        %dma_start3A_188 = arith.constant 256 : i32
        %dma_start3A_189 = arith.constant 0 : i32
        %dma_start3A_190 = tpu.memref_slice %arg18[%dma_start3A_188, %dma_start3A_189] : memref<10000x144xf32, #tpu.memory_space<vmem_shared>> -> memref<128x144xf32, #tpu.memory_space<vmem_shared>>
        %dma_start3A_191 = arith.constant 256 : i32
        %dma_start3A_192 = arith.constant 0 : i32
        %dma_start3A_193 = tpu.memref_slice %arg18[%dma_start3A_191, %dma_start3A_192] : memref<10000x144xf32, #tpu.memory_space<vmem_shared>> -> memref<128x144xf32, #tpu.memory_space<vmem_shared>>
        tpu.enqueue_dma source(%arg15 : memref<128x144xf32, #tpu.memory_space<vmem>>) target(%dma_start3A_193 : memref<128x144xf32, #tpu.memory_space<vmem_shared>>) target_semaphore(%run_scoped3A : memref<!tpu.dma_semaphore, #tpu.memory_space<semaphore_mem>>)
        %dma_wait3A = arith.constant 256 : i32
        %dma_wait3A_194 = arith.constant 0 : i32
        %dma_wait3A_195 = tpu.memref_slice %arg18[%dma_wait3A, %dma_wait3A_194] : memref<10000x144xf32, #tpu.memory_space<vmem_shared>> -> memref<128x144xf32, #tpu.memory_space<vmem_shared>>
        %dma_wait3A_196 = arith.constant 256 : i32
        %dma_wait3A_197 = arith.constant 0 : i32
        %dma_wait3A_198 = tpu.memref_slice %arg18[%dma_wait3A_196, %dma_wait3A_197] : memref<10000x144xf32, #tpu.memory_space<vmem_shared>> -> memref<128x144xf32, #tpu.memory_space<vmem_shared>>
        tpu.wait_dma2 semaphore(%run_scoped3A : memref<!tpu.dma_semaphore, #tpu.memory_space<semaphore_mem>>) src(%arg15 : memref<128x144xf32, #tpu.memory_space<vmem>>) dst(%dma_wait3A_198 : memref<128x144xf32, #tpu.memory_space<vmem_shared>>)
        tpu.yield
      }) : () -> ()
      "tpu.region"() ({
        %run_scoped3A = tpu.sem_alloc : memref<!tpu.dma_semaphore, #tpu.memory_space<semaphore_mem>>
        %dma_start3A_188 = arith.constant 384 : i32
        %dma_start3A_189 = arith.constant 0 : i32
        %dma_start3A_190 = tpu.memref_slice %arg18[%dma_start3A_188, %dma_start3A_189] : memref<10000x144xf32, #tpu.memory_space<vmem_shared>> -> memref<128x144xf32, #tpu.memory_space<vmem_shared>>
        %dma_start3A_191 = arith.constant 384 : i32
        %dma_start3A_192 = arith.constant 0 : i32
        %dma_start3A_193 = tpu.memref_slice %arg18[%dma_start3A_191, %dma_start3A_192] : memref<10000x144xf32, #tpu.memory_space<vmem_shared>> -> memref<128x144xf32, #tpu.memory_space<vmem_shared>>
        tpu.enqueue_dma source(%arg15 : memref<128x144xf32, #tpu.memory_space<vmem>>) target(%dma_start3A_193 : memref<128x144xf32, #tpu.memory_space<vmem_shared>>) target_semaphore(%run_scoped3A : memref<!tpu.dma_semaphore, #tpu.memory_space<semaphore_mem>>)
        %dma_wait3A = arith.constant 384 : i32
        %dma_wait3A_194 = arith.constant 0 : i32
        %dma_wait3A_195 = tpu.memref_slice %arg18[%dma_wait3A, %dma_wait3A_194] : memref<10000x144xf32, #tpu.memory_space<vmem_shared>> -> memref<128x144xf32, #tpu.memory_space<vmem_shared>>
        %dma_wait3A_196 = arith.constant 384 : i32
        %dma_wait3A_197 = arith.constant 0 : i32
        %dma_wait3A_198 = tpu.memref_slice %arg18[%dma_wait3A_196, %dma_wait3A_197] : memref<10000x144xf32, #tpu.memory_space<vmem_shared>> -> memref<128x144xf32, #tpu.memory_space<vmem_shared>>
        tpu.wait_dma2 semaphore(%run_scoped3A : memref<!tpu.dma_semaphore, #tpu.memory_space<semaphore_mem>>) src(%arg15 : memref<128x144xf32, #tpu.memory_space<vmem>>) dst(%dma_wait3A_198 : memref<128x144xf32, #tpu.memory_space<vmem_shared>>)
        tpu.yield
      }) : () -> ()
      "tpu.region"() ({
        %run_scoped3A = tpu.sem_alloc : memref<!tpu.dma_semaphore, #tpu.memory_space<semaphore_mem>>
        %dma_start3A_188 = arith.constant 0 : i32
        %dma_start3A_189 = arith.constant 0 : i32
        %dma_start3A_190 = tpu.memref_slice %arg15[%dma_start3A_188, %dma_start3A_189] : memref<128x144xf32, #tpu.memory_space<vmem>> -> memref<113x144xf32, #tpu.memory_space<vmem>>
        %dma_start3A_191 = arith.constant 512 : i32
        %dma_start3A_192 = arith.constant 0 : i32
        %dma_start3A_193 = tpu.memref_slice %arg18[%dma_start3A_191, %dma_start3A_192] : memref<10000x144xf32, #tpu.memory_space<vmem_shared>> -> memref<113x144xf32, #tpu.memory_space<vmem_shared>>
        %dma_start3A_194 = arith.constant 512 : i32
        %dma_start3A_195 = arith.constant 0 : i32
        %dma_start3A_196 = tpu.memref_slice %arg18[%dma_start3A_194, %dma_start3A_195] : memref<10000x144xf32, #tpu.memory_space<vmem_shared>> -> memref<113x144xf32, #tpu.memory_space<vmem_shared>>
        %dma_start3A_197 = arith.constant 0 : i32
        %dma_start3A_198 = arith.constant 0 : i32
        %dma_start3A_199 = tpu.memref_slice %arg15[%dma_start3A_197, %dma_start3A_198] : memref<128x144xf32, #tpu.memory_space<vmem>> -> memref<113x144xf32, #tpu.memory_space<vmem>>
        tpu.enqueue_dma source(%dma_start3A_199 : memref<113x144xf32, #tpu.memory_space<vmem>>) target(%dma_start3A_196 : memref<113x144xf32, #tpu.memory_space<vmem_shared>>) target_semaphore(%run_scoped3A : memref<!tpu.dma_semaphore, #tpu.memory_space<semaphore_mem>>)
        %dma_wait3A = arith.constant 0 : i32
        %dma_wait3A_200 = arith.constant 0 : i32
        %dma_wait3A_201 = tpu.memref_slice %arg15[%dma_wait3A, %dma_wait3A_200] : memref<128x144xf32, #tpu.memory_space<vmem>> -> memref<113x144xf32, #tpu.memory_space<vmem>>
        %dma_wait3A_202 = arith.constant 512 : i32
        %dma_wait3A_203 = arith.constant 0 : i32
        %dma_wait3A_204 = tpu.memref_slice %arg18[%dma_wait3A_202, %dma_wait3A_203] : memref<10000x144xf32, #tpu.memory_space<vmem_shared>> -> memref<113x144xf32, #tpu.memory_space<vmem_shared>>
        %dma_wait3A_205 = arith.constant 512 : i32
        %dma_wait3A_206 = arith.constant 0 : i32
        %dma_wait3A_207 = tpu.memref_slice %arg18[%dma_wait3A_205, %dma_wait3A_206] : memref<10000x144xf32, #tpu.memory_space<vmem_shared>> -> memref<113x144xf32, #tpu.memory_space<vmem_shared>>
        %dma_wait3A_208 = arith.constant 0 : i32
        %dma_wait3A_209 = arith.constant 0 : i32
        %dma_wait3A_210 = tpu.memref_slice %arg15[%dma_wait3A_208, %dma_wait3A_209] : memref<128x144xf32, #tpu.memory_space<vmem>> -> memref<113x144xf32, #tpu.memory_space<vmem>>
        tpu.wait_dma2 semaphore(%run_scoped3A : memref<!tpu.dma_semaphore, #tpu.memory_space<semaphore_mem>>) src(%dma_wait3A_210 : memref<113x144xf32, #tpu.memory_space<vmem>>) dst(%dma_wait3A_207 : memref<113x144xf32, #tpu.memory_space<vmem_shared>>)
        tpu.yield
      }) : () -> ()
    } else {
    }
    %eq3A_11 = arith.constant 1 : i32
    %eq3A_12 = arith.cmpi eq, %arg1, %eq3A_11 : i32
    %convert_element_type3A_13 = arith.extui %eq3A_12 : i1 to i32
    %cond3A_14 = arith.constant 0 : i32
    %cond3A_15 = arith.cmpi ne, %convert_element_type3A_13, %cond3A_14 : i32
    scf.if %cond3A_15 {
      "tpu.region"() ({
        %run_scoped3A = tpu.sem_alloc : memref<!tpu.dma_semaphore, #tpu.memory_space<semaphore_mem>>
        %dma_start3A_188 = arith.constant 625 : i32
        %dma_start3A_189 = arith.constant 0 : i32
        %dma_start3A_190 = tpu.memref_slice %arg18[%dma_start3A_188, %dma_start3A_189] : memref<10000x144xf32, #tpu.memory_space<vmem_shared>> -> memref<128x144xf32, #tpu.memory_space<vmem_shared>>
        %dma_start3A_191 = arith.constant 625 : i32
        %dma_start3A_192 = arith.constant 0 : i32
        %dma_start3A_193 = tpu.memref_slice %arg18[%dma_start3A_191, %dma_start3A_192] : memref<10000x144xf32, #tpu.memory_space<vmem_shared>> -> memref<128x144xf32, #tpu.memory_space<vmem_shared>>
        tpu.enqueue_dma source(%arg15 : memref<128x144xf32, #tpu.memory_space<vmem>>) target(%dma_start3A_193 : memref<128x144xf32, #tpu.memory_space<vmem_shared>>) target_semaphore(%run_scoped3A : memref<!tpu.dma_semaphore, #tpu.memory_space<semaphore_mem>>)
        %dma_wait3A = arith.constant 625 : i32
        %dma_wait3A_194 = arith.constant 0 : i32
        %dma_wait3A_195 = tpu.memref_slice %arg18[%dma_wait3A, %dma_wait3A_194] : memref<10000x144xf32, #tpu.memory_space<vmem_shared>> -> memref<128x144xf32, #tpu.memory_space<vmem_shared>>
        %dma_wait3A_196 = arith.constant 625 : i32
        %dma_wait3A_197 = arith.constant 0 : i32
        %dma_wait3A_198 = tpu.memref_slice %arg18[%dma_wait3A_196, %dma_wait3A_197] : memref<10000x144xf32, #tpu.memory_space<vmem_shared>> -> memref<128x144xf32, #tpu.memory_space<vmem_shared>>
        tpu.wait_dma2 semaphore(%run_scoped3A : memref<!tpu.dma_semaphore, #tpu.memory_space<semaphore_mem>>) src(%arg15 : memref<128x144xf32, #tpu.memory_space<vmem>>) dst(%dma_wait3A_198 : memref<128x144xf32, #tpu.memory_space<vmem_shared>>)
        tpu.yield
      }) : () -> ()
      "tpu.region"() ({
        %run_scoped3A = tpu.sem_alloc : memref<!tpu.dma_semaphore, #tpu.memory_space<semaphore_mem>>
        %dma_start3A_188 = arith.constant 753 : i32
        %dma_start3A_189 = arith.constant 0 : i32
        %dma_start3A_190 = tpu.memref_slice %arg18[%dma_start3A_188, %dma_start3A_189] : memref<10000x144xf32, #tpu.memory_space<vmem_shared>> -> memref<128x144xf32, #tpu.memory_space<vmem_shared>>
        %dma_start3A_191 = arith.constant 753 : i32
        %dma_start3A_192 = arith.constant 0 : i32
        %dma_start3A_193 = tpu.memref_slice %arg18[%dma_start3A_191, %dma_start3A_192] : memref<10000x144xf32, #tpu.memory_space<vmem_shared>> -> memref<128x144xf32, #tpu.memory_space<vmem_shared>>
        tpu.enqueue_dma source(%arg15 : memref<128x144xf32, #tpu.memory_space<vmem>>) target(%dma_start3A_193 : memref<128x144xf32, #tpu.memory_space<vmem_shared>>) target_semaphore(%run_scoped3A : memref<!tpu.dma_semaphore, #tpu.memory_space<semaphore_mem>>)
        %dma_wait3A = arith.constant 753 : i32
        %dma_wait3A_194 = arith.constant 0 : i32
        %dma_wait3A_195 = tpu.memref_slice %arg18[%dma_wait3A, %dma_wait3A_194] : memref<10000x144xf32, #tpu.memory_space<vmem_shared>> -> memref<128x144xf32, #tpu.memory_space<vmem_shared>>
        %dma_wait3A_196 = arith.constant 753 : i32
        %dma_wait3A_197 = arith.constant 0 : i32
        %dma_wait3A_198 = tpu.memref_slice %arg18[%dma_wait3A_196, %dma_wait3A_197] : memref<10000x144xf32, #tpu.memory_space<vmem_shared>> -> memref<128x144xf32, #tpu.memory_space<vmem_shared>>
        tpu.wait_dma2 semaphore(%run_scoped3A : memref<!tpu.dma_semaphore, #tpu.memory_space<semaphore_mem>>) src(%arg15 : memref<128x144xf32, #tpu.memory_space<vmem>>) dst(%dma_wait3A_198 : memref<128x144xf32, #tpu.memory_space<vmem_shared>>)
        tpu.yield
      }) : () -> ()
      "tpu.region"() ({
        %run_scoped3A = tpu.sem_alloc : memref<!tpu.dma_semaphore, #tpu.memory_space<semaphore_mem>>
        %dma_start3A_188 = arith.constant 881 : i32
        %dma_start3A_189 = arith.constant 0 : i32
        %dma_start3A_190 = tpu.memref_slice %arg18[%dma_start3A_188, %dma_start3A_189] : memref<10000x144xf32, #tpu.memory_space<vmem_shared>> -> memref<128x144xf32, #tpu.memory_space<vmem_shared>>
        %dma_start3A_191 = arith.constant 881 : i32
        %dma_start3A_192 = arith.constant 0 : i32
        %dma_start3A_193 = tpu.memref_slice %arg18[%dma_start3A_191, %dma_start3A_192] : memref<10000x144xf32, #tpu.memory_space<vmem_shared>> -> memref<128x144xf32, #tpu.memory_space<vmem_shared>>
        tpu.enqueue_dma source(%arg15 : memref<128x144xf32, #tpu.memory_space<vmem>>) target(%dma_start3A_193 : memref<128x144xf32, #tpu.memory_space<vmem_shared>>) target_semaphore(%run_scoped3A : memref<!tpu.dma_semaphore, #tpu.memory_space<semaphore_mem>>)
        %dma_wait3A = arith.constant 881 : i32
        %dma_wait3A_194 = arith.constant 0 : i32
        %dma_wait3A_195 = tpu.memref_slice %arg18[%dma_wait3A, %dma_wait3A_194] : memref<10000x144xf32, #tpu.memory_space<vmem_shared>> -> memref<128x144xf32, #tpu.memory_space<vmem_shared>>
        %dma_wait3A_196 = arith.constant 881 : i32
        %dma_wait3A_197 = arith.constant 0 : i32
        %dma_wait3A_198 = tpu.memref_slice %arg18[%dma_wait3A_196, %dma_wait3A_197] : memref<10000x144xf32, #tpu.memory_space<vmem_shared>> -> memref<128x144xf32, #tpu.memory_space<vmem_shared>>
        tpu.wait_dma2 semaphore(%run_scoped3A : memref<!tpu.dma_semaphore, #tpu.memory_space<semaphore_mem>>) src(%arg15 : memref<128x144xf32, #tpu.memory_space<vmem>>) dst(%dma_wait3A_198 : memref<128x144xf32, #tpu.memory_space<vmem_shared>>)
        tpu.yield
      }) : () -> ()
      "tpu.region"() ({
        %run_scoped3A = tpu.sem_alloc : memref<!tpu.dma_semaphore, #tpu.memory_space<semaphore_mem>>
        %dma_start3A_188 = arith.constant 1009 : i32
        %dma_start3A_189 = arith.constant 0 : i32
        %dma_start3A_190 = tpu.memref_slice %arg18[%dma_start3A_188, %dma_start3A_189] : memref<10000x144xf32, #tpu.memory_space<vmem_shared>> -> memref<128x144xf32, #tpu.memory_space<vmem_shared>>
        %dma_start3A_191 = arith.constant 1009 : i32
        %dma_start3A_192 = arith.constant 0 : i32
        %dma_start3A_193 = tpu.memref_slice %arg18[%dma_start3A_191, %dma_start3A_192] : memref<10000x144xf32, #tpu.memory_space<vmem_shared>> -> memref<128x144xf32, #tpu.memory_space<vmem_shared>>
        tpu.enqueue_dma source(%arg15 : memref<128x144xf32, #tpu.memory_space<vmem>>) target(%dma_start3A_193 : memref<128x144xf32, #tpu.memory_space<vmem_shared>>) target_semaphore(%run_scoped3A : memref<!tpu.dma_semaphore, #tpu.memory_space<semaphore_mem>>)
        %dma_wait3A = arith.constant 1009 : i32
        %dma_wait3A_194 = arith.constant 0 : i32
        %dma_wait3A_195 = tpu.memref_slice %arg18[%dma_wait3A, %dma_wait3A_194] : memref<10000x144xf32, #tpu.memory_space<vmem_shared>> -> memref<128x144xf32, #tpu.memory_space<vmem_shared>>
        %dma_wait3A_196 = arith.constant 1009 : i32
        %dma_wait3A_197 = arith.constant 0 : i32
        %dma_wait3A_198 = tpu.memref_slice %arg18[%dma_wait3A_196, %dma_wait3A_197] : memref<10000x144xf32, #tpu.memory_space<vmem_shared>> -> memref<128x144xf32, #tpu.memory_space<vmem_shared>>
        tpu.wait_dma2 semaphore(%run_scoped3A : memref<!tpu.dma_semaphore, #tpu.memory_space<semaphore_mem>>) src(%arg15 : memref<128x144xf32, #tpu.memory_space<vmem>>) dst(%dma_wait3A_198 : memref<128x144xf32, #tpu.memory_space<vmem_shared>>)
        tpu.yield
      }) : () -> ()
      "tpu.region"() ({
        %run_scoped3A = tpu.sem_alloc : memref<!tpu.dma_semaphore, #tpu.memory_space<semaphore_mem>>
        %dma_start3A_188 = arith.constant 0 : i32
        %dma_start3A_189 = arith.constant 0 : i32
        %dma_start3A_190 = tpu.memref_slice %arg15[%dma_start3A_188, %dma_start3A_189] : memref<128x144xf32, #tpu.memory_space<vmem>> -> memref<113x144xf32, #tpu.memory_space<vmem>>
        %dma_start3A_191 = arith.constant 1137 : i32
        %dma_start3A_192 = arith.constant 0 : i32
        %dma_start3A_193 = tpu.memref_slice %arg18[%dma_start3A_191, %dma_start3A_192] : memref<10000x144xf32, #tpu.memory_space<vmem_shared>> -> memref<113x144xf32, #tpu.memory_space<vmem_shared>>
        %dma_start3A_194 = arith.constant 1137 : i32
        %dma_start3A_195 = arith.constant 0 : i32
        %dma_start3A_196 = tpu.memref_slice %arg18[%dma_start3A_194, %dma_start3A_195] : memref<10000x144xf32, #tpu.memory_space<vmem_shared>> -> memref<113x144xf32, #tpu.memory_space<vmem_shared>>
        %dma_start3A_197 = arith.constant 0 : i32
        %dma_start3A_198 = arith.constant 0 : i32
        %dma_start3A_199 = tpu.memref_slice %arg15[%dma_start3A_197, %dma_start3A_198] : memref<128x144xf32, #tpu.memory_space<vmem>> -> memref<113x144xf32, #tpu.memory_space<vmem>>
        tpu.enqueue_dma source(%dma_start3A_199 : memref<113x144xf32, #tpu.memory_space<vmem>>) target(%dma_start3A_196 : memref<113x144xf32, #tpu.memory_space<vmem_shared>>) target_semaphore(%run_scoped3A : memref<!tpu.dma_semaphore, #tpu.memory_space<semaphore_mem>>)
        %dma_wait3A = arith.constant 0 : i32
        %dma_wait3A_200 = arith.constant 0 : i32
        %dma_wait3A_201 = tpu.memref_slice %arg15[%dma_wait3A, %dma_wait3A_200] : memref<128x144xf32, #tpu.memory_space<vmem>> -> memref<113x144xf32, #tpu.memory_space<vmem>>
        %dma_wait3A_202 = arith.constant 1137 : i32
        %dma_wait3A_203 = arith.constant 0 : i32
        %dma_wait3A_204 = tpu.memref_slice %arg18[%dma_wait3A_202, %dma_wait3A_203] : memref<10000x144xf32, #tpu.memory_space<vmem_shared>> -> memref<113x144xf32, #tpu.memory_space<vmem_shared>>
        %dma_wait3A_205 = arith.constant 1137 : i32
        %dma_wait3A_206 = arith.constant 0 : i32
        %dma_wait3A_207 = tpu.memref_slice %arg18[%dma_wait3A_205, %dma_wait3A_206] : memref<10000x144xf32, #tpu.memory_space<vmem_shared>> -> memref<113x144xf32, #tpu.memory_space<vmem_shared>>
        %dma_wait3A_208 = arith.constant 0 : i32
        %dma_wait3A_209 = arith.constant 0 : i32
        %dma_wait3A_210 = tpu.memref_slice %arg15[%dma_wait3A_208, %dma_wait3A_209] : memref<128x144xf32, #tpu.memory_space<vmem>> -> memref<113x144xf32, #tpu.memory_space<vmem>>
        tpu.wait_dma2 semaphore(%run_scoped3A : memref<!tpu.dma_semaphore, #tpu.memory_space<semaphore_mem>>) src(%dma_wait3A_210 : memref<113x144xf32, #tpu.memory_space<vmem>>) dst(%dma_wait3A_207 : memref<113x144xf32, #tpu.memory_space<vmem_shared>>)
        tpu.yield
      }) : () -> ()
    } else {
    }
    %eq3A_16 = arith.constant 2 : i32
    %eq3A_17 = arith.cmpi eq, %arg1, %eq3A_16 : i32
    %convert_element_type3A_18 = arith.extui %eq3A_17 : i1 to i32
    %cond3A_19 = arith.constant 0 : i32
    %cond3A_20 = arith.cmpi ne, %convert_element_type3A_18, %cond3A_19 : i32
    scf.if %cond3A_20 {
      "tpu.region"() ({
        %run_scoped3A = tpu.sem_alloc : memref<!tpu.dma_semaphore, #tpu.memory_space<semaphore_mem>>
        %dma_start3A_188 = arith.constant 1250 : i32
        %dma_start3A_189 = arith.constant 0 : i32
        %dma_start3A_190 = tpu.memref_slice %arg18[%dma_start3A_188, %dma_start3A_189] : memref<10000x144xf32, #tpu.memory_space<vmem_shared>> -> memref<128x144xf32, #tpu.memory_space<vmem_shared>>
        %dma_start3A_191 = arith.constant 1250 : i32
        %dma_start3A_192 = arith.constant 0 : i32
        %dma_start3A_193 = tpu.memref_slice %arg18[%dma_start3A_191, %dma_start3A_192] : memref<10000x144xf32, #tpu.memory_space<vmem_shared>> -> memref<128x144xf32, #tpu.memory_space<vmem_shared>>
        tpu.enqueue_dma source(%arg15 : memref<128x144xf32, #tpu.memory_space<vmem>>) target(%dma_start3A_193 : memref<128x144xf32, #tpu.memory_space<vmem_shared>>) target_semaphore(%run_scoped3A : memref<!tpu.dma_semaphore, #tpu.memory_space<semaphore_mem>>)
        %dma_wait3A = arith.constant 1250 : i32
        %dma_wait3A_194 = arith.constant 0 : i32
        %dma_wait3A_195 = tpu.memref_slice %arg18[%dma_wait3A, %dma_wait3A_194] : memref<10000x144xf32, #tpu.memory_space<vmem_shared>> -> memref<128x144xf32, #tpu.memory_space<vmem_shared>>
        %dma_wait3A_196 = arith.constant 1250 : i32
        %dma_wait3A_197 = arith.constant 0 : i32
        %dma_wait3A_198 = tpu.memref_slice %arg18[%dma_wait3A_196, %dma_wait3A_197] : memref<10000x144xf32, #tpu.memory_space<vmem_shared>> -> memref<128x144xf32, #tpu.memory_space<vmem_shared>>
        tpu.wait_dma2 semaphore(%run_scoped3A : memref<!tpu.dma_semaphore, #tpu.memory_space<semaphore_mem>>) src(%arg15 : memref<128x144xf32, #tpu.memory_space<vmem>>) dst(%dma_wait3A_198 : memref<128x144xf32, #tpu.memory_space<vmem_shared>>)
        tpu.yield
      }) : () -> ()
      "tpu.region"() ({
        %run_scoped3A = tpu.sem_alloc : memref<!tpu.dma_semaphore, #tpu.memory_space<semaphore_mem>>
        %dma_start3A_188 = arith.constant 1378 : i32
        %dma_start3A_189 = arith.constant 0 : i32
        %dma_start3A_190 = tpu.memref_slice %arg18[%dma_start3A_188, %dma_start3A_189] : memref<10000x144xf32, #tpu.memory_space<vmem_shared>> -> memref<128x144xf32, #tpu.memory_space<vmem_shared>>
        %dma_start3A_191 = arith.constant 1378 : i32
        %dma_start3A_192 = arith.constant 0 : i32
        %dma_start3A_193 = tpu.memref_slice %arg18[%dma_start3A_191, %dma_start3A_192] : memref<10000x144xf32, #tpu.memory_space<vmem_shared>> -> memref<128x144xf32, #tpu.memory_space<vmem_shared>>
        tpu.enqueue_dma source(%arg15 : memref<128x144xf32, #tpu.memory_space<vmem>>) target(%dma_start3A_193 : memref<128x144xf32, #tpu.memory_space<vmem_shared>>) target_semaphore(%run_scoped3A : memref<!tpu.dma_semaphore, #tpu.memory_space<semaphore_mem>>)
        %dma_wait3A = arith.constant 1378 : i32
        %dma_wait3A_194 = arith.constant 0 : i32
        %dma_wait3A_195 = tpu.memref_slice %arg18[%dma_wait3A, %dma_wait3A_194] : memref<10000x144xf32, #tpu.memory_space<vmem_shared>> -> memref<128x144xf32, #tpu.memory_space<vmem_shared>>
        %dma_wait3A_196 = arith.constant 1378 : i32
        %dma_wait3A_197 = arith.constant 0 : i32
        %dma_wait3A_198 = tpu.memref_slice %arg18[%dma_wait3A_196, %dma_wait3A_197] : memref<10000x144xf32, #tpu.memory_space<vmem_shared>> -> memref<128x144xf32, #tpu.memory_space<vmem_shared>>
        tpu.wait_dma2 semaphore(%run_scoped3A : memref<!tpu.dma_semaphore, #tpu.memory_space<semaphore_mem>>) src(%arg15 : memref<128x144xf32, #tpu.memory_space<vmem>>) dst(%dma_wait3A_198 : memref<128x144xf32, #tpu.memory_space<vmem_shared>>)
        tpu.yield
      }) : () -> ()
      "tpu.region"() ({
        %run_scoped3A = tpu.sem_alloc : memref<!tpu.dma_semaphore, #tpu.memory_space<semaphore_mem>>
        %dma_start3A_188 = arith.constant 1506 : i32
        %dma_start3A_189 = arith.constant 0 : i32
        %dma_start3A_190 = tpu.memref_slice %arg18[%dma_start3A_188, %dma_start3A_189] : memref<10000x144xf32, #tpu.memory_space<vmem_shared>> -> memref<128x144xf32, #tpu.memory_space<vmem_shared>>
        %dma_start3A_191 = arith.constant 1506 : i32
        %dma_start3A_192 = arith.constant 0 : i32
        %dma_start3A_193 = tpu.memref_slice %arg18[%dma_start3A_191, %dma_start3A_192] : memref<10000x144xf32, #tpu.memory_space<vmem_shared>> -> memref<128x144xf32, #tpu.memory_space<vmem_shared>>
        tpu.enqueue_dma source(%arg15 : memref<128x144xf32, #tpu.memory_space<vmem>>) target(%dma_start3A_193 : memref<128x144xf32, #tpu.memory_space<vmem_shared>>) target_semaphore(%run_scoped3A : memref<!tpu.dma_semaphore, #tpu.memory_space<semaphore_mem>>)
        %dma_wait3A = arith.constant 1506 : i32
        %dma_wait3A_194 = arith.constant 0 : i32
        %dma_wait3A_195 = tpu.memref_slice %arg18[%dma_wait3A, %dma_wait3A_194] : memref<10000x144xf32, #tpu.memory_space<vmem_shared>> -> memref<128x144xf32, #tpu.memory_space<vmem_shared>>
        %dma_wait3A_196 = arith.constant 1506 : i32
        %dma_wait3A_197 = arith.constant 0 : i32
        %dma_wait3A_198 = tpu.memref_slice %arg18[%dma_wait3A_196, %dma_wait3A_197] : memref<10000x144xf32, #tpu.memory_space<vmem_shared>> -> memref<128x144xf32, #tpu.memory_space<vmem_shared>>
        tpu.wait_dma2 semaphore(%run_scoped3A : memref<!tpu.dma_semaphore, #tpu.memory_space<semaphore_mem>>) src(%arg15 : memref<128x144xf32, #tpu.memory_space<vmem>>) dst(%dma_wait3A_198 : memref<128x144xf32, #tpu.memory_space<vmem_shared>>)
        tpu.yield
      }) : () -> ()
      "tpu.region"() ({
        %run_scoped3A = tpu.sem_alloc : memref<!tpu.dma_semaphore, #tpu.memory_space<semaphore_mem>>
        %dma_start3A_188 = arith.constant 1634 : i32
        %dma_start3A_189 = arith.constant 0 : i32
        %dma_start3A_190 = tpu.memref_slice %arg18[%dma_start3A_188, %dma_start3A_189] : memref<10000x144xf32, #tpu.memory_space<vmem_shared>> -> memref<128x144xf32, #tpu.memory_space<vmem_shared>>
        %dma_start3A_191 = arith.constant 1634 : i32
        %dma_start3A_192 = arith.constant 0 : i32
        %dma_start3A_193 = tpu.memref_slice %arg18[%dma_start3A_191, %dma_start3A_192] : memref<10000x144xf32, #tpu.memory_space<vmem_shared>> -> memref<128x144xf32, #tpu.memory_space<vmem_shared>>
        tpu.enqueue_dma source(%arg15 : memref<128x144xf32, #tpu.memory_space<vmem>>) target(%dma_start3A_193 : memref<128x144xf32, #tpu.memory_space<vmem_shared>>) target_semaphore(%run_scoped3A : memref<!tpu.dma_semaphore, #tpu.memory_space<semaphore_mem>>)
        %dma_wait3A = arith.constant 1634 : i32
        %dma_wait3A_194 = arith.constant 0 : i32
        %dma_wait3A_195 = tpu.memref_slice %arg18[%dma_wait3A, %dma_wait3A_194] : memref<10000x144xf32, #tpu.memory_space<vmem_shared>> -> memref<128x144xf32, #tpu.memory_space<vmem_shared>>
        %dma_wait3A_196 = arith.constant 1634 : i32
        %dma_wait3A_197 = arith.constant 0 : i32
        %dma_wait3A_198 = tpu.memref_slice %arg18[%dma_wait3A_196, %dma_wait3A_197] : memref<10000x144xf32, #tpu.memory_space<vmem_shared>> -> memref<128x144xf32, #tpu.memory_space<vmem_shared>>
        tpu.wait_dma2 semaphore(%run_scoped3A : memref<!tpu.dma_semaphore, #tpu.memory_space<semaphore_mem>>) src(%arg15 : memref<128x144xf32, #tpu.memory_space<vmem>>) dst(%dma_wait3A_198 : memref<128x144xf32, #tpu.memory_space<vmem_shared>>)
        tpu.yield
      }) : () -> ()
      "tpu.region"() ({
        %run_scoped3A = tpu.sem_alloc : memref<!tpu.dma_semaphore, #tpu.memory_space<semaphore_mem>>
        %dma_start3A_188 = arith.constant 0 : i32
        %dma_start3A_189 = arith.constant 0 : i32
        %dma_start3A_190 = tpu.memref_slice %arg15[%dma_start3A_188, %dma_start3A_189] : memref<128x144xf32, #tpu.memory_space<vmem>> -> memref<113x144xf32, #tpu.memory_space<vmem>>
        %dma_start3A_191 = arith.constant 1762 : i32
        %dma_start3A_192 = arith.constant 0 : i32
        %dma_start3A_193 = tpu.memref_slice %arg18[%dma_start3A_191, %dma_start3A_192] : memref<10000x144xf32, #tpu.memory_space<vmem_shared>> -> memref<113x144xf32, #tpu.memory_space<vmem_shared>>
        %dma_start3A_194 = arith.constant 1762 : i32
        %dma_start3A_195 = arith.constant 0 : i32
        %dma_start3A_196 = tpu.memref_slice %arg18[%dma_start3A_194, %dma_start3A_195] : memref<10000x144xf32, #tpu.memory_space<vmem_shared>> -> memref<113x144xf32, #tpu.memory_space<vmem_shared>>
        %dma_start3A_197 = arith.constant 0 : i32
        %dma_start3A_198 = arith.constant 0 : i32
        %dma_start3A_199 = tpu.memref_slice %arg15[%dma_start3A_197, %dma_start3A_198] : memref<128x144xf32, #tpu.memory_space<vmem>> -> memref<113x144xf32, #tpu.memory_space<vmem>>
        tpu.enqueue_dma source(%dma_start3A_199 : memref<113x144xf32, #tpu.memory_space<vmem>>) target(%dma_start3A_196 : memref<113x144xf32, #tpu.memory_space<vmem_shared>>) target_semaphore(%run_scoped3A : memref<!tpu.dma_semaphore, #tpu.memory_space<semaphore_mem>>)
        %dma_wait3A = arith.constant 0 : i32
        %dma_wait3A_200 = arith.constant 0 : i32
        %dma_wait3A_201 = tpu.memref_slice %arg15[%dma_wait3A, %dma_wait3A_200] : memref<128x144xf32, #tpu.memory_space<vmem>> -> memref<113x144xf32, #tpu.memory_space<vmem>>
        %dma_wait3A_202 = arith.constant 1762 : i32
        %dma_wait3A_203 = arith.constant 0 : i32
        %dma_wait3A_204 = tpu.memref_slice %arg18[%dma_wait3A_202, %dma_wait3A_203] : memref<10000x144xf32, #tpu.memory_space<vmem_shared>> -> memref<113x144xf32, #tpu.memory_space<vmem_shared>>
        %dma_wait3A_205 = arith.constant 1762 : i32
        %dma_wait3A_206 = arith.constant 0 : i32
        %dma_wait3A_207 = tpu.memref_slice %arg18[%dma_wait3A_205, %dma_wait3A_206] : memref<10000x144xf32, #tpu.memory_space<vmem_shared>> -> memref<113x144xf32, #tpu.memory_space<vmem_shared>>
        %dma_wait3A_208 = arith.constant 0 : i32
        %dma_wait3A_209 = arith.constant 0 : i32
        %dma_wait3A_210 = tpu.memref_slice %arg15[%dma_wait3A_208, %dma_wait3A_209] : memref<128x144xf32, #tpu.memory_space<vmem>> -> memref<113x144xf32, #tpu.memory_space<vmem>>
        tpu.wait_dma2 semaphore(%run_scoped3A : memref<!tpu.dma_semaphore, #tpu.memory_space<semaphore_mem>>) src(%dma_wait3A_210 : memref<113x144xf32, #tpu.memory_space<vmem>>) dst(%dma_wait3A_207 : memref<113x144xf32, #tpu.memory_space<vmem_shared>>)
        tpu.yield
      }) : () -> ()
    } else {
    }
    %eq3A_21 = arith.constant 3 : i32
    %eq3A_22 = arith.cmpi eq, %arg1, %eq3A_21 : i32
    %convert_element_type3A_23 = arith.extui %eq3A_22 : i1 to i32
    %cond3A_24 = arith.constant 0 : i32
    %cond3A_25 = arith.cmpi ne, %convert_element_type3A_23, %cond3A_24 : i32
    scf.if %cond3A_25 {
      "tpu.region"() ({
        %run_scoped3A = tpu.sem_alloc : memref<!tpu.dma_semaphore, #tpu.memory_space<semaphore_mem>>
        %dma_start3A_188 = arith.constant 1875 : i32
        %dma_start3A_189 = arith.constant 0 : i32
        %dma_start3A_190 = tpu.memref_slice %arg18[%dma_start3A_188, %dma_start3A_189] : memref<10000x144xf32, #tpu.memory_space<vmem_shared>> -> memref<128x144xf32, #tpu.memory_space<vmem_shared>>
        %dma_start3A_191 = arith.constant 1875 : i32
        %dma_start3A_192 = arith.constant 0 : i32
        %dma_start3A_193 = tpu.memref_slice %arg18[%dma_start3A_191, %dma_start3A_192] : memref<10000x144xf32, #tpu.memory_space<vmem_shared>> -> memref<128x144xf32, #tpu.memory_space<vmem_shared>>
        tpu.enqueue_dma source(%arg15 : memref<128x144xf32, #tpu.memory_space<vmem>>) target(%dma_start3A_193 : memref<128x144xf32, #tpu.memory_space<vmem_shared>>) target_semaphore(%run_scoped3A : memref<!tpu.dma_semaphore, #tpu.memory_space<semaphore_mem>>)
        %dma_wait3A = arith.constant 1875 : i32
        %dma_wait3A_194 = arith.constant 0 : i32
        %dma_wait3A_195 = tpu.memref_slice %arg18[%dma_wait3A, %dma_wait3A_194] : memref<10000x144xf32, #tpu.memory_space<vmem_shared>> -> memref<128x144xf32, #tpu.memory_space<vmem_shared>>
        %dma_wait3A_196 = arith.constant 1875 : i32
        %dma_wait3A_197 = arith.constant 0 : i32
        %dma_wait3A_198 = tpu.memref_slice %arg18[%dma_wait3A_196, %dma_wait3A_197] : memref<10000x144xf32, #tpu.memory_space<vmem_shared>> -> memref<128x144xf32, #tpu.memory_space<vmem_shared>>
        tpu.wait_dma2 semaphore(%run_scoped3A : memref<!tpu.dma_semaphore, #tpu.memory_space<semaphore_mem>>) src(%arg15 : memref<128x144xf32, #tpu.memory_space<vmem>>) dst(%dma_wait3A_198 : memref<128x144xf32, #tpu.memory_space<vmem_shared>>)
        tpu.yield
      }) : () -> ()
      "tpu.region"() ({
        %run_scoped3A = tpu.sem_alloc : memref<!tpu.dma_semaphore, #tpu.memory_space<semaphore_mem>>
        %dma_start3A_188 = arith.constant 2003 : i32
        %dma_start3A_189 = arith.constant 0 : i32
        %dma_start3A_190 = tpu.memref_slice %arg18[%dma_start3A_188, %dma_start3A_189] : memref<10000x144xf32, #tpu.memory_space<vmem_shared>> -> memref<128x144xf32, #tpu.memory_space<vmem_shared>>
        %dma_start3A_191 = arith.constant 2003 : i32
        %dma_start3A_192 = arith.constant 0 : i32
        %dma_start3A_193 = tpu.memref_slice %arg18[%dma_start3A_191, %dma_start3A_192] : memref<10000x144xf32, #tpu.memory_space<vmem_shared>> -> memref<128x144xf32, #tpu.memory_space<vmem_shared>>
        tpu.enqueue_dma source(%arg15 : memref<128x144xf32, #tpu.memory_space<vmem>>) target(%dma_start3A_193 : memref<128x144xf32, #tpu.memory_space<vmem_shared>>) target_semaphore(%run_scoped3A : memref<!tpu.dma_semaphore, #tpu.memory_space<semaphore_mem>>)
        %dma_wait3A = arith.constant 2003 : i32
        %dma_wait3A_194 = arith.constant 0 : i32
        %dma_wait3A_195 = tpu.memref_slice %arg18[%dma_wait3A, %dma_wait3A_194] : memref<10000x144xf32, #tpu.memory_space<vmem_shared>> -> memref<128x144xf32, #tpu.memory_space<vmem_shared>>
        %dma_wait3A_196 = arith.constant 2003 : i32
        %dma_wait3A_197 = arith.constant 0 : i32
        %dma_wait3A_198 = tpu.memref_slice %arg18[%dma_wait3A_196, %dma_wait3A_197] : memref<10000x144xf32, #tpu.memory_space<vmem_shared>> -> memref<128x144xf32, #tpu.memory_space<vmem_shared>>
        tpu.wait_dma2 semaphore(%run_scoped3A : memref<!tpu.dma_semaphore, #tpu.memory_space<semaphore_mem>>) src(%arg15 : memref<128x144xf32, #tpu.memory_space<vmem>>) dst(%dma_wait3A_198 : memref<128x144xf32, #tpu.memory_space<vmem_shared>>)
        tpu.yield
      }) : () -> ()
      "tpu.region"() ({
        %run_scoped3A = tpu.sem_alloc : memref<!tpu.dma_semaphore, #tpu.memory_space<semaphore_mem>>
        %dma_start3A_188 = arith.constant 2131 : i32
        %dma_start3A_189 = arith.constant 0 : i32
        %dma_start3A_190 = tpu.memref_slice %arg18[%dma_start3A_188, %dma_start3A_189] : memref<10000x144xf32, #tpu.memory_space<vmem_shared>> -> memref<128x144xf32, #tpu.memory_space<vmem_shared>>
        %dma_start3A_191 = arith.constant 2131 : i32
        %dma_start3A_192 = arith.constant 0 : i32
        %dma_start3A_193 = tpu.memref_slice %arg18[%dma_start3A_191, %dma_start3A_192] : memref<10000x144xf32, #tpu.memory_space<vmem_shared>> -> memref<128x144xf32, #tpu.memory_space<vmem_shared>>
        tpu.enqueue_dma source(%arg15 : memref<128x144xf32, #tpu.memory_space<vmem>>) target(%dma_start3A_193 : memref<128x144xf32, #tpu.memory_space<vmem_shared>>) target_semaphore(%run_scoped3A : memref<!tpu.dma_semaphore, #tpu.memory_space<semaphore_mem>>)
        %dma_wait3A = arith.constant 2131 : i32
        %dma_wait3A_194 = arith.constant 0 : i32
        %dma_wait3A_195 = tpu.memref_slice %arg18[%dma_wait3A, %dma_wait3A_194] : memref<10000x144xf32, #tpu.memory_space<vmem_shared>> -> memref<128x144xf32, #tpu.memory_space<vmem_shared>>
        %dma_wait3A_196 = arith.constant 2131 : i32
        %dma_wait3A_197 = arith.constant 0 : i32
        %dma_wait3A_198 = tpu.memref_slice %arg18[%dma_wait3A_196, %dma_wait3A_197] : memref<10000x144xf32, #tpu.memory_space<vmem_shared>> -> memref<128x144xf32, #tpu.memory_space<vmem_shared>>
        tpu.wait_dma2 semaphore(%run_scoped3A : memref<!tpu.dma_semaphore, #tpu.memory_space<semaphore_mem>>) src(%arg15 : memref<128x144xf32, #tpu.memory_space<vmem>>) dst(%dma_wait3A_198 : memref<128x144xf32, #tpu.memory_space<vmem_shared>>)
        tpu.yield
      }) : () -> ()
      "tpu.region"() ({
        %run_scoped3A = tpu.sem_alloc : memref<!tpu.dma_semaphore, #tpu.memory_space<semaphore_mem>>
        %dma_start3A_188 = arith.constant 2259 : i32
        %dma_start3A_189 = arith.constant 0 : i32
        %dma_start3A_190 = tpu.memref_slice %arg18[%dma_start3A_188, %dma_start3A_189] : memref<10000x144xf32, #tpu.memory_space<vmem_shared>> -> memref<128x144xf32, #tpu.memory_space<vmem_shared>>
        %dma_start3A_191 = arith.constant 2259 : i32
        %dma_start3A_192 = arith.constant 0 : i32
        %dma_start3A_193 = tpu.memref_slice %arg18[%dma_start3A_191, %dma_start3A_192] : memref<10000x144xf32, #tpu.memory_space<vmem_shared>> -> memref<128x144xf32, #tpu.memory_space<vmem_shared>>
        tpu.enqueue_dma source(%arg15 : memref<128x144xf32, #tpu.memory_space<vmem>>) target(%dma_start3A_193 : memref<128x144xf32, #tpu.memory_space<vmem_shared>>) target_semaphore(%run_scoped3A : memref<!tpu.dma_semaphore, #tpu.memory_space<semaphore_mem>>)
        %dma_wait3A = arith.constant 2259 : i32
        %dma_wait3A_194 = arith.constant 0 : i32
        %dma_wait3A_195 = tpu.memref_slice %arg18[%dma_wait3A, %dma_wait3A_194] : memref<10000x144xf32, #tpu.memory_space<vmem_shared>> -> memref<128x144xf32, #tpu.memory_space<vmem_shared>>
        %dma_wait3A_196 = arith.constant 2259 : i32
        %dma_wait3A_197 = arith.constant 0 : i32
        %dma_wait3A_198 = tpu.memref_slice %arg18[%dma_wait3A_196, %dma_wait3A_197] : memref<10000x144xf32, #tpu.memory_space<vmem_shared>> -> memref<128x144xf32, #tpu.memory_space<vmem_shared>>
        tpu.wait_dma2 semaphore(%run_scoped3A : memref<!tpu.dma_semaphore, #tpu.memory_space<semaphore_mem>>) src(%arg15 : memref<128x144xf32, #tpu.memory_space<vmem>>) dst(%dma_wait3A_198 : memref<128x144xf32, #tpu.memory_space<vmem_shared>>)
        tpu.yield
      }) : () -> ()
      "tpu.region"() ({
        %run_scoped3A = tpu.sem_alloc : memref<!tpu.dma_semaphore, #tpu.memory_space<semaphore_mem>>
        %dma_start3A_188 = arith.constant 0 : i32
        %dma_start3A_189 = arith.constant 0 : i32
        %dma_start3A_190 = tpu.memref_slice %arg15[%dma_start3A_188, %dma_start3A_189] : memref<128x144xf32, #tpu.memory_space<vmem>> -> memref<113x144xf32, #tpu.memory_space<vmem>>
        %dma_start3A_191 = arith.constant 2387 : i32
        %dma_start3A_192 = arith.constant 0 : i32
        %dma_start3A_193 = tpu.memref_slice %arg18[%dma_start3A_191, %dma_start3A_192] : memref<10000x144xf32, #tpu.memory_space<vmem_shared>> -> memref<113x144xf32, #tpu.memory_space<vmem_shared>>
        %dma_start3A_194 = arith.constant 2387 : i32
        %dma_start3A_195 = arith.constant 0 : i32
        %dma_start3A_196 = tpu.memref_slice %arg18[%dma_start3A_194, %dma_start3A_195] : memref<10000x144xf32, #tpu.memory_space<vmem_shared>> -> memref<113x144xf32, #tpu.memory_space<vmem_shared>>
        %dma_start3A_197 = arith.constant 0 : i32
        %dma_start3A_198 = arith.constant 0 : i32
        %dma_start3A_199 = tpu.memref_slice %arg15[%dma_start3A_197, %dma_start3A_198] : memref<128x144xf32, #tpu.memory_space<vmem>> -> memref<113x144xf32, #tpu.memory_space<vmem>>
        tpu.enqueue_dma source(%dma_start3A_199 : memref<113x144xf32, #tpu.memory_space<vmem>>) target(%dma_start3A_196 : memref<113x144xf32, #tpu.memory_space<vmem_shared>>) target_semaphore(%run_scoped3A : memref<!tpu.dma_semaphore, #tpu.memory_space<semaphore_mem>>)
        %dma_wait3A = arith.constant 0 : i32
        %dma_wait3A_200 = arith.constant 0 : i32
        %dma_wait3A_201 = tpu.memref_slice %arg15[%dma_wait3A, %dma_wait3A_200] : memref<128x144xf32, #tpu.memory_space<vmem>> -> memref<113x144xf32, #tpu.memory_space<vmem>>
        %dma_wait3A_202 = arith.constant 2387 : i32
        %dma_wait3A_203 = arith.constant 0 : i32
        %dma_wait3A_204 = tpu.memref_slice %arg18[%dma_wait3A_202, %dma_wait3A_203] : memref<10000x144xf32, #tpu.memory_space<vmem_shared>> -> memref<113x144xf32, #tpu.memory_space<vmem_shared>>
        %dma_wait3A_205 = arith.constant 2387 : i32
        %dma_wait3A_206 = arith.constant 0 : i32
        %dma_wait3A_207 = tpu.memref_slice %arg18[%dma_wait3A_205, %dma_wait3A_206] : memref<10000x144xf32, #tpu.memory_space<vmem_shared>> -> memref<113x144xf32, #tpu.memory_space<vmem_shared>>
        %dma_wait3A_208 = arith.constant 0 : i32
        %dma_wait3A_209 = arith.constant 0 : i32
        %dma_wait3A_210 = tpu.memref_slice %arg15[%dma_wait3A_208, %dma_wait3A_209] : memref<128x144xf32, #tpu.memory_space<vmem>> -> memref<113x144xf32, #tpu.memory_space<vmem>>
        tpu.wait_dma2 semaphore(%run_scoped3A : memref<!tpu.dma_semaphore, #tpu.memory_space<semaphore_mem>>) src(%dma_wait3A_210 : memref<113x144xf32, #tpu.memory_space<vmem>>) dst(%dma_wait3A_207 : memref<113x144xf32, #tpu.memory_space<vmem_shared>>)
        tpu.yield
      }) : () -> ()
    } else {
    }
    %eq3A_26 = arith.constant 4 : i32
    %eq3A_27 = arith.cmpi eq, %arg1, %eq3A_26 : i32
    %convert_element_type3A_28 = arith.extui %eq3A_27 : i1 to i32
    %cond3A_29 = arith.constant 0 : i32
    %cond3A_30 = arith.cmpi ne, %convert_element_type3A_28, %cond3A_29 : i32
    scf.if %cond3A_30 {
      "tpu.region"() ({
        %run_scoped3A = tpu.sem_alloc : memref<!tpu.dma_semaphore, #tpu.memory_space<semaphore_mem>>
        %dma_start3A_188 = arith.constant 2500 : i32
        %dma_start3A_189 = arith.constant 0 : i32
        %dma_start3A_190 = tpu.memref_slice %arg18[%dma_start3A_188, %dma_start3A_189] : memref<10000x144xf32, #tpu.memory_space<vmem_shared>> -> memref<128x144xf32, #tpu.memory_space<vmem_shared>>
        %dma_start3A_191 = arith.constant 2500 : i32
        %dma_start3A_192 = arith.constant 0 : i32
        %dma_start3A_193 = tpu.memref_slice %arg18[%dma_start3A_191, %dma_start3A_192] : memref<10000x144xf32, #tpu.memory_space<vmem_shared>> -> memref<128x144xf32, #tpu.memory_space<vmem_shared>>
        tpu.enqueue_dma source(%arg15 : memref<128x144xf32, #tpu.memory_space<vmem>>) target(%dma_start3A_193 : memref<128x144xf32, #tpu.memory_space<vmem_shared>>) target_semaphore(%run_scoped3A : memref<!tpu.dma_semaphore, #tpu.memory_space<semaphore_mem>>)
        %dma_wait3A = arith.constant 2500 : i32
        %dma_wait3A_194 = arith.constant 0 : i32
        %dma_wait3A_195 = tpu.memref_slice %arg18[%dma_wait3A, %dma_wait3A_194] : memref<10000x144xf32, #tpu.memory_space<vmem_shared>> -> memref<128x144xf32, #tpu.memory_space<vmem_shared>>
        %dma_wait3A_196 = arith.constant 2500 : i32
        %dma_wait3A_197 = arith.constant 0 : i32
        %dma_wait3A_198 = tpu.memref_slice %arg18[%dma_wait3A_196, %dma_wait3A_197] : memref<10000x144xf32, #tpu.memory_space<vmem_shared>> -> memref<128x144xf32, #tpu.memory_space<vmem_shared>>
        tpu.wait_dma2 semaphore(%run_scoped3A : memref<!tpu.dma_semaphore, #tpu.memory_space<semaphore_mem>>) src(%arg15 : memref<128x144xf32, #tpu.memory_space<vmem>>) dst(%dma_wait3A_198 : memref<128x144xf32, #tpu.memory_space<vmem_shared>>)
        tpu.yield
      }) : () -> ()
      "tpu.region"() ({
        %run_scoped3A = tpu.sem_alloc : memref<!tpu.dma_semaphore, #tpu.memory_space<semaphore_mem>>
        %dma_start3A_188 = arith.constant 2628 : i32
        %dma_start3A_189 = arith.constant 0 : i32
        %dma_start3A_190 = tpu.memref_slice %arg18[%dma_start3A_188, %dma_start3A_189] : memref<10000x144xf32, #tpu.memory_space<vmem_shared>> -> memref<128x144xf32, #tpu.memory_space<vmem_shared>>
        %dma_start3A_191 = arith.constant 2628 : i32
        %dma_start3A_192 = arith.constant 0 : i32
        %dma_start3A_193 = tpu.memref_slice %arg18[%dma_start3A_191, %dma_start3A_192] : memref<10000x144xf32, #tpu.memory_space<vmem_shared>> -> memref<128x144xf32, #tpu.memory_space<vmem_shared>>
        tpu.enqueue_dma source(%arg15 : memref<128x144xf32, #tpu.memory_space<vmem>>) target(%dma_start3A_193 : memref<128x144xf32, #tpu.memory_space<vmem_shared>>) target_semaphore(%run_scoped3A : memref<!tpu.dma_semaphore, #tpu.memory_space<semaphore_mem>>)
        %dma_wait3A = arith.constant 2628 : i32
        %dma_wait3A_194 = arith.constant 0 : i32
        %dma_wait3A_195 = tpu.memref_slice %arg18[%dma_wait3A, %dma_wait3A_194] : memref<10000x144xf32, #tpu.memory_space<vmem_shared>> -> memref<128x144xf32, #tpu.memory_space<vmem_shared>>
        %dma_wait3A_196 = arith.constant 2628 : i32
        %dma_wait3A_197 = arith.constant 0 : i32
        %dma_wait3A_198 = tpu.memref_slice %arg18[%dma_wait3A_196, %dma_wait3A_197] : memref<10000x144xf32, #tpu.memory_space<vmem_shared>> -> memref<128x144xf32, #tpu.memory_space<vmem_shared>>
        tpu.wait_dma2 semaphore(%run_scoped3A : memref<!tpu.dma_semaphore, #tpu.memory_space<semaphore_mem>>) src(%arg15 : memref<128x144xf32, #tpu.memory_space<vmem>>) dst(%dma_wait3A_198 : memref<128x144xf32, #tpu.memory_space<vmem_shared>>)
        tpu.yield
      }) : () -> ()
      "tpu.region"() ({
        %run_scoped3A = tpu.sem_alloc : memref<!tpu.dma_semaphore, #tpu.memory_space<semaphore_mem>>
        %dma_start3A_188 = arith.constant 2756 : i32
        %dma_start3A_189 = arith.constant 0 : i32
        %dma_start3A_190 = tpu.memref_slice %arg18[%dma_start3A_188, %dma_start3A_189] : memref<10000x144xf32, #tpu.memory_space<vmem_shared>> -> memref<128x144xf32, #tpu.memory_space<vmem_shared>>
        %dma_start3A_191 = arith.constant 2756 : i32
        %dma_start3A_192 = arith.constant 0 : i32
        %dma_start3A_193 = tpu.memref_slice %arg18[%dma_start3A_191, %dma_start3A_192] : memref<10000x144xf32, #tpu.memory_space<vmem_shared>> -> memref<128x144xf32, #tpu.memory_space<vmem_shared>>
        tpu.enqueue_dma source(%arg15 : memref<128x144xf32, #tpu.memory_space<vmem>>) target(%dma_start3A_193 : memref<128x144xf32, #tpu.memory_space<vmem_shared>>) target_semaphore(%run_scoped3A : memref<!tpu.dma_semaphore, #tpu.memory_space<semaphore_mem>>)
        %dma_wait3A = arith.constant 2756 : i32
        %dma_wait3A_194 = arith.constant 0 : i32
        %dma_wait3A_195 = tpu.memref_slice %arg18[%dma_wait3A, %dma_wait3A_194] : memref<10000x144xf32, #tpu.memory_space<vmem_shared>> -> memref<128x144xf32, #tpu.memory_space<vmem_shared>>
        %dma_wait3A_196 = arith.constant 2756 : i32
        %dma_wait3A_197 = arith.constant 0 : i32
        %dma_wait3A_198 = tpu.memref_slice %arg18[%dma_wait3A_196, %dma_wait3A_197] : memref<10000x144xf32, #tpu.memory_space<vmem_shared>> -> memref<128x144xf32, #tpu.memory_space<vmem_shared>>
        tpu.wait_dma2 semaphore(%run_scoped3A : memref<!tpu.dma_semaphore, #tpu.memory_space<semaphore_mem>>) src(%arg15 : memref<128x144xf32, #tpu.memory_space<vmem>>) dst(%dma_wait3A_198 : memref<128x144xf32, #tpu.memory_space<vmem_shared>>)
        tpu.yield
      }) : () -> ()
      "tpu.region"() ({
        %run_scoped3A = tpu.sem_alloc : memref<!tpu.dma_semaphore, #tpu.memory_space<semaphore_mem>>
        %dma_start3A_188 = arith.constant 2884 : i32
        %dma_start3A_189 = arith.constant 0 : i32
        %dma_start3A_190 = tpu.memref_slice %arg18[%dma_start3A_188, %dma_start3A_189] : memref<10000x144xf32, #tpu.memory_space<vmem_shared>> -> memref<128x144xf32, #tpu.memory_space<vmem_shared>>
        %dma_start3A_191 = arith.constant 2884 : i32
        %dma_start3A_192 = arith.constant 0 : i32
        %dma_start3A_193 = tpu.memref_slice %arg18[%dma_start3A_191, %dma_start3A_192] : memref<10000x144xf32, #tpu.memory_space<vmem_shared>> -> memref<128x144xf32, #tpu.memory_space<vmem_shared>>
        tpu.enqueue_dma source(%arg15 : memref<128x144xf32, #tpu.memory_space<vmem>>) target(%dma_start3A_193 : memref<128x144xf32, #tpu.memory_space<vmem_shared>>) target_semaphore(%run_scoped3A : memref<!tpu.dma_semaphore, #tpu.memory_space<semaphore_mem>>)
        %dma_wait3A = arith.constant 2884 : i32
        %dma_wait3A_194 = arith.constant 0 : i32
        %dma_wait3A_195 = tpu.memref_slice %arg18[%dma_wait3A, %dma_wait3A_194] : memref<10000x144xf32, #tpu.memory_space<vmem_shared>> -> memref<128x144xf32, #tpu.memory_space<vmem_shared>>
        %dma_wait3A_196 = arith.constant 2884 : i32
        %dma_wait3A_197 = arith.constant 0 : i32
        %dma_wait3A_198 = tpu.memref_slice %arg18[%dma_wait3A_196, %dma_wait3A_197] : memref<10000x144xf32, #tpu.memory_space<vmem_shared>> -> memref<128x144xf32, #tpu.memory_space<vmem_shared>>
        tpu.wait_dma2 semaphore(%run_scoped3A : memref<!tpu.dma_semaphore, #tpu.memory_space<semaphore_mem>>) src(%arg15 : memref<128x144xf32, #tpu.memory_space<vmem>>) dst(%dma_wait3A_198 : memref<128x144xf32, #tpu.memory_space<vmem_shared>>)
        tpu.yield
      }) : () -> ()
      "tpu.region"() ({
        %run_scoped3A = tpu.sem_alloc : memref<!tpu.dma_semaphore, #tpu.memory_space<semaphore_mem>>
        %dma_start3A_188 = arith.constant 0 : i32
        %dma_start3A_189 = arith.constant 0 : i32
        %dma_start3A_190 = tpu.memref_slice %arg15[%dma_start3A_188, %dma_start3A_189] : memref<128x144xf32, #tpu.memory_space<vmem>> -> memref<113x144xf32, #tpu.memory_space<vmem>>
        %dma_start3A_191 = arith.constant 3012 : i32
        %dma_start3A_192 = arith.constant 0 : i32
        %dma_start3A_193 = tpu.memref_slice %arg18[%dma_start3A_191, %dma_start3A_192] : memref<10000x144xf32, #tpu.memory_space<vmem_shared>> -> memref<113x144xf32, #tpu.memory_space<vmem_shared>>
        %dma_start3A_194 = arith.constant 3012 : i32
        %dma_start3A_195 = arith.constant 0 : i32
        %dma_start3A_196 = tpu.memref_slice %arg18[%dma_start3A_194, %dma_start3A_195] : memref<10000x144xf32, #tpu.memory_space<vmem_shared>> -> memref<113x144xf32, #tpu.memory_space<vmem_shared>>
        %dma_start3A_197 = arith.constant 0 : i32
        %dma_start3A_198 = arith.constant 0 : i32
        %dma_start3A_199 = tpu.memref_slice %arg15[%dma_start3A_197, %dma_start3A_198] : memref<128x144xf32, #tpu.memory_space<vmem>> -> memref<113x144xf32, #tpu.memory_space<vmem>>
        tpu.enqueue_dma source(%dma_start3A_199 : memref<113x144xf32, #tpu.memory_space<vmem>>) target(%dma_start3A_196 : memref<113x144xf32, #tpu.memory_space<vmem_shared>>) target_semaphore(%run_scoped3A : memref<!tpu.dma_semaphore, #tpu.memory_space<semaphore_mem>>)
        %dma_wait3A = arith.constant 0 : i32
        %dma_wait3A_200 = arith.constant 0 : i32
        %dma_wait3A_201 = tpu.memref_slice %arg15[%dma_wait3A, %dma_wait3A_200] : memref<128x144xf32, #tpu.memory_space<vmem>> -> memref<113x144xf32, #tpu.memory_space<vmem>>
        %dma_wait3A_202 = arith.constant 3012 : i32
        %dma_wait3A_203 = arith.constant 0 : i32
        %dma_wait3A_204 = tpu.memref_slice %arg18[%dma_wait3A_202, %dma_wait3A_203] : memref<10000x144xf32, #tpu.memory_space<vmem_shared>> -> memref<113x144xf32, #tpu.memory_space<vmem_shared>>
        %dma_wait3A_205 = arith.constant 3012 : i32
        %dma_wait3A_206 = arith.constant 0 : i32
        %dma_wait3A_207 = tpu.memref_slice %arg18[%dma_wait3A_205, %dma_wait3A_206] : memref<10000x144xf32, #tpu.memory_space<vmem_shared>> -> memref<113x144xf32, #tpu.memory_space<vmem_shared>>
        %dma_wait3A_208 = arith.constant 0 : i32
        %dma_wait3A_209 = arith.constant 0 : i32
        %dma_wait3A_210 = tpu.memref_slice %arg15[%dma_wait3A_208, %dma_wait3A_209] : memref<128x144xf32, #tpu.memory_space<vmem>> -> memref<113x144xf32, #tpu.memory_space<vmem>>
        tpu.wait_dma2 semaphore(%run_scoped3A : memref<!tpu.dma_semaphore, #tpu.memory_space<semaphore_mem>>) src(%dma_wait3A_210 : memref<113x144xf32, #tpu.memory_space<vmem>>) dst(%dma_wait3A_207 : memref<113x144xf32, #tpu.memory_space<vmem_shared>>)
        tpu.yield
      }) : () -> ()
    } else {
    }
    %eq3A_31 = arith.constant 5 : i32
    %eq3A_32 = arith.cmpi eq, %arg1, %eq3A_31 : i32
    %convert_element_type3A_33 = arith.extui %eq3A_32 : i1 to i32
    %cond3A_34 = arith.constant 0 : i32
    %cond3A_35 = arith.cmpi ne, %convert_element_type3A_33, %cond3A_34 : i32
    scf.if %cond3A_35 {
      "tpu.region"() ({
        %run_scoped3A = tpu.sem_alloc : memref<!tpu.dma_semaphore, #tpu.memory_space<semaphore_mem>>
        %dma_start3A_188 = arith.constant 3125 : i32
        %dma_start3A_189 = arith.constant 0 : i32
        %dma_start3A_190 = tpu.memref_slice %arg18[%dma_start3A_188, %dma_start3A_189] : memref<10000x144xf32, #tpu.memory_space<vmem_shared>> -> memref<128x144xf32, #tpu.memory_space<vmem_shared>>
        %dma_start3A_191 = arith.constant 3125 : i32
        %dma_start3A_192 = arith.constant 0 : i32
        %dma_start3A_193 = tpu.memref_slice %arg18[%dma_start3A_191, %dma_start3A_192] : memref<10000x144xf32, #tpu.memory_space<vmem_shared>> -> memref<128x144xf32, #tpu.memory_space<vmem_shared>>
        tpu.enqueue_dma source(%arg15 : memref<128x144xf32, #tpu.memory_space<vmem>>) target(%dma_start3A_193 : memref<128x144xf32, #tpu.memory_space<vmem_shared>>) target_semaphore(%run_scoped3A : memref<!tpu.dma_semaphore, #tpu.memory_space<semaphore_mem>>)
        %dma_wait3A = arith.constant 3125 : i32
        %dma_wait3A_194 = arith.constant 0 : i32
        %dma_wait3A_195 = tpu.memref_slice %arg18[%dma_wait3A, %dma_wait3A_194] : memref<10000x144xf32, #tpu.memory_space<vmem_shared>> -> memref<128x144xf32, #tpu.memory_space<vmem_shared>>
        %dma_wait3A_196 = arith.constant 3125 : i32
        %dma_wait3A_197 = arith.constant 0 : i32
        %dma_wait3A_198 = tpu.memref_slice %arg18[%dma_wait3A_196, %dma_wait3A_197] : memref<10000x144xf32, #tpu.memory_space<vmem_shared>> -> memref<128x144xf32, #tpu.memory_space<vmem_shared>>
        tpu.wait_dma2 semaphore(%run_scoped3A : memref<!tpu.dma_semaphore, #tpu.memory_space<semaphore_mem>>) src(%arg15 : memref<128x144xf32, #tpu.memory_space<vmem>>) dst(%dma_wait3A_198 : memref<128x144xf32, #tpu.memory_space<vmem_shared>>)
        tpu.yield
      }) : () -> ()
      "tpu.region"() ({
        %run_scoped3A = tpu.sem_alloc : memref<!tpu.dma_semaphore, #tpu.memory_space<semaphore_mem>>
        %dma_start3A_188 = arith.constant 3253 : i32
        %dma_start3A_189 = arith.constant 0 : i32
        %dma_start3A_190 = tpu.memref_slice %arg18[%dma_start3A_188, %dma_start3A_189] : memref<10000x144xf32, #tpu.memory_space<vmem_shared>> -> memref<128x144xf32, #tpu.memory_space<vmem_shared>>
        %dma_start3A_191 = arith.constant 3253 : i32
        %dma_start3A_192 = arith.constant 0 : i32
        %dma_start3A_193 = tpu.memref_slice %arg18[%dma_start3A_191, %dma_start3A_192] : memref<10000x144xf32, #tpu.memory_space<vmem_shared>> -> memref<128x144xf32, #tpu.memory_space<vmem_shared>>
        tpu.enqueue_dma source(%arg15 : memref<128x144xf32, #tpu.memory_space<vmem>>) target(%dma_start3A_193 : memref<128x144xf32, #tpu.memory_space<vmem_shared>>) target_semaphore(%run_scoped3A : memref<!tpu.dma_semaphore, #tpu.memory_space<semaphore_mem>>)
        %dma_wait3A = arith.constant 3253 : i32
        %dma_wait3A_194 = arith.constant 0 : i32
        %dma_wait3A_195 = tpu.memref_slice %arg18[%dma_wait3A, %dma_wait3A_194] : memref<10000x144xf32, #tpu.memory_space<vmem_shared>> -> memref<128x144xf32, #tpu.memory_space<vmem_shared>>
        %dma_wait3A_196 = arith.constant 3253 : i32
        %dma_wait3A_197 = arith.constant 0 : i32
        %dma_wait3A_198 = tpu.memref_slice %arg18[%dma_wait3A_196, %dma_wait3A_197] : memref<10000x144xf32, #tpu.memory_space<vmem_shared>> -> memref<128x144xf32, #tpu.memory_space<vmem_shared>>
        tpu.wait_dma2 semaphore(%run_scoped3A : memref<!tpu.dma_semaphore, #tpu.memory_space<semaphore_mem>>) src(%arg15 : memref<128x144xf32, #tpu.memory_space<vmem>>) dst(%dma_wait3A_198 : memref<128x144xf32, #tpu.memory_space<vmem_shared>>)
        tpu.yield
      }) : () -> ()
      "tpu.region"() ({
        %run_scoped3A = tpu.sem_alloc : memref<!tpu.dma_semaphore, #tpu.memory_space<semaphore_mem>>
        %dma_start3A_188 = arith.constant 3381 : i32
        %dma_start3A_189 = arith.constant 0 : i32
        %dma_start3A_190 = tpu.memref_slice %arg18[%dma_start3A_188, %dma_start3A_189] : memref<10000x144xf32, #tpu.memory_space<vmem_shared>> -> memref<128x144xf32, #tpu.memory_space<vmem_shared>>
        %dma_start3A_191 = arith.constant 3381 : i32
        %dma_start3A_192 = arith.constant 0 : i32
        %dma_start3A_193 = tpu.memref_slice %arg18[%dma_start3A_191, %dma_start3A_192] : memref<10000x144xf32, #tpu.memory_space<vmem_shared>> -> memref<128x144xf32, #tpu.memory_space<vmem_shared>>
        tpu.enqueue_dma source(%arg15 : memref<128x144xf32, #tpu.memory_space<vmem>>) target(%dma_start3A_193 : memref<128x144xf32, #tpu.memory_space<vmem_shared>>) target_semaphore(%run_scoped3A : memref<!tpu.dma_semaphore, #tpu.memory_space<semaphore_mem>>)
        %dma_wait3A = arith.constant 3381 : i32
        %dma_wait3A_194 = arith.constant 0 : i32
        %dma_wait3A_195 = tpu.memref_slice %arg18[%dma_wait3A, %dma_wait3A_194] : memref<10000x144xf32, #tpu.memory_space<vmem_shared>> -> memref<128x144xf32, #tpu.memory_space<vmem_shared>>
        %dma_wait3A_196 = arith.constant 3381 : i32
        %dma_wait3A_197 = arith.constant 0 : i32
        %dma_wait3A_198 = tpu.memref_slice %arg18[%dma_wait3A_196, %dma_wait3A_197] : memref<10000x144xf32, #tpu.memory_space<vmem_shared>> -> memref<128x144xf32, #tpu.memory_space<vmem_shared>>
        tpu.wait_dma2 semaphore(%run_scoped3A : memref<!tpu.dma_semaphore, #tpu.memory_space<semaphore_mem>>) src(%arg15 : memref<128x144xf32, #tpu.memory_space<vmem>>) dst(%dma_wait3A_198 : memref<128x144xf32, #tpu.memory_space<vmem_shared>>)
        tpu.yield
      }) : () -> ()
      "tpu.region"() ({
        %run_scoped3A = tpu.sem_alloc : memref<!tpu.dma_semaphore, #tpu.memory_space<semaphore_mem>>
        %dma_start3A_188 = arith.constant 3509 : i32
        %dma_start3A_189 = arith.constant 0 : i32
        %dma_start3A_190 = tpu.memref_slice %arg18[%dma_start3A_188, %dma_start3A_189] : memref<10000x144xf32, #tpu.memory_space<vmem_shared>> -> memref<128x144xf32, #tpu.memory_space<vmem_shared>>
        %dma_start3A_191 = arith.constant 3509 : i32
        %dma_start3A_192 = arith.constant 0 : i32
        %dma_start3A_193 = tpu.memref_slice %arg18[%dma_start3A_191, %dma_start3A_192] : memref<10000x144xf32, #tpu.memory_space<vmem_shared>> -> memref<128x144xf32, #tpu.memory_space<vmem_shared>>
        tpu.enqueue_dma source(%arg15 : memref<128x144xf32, #tpu.memory_space<vmem>>) target(%dma_start3A_193 : memref<128x144xf32, #tpu.memory_space<vmem_shared>>) target_semaphore(%run_scoped3A : memref<!tpu.dma_semaphore, #tpu.memory_space<semaphore_mem>>)
        %dma_wait3A = arith.constant 3509 : i32
        %dma_wait3A_194 = arith.constant 0 : i32
        %dma_wait3A_195 = tpu.memref_slice %arg18[%dma_wait3A, %dma_wait3A_194] : memref<10000x144xf32, #tpu.memory_space<vmem_shared>> -> memref<128x144xf32, #tpu.memory_space<vmem_shared>>
        %dma_wait3A_196 = arith.constant 3509 : i32
        %dma_wait3A_197 = arith.constant 0 : i32
        %dma_wait3A_198 = tpu.memref_slice %arg18[%dma_wait3A_196, %dma_wait3A_197] : memref<10000x144xf32, #tpu.memory_space<vmem_shared>> -> memref<128x144xf32, #tpu.memory_space<vmem_shared>>
        tpu.wait_dma2 semaphore(%run_scoped3A : memref<!tpu.dma_semaphore, #tpu.memory_space<semaphore_mem>>) src(%arg15 : memref<128x144xf32, #tpu.memory_space<vmem>>) dst(%dma_wait3A_198 : memref<128x144xf32, #tpu.memory_space<vmem_shared>>)
        tpu.yield
      }) : () -> ()
      "tpu.region"() ({
        %run_scoped3A = tpu.sem_alloc : memref<!tpu.dma_semaphore, #tpu.memory_space<semaphore_mem>>
        %dma_start3A_188 = arith.constant 0 : i32
        %dma_start3A_189 = arith.constant 0 : i32
        %dma_start3A_190 = tpu.memref_slice %arg15[%dma_start3A_188, %dma_start3A_189] : memref<128x144xf32, #tpu.memory_space<vmem>> -> memref<113x144xf32, #tpu.memory_space<vmem>>
        %dma_start3A_191 = arith.constant 3637 : i32
        %dma_start3A_192 = arith.constant 0 : i32
        %dma_start3A_193 = tpu.memref_slice %arg18[%dma_start3A_191, %dma_start3A_192] : memref<10000x144xf32, #tpu.memory_space<vmem_shared>> -> memref<113x144xf32, #tpu.memory_space<vmem_shared>>
        %dma_start3A_194 = arith.constant 3637 : i32
        %dma_start3A_195 = arith.constant 0 : i32
        %dma_start3A_196 = tpu.memref_slice %arg18[%dma_start3A_194, %dma_start3A_195] : memref<10000x144xf32, #tpu.memory_space<vmem_shared>> -> memref<113x144xf32, #tpu.memory_space<vmem_shared>>
        %dma_start3A_197 = arith.constant 0 : i32
        %dma_start3A_198 = arith.constant 0 : i32
        %dma_start3A_199 = tpu.memref_slice %arg15[%dma_start3A_197, %dma_start3A_198] : memref<128x144xf32, #tpu.memory_space<vmem>> -> memref<113x144xf32, #tpu.memory_space<vmem>>
        tpu.enqueue_dma source(%dma_start3A_199 : memref<113x144xf32, #tpu.memory_space<vmem>>) target(%dma_start3A_196 : memref<113x144xf32, #tpu.memory_space<vmem_shared>>) target_semaphore(%run_scoped3A : memref<!tpu.dma_semaphore, #tpu.memory_space<semaphore_mem>>)
        %dma_wait3A = arith.constant 0 : i32
        %dma_wait3A_200 = arith.constant 0 : i32
        %dma_wait3A_201 = tpu.memref_slice %arg15[%dma_wait3A, %dma_wait3A_200] : memref<128x144xf32, #tpu.memory_space<vmem>> -> memref<113x144xf32, #tpu.memory_space<vmem>>
        %dma_wait3A_202 = arith.constant 3637 : i32
        %dma_wait3A_203 = arith.constant 0 : i32
        %dma_wait3A_204 = tpu.memref_slice %arg18[%dma_wait3A_202, %dma_wait3A_203] : memref<10000x144xf32, #tpu.memory_space<vmem_shared>> -> memref<113x144xf32, #tpu.memory_space<vmem_shared>>
        %dma_wait3A_205 = arith.constant 3637 : i32
        %dma_wait3A_206 = arith.constant 0 : i32
        %dma_wait3A_207 = tpu.memref_slice %arg18[%dma_wait3A_205, %dma_wait3A_206] : memref<10000x144xf32, #tpu.memory_space<vmem_shared>> -> memref<113x144xf32, #tpu.memory_space<vmem_shared>>
        %dma_wait3A_208 = arith.constant 0 : i32
        %dma_wait3A_209 = arith.constant 0 : i32
        %dma_wait3A_210 = tpu.memref_slice %arg15[%dma_wait3A_208, %dma_wait3A_209] : memref<128x144xf32, #tpu.memory_space<vmem>> -> memref<113x144xf32, #tpu.memory_space<vmem>>
        tpu.wait_dma2 semaphore(%run_scoped3A : memref<!tpu.dma_semaphore, #tpu.memory_space<semaphore_mem>>) src(%dma_wait3A_210 : memref<113x144xf32, #tpu.memory_space<vmem>>) dst(%dma_wait3A_207 : memref<113x144xf32, #tpu.memory_space<vmem_shared>>)
        tpu.yield
      }) : () -> ()
    } else {
    }
    %eq3A_36 = arith.constant 6 : i32
    %eq3A_37 = arith.cmpi eq, %arg1, %eq3A_36 : i32
    %convert_element_type3A_38 = arith.extui %eq3A_37 : i1 to i32
    %cond3A_39 = arith.constant 0 : i32
    %cond3A_40 = arith.cmpi ne, %convert_element_type3A_38, %cond3A_39 : i32
    scf.if %cond3A_40 {
      "tpu.region"() ({
        %run_scoped3A = tpu.sem_alloc : memref<!tpu.dma_semaphore, #tpu.memory_space<semaphore_mem>>
        %dma_start3A_188 = arith.constant 3750 : i32
        %dma_start3A_189 = arith.constant 0 : i32
        %dma_start3A_190 = tpu.memref_slice %arg18[%dma_start3A_188, %dma_start3A_189] : memref<10000x144xf32, #tpu.memory_space<vmem_shared>> -> memref<128x144xf32, #tpu.memory_space<vmem_shared>>
        %dma_start3A_191 = arith.constant 3750 : i32
        %dma_start3A_192 = arith.constant 0 : i32
        %dma_start3A_193 = tpu.memref_slice %arg18[%dma_start3A_191, %dma_start3A_192] : memref<10000x144xf32, #tpu.memory_space<vmem_shared>> -> memref<128x144xf32, #tpu.memory_space<vmem_shared>>
        tpu.enqueue_dma source(%arg15 : memref<128x144xf32, #tpu.memory_space<vmem>>) target(%dma_start3A_193 : memref<128x144xf32, #tpu.memory_space<vmem_shared>>) target_semaphore(%run_scoped3A : memref<!tpu.dma_semaphore, #tpu.memory_space<semaphore_mem>>)
        %dma_wait3A = arith.constant 3750 : i32
        %dma_wait3A_194 = arith.constant 0 : i32
        %dma_wait3A_195 = tpu.memref_slice %arg18[%dma_wait3A, %dma_wait3A_194] : memref<10000x144xf32, #tpu.memory_space<vmem_shared>> -> memref<128x144xf32, #tpu.memory_space<vmem_shared>>
        %dma_wait3A_196 = arith.constant 3750 : i32
        %dma_wait3A_197 = arith.constant 0 : i32
        %dma_wait3A_198 = tpu.memref_slice %arg18[%dma_wait3A_196, %dma_wait3A_197] : memref<10000x144xf32, #tpu.memory_space<vmem_shared>> -> memref<128x144xf32, #tpu.memory_space<vmem_shared>>
        tpu.wait_dma2 semaphore(%run_scoped3A : memref<!tpu.dma_semaphore, #tpu.memory_space<semaphore_mem>>) src(%arg15 : memref<128x144xf32, #tpu.memory_space<vmem>>) dst(%dma_wait3A_198 : memref<128x144xf32, #tpu.memory_space<vmem_shared>>)
        tpu.yield
      }) : () -> ()
      "tpu.region"() ({
        %run_scoped3A = tpu.sem_alloc : memref<!tpu.dma_semaphore, #tpu.memory_space<semaphore_mem>>
        %dma_start3A_188 = arith.constant 3878 : i32
        %dma_start3A_189 = arith.constant 0 : i32
        %dma_start3A_190 = tpu.memref_slice %arg18[%dma_start3A_188, %dma_start3A_189] : memref<10000x144xf32, #tpu.memory_space<vmem_shared>> -> memref<128x144xf32, #tpu.memory_space<vmem_shared>>
        %dma_start3A_191 = arith.constant 3878 : i32
        %dma_start3A_192 = arith.constant 0 : i32
        %dma_start3A_193 = tpu.memref_slice %arg18[%dma_start3A_191, %dma_start3A_192] : memref<10000x144xf32, #tpu.memory_space<vmem_shared>> -> memref<128x144xf32, #tpu.memory_space<vmem_shared>>
        tpu.enqueue_dma source(%arg15 : memref<128x144xf32, #tpu.memory_space<vmem>>) target(%dma_start3A_193 : memref<128x144xf32, #tpu.memory_space<vmem_shared>>) target_semaphore(%run_scoped3A : memref<!tpu.dma_semaphore, #tpu.memory_space<semaphore_mem>>)
        %dma_wait3A = arith.constant 3878 : i32
        %dma_wait3A_194 = arith.constant 0 : i32
        %dma_wait3A_195 = tpu.memref_slice %arg18[%dma_wait3A, %dma_wait3A_194] : memref<10000x144xf32, #tpu.memory_space<vmem_shared>> -> memref<128x144xf32, #tpu.memory_space<vmem_shared>>
        %dma_wait3A_196 = arith.constant 3878 : i32
        %dma_wait3A_197 = arith.constant 0 : i32
        %dma_wait3A_198 = tpu.memref_slice %arg18[%dma_wait3A_196, %dma_wait3A_197] : memref<10000x144xf32, #tpu.memory_space<vmem_shared>> -> memref<128x144xf32, #tpu.memory_space<vmem_shared>>
        tpu.wait_dma2 semaphore(%run_scoped3A : memref<!tpu.dma_semaphore, #tpu.memory_space<semaphore_mem>>) src(%arg15 : memref<128x144xf32, #tpu.memory_space<vmem>>) dst(%dma_wait3A_198 : memref<128x144xf32, #tpu.memory_space<vmem_shared>>)
        tpu.yield
      }) : () -> ()
      "tpu.region"() ({
        %run_scoped3A = tpu.sem_alloc : memref<!tpu.dma_semaphore, #tpu.memory_space<semaphore_mem>>
        %dma_start3A_188 = arith.constant 4006 : i32
        %dma_start3A_189 = arith.constant 0 : i32
        %dma_start3A_190 = tpu.memref_slice %arg18[%dma_start3A_188, %dma_start3A_189] : memref<10000x144xf32, #tpu.memory_space<vmem_shared>> -> memref<128x144xf32, #tpu.memory_space<vmem_shared>>
        %dma_start3A_191 = arith.constant 4006 : i32
        %dma_start3A_192 = arith.constant 0 : i32
        %dma_start3A_193 = tpu.memref_slice %arg18[%dma_start3A_191, %dma_start3A_192] : memref<10000x144xf32, #tpu.memory_space<vmem_shared>> -> memref<128x144xf32, #tpu.memory_space<vmem_shared>>
        tpu.enqueue_dma source(%arg15 : memref<128x144xf32, #tpu.memory_space<vmem>>) target(%dma_start3A_193 : memref<128x144xf32, #tpu.memory_space<vmem_shared>>) target_semaphore(%run_scoped3A : memref<!tpu.dma_semaphore, #tpu.memory_space<semaphore_mem>>)
        %dma_wait3A = arith.constant 4006 : i32
        %dma_wait3A_194 = arith.constant 0 : i32
        %dma_wait3A_195 = tpu.memref_slice %arg18[%dma_wait3A, %dma_wait3A_194] : memref<10000x144xf32, #tpu.memory_space<vmem_shared>> -> memref<128x144xf32, #tpu.memory_space<vmem_shared>>
        %dma_wait3A_196 = arith.constant 4006 : i32
        %dma_wait3A_197 = arith.constant 0 : i32
        %dma_wait3A_198 = tpu.memref_slice %arg18[%dma_wait3A_196, %dma_wait3A_197] : memref<10000x144xf32, #tpu.memory_space<vmem_shared>> -> memref<128x144xf32, #tpu.memory_space<vmem_shared>>
        tpu.wait_dma2 semaphore(%run_scoped3A : memref<!tpu.dma_semaphore, #tpu.memory_space<semaphore_mem>>) src(%arg15 : memref<128x144xf32, #tpu.memory_space<vmem>>) dst(%dma_wait3A_198 : memref<128x144xf32, #tpu.memory_space<vmem_shared>>)
        tpu.yield
      }) : () -> ()
      "tpu.region"() ({
        %run_scoped3A = tpu.sem_alloc : memref<!tpu.dma_semaphore, #tpu.memory_space<semaphore_mem>>
        %dma_start3A_188 = arith.constant 4134 : i32
        %dma_start3A_189 = arith.constant 0 : i32
        %dma_start3A_190 = tpu.memref_slice %arg18[%dma_start3A_188, %dma_start3A_189] : memref<10000x144xf32, #tpu.memory_space<vmem_shared>> -> memref<128x144xf32, #tpu.memory_space<vmem_shared>>
        %dma_start3A_191 = arith.constant 4134 : i32
        %dma_start3A_192 = arith.constant 0 : i32
        %dma_start3A_193 = tpu.memref_slice %arg18[%dma_start3A_191, %dma_start3A_192] : memref<10000x144xf32, #tpu.memory_space<vmem_shared>> -> memref<128x144xf32, #tpu.memory_space<vmem_shared>>
        tpu.enqueue_dma source(%arg15 : memref<128x144xf32, #tpu.memory_space<vmem>>) target(%dma_start3A_193 : memref<128x144xf32, #tpu.memory_space<vmem_shared>>) target_semaphore(%run_scoped3A : memref<!tpu.dma_semaphore, #tpu.memory_space<semaphore_mem>>)
        %dma_wait3A = arith.constant 4134 : i32
        %dma_wait3A_194 = arith.constant 0 : i32
        %dma_wait3A_195 = tpu.memref_slice %arg18[%dma_wait3A, %dma_wait3A_194] : memref<10000x144xf32, #tpu.memory_space<vmem_shared>> -> memref<128x144xf32, #tpu.memory_space<vmem_shared>>
        %dma_wait3A_196 = arith.constant 4134 : i32
        %dma_wait3A_197 = arith.constant 0 : i32
        %dma_wait3A_198 = tpu.memref_slice %arg18[%dma_wait3A_196, %dma_wait3A_197] : memref<10000x144xf32, #tpu.memory_space<vmem_shared>> -> memref<128x144xf32, #tpu.memory_space<vmem_shared>>
        tpu.wait_dma2 semaphore(%run_scoped3A : memref<!tpu.dma_semaphore, #tpu.memory_space<semaphore_mem>>) src(%arg15 : memref<128x144xf32, #tpu.memory_space<vmem>>) dst(%dma_wait3A_198 : memref<128x144xf32, #tpu.memory_space<vmem_shared>>)
        tpu.yield
      }) : () -> ()
      "tpu.region"() ({
        %run_scoped3A = tpu.sem_alloc : memref<!tpu.dma_semaphore, #tpu.memory_space<semaphore_mem>>
        %dma_start3A_188 = arith.constant 0 : i32
        %dma_start3A_189 = arith.constant 0 : i32
        %dma_start3A_190 = tpu.memref_slice %arg15[%dma_start3A_188, %dma_start3A_189] : memref<128x144xf32, #tpu.memory_space<vmem>> -> memref<113x144xf32, #tpu.memory_space<vmem>>
        %dma_start3A_191 = arith.constant 4262 : i32
        %dma_start3A_192 = arith.constant 0 : i32
        %dma_start3A_193 = tpu.memref_slice %arg18[%dma_start3A_191, %dma_start3A_192] : memref<10000x144xf32, #tpu.memory_space<vmem_shared>> -> memref<113x144xf32, #tpu.memory_space<vmem_shared>>
        %dma_start3A_194 = arith.constant 4262 : i32
        %dma_start3A_195 = arith.constant 0 : i32
        %dma_start3A_196 = tpu.memref_slice %arg18[%dma_start3A_194, %dma_start3A_195] : memref<10000x144xf32, #tpu.memory_space<vmem_shared>> -> memref<113x144xf32, #tpu.memory_space<vmem_shared>>
        %dma_start3A_197 = arith.constant 0 : i32
        %dma_start3A_198 = arith.constant 0 : i32
        %dma_start3A_199 = tpu.memref_slice %arg15[%dma_start3A_197, %dma_start3A_198] : memref<128x144xf32, #tpu.memory_space<vmem>> -> memref<113x144xf32, #tpu.memory_space<vmem>>
        tpu.enqueue_dma source(%dma_start3A_199 : memref<113x144xf32, #tpu.memory_space<vmem>>) target(%dma_start3A_196 : memref<113x144xf32, #tpu.memory_space<vmem_shared>>) target_semaphore(%run_scoped3A : memref<!tpu.dma_semaphore, #tpu.memory_space<semaphore_mem>>)
        %dma_wait3A = arith.constant 0 : i32
        %dma_wait3A_200 = arith.constant 0 : i32
        %dma_wait3A_201 = tpu.memref_slice %arg15[%dma_wait3A, %dma_wait3A_200] : memref<128x144xf32, #tpu.memory_space<vmem>> -> memref<113x144xf32, #tpu.memory_space<vmem>>
        %dma_wait3A_202 = arith.constant 4262 : i32
        %dma_wait3A_203 = arith.constant 0 : i32
        %dma_wait3A_204 = tpu.memref_slice %arg18[%dma_wait3A_202, %dma_wait3A_203] : memref<10000x144xf32, #tpu.memory_space<vmem_shared>> -> memref<113x144xf32, #tpu.memory_space<vmem_shared>>
        %dma_wait3A_205 = arith.constant 4262 : i32
        %dma_wait3A_206 = arith.constant 0 : i32
        %dma_wait3A_207 = tpu.memref_slice %arg18[%dma_wait3A_205, %dma_wait3A_206] : memref<10000x144xf32, #tpu.memory_space<vmem_shared>> -> memref<113x144xf32, #tpu.memory_space<vmem_shared>>
        %dma_wait3A_208 = arith.constant 0 : i32
        %dma_wait3A_209 = arith.constant 0 : i32
        %dma_wait3A_210 = tpu.memref_slice %arg15[%dma_wait3A_208, %dma_wait3A_209] : memref<128x144xf32, #tpu.memory_space<vmem>> -> memref<113x144xf32, #tpu.memory_space<vmem>>
        tpu.wait_dma2 semaphore(%run_scoped3A : memref<!tpu.dma_semaphore, #tpu.memory_space<semaphore_mem>>) src(%dma_wait3A_210 : memref<113x144xf32, #tpu.memory_space<vmem>>) dst(%dma_wait3A_207 : memref<113x144xf32, #tpu.memory_space<vmem_shared>>)
        tpu.yield
      }) : () -> ()
    } else {
    }
    %eq3A_41 = arith.constant 7 : i32
    %eq3A_42 = arith.cmpi eq, %arg1, %eq3A_41 : i32
    %convert_element_type3A_43 = arith.extui %eq3A_42 : i1 to i32
    %cond3A_44 = arith.constant 0 : i32
    %cond3A_45 = arith.cmpi ne, %convert_element_type3A_43, %cond3A_44 : i32
    scf.if %cond3A_45 {
      "tpu.region"() ({
        %run_scoped3A = tpu.sem_alloc : memref<!tpu.dma_semaphore, #tpu.memory_space<semaphore_mem>>
        %dma_start3A_188 = arith.constant 4375 : i32
        %dma_start3A_189 = arith.constant 0 : i32
        %dma_start3A_190 = tpu.memref_slice %arg18[%dma_start3A_188, %dma_start3A_189] : memref<10000x144xf32, #tpu.memory_space<vmem_shared>> -> memref<128x144xf32, #tpu.memory_space<vmem_shared>>
        %dma_start3A_191 = arith.constant 4375 : i32
        %dma_start3A_192 = arith.constant 0 : i32
        %dma_start3A_193 = tpu.memref_slice %arg18[%dma_start3A_191, %dma_start3A_192] : memref<10000x144xf32, #tpu.memory_space<vmem_shared>> -> memref<128x144xf32, #tpu.memory_space<vmem_shared>>
        tpu.enqueue_dma source(%arg15 : memref<128x144xf32, #tpu.memory_space<vmem>>) target(%dma_start3A_193 : memref<128x144xf32, #tpu.memory_space<vmem_shared>>) target_semaphore(%run_scoped3A : memref<!tpu.dma_semaphore, #tpu.memory_space<semaphore_mem>>)
        %dma_wait3A = arith.constant 4375 : i32
        %dma_wait3A_194 = arith.constant 0 : i32
        %dma_wait3A_195 = tpu.memref_slice %arg18[%dma_wait3A, %dma_wait3A_194] : memref<10000x144xf32, #tpu.memory_space<vmem_shared>> -> memref<128x144xf32, #tpu.memory_space<vmem_shared>>
        %dma_wait3A_196 = arith.constant 4375 : i32
        %dma_wait3A_197 = arith.constant 0 : i32
        %dma_wait3A_198 = tpu.memref_slice %arg18[%dma_wait3A_196, %dma_wait3A_197] : memref<10000x144xf32, #tpu.memory_space<vmem_shared>> -> memref<128x144xf32, #tpu.memory_space<vmem_shared>>
        tpu.wait_dma2 semaphore(%run_scoped3A : memref<!tpu.dma_semaphore, #tpu.memory_space<semaphore_mem>>) src(%arg15 : memref<128x144xf32, #tpu.memory_space<vmem>>) dst(%dma_wait3A_198 : memref<128x144xf32, #tpu.memory_space<vmem_shared>>)
        tpu.yield
      }) : () -> ()
      "tpu.region"() ({
        %run_scoped3A = tpu.sem_alloc : memref<!tpu.dma_semaphore, #tpu.memory_space<semaphore_mem>>
        %dma_start3A_188 = arith.constant 4503 : i32
        %dma_start3A_189 = arith.constant 0 : i32
        %dma_start3A_190 = tpu.memref_slice %arg18[%dma_start3A_188, %dma_start3A_189] : memref<10000x144xf32, #tpu.memory_space<vmem_shared>> -> memref<128x144xf32, #tpu.memory_space<vmem_shared>>
        %dma_start3A_191 = arith.constant 4503 : i32
        %dma_start3A_192 = arith.constant 0 : i32
        %dma_start3A_193 = tpu.memref_slice %arg18[%dma_start3A_191, %dma_start3A_192] : memref<10000x144xf32, #tpu.memory_space<vmem_shared>> -> memref<128x144xf32, #tpu.memory_space<vmem_shared>>
        tpu.enqueue_dma source(%arg15 : memref<128x144xf32, #tpu.memory_space<vmem>>) target(%dma_start3A_193 : memref<128x144xf32, #tpu.memory_space<vmem_shared>>) target_semaphore(%run_scoped3A : memref<!tpu.dma_semaphore, #tpu.memory_space<semaphore_mem>>)
        %dma_wait3A = arith.constant 4503 : i32
        %dma_wait3A_194 = arith.constant 0 : i32
        %dma_wait3A_195 = tpu.memref_slice %arg18[%dma_wait3A, %dma_wait3A_194] : memref<10000x144xf32, #tpu.memory_space<vmem_shared>> -> memref<128x144xf32, #tpu.memory_space<vmem_shared>>
        %dma_wait3A_196 = arith.constant 4503 : i32
        %dma_wait3A_197 = arith.constant 0 : i32
        %dma_wait3A_198 = tpu.memref_slice %arg18[%dma_wait3A_196, %dma_wait3A_197] : memref<10000x144xf32, #tpu.memory_space<vmem_shared>> -> memref<128x144xf32, #tpu.memory_space<vmem_shared>>
        tpu.wait_dma2 semaphore(%run_scoped3A : memref<!tpu.dma_semaphore, #tpu.memory_space<semaphore_mem>>) src(%arg15 : memref<128x144xf32, #tpu.memory_space<vmem>>) dst(%dma_wait3A_198 : memref<128x144xf32, #tpu.memory_space<vmem_shared>>)
        tpu.yield
      }) : () -> ()
      "tpu.region"() ({
        %run_scoped3A = tpu.sem_alloc : memref<!tpu.dma_semaphore, #tpu.memory_space<semaphore_mem>>
        %dma_start3A_188 = arith.constant 4631 : i32
        %dma_start3A_189 = arith.constant 0 : i32
        %dma_start3A_190 = tpu.memref_slice %arg18[%dma_start3A_188, %dma_start3A_189] : memref<10000x144xf32, #tpu.memory_space<vmem_shared>> -> memref<128x144xf32, #tpu.memory_space<vmem_shared>>
        %dma_start3A_191 = arith.constant 4631 : i32
        %dma_start3A_192 = arith.constant 0 : i32
        %dma_start3A_193 = tpu.memref_slice %arg18[%dma_start3A_191, %dma_start3A_192] : memref<10000x144xf32, #tpu.memory_space<vmem_shared>> -> memref<128x144xf32, #tpu.memory_space<vmem_shared>>
        tpu.enqueue_dma source(%arg15 : memref<128x144xf32, #tpu.memory_space<vmem>>) target(%dma_start3A_193 : memref<128x144xf32, #tpu.memory_space<vmem_shared>>) target_semaphore(%run_scoped3A : memref<!tpu.dma_semaphore, #tpu.memory_space<semaphore_mem>>)
        %dma_wait3A = arith.constant 4631 : i32
        %dma_wait3A_194 = arith.constant 0 : i32
        %dma_wait3A_195 = tpu.memref_slice %arg18[%dma_wait3A, %dma_wait3A_194] : memref<10000x144xf32, #tpu.memory_space<vmem_shared>> -> memref<128x144xf32, #tpu.memory_space<vmem_shared>>
        %dma_wait3A_196 = arith.constant 4631 : i32
        %dma_wait3A_197 = arith.constant 0 : i32
        %dma_wait3A_198 = tpu.memref_slice %arg18[%dma_wait3A_196, %dma_wait3A_197] : memref<10000x144xf32, #tpu.memory_space<vmem_shared>> -> memref<128x144xf32, #tpu.memory_space<vmem_shared>>
        tpu.wait_dma2 semaphore(%run_scoped3A : memref<!tpu.dma_semaphore, #tpu.memory_space<semaphore_mem>>) src(%arg15 : memref<128x144xf32, #tpu.memory_space<vmem>>) dst(%dma_wait3A_198 : memref<128x144xf32, #tpu.memory_space<vmem_shared>>)
        tpu.yield
      }) : () -> ()
      "tpu.region"() ({
        %run_scoped3A = tpu.sem_alloc : memref<!tpu.dma_semaphore, #tpu.memory_space<semaphore_mem>>
        %dma_start3A_188 = arith.constant 4759 : i32
        %dma_start3A_189 = arith.constant 0 : i32
        %dma_start3A_190 = tpu.memref_slice %arg18[%dma_start3A_188, %dma_start3A_189] : memref<10000x144xf32, #tpu.memory_space<vmem_shared>> -> memref<128x144xf32, #tpu.memory_space<vmem_shared>>
        %dma_start3A_191 = arith.constant 4759 : i32
        %dma_start3A_192 = arith.constant 0 : i32
        %dma_start3A_193 = tpu.memref_slice %arg18[%dma_start3A_191, %dma_start3A_192] : memref<10000x144xf32, #tpu.memory_space<vmem_shared>> -> memref<128x144xf32, #tpu.memory_space<vmem_shared>>
        tpu.enqueue_dma source(%arg15 : memref<128x144xf32, #tpu.memory_space<vmem>>) target(%dma_start3A_193 : memref<128x144xf32, #tpu.memory_space<vmem_shared>>) target_semaphore(%run_scoped3A : memref<!tpu.dma_semaphore, #tpu.memory_space<semaphore_mem>>)
        %dma_wait3A = arith.constant 4759 : i32
        %dma_wait3A_194 = arith.constant 0 : i32
        %dma_wait3A_195 = tpu.memref_slice %arg18[%dma_wait3A, %dma_wait3A_194] : memref<10000x144xf32, #tpu.memory_space<vmem_shared>> -> memref<128x144xf32, #tpu.memory_space<vmem_shared>>
        %dma_wait3A_196 = arith.constant 4759 : i32
        %dma_wait3A_197 = arith.constant 0 : i32
        %dma_wait3A_198 = tpu.memref_slice %arg18[%dma_wait3A_196, %dma_wait3A_197] : memref<10000x144xf32, #tpu.memory_space<vmem_shared>> -> memref<128x144xf32, #tpu.memory_space<vmem_shared>>
        tpu.wait_dma2 semaphore(%run_scoped3A : memref<!tpu.dma_semaphore, #tpu.memory_space<semaphore_mem>>) src(%arg15 : memref<128x144xf32, #tpu.memory_space<vmem>>) dst(%dma_wait3A_198 : memref<128x144xf32, #tpu.memory_space<vmem_shared>>)
        tpu.yield
      }) : () -> ()
      "tpu.region"() ({
        %run_scoped3A = tpu.sem_alloc : memref<!tpu.dma_semaphore, #tpu.memory_space<semaphore_mem>>
        %dma_start3A_188 = arith.constant 0 : i32
        %dma_start3A_189 = arith.constant 0 : i32
        %dma_start3A_190 = tpu.memref_slice %arg15[%dma_start3A_188, %dma_start3A_189] : memref<128x144xf32, #tpu.memory_space<vmem>> -> memref<113x144xf32, #tpu.memory_space<vmem>>
        %dma_start3A_191 = arith.constant 4887 : i32
        %dma_start3A_192 = arith.constant 0 : i32
        %dma_start3A_193 = tpu.memref_slice %arg18[%dma_start3A_191, %dma_start3A_192] : memref<10000x144xf32, #tpu.memory_space<vmem_shared>> -> memref<113x144xf32, #tpu.memory_space<vmem_shared>>
        %dma_start3A_194 = arith.constant 4887 : i32
        %dma_start3A_195 = arith.constant 0 : i32
        %dma_start3A_196 = tpu.memref_slice %arg18[%dma_start3A_194, %dma_start3A_195] : memref<10000x144xf32, #tpu.memory_space<vmem_shared>> -> memref<113x144xf32, #tpu.memory_space<vmem_shared>>
        %dma_start3A_197 = arith.constant 0 : i32
        %dma_start3A_198 = arith.constant 0 : i32
        %dma_start3A_199 = tpu.memref_slice %arg15[%dma_start3A_197, %dma_start3A_198] : memref<128x144xf32, #tpu.memory_space<vmem>> -> memref<113x144xf32, #tpu.memory_space<vmem>>
        tpu.enqueue_dma source(%dma_start3A_199 : memref<113x144xf32, #tpu.memory_space<vmem>>) target(%dma_start3A_196 : memref<113x144xf32, #tpu.memory_space<vmem_shared>>) target_semaphore(%run_scoped3A : memref<!tpu.dma_semaphore, #tpu.memory_space<semaphore_mem>>)
        %dma_wait3A = arith.constant 0 : i32
        %dma_wait3A_200 = arith.constant 0 : i32
        %dma_wait3A_201 = tpu.memref_slice %arg15[%dma_wait3A, %dma_wait3A_200] : memref<128x144xf32, #tpu.memory_space<vmem>> -> memref<113x144xf32, #tpu.memory_space<vmem>>
        %dma_wait3A_202 = arith.constant 4887 : i32
        %dma_wait3A_203 = arith.constant 0 : i32
        %dma_wait3A_204 = tpu.memref_slice %arg18[%dma_wait3A_202, %dma_wait3A_203] : memref<10000x144xf32, #tpu.memory_space<vmem_shared>> -> memref<113x144xf32, #tpu.memory_space<vmem_shared>>
        %dma_wait3A_205 = arith.constant 4887 : i32
        %dma_wait3A_206 = arith.constant 0 : i32
        %dma_wait3A_207 = tpu.memref_slice %arg18[%dma_wait3A_205, %dma_wait3A_206] : memref<10000x144xf32, #tpu.memory_space<vmem_shared>> -> memref<113x144xf32, #tpu.memory_space<vmem_shared>>
        %dma_wait3A_208 = arith.constant 0 : i32
        %dma_wait3A_209 = arith.constant 0 : i32
        %dma_wait3A_210 = tpu.memref_slice %arg15[%dma_wait3A_208, %dma_wait3A_209] : memref<128x144xf32, #tpu.memory_space<vmem>> -> memref<113x144xf32, #tpu.memory_space<vmem>>
        tpu.wait_dma2 semaphore(%run_scoped3A : memref<!tpu.dma_semaphore, #tpu.memory_space<semaphore_mem>>) src(%dma_wait3A_210 : memref<113x144xf32, #tpu.memory_space<vmem>>) dst(%dma_wait3A_207 : memref<113x144xf32, #tpu.memory_space<vmem_shared>>)
        tpu.yield
      }) : () -> ()
    } else {
    }
    %eq3A_46 = arith.constant 8 : i32
    %eq3A_47 = arith.cmpi eq, %arg1, %eq3A_46 : i32
    %convert_element_type3A_48 = arith.extui %eq3A_47 : i1 to i32
    %cond3A_49 = arith.constant 0 : i32
    %cond3A_50 = arith.cmpi ne, %convert_element_type3A_48, %cond3A_49 : i32
    scf.if %cond3A_50 {
      "tpu.region"() ({
        %run_scoped3A = tpu.sem_alloc : memref<!tpu.dma_semaphore, #tpu.memory_space<semaphore_mem>>
        %dma_start3A_188 = arith.constant 5000 : i32
        %dma_start3A_189 = arith.constant 0 : i32
        %dma_start3A_190 = tpu.memref_slice %arg18[%dma_start3A_188, %dma_start3A_189] : memref<10000x144xf32, #tpu.memory_space<vmem_shared>> -> memref<128x144xf32, #tpu.memory_space<vmem_shared>>
        %dma_start3A_191 = arith.constant 5000 : i32
        %dma_start3A_192 = arith.constant 0 : i32
        %dma_start3A_193 = tpu.memref_slice %arg18[%dma_start3A_191, %dma_start3A_192] : memref<10000x144xf32, #tpu.memory_space<vmem_shared>> -> memref<128x144xf32, #tpu.memory_space<vmem_shared>>
        tpu.enqueue_dma source(%arg15 : memref<128x144xf32, #tpu.memory_space<vmem>>) target(%dma_start3A_193 : memref<128x144xf32, #tpu.memory_space<vmem_shared>>) target_semaphore(%run_scoped3A : memref<!tpu.dma_semaphore, #tpu.memory_space<semaphore_mem>>)
        %dma_wait3A = arith.constant 5000 : i32
        %dma_wait3A_194 = arith.constant 0 : i32
        %dma_wait3A_195 = tpu.memref_slice %arg18[%dma_wait3A, %dma_wait3A_194] : memref<10000x144xf32, #tpu.memory_space<vmem_shared>> -> memref<128x144xf32, #tpu.memory_space<vmem_shared>>
        %dma_wait3A_196 = arith.constant 5000 : i32
        %dma_wait3A_197 = arith.constant 0 : i32
        %dma_wait3A_198 = tpu.memref_slice %arg18[%dma_wait3A_196, %dma_wait3A_197] : memref<10000x144xf32, #tpu.memory_space<vmem_shared>> -> memref<128x144xf32, #tpu.memory_space<vmem_shared>>
        tpu.wait_dma2 semaphore(%run_scoped3A : memref<!tpu.dma_semaphore, #tpu.memory_space<semaphore_mem>>) src(%arg15 : memref<128x144xf32, #tpu.memory_space<vmem>>) dst(%dma_wait3A_198 : memref<128x144xf32, #tpu.memory_space<vmem_shared>>)
        tpu.yield
      }) : () -> ()
      "tpu.region"() ({
        %run_scoped3A = tpu.sem_alloc : memref<!tpu.dma_semaphore, #tpu.memory_space<semaphore_mem>>
        %dma_start3A_188 = arith.constant 5128 : i32
        %dma_start3A_189 = arith.constant 0 : i32
        %dma_start3A_190 = tpu.memref_slice %arg18[%dma_start3A_188, %dma_start3A_189] : memref<10000x144xf32, #tpu.memory_space<vmem_shared>> -> memref<128x144xf32, #tpu.memory_space<vmem_shared>>
        %dma_start3A_191 = arith.constant 5128 : i32
        %dma_start3A_192 = arith.constant 0 : i32
        %dma_start3A_193 = tpu.memref_slice %arg18[%dma_start3A_191, %dma_start3A_192] : memref<10000x144xf32, #tpu.memory_space<vmem_shared>> -> memref<128x144xf32, #tpu.memory_space<vmem_shared>>
        tpu.enqueue_dma source(%arg15 : memref<128x144xf32, #tpu.memory_space<vmem>>) target(%dma_start3A_193 : memref<128x144xf32, #tpu.memory_space<vmem_shared>>) target_semaphore(%run_scoped3A : memref<!tpu.dma_semaphore, #tpu.memory_space<semaphore_mem>>)
        %dma_wait3A = arith.constant 5128 : i32
        %dma_wait3A_194 = arith.constant 0 : i32
        %dma_wait3A_195 = tpu.memref_slice %arg18[%dma_wait3A, %dma_wait3A_194] : memref<10000x144xf32, #tpu.memory_space<vmem_shared>> -> memref<128x144xf32, #tpu.memory_space<vmem_shared>>
        %dma_wait3A_196 = arith.constant 5128 : i32
        %dma_wait3A_197 = arith.constant 0 : i32
        %dma_wait3A_198 = tpu.memref_slice %arg18[%dma_wait3A_196, %dma_wait3A_197] : memref<10000x144xf32, #tpu.memory_space<vmem_shared>> -> memref<128x144xf32, #tpu.memory_space<vmem_shared>>
        tpu.wait_dma2 semaphore(%run_scoped3A : memref<!tpu.dma_semaphore, #tpu.memory_space<semaphore_mem>>) src(%arg15 : memref<128x144xf32, #tpu.memory_space<vmem>>) dst(%dma_wait3A_198 : memref<128x144xf32, #tpu.memory_space<vmem_shared>>)
        tpu.yield
      }) : () -> ()
      "tpu.region"() ({
        %run_scoped3A = tpu.sem_alloc : memref<!tpu.dma_semaphore, #tpu.memory_space<semaphore_mem>>
        %dma_start3A_188 = arith.constant 5256 : i32
        %dma_start3A_189 = arith.constant 0 : i32
        %dma_start3A_190 = tpu.memref_slice %arg18[%dma_start3A_188, %dma_start3A_189] : memref<10000x144xf32, #tpu.memory_space<vmem_shared>> -> memref<128x144xf32, #tpu.memory_space<vmem_shared>>
        %dma_start3A_191 = arith.constant 5256 : i32
        %dma_start3A_192 = arith.constant 0 : i32
        %dma_start3A_193 = tpu.memref_slice %arg18[%dma_start3A_191, %dma_start3A_192] : memref<10000x144xf32, #tpu.memory_space<vmem_shared>> -> memref<128x144xf32, #tpu.memory_space<vmem_shared>>
        tpu.enqueue_dma source(%arg15 : memref<128x144xf32, #tpu.memory_space<vmem>>) target(%dma_start3A_193 : memref<128x144xf32, #tpu.memory_space<vmem_shared>>) target_semaphore(%run_scoped3A : memref<!tpu.dma_semaphore, #tpu.memory_space<semaphore_mem>>)
        %dma_wait3A = arith.constant 5256 : i32
        %dma_wait3A_194 = arith.constant 0 : i32
        %dma_wait3A_195 = tpu.memref_slice %arg18[%dma_wait3A, %dma_wait3A_194] : memref<10000x144xf32, #tpu.memory_space<vmem_shared>> -> memref<128x144xf32, #tpu.memory_space<vmem_shared>>
        %dma_wait3A_196 = arith.constant 5256 : i32
        %dma_wait3A_197 = arith.constant 0 : i32
        %dma_wait3A_198 = tpu.memref_slice %arg18[%dma_wait3A_196, %dma_wait3A_197] : memref<10000x144xf32, #tpu.memory_space<vmem_shared>> -> memref<128x144xf32, #tpu.memory_space<vmem_shared>>
        tpu.wait_dma2 semaphore(%run_scoped3A : memref<!tpu.dma_semaphore, #tpu.memory_space<semaphore_mem>>) src(%arg15 : memref<128x144xf32, #tpu.memory_space<vmem>>) dst(%dma_wait3A_198 : memref<128x144xf32, #tpu.memory_space<vmem_shared>>)
        tpu.yield
      }) : () -> ()
      "tpu.region"() ({
        %run_scoped3A = tpu.sem_alloc : memref<!tpu.dma_semaphore, #tpu.memory_space<semaphore_mem>>
        %dma_start3A_188 = arith.constant 5384 : i32
        %dma_start3A_189 = arith.constant 0 : i32
        %dma_start3A_190 = tpu.memref_slice %arg18[%dma_start3A_188, %dma_start3A_189] : memref<10000x144xf32, #tpu.memory_space<vmem_shared>> -> memref<128x144xf32, #tpu.memory_space<vmem_shared>>
        %dma_start3A_191 = arith.constant 5384 : i32
        %dma_start3A_192 = arith.constant 0 : i32
        %dma_start3A_193 = tpu.memref_slice %arg18[%dma_start3A_191, %dma_start3A_192] : memref<10000x144xf32, #tpu.memory_space<vmem_shared>> -> memref<128x144xf32, #tpu.memory_space<vmem_shared>>
        tpu.enqueue_dma source(%arg15 : memref<128x144xf32, #tpu.memory_space<vmem>>) target(%dma_start3A_193 : memref<128x144xf32, #tpu.memory_space<vmem_shared>>) target_semaphore(%run_scoped3A : memref<!tpu.dma_semaphore, #tpu.memory_space<semaphore_mem>>)
        %dma_wait3A = arith.constant 5384 : i32
        %dma_wait3A_194 = arith.constant 0 : i32
        %dma_wait3A_195 = tpu.memref_slice %arg18[%dma_wait3A, %dma_wait3A_194] : memref<10000x144xf32, #tpu.memory_space<vmem_shared>> -> memref<128x144xf32, #tpu.memory_space<vmem_shared>>
        %dma_wait3A_196 = arith.constant 5384 : i32
        %dma_wait3A_197 = arith.constant 0 : i32
        %dma_wait3A_198 = tpu.memref_slice %arg18[%dma_wait3A_196, %dma_wait3A_197] : memref<10000x144xf32, #tpu.memory_space<vmem_shared>> -> memref<128x144xf32, #tpu.memory_space<vmem_shared>>
        tpu.wait_dma2 semaphore(%run_scoped3A : memref<!tpu.dma_semaphore, #tpu.memory_space<semaphore_mem>>) src(%arg15 : memref<128x144xf32, #tpu.memory_space<vmem>>) dst(%dma_wait3A_198 : memref<128x144xf32, #tpu.memory_space<vmem_shared>>)
        tpu.yield
      }) : () -> ()
      "tpu.region"() ({
        %run_scoped3A = tpu.sem_alloc : memref<!tpu.dma_semaphore, #tpu.memory_space<semaphore_mem>>
        %dma_start3A_188 = arith.constant 0 : i32
        %dma_start3A_189 = arith.constant 0 : i32
        %dma_start3A_190 = tpu.memref_slice %arg15[%dma_start3A_188, %dma_start3A_189] : memref<128x144xf32, #tpu.memory_space<vmem>> -> memref<113x144xf32, #tpu.memory_space<vmem>>
        %dma_start3A_191 = arith.constant 5512 : i32
        %dma_start3A_192 = arith.constant 0 : i32
        %dma_start3A_193 = tpu.memref_slice %arg18[%dma_start3A_191, %dma_start3A_192] : memref<10000x144xf32, #tpu.memory_space<vmem_shared>> -> memref<113x144xf32, #tpu.memory_space<vmem_shared>>
        %dma_start3A_194 = arith.constant 5512 : i32
        %dma_start3A_195 = arith.constant 0 : i32
        %dma_start3A_196 = tpu.memref_slice %arg18[%dma_start3A_194, %dma_start3A_195] : memref<10000x144xf32, #tpu.memory_space<vmem_shared>> -> memref<113x144xf32, #tpu.memory_space<vmem_shared>>
        %dma_start3A_197 = arith.constant 0 : i32
        %dma_start3A_198 = arith.constant 0 : i32
        %dma_start3A_199 = tpu.memref_slice %arg15[%dma_start3A_197, %dma_start3A_198] : memref<128x144xf32, #tpu.memory_space<vmem>> -> memref<113x144xf32, #tpu.memory_space<vmem>>
        tpu.enqueue_dma source(%dma_start3A_199 : memref<113x144xf32, #tpu.memory_space<vmem>>) target(%dma_start3A_196 : memref<113x144xf32, #tpu.memory_space<vmem_shared>>) target_semaphore(%run_scoped3A : memref<!tpu.dma_semaphore, #tpu.memory_space<semaphore_mem>>)
        %dma_wait3A = arith.constant 0 : i32
        %dma_wait3A_200 = arith.constant 0 : i32
        %dma_wait3A_201 = tpu.memref_slice %arg15[%dma_wait3A, %dma_wait3A_200] : memref<128x144xf32, #tpu.memory_space<vmem>> -> memref<113x144xf32, #tpu.memory_space<vmem>>
        %dma_wait3A_202 = arith.constant 5512 : i32
        %dma_wait3A_203 = arith.constant 0 : i32
        %dma_wait3A_204 = tpu.memref_slice %arg18[%dma_wait3A_202, %dma_wait3A_203] : memref<10000x144xf32, #tpu.memory_space<vmem_shared>> -> memref<113x144xf32, #tpu.memory_space<vmem_shared>>
        %dma_wait3A_205 = arith.constant 5512 : i32
        %dma_wait3A_206 = arith.constant 0 : i32
        %dma_wait3A_207 = tpu.memref_slice %arg18[%dma_wait3A_205, %dma_wait3A_206] : memref<10000x144xf32, #tpu.memory_space<vmem_shared>> -> memref<113x144xf32, #tpu.memory_space<vmem_shared>>
        %dma_wait3A_208 = arith.constant 0 : i32
        %dma_wait3A_209 = arith.constant 0 : i32
        %dma_wait3A_210 = tpu.memref_slice %arg15[%dma_wait3A_208, %dma_wait3A_209] : memref<128x144xf32, #tpu.memory_space<vmem>> -> memref<113x144xf32, #tpu.memory_space<vmem>>
        tpu.wait_dma2 semaphore(%run_scoped3A : memref<!tpu.dma_semaphore, #tpu.memory_space<semaphore_mem>>) src(%dma_wait3A_210 : memref<113x144xf32, #tpu.memory_space<vmem>>) dst(%dma_wait3A_207 : memref<113x144xf32, #tpu.memory_space<vmem_shared>>)
        tpu.yield
      }) : () -> ()
    } else {
    }
    %eq3A_51 = arith.constant 9 : i32
    %eq3A_52 = arith.cmpi eq, %arg1, %eq3A_51 : i32
    %convert_element_type3A_53 = arith.extui %eq3A_52 : i1 to i32
    %cond3A_54 = arith.constant 0 : i32
    %cond3A_55 = arith.cmpi ne, %convert_element_type3A_53, %cond3A_54 : i32
    scf.if %cond3A_55 {
      "tpu.region"() ({
        %run_scoped3A = tpu.sem_alloc : memref<!tpu.dma_semaphore, #tpu.memory_space<semaphore_mem>>
        %dma_start3A_188 = arith.constant 5625 : i32
        %dma_start3A_189 = arith.constant 0 : i32
        %dma_start3A_190 = tpu.memref_slice %arg18[%dma_start3A_188, %dma_start3A_189] : memref<10000x144xf32, #tpu.memory_space<vmem_shared>> -> memref<128x144xf32, #tpu.memory_space<vmem_shared>>
        %dma_start3A_191 = arith.constant 5625 : i32
        %dma_start3A_192 = arith.constant 0 : i32
        %dma_start3A_193 = tpu.memref_slice %arg18[%dma_start3A_191, %dma_start3A_192] : memref<10000x144xf32, #tpu.memory_space<vmem_shared>> -> memref<128x144xf32, #tpu.memory_space<vmem_shared>>
        tpu.enqueue_dma source(%arg15 : memref<128x144xf32, #tpu.memory_space<vmem>>) target(%dma_start3A_193 : memref<128x144xf32, #tpu.memory_space<vmem_shared>>) target_semaphore(%run_scoped3A : memref<!tpu.dma_semaphore, #tpu.memory_space<semaphore_mem>>)
        %dma_wait3A = arith.constant 5625 : i32
        %dma_wait3A_194 = arith.constant 0 : i32
        %dma_wait3A_195 = tpu.memref_slice %arg18[%dma_wait3A, %dma_wait3A_194] : memref<10000x144xf32, #tpu.memory_space<vmem_shared>> -> memref<128x144xf32, #tpu.memory_space<vmem_shared>>
        %dma_wait3A_196 = arith.constant 5625 : i32
        %dma_wait3A_197 = arith.constant 0 : i32
        %dma_wait3A_198 = tpu.memref_slice %arg18[%dma_wait3A_196, %dma_wait3A_197] : memref<10000x144xf32, #tpu.memory_space<vmem_shared>> -> memref<128x144xf32, #tpu.memory_space<vmem_shared>>
        tpu.wait_dma2 semaphore(%run_scoped3A : memref<!tpu.dma_semaphore, #tpu.memory_space<semaphore_mem>>) src(%arg15 : memref<128x144xf32, #tpu.memory_space<vmem>>) dst(%dma_wait3A_198 : memref<128x144xf32, #tpu.memory_space<vmem_shared>>)
        tpu.yield
      }) : () -> ()
      "tpu.region"() ({
        %run_scoped3A = tpu.sem_alloc : memref<!tpu.dma_semaphore, #tpu.memory_space<semaphore_mem>>
        %dma_start3A_188 = arith.constant 5753 : i32
        %dma_start3A_189 = arith.constant 0 : i32
        %dma_start3A_190 = tpu.memref_slice %arg18[%dma_start3A_188, %dma_start3A_189] : memref<10000x144xf32, #tpu.memory_space<vmem_shared>> -> memref<128x144xf32, #tpu.memory_space<vmem_shared>>
        %dma_start3A_191 = arith.constant 5753 : i32
        %dma_start3A_192 = arith.constant 0 : i32
        %dma_start3A_193 = tpu.memref_slice %arg18[%dma_start3A_191, %dma_start3A_192] : memref<10000x144xf32, #tpu.memory_space<vmem_shared>> -> memref<128x144xf32, #tpu.memory_space<vmem_shared>>
        tpu.enqueue_dma source(%arg15 : memref<128x144xf32, #tpu.memory_space<vmem>>) target(%dma_start3A_193 : memref<128x144xf32, #tpu.memory_space<vmem_shared>>) target_semaphore(%run_scoped3A : memref<!tpu.dma_semaphore, #tpu.memory_space<semaphore_mem>>)
        %dma_wait3A = arith.constant 5753 : i32
        %dma_wait3A_194 = arith.constant 0 : i32
        %dma_wait3A_195 = tpu.memref_slice %arg18[%dma_wait3A, %dma_wait3A_194] : memref<10000x144xf32, #tpu.memory_space<vmem_shared>> -> memref<128x144xf32, #tpu.memory_space<vmem_shared>>
        %dma_wait3A_196 = arith.constant 5753 : i32
        %dma_wait3A_197 = arith.constant 0 : i32
        %dma_wait3A_198 = tpu.memref_slice %arg18[%dma_wait3A_196, %dma_wait3A_197] : memref<10000x144xf32, #tpu.memory_space<vmem_shared>> -> memref<128x144xf32, #tpu.memory_space<vmem_shared>>
        tpu.wait_dma2 semaphore(%run_scoped3A : memref<!tpu.dma_semaphore, #tpu.memory_space<semaphore_mem>>) src(%arg15 : memref<128x144xf32, #tpu.memory_space<vmem>>) dst(%dma_wait3A_198 : memref<128x144xf32, #tpu.memory_space<vmem_shared>>)
        tpu.yield
      }) : () -> ()
      "tpu.region"() ({
        %run_scoped3A = tpu.sem_alloc : memref<!tpu.dma_semaphore, #tpu.memory_space<semaphore_mem>>
        %dma_start3A_188 = arith.constant 5881 : i32
        %dma_start3A_189 = arith.constant 0 : i32
        %dma_start3A_190 = tpu.memref_slice %arg18[%dma_start3A_188, %dma_start3A_189] : memref<10000x144xf32, #tpu.memory_space<vmem_shared>> -> memref<128x144xf32, #tpu.memory_space<vmem_shared>>
        %dma_start3A_191 = arith.constant 5881 : i32
        %dma_start3A_192 = arith.constant 0 : i32
        %dma_start3A_193 = tpu.memref_slice %arg18[%dma_start3A_191, %dma_start3A_192] : memref<10000x144xf32, #tpu.memory_space<vmem_shared>> -> memref<128x144xf32, #tpu.memory_space<vmem_shared>>
        tpu.enqueue_dma source(%arg15 : memref<128x144xf32, #tpu.memory_space<vmem>>) target(%dma_start3A_193 : memref<128x144xf32, #tpu.memory_space<vmem_shared>>) target_semaphore(%run_scoped3A : memref<!tpu.dma_semaphore, #tpu.memory_space<semaphore_mem>>)
        %dma_wait3A = arith.constant 5881 : i32
        %dma_wait3A_194 = arith.constant 0 : i32
        %dma_wait3A_195 = tpu.memref_slice %arg18[%dma_wait3A, %dma_wait3A_194] : memref<10000x144xf32, #tpu.memory_space<vmem_shared>> -> memref<128x144xf32, #tpu.memory_space<vmem_shared>>
        %dma_wait3A_196 = arith.constant 5881 : i32
        %dma_wait3A_197 = arith.constant 0 : i32
        %dma_wait3A_198 = tpu.memref_slice %arg18[%dma_wait3A_196, %dma_wait3A_197] : memref<10000x144xf32, #tpu.memory_space<vmem_shared>> -> memref<128x144xf32, #tpu.memory_space<vmem_shared>>
        tpu.wait_dma2 semaphore(%run_scoped3A : memref<!tpu.dma_semaphore, #tpu.memory_space<semaphore_mem>>) src(%arg15 : memref<128x144xf32, #tpu.memory_space<vmem>>) dst(%dma_wait3A_198 : memref<128x144xf32, #tpu.memory_space<vmem_shared>>)
        tpu.yield
      }) : () -> ()
      "tpu.region"() ({
        %run_scoped3A = tpu.sem_alloc : memref<!tpu.dma_semaphore, #tpu.memory_space<semaphore_mem>>
        %dma_start3A_188 = arith.constant 6009 : i32
        %dma_start3A_189 = arith.constant 0 : i32
        %dma_start3A_190 = tpu.memref_slice %arg18[%dma_start3A_188, %dma_start3A_189] : memref<10000x144xf32, #tpu.memory_space<vmem_shared>> -> memref<128x144xf32, #tpu.memory_space<vmem_shared>>
        %dma_start3A_191 = arith.constant 6009 : i32
        %dma_start3A_192 = arith.constant 0 : i32
        %dma_start3A_193 = tpu.memref_slice %arg18[%dma_start3A_191, %dma_start3A_192] : memref<10000x144xf32, #tpu.memory_space<vmem_shared>> -> memref<128x144xf32, #tpu.memory_space<vmem_shared>>
        tpu.enqueue_dma source(%arg15 : memref<128x144xf32, #tpu.memory_space<vmem>>) target(%dma_start3A_193 : memref<128x144xf32, #tpu.memory_space<vmem_shared>>) target_semaphore(%run_scoped3A : memref<!tpu.dma_semaphore, #tpu.memory_space<semaphore_mem>>)
        %dma_wait3A = arith.constant 6009 : i32
        %dma_wait3A_194 = arith.constant 0 : i32
        %dma_wait3A_195 = tpu.memref_slice %arg18[%dma_wait3A, %dma_wait3A_194] : memref<10000x144xf32, #tpu.memory_space<vmem_shared>> -> memref<128x144xf32, #tpu.memory_space<vmem_shared>>
        %dma_wait3A_196 = arith.constant 6009 : i32
        %dma_wait3A_197 = arith.constant 0 : i32
        %dma_wait3A_198 = tpu.memref_slice %arg18[%dma_wait3A_196, %dma_wait3A_197] : memref<10000x144xf32, #tpu.memory_space<vmem_shared>> -> memref<128x144xf32, #tpu.memory_space<vmem_shared>>
        tpu.wait_dma2 semaphore(%run_scoped3A : memref<!tpu.dma_semaphore, #tpu.memory_space<semaphore_mem>>) src(%arg15 : memref<128x144xf32, #tpu.memory_space<vmem>>) dst(%dma_wait3A_198 : memref<128x144xf32, #tpu.memory_space<vmem_shared>>)
        tpu.yield
      }) : () -> ()
      "tpu.region"() ({
        %run_scoped3A = tpu.sem_alloc : memref<!tpu.dma_semaphore, #tpu.memory_space<semaphore_mem>>
        %dma_start3A_188 = arith.constant 0 : i32
        %dma_start3A_189 = arith.constant 0 : i32
        %dma_start3A_190 = tpu.memref_slice %arg15[%dma_start3A_188, %dma_start3A_189] : memref<128x144xf32, #tpu.memory_space<vmem>> -> memref<113x144xf32, #tpu.memory_space<vmem>>
        %dma_start3A_191 = arith.constant 6137 : i32
        %dma_start3A_192 = arith.constant 0 : i32
        %dma_start3A_193 = tpu.memref_slice %arg18[%dma_start3A_191, %dma_start3A_192] : memref<10000x144xf32, #tpu.memory_space<vmem_shared>> -> memref<113x144xf32, #tpu.memory_space<vmem_shared>>
        %dma_start3A_194 = arith.constant 6137 : i32
        %dma_start3A_195 = arith.constant 0 : i32
        %dma_start3A_196 = tpu.memref_slice %arg18[%dma_start3A_194, %dma_start3A_195] : memref<10000x144xf32, #tpu.memory_space<vmem_shared>> -> memref<113x144xf32, #tpu.memory_space<vmem_shared>>
        %dma_start3A_197 = arith.constant 0 : i32
        %dma_start3A_198 = arith.constant 0 : i32
        %dma_start3A_199 = tpu.memref_slice %arg15[%dma_start3A_197, %dma_start3A_198] : memref<128x144xf32, #tpu.memory_space<vmem>> -> memref<113x144xf32, #tpu.memory_space<vmem>>
        tpu.enqueue_dma source(%dma_start3A_199 : memref<113x144xf32, #tpu.memory_space<vmem>>) target(%dma_start3A_196 : memref<113x144xf32, #tpu.memory_space<vmem_shared>>) target_semaphore(%run_scoped3A : memref<!tpu.dma_semaphore, #tpu.memory_space<semaphore_mem>>)
        %dma_wait3A = arith.constant 0 : i32
        %dma_wait3A_200 = arith.constant 0 : i32
        %dma_wait3A_201 = tpu.memref_slice %arg15[%dma_wait3A, %dma_wait3A_200] : memref<128x144xf32, #tpu.memory_space<vmem>> -> memref<113x144xf32, #tpu.memory_space<vmem>>
        %dma_wait3A_202 = arith.constant 6137 : i32
        %dma_wait3A_203 = arith.constant 0 : i32
        %dma_wait3A_204 = tpu.memref_slice %arg18[%dma_wait3A_202, %dma_wait3A_203] : memref<10000x144xf32, #tpu.memory_space<vmem_shared>> -> memref<113x144xf32, #tpu.memory_space<vmem_shared>>
        %dma_wait3A_205 = arith.constant 6137 : i32
        %dma_wait3A_206 = arith.constant 0 : i32
        %dma_wait3A_207 = tpu.memref_slice %arg18[%dma_wait3A_205, %dma_wait3A_206] : memref<10000x144xf32, #tpu.memory_space<vmem_shared>> -> memref<113x144xf32, #tpu.memory_space<vmem_shared>>
        %dma_wait3A_208 = arith.constant 0 : i32
        %dma_wait3A_209 = arith.constant 0 : i32
        %dma_wait3A_210 = tpu.memref_slice %arg15[%dma_wait3A_208, %dma_wait3A_209] : memref<128x144xf32, #tpu.memory_space<vmem>> -> memref<113x144xf32, #tpu.memory_space<vmem>>
        tpu.wait_dma2 semaphore(%run_scoped3A : memref<!tpu.dma_semaphore, #tpu.memory_space<semaphore_mem>>) src(%dma_wait3A_210 : memref<113x144xf32, #tpu.memory_space<vmem>>) dst(%dma_wait3A_207 : memref<113x144xf32, #tpu.memory_space<vmem_shared>>)
        tpu.yield
      }) : () -> ()
    } else {
    }
    %eq3A_56 = arith.constant 10 : i32
    %eq3A_57 = arith.cmpi eq, %arg1, %eq3A_56 : i32
    %convert_element_type3A_58 = arith.extui %eq3A_57 : i1 to i32
    %cond3A_59 = arith.constant 0 : i32
    %cond3A_60 = arith.cmpi ne, %convert_element_type3A_58, %cond3A_59 : i32
    scf.if %cond3A_60 {
      "tpu.region"() ({
        %run_scoped3A = tpu.sem_alloc : memref<!tpu.dma_semaphore, #tpu.memory_space<semaphore_mem>>
        %dma_start3A_188 = arith.constant 6250 : i32
        %dma_start3A_189 = arith.constant 0 : i32
        %dma_start3A_190 = tpu.memref_slice %arg18[%dma_start3A_188, %dma_start3A_189] : memref<10000x144xf32, #tpu.memory_space<vmem_shared>> -> memref<128x144xf32, #tpu.memory_space<vmem_shared>>
        %dma_start3A_191 = arith.constant 6250 : i32
        %dma_start3A_192 = arith.constant 0 : i32
        %dma_start3A_193 = tpu.memref_slice %arg18[%dma_start3A_191, %dma_start3A_192] : memref<10000x144xf32, #tpu.memory_space<vmem_shared>> -> memref<128x144xf32, #tpu.memory_space<vmem_shared>>
        tpu.enqueue_dma source(%arg15 : memref<128x144xf32, #tpu.memory_space<vmem>>) target(%dma_start3A_193 : memref<128x144xf32, #tpu.memory_space<vmem_shared>>) target_semaphore(%run_scoped3A : memref<!tpu.dma_semaphore, #tpu.memory_space<semaphore_mem>>)
        %dma_wait3A = arith.constant 6250 : i32
        %dma_wait3A_194 = arith.constant 0 : i32
        %dma_wait3A_195 = tpu.memref_slice %arg18[%dma_wait3A, %dma_wait3A_194] : memref<10000x144xf32, #tpu.memory_space<vmem_shared>> -> memref<128x144xf32, #tpu.memory_space<vmem_shared>>
        %dma_wait3A_196 = arith.constant 6250 : i32
        %dma_wait3A_197 = arith.constant 0 : i32
        %dma_wait3A_198 = tpu.memref_slice %arg18[%dma_wait3A_196, %dma_wait3A_197] : memref<10000x144xf32, #tpu.memory_space<vmem_shared>> -> memref<128x144xf32, #tpu.memory_space<vmem_shared>>
        tpu.wait_dma2 semaphore(%run_scoped3A : memref<!tpu.dma_semaphore, #tpu.memory_space<semaphore_mem>>) src(%arg15 : memref<128x144xf32, #tpu.memory_space<vmem>>) dst(%dma_wait3A_198 : memref<128x144xf32, #tpu.memory_space<vmem_shared>>)
        tpu.yield
      }) : () -> ()
      "tpu.region"() ({
        %run_scoped3A = tpu.sem_alloc : memref<!tpu.dma_semaphore, #tpu.memory_space<semaphore_mem>>
        %dma_start3A_188 = arith.constant 6378 : i32
        %dma_start3A_189 = arith.constant 0 : i32
        %dma_start3A_190 = tpu.memref_slice %arg18[%dma_start3A_188, %dma_start3A_189] : memref<10000x144xf32, #tpu.memory_space<vmem_shared>> -> memref<128x144xf32, #tpu.memory_space<vmem_shared>>
        %dma_start3A_191 = arith.constant 6378 : i32
        %dma_start3A_192 = arith.constant 0 : i32
        %dma_start3A_193 = tpu.memref_slice %arg18[%dma_start3A_191, %dma_start3A_192] : memref<10000x144xf32, #tpu.memory_space<vmem_shared>> -> memref<128x144xf32, #tpu.memory_space<vmem_shared>>
        tpu.enqueue_dma source(%arg15 : memref<128x144xf32, #tpu.memory_space<vmem>>) target(%dma_start3A_193 : memref<128x144xf32, #tpu.memory_space<vmem_shared>>) target_semaphore(%run_scoped3A : memref<!tpu.dma_semaphore, #tpu.memory_space<semaphore_mem>>)
        %dma_wait3A = arith.constant 6378 : i32
        %dma_wait3A_194 = arith.constant 0 : i32
        %dma_wait3A_195 = tpu.memref_slice %arg18[%dma_wait3A, %dma_wait3A_194] : memref<10000x144xf32, #tpu.memory_space<vmem_shared>> -> memref<128x144xf32, #tpu.memory_space<vmem_shared>>
        %dma_wait3A_196 = arith.constant 6378 : i32
        %dma_wait3A_197 = arith.constant 0 : i32
        %dma_wait3A_198 = tpu.memref_slice %arg18[%dma_wait3A_196, %dma_wait3A_197] : memref<10000x144xf32, #tpu.memory_space<vmem_shared>> -> memref<128x144xf32, #tpu.memory_space<vmem_shared>>
        tpu.wait_dma2 semaphore(%run_scoped3A : memref<!tpu.dma_semaphore, #tpu.memory_space<semaphore_mem>>) src(%arg15 : memref<128x144xf32, #tpu.memory_space<vmem>>) dst(%dma_wait3A_198 : memref<128x144xf32, #tpu.memory_space<vmem_shared>>)
        tpu.yield
      }) : () -> ()
      "tpu.region"() ({
        %run_scoped3A = tpu.sem_alloc : memref<!tpu.dma_semaphore, #tpu.memory_space<semaphore_mem>>
        %dma_start3A_188 = arith.constant 6506 : i32
        %dma_start3A_189 = arith.constant 0 : i32
        %dma_start3A_190 = tpu.memref_slice %arg18[%dma_start3A_188, %dma_start3A_189] : memref<10000x144xf32, #tpu.memory_space<vmem_shared>> -> memref<128x144xf32, #tpu.memory_space<vmem_shared>>
        %dma_start3A_191 = arith.constant 6506 : i32
        %dma_start3A_192 = arith.constant 0 : i32
        %dma_start3A_193 = tpu.memref_slice %arg18[%dma_start3A_191, %dma_start3A_192] : memref<10000x144xf32, #tpu.memory_space<vmem_shared>> -> memref<128x144xf32, #tpu.memory_space<vmem_shared>>
        tpu.enqueue_dma source(%arg15 : memref<128x144xf32, #tpu.memory_space<vmem>>) target(%dma_start3A_193 : memref<128x144xf32, #tpu.memory_space<vmem_shared>>) target_semaphore(%run_scoped3A : memref<!tpu.dma_semaphore, #tpu.memory_space<semaphore_mem>>)
        %dma_wait3A = arith.constant 6506 : i32
        %dma_wait3A_194 = arith.constant 0 : i32
        %dma_wait3A_195 = tpu.memref_slice %arg18[%dma_wait3A, %dma_wait3A_194] : memref<10000x144xf32, #tpu.memory_space<vmem_shared>> -> memref<128x144xf32, #tpu.memory_space<vmem_shared>>
        %dma_wait3A_196 = arith.constant 6506 : i32
        %dma_wait3A_197 = arith.constant 0 : i32
        %dma_wait3A_198 = tpu.memref_slice %arg18[%dma_wait3A_196, %dma_wait3A_197] : memref<10000x144xf32, #tpu.memory_space<vmem_shared>> -> memref<128x144xf32, #tpu.memory_space<vmem_shared>>
        tpu.wait_dma2 semaphore(%run_scoped3A : memref<!tpu.dma_semaphore, #tpu.memory_space<semaphore_mem>>) src(%arg15 : memref<128x144xf32, #tpu.memory_space<vmem>>) dst(%dma_wait3A_198 : memref<128x144xf32, #tpu.memory_space<vmem_shared>>)
        tpu.yield
      }) : () -> ()
      "tpu.region"() ({
        %run_scoped3A = tpu.sem_alloc : memref<!tpu.dma_semaphore, #tpu.memory_space<semaphore_mem>>
        %dma_start3A_188 = arith.constant 6634 : i32
        %dma_start3A_189 = arith.constant 0 : i32
        %dma_start3A_190 = tpu.memref_slice %arg18[%dma_start3A_188, %dma_start3A_189] : memref<10000x144xf32, #tpu.memory_space<vmem_shared>> -> memref<128x144xf32, #tpu.memory_space<vmem_shared>>
        %dma_start3A_191 = arith.constant 6634 : i32
        %dma_start3A_192 = arith.constant 0 : i32
        %dma_start3A_193 = tpu.memref_slice %arg18[%dma_start3A_191, %dma_start3A_192] : memref<10000x144xf32, #tpu.memory_space<vmem_shared>> -> memref<128x144xf32, #tpu.memory_space<vmem_shared>>
        tpu.enqueue_dma source(%arg15 : memref<128x144xf32, #tpu.memory_space<vmem>>) target(%dma_start3A_193 : memref<128x144xf32, #tpu.memory_space<vmem_shared>>) target_semaphore(%run_scoped3A : memref<!tpu.dma_semaphore, #tpu.memory_space<semaphore_mem>>)
        %dma_wait3A = arith.constant 6634 : i32
        %dma_wait3A_194 = arith.constant 0 : i32
        %dma_wait3A_195 = tpu.memref_slice %arg18[%dma_wait3A, %dma_wait3A_194] : memref<10000x144xf32, #tpu.memory_space<vmem_shared>> -> memref<128x144xf32, #tpu.memory_space<vmem_shared>>
        %dma_wait3A_196 = arith.constant 6634 : i32
        %dma_wait3A_197 = arith.constant 0 : i32
        %dma_wait3A_198 = tpu.memref_slice %arg18[%dma_wait3A_196, %dma_wait3A_197] : memref<10000x144xf32, #tpu.memory_space<vmem_shared>> -> memref<128x144xf32, #tpu.memory_space<vmem_shared>>
        tpu.wait_dma2 semaphore(%run_scoped3A : memref<!tpu.dma_semaphore, #tpu.memory_space<semaphore_mem>>) src(%arg15 : memref<128x144xf32, #tpu.memory_space<vmem>>) dst(%dma_wait3A_198 : memref<128x144xf32, #tpu.memory_space<vmem_shared>>)
        tpu.yield
      }) : () -> ()
      "tpu.region"() ({
        %run_scoped3A = tpu.sem_alloc : memref<!tpu.dma_semaphore, #tpu.memory_space<semaphore_mem>>
        %dma_start3A_188 = arith.constant 0 : i32
        %dma_start3A_189 = arith.constant 0 : i32
        %dma_start3A_190 = tpu.memref_slice %arg15[%dma_start3A_188, %dma_start3A_189] : memref<128x144xf32, #tpu.memory_space<vmem>> -> memref<113x144xf32, #tpu.memory_space<vmem>>
        %dma_start3A_191 = arith.constant 6762 : i32
        %dma_start3A_192 = arith.constant 0 : i32
        %dma_start3A_193 = tpu.memref_slice %arg18[%dma_start3A_191, %dma_start3A_192] : memref<10000x144xf32, #tpu.memory_space<vmem_shared>> -> memref<113x144xf32, #tpu.memory_space<vmem_shared>>
        %dma_start3A_194 = arith.constant 6762 : i32
        %dma_start3A_195 = arith.constant 0 : i32
        %dma_start3A_196 = tpu.memref_slice %arg18[%dma_start3A_194, %dma_start3A_195] : memref<10000x144xf32, #tpu.memory_space<vmem_shared>> -> memref<113x144xf32, #tpu.memory_space<vmem_shared>>
        %dma_start3A_197 = arith.constant 0 : i32
        %dma_start3A_198 = arith.constant 0 : i32
        %dma_start3A_199 = tpu.memref_slice %arg15[%dma_start3A_197, %dma_start3A_198] : memref<128x144xf32, #tpu.memory_space<vmem>> -> memref<113x144xf32, #tpu.memory_space<vmem>>
        tpu.enqueue_dma source(%dma_start3A_199 : memref<113x144xf32, #tpu.memory_space<vmem>>) target(%dma_start3A_196 : memref<113x144xf32, #tpu.memory_space<vmem_shared>>) target_semaphore(%run_scoped3A : memref<!tpu.dma_semaphore, #tpu.memory_space<semaphore_mem>>)
        %dma_wait3A = arith.constant 0 : i32
        %dma_wait3A_200 = arith.constant 0 : i32
        %dma_wait3A_201 = tpu.memref_slice %arg15[%dma_wait3A, %dma_wait3A_200] : memref<128x144xf32, #tpu.memory_space<vmem>> -> memref<113x144xf32, #tpu.memory_space<vmem>>
        %dma_wait3A_202 = arith.constant 6762 : i32
        %dma_wait3A_203 = arith.constant 0 : i32
        %dma_wait3A_204 = tpu.memref_slice %arg18[%dma_wait3A_202, %dma_wait3A_203] : memref<10000x144xf32, #tpu.memory_space<vmem_shared>> -> memref<113x144xf32, #tpu.memory_space<vmem_shared>>
        %dma_wait3A_205 = arith.constant 6762 : i32
        %dma_wait3A_206 = arith.constant 0 : i32
        %dma_wait3A_207 = tpu.memref_slice %arg18[%dma_wait3A_205, %dma_wait3A_206] : memref<10000x144xf32, #tpu.memory_space<vmem_shared>> -> memref<113x144xf32, #tpu.memory_space<vmem_shared>>
        %dma_wait3A_208 = arith.constant 0 : i32
        %dma_wait3A_209 = arith.constant 0 : i32
        %dma_wait3A_210 = tpu.memref_slice %arg15[%dma_wait3A_208, %dma_wait3A_209] : memref<128x144xf32, #tpu.memory_space<vmem>> -> memref<113x144xf32, #tpu.memory_space<vmem>>
        tpu.wait_dma2 semaphore(%run_scoped3A : memref<!tpu.dma_semaphore, #tpu.memory_space<semaphore_mem>>) src(%dma_wait3A_210 : memref<113x144xf32, #tpu.memory_space<vmem>>) dst(%dma_wait3A_207 : memref<113x144xf32, #tpu.memory_space<vmem_shared>>)
        tpu.yield
      }) : () -> ()
    } else {
    }
    %eq3A_61 = arith.constant 11 : i32
    %eq3A_62 = arith.cmpi eq, %arg1, %eq3A_61 : i32
    %convert_element_type3A_63 = arith.extui %eq3A_62 : i1 to i32
    %cond3A_64 = arith.constant 0 : i32
    %cond3A_65 = arith.cmpi ne, %convert_element_type3A_63, %cond3A_64 : i32
    scf.if %cond3A_65 {
      "tpu.region"() ({
        %run_scoped3A = tpu.sem_alloc : memref<!tpu.dma_semaphore, #tpu.memory_space<semaphore_mem>>
        %dma_start3A_188 = arith.constant 6875 : i32
        %dma_start3A_189 = arith.constant 0 : i32
        %dma_start3A_190 = tpu.memref_slice %arg18[%dma_start3A_188, %dma_start3A_189] : memref<10000x144xf32, #tpu.memory_space<vmem_shared>> -> memref<128x144xf32, #tpu.memory_space<vmem_shared>>
        %dma_start3A_191 = arith.constant 6875 : i32
        %dma_start3A_192 = arith.constant 0 : i32
        %dma_start3A_193 = tpu.memref_slice %arg18[%dma_start3A_191, %dma_start3A_192] : memref<10000x144xf32, #tpu.memory_space<vmem_shared>> -> memref<128x144xf32, #tpu.memory_space<vmem_shared>>
        tpu.enqueue_dma source(%arg15 : memref<128x144xf32, #tpu.memory_space<vmem>>) target(%dma_start3A_193 : memref<128x144xf32, #tpu.memory_space<vmem_shared>>) target_semaphore(%run_scoped3A : memref<!tpu.dma_semaphore, #tpu.memory_space<semaphore_mem>>)
        %dma_wait3A = arith.constant 6875 : i32
        %dma_wait3A_194 = arith.constant 0 : i32
        %dma_wait3A_195 = tpu.memref_slice %arg18[%dma_wait3A, %dma_wait3A_194] : memref<10000x144xf32, #tpu.memory_space<vmem_shared>> -> memref<128x144xf32, #tpu.memory_space<vmem_shared>>
        %dma_wait3A_196 = arith.constant 6875 : i32
        %dma_wait3A_197 = arith.constant 0 : i32
        %dma_wait3A_198 = tpu.memref_slice %arg18[%dma_wait3A_196, %dma_wait3A_197] : memref<10000x144xf32, #tpu.memory_space<vmem_shared>> -> memref<128x144xf32, #tpu.memory_space<vmem_shared>>
        tpu.wait_dma2 semaphore(%run_scoped3A : memref<!tpu.dma_semaphore, #tpu.memory_space<semaphore_mem>>) src(%arg15 : memref<128x144xf32, #tpu.memory_space<vmem>>) dst(%dma_wait3A_198 : memref<128x144xf32, #tpu.memory_space<vmem_shared>>)
        tpu.yield
      }) : () -> ()
      "tpu.region"() ({
        %run_scoped3A = tpu.sem_alloc : memref<!tpu.dma_semaphore, #tpu.memory_space<semaphore_mem>>
        %dma_start3A_188 = arith.constant 7003 : i32
        %dma_start3A_189 = arith.constant 0 : i32
        %dma_start3A_190 = tpu.memref_slice %arg18[%dma_start3A_188, %dma_start3A_189] : memref<10000x144xf32, #tpu.memory_space<vmem_shared>> -> memref<128x144xf32, #tpu.memory_space<vmem_shared>>
        %dma_start3A_191 = arith.constant 7003 : i32
        %dma_start3A_192 = arith.constant 0 : i32
        %dma_start3A_193 = tpu.memref_slice %arg18[%dma_start3A_191, %dma_start3A_192] : memref<10000x144xf32, #tpu.memory_space<vmem_shared>> -> memref<128x144xf32, #tpu.memory_space<vmem_shared>>
        tpu.enqueue_dma source(%arg15 : memref<128x144xf32, #tpu.memory_space<vmem>>) target(%dma_start3A_193 : memref<128x144xf32, #tpu.memory_space<vmem_shared>>) target_semaphore(%run_scoped3A : memref<!tpu.dma_semaphore, #tpu.memory_space<semaphore_mem>>)
        %dma_wait3A = arith.constant 7003 : i32
        %dma_wait3A_194 = arith.constant 0 : i32
        %dma_wait3A_195 = tpu.memref_slice %arg18[%dma_wait3A, %dma_wait3A_194] : memref<10000x144xf32, #tpu.memory_space<vmem_shared>> -> memref<128x144xf32, #tpu.memory_space<vmem_shared>>
        %dma_wait3A_196 = arith.constant 7003 : i32
        %dma_wait3A_197 = arith.constant 0 : i32
        %dma_wait3A_198 = tpu.memref_slice %arg18[%dma_wait3A_196, %dma_wait3A_197] : memref<10000x144xf32, #tpu.memory_space<vmem_shared>> -> memref<128x144xf32, #tpu.memory_space<vmem_shared>>
        tpu.wait_dma2 semaphore(%run_scoped3A : memref<!tpu.dma_semaphore, #tpu.memory_space<semaphore_mem>>) src(%arg15 : memref<128x144xf32, #tpu.memory_space<vmem>>) dst(%dma_wait3A_198 : memref<128x144xf32, #tpu.memory_space<vmem_shared>>)
        tpu.yield
      }) : () -> ()
      "tpu.region"() ({
        %run_scoped3A = tpu.sem_alloc : memref<!tpu.dma_semaphore, #tpu.memory_space<semaphore_mem>>
        %dma_start3A_188 = arith.constant 7131 : i32
        %dma_start3A_189 = arith.constant 0 : i32
        %dma_start3A_190 = tpu.memref_slice %arg18[%dma_start3A_188, %dma_start3A_189] : memref<10000x144xf32, #tpu.memory_space<vmem_shared>> -> memref<128x144xf32, #tpu.memory_space<vmem_shared>>
        %dma_start3A_191 = arith.constant 7131 : i32
        %dma_start3A_192 = arith.constant 0 : i32
        %dma_start3A_193 = tpu.memref_slice %arg18[%dma_start3A_191, %dma_start3A_192] : memref<10000x144xf32, #tpu.memory_space<vmem_shared>> -> memref<128x144xf32, #tpu.memory_space<vmem_shared>>
        tpu.enqueue_dma source(%arg15 : memref<128x144xf32, #tpu.memory_space<vmem>>) target(%dma_start3A_193 : memref<128x144xf32, #tpu.memory_space<vmem_shared>>) target_semaphore(%run_scoped3A : memref<!tpu.dma_semaphore, #tpu.memory_space<semaphore_mem>>)
        %dma_wait3A = arith.constant 7131 : i32
        %dma_wait3A_194 = arith.constant 0 : i32
        %dma_wait3A_195 = tpu.memref_slice %arg18[%dma_wait3A, %dma_wait3A_194] : memref<10000x144xf32, #tpu.memory_space<vmem_shared>> -> memref<128x144xf32, #tpu.memory_space<vmem_shared>>
        %dma_wait3A_196 = arith.constant 7131 : i32
        %dma_wait3A_197 = arith.constant 0 : i32
        %dma_wait3A_198 = tpu.memref_slice %arg18[%dma_wait3A_196, %dma_wait3A_197] : memref<10000x144xf32, #tpu.memory_space<vmem_shared>> -> memref<128x144xf32, #tpu.memory_space<vmem_shared>>
        tpu.wait_dma2 semaphore(%run_scoped3A : memref<!tpu.dma_semaphore, #tpu.memory_space<semaphore_mem>>) src(%arg15 : memref<128x144xf32, #tpu.memory_space<vmem>>) dst(%dma_wait3A_198 : memref<128x144xf32, #tpu.memory_space<vmem_shared>>)
        tpu.yield
      }) : () -> ()
      "tpu.region"() ({
        %run_scoped3A = tpu.sem_alloc : memref<!tpu.dma_semaphore, #tpu.memory_space<semaphore_mem>>
        %dma_start3A_188 = arith.constant 7259 : i32
        %dma_start3A_189 = arith.constant 0 : i32
        %dma_start3A_190 = tpu.memref_slice %arg18[%dma_start3A_188, %dma_start3A_189] : memref<10000x144xf32, #tpu.memory_space<vmem_shared>> -> memref<128x144xf32, #tpu.memory_space<vmem_shared>>
        %dma_start3A_191 = arith.constant 7259 : i32
        %dma_start3A_192 = arith.constant 0 : i32
        %dma_start3A_193 = tpu.memref_slice %arg18[%dma_start3A_191, %dma_start3A_192] : memref<10000x144xf32, #tpu.memory_space<vmem_shared>> -> memref<128x144xf32, #tpu.memory_space<vmem_shared>>
        tpu.enqueue_dma source(%arg15 : memref<128x144xf32, #tpu.memory_space<vmem>>) target(%dma_start3A_193 : memref<128x144xf32, #tpu.memory_space<vmem_shared>>) target_semaphore(%run_scoped3A : memref<!tpu.dma_semaphore, #tpu.memory_space<semaphore_mem>>)
        %dma_wait3A = arith.constant 7259 : i32
        %dma_wait3A_194 = arith.constant 0 : i32
        %dma_wait3A_195 = tpu.memref_slice %arg18[%dma_wait3A, %dma_wait3A_194] : memref<10000x144xf32, #tpu.memory_space<vmem_shared>> -> memref<128x144xf32, #tpu.memory_space<vmem_shared>>
        %dma_wait3A_196 = arith.constant 7259 : i32
        %dma_wait3A_197 = arith.constant 0 : i32
        %dma_wait3A_198 = tpu.memref_slice %arg18[%dma_wait3A_196, %dma_wait3A_197] : memref<10000x144xf32, #tpu.memory_space<vmem_shared>> -> memref<128x144xf32, #tpu.memory_space<vmem_shared>>
        tpu.wait_dma2 semaphore(%run_scoped3A : memref<!tpu.dma_semaphore, #tpu.memory_space<semaphore_mem>>) src(%arg15 : memref<128x144xf32, #tpu.memory_space<vmem>>) dst(%dma_wait3A_198 : memref<128x144xf32, #tpu.memory_space<vmem_shared>>)
        tpu.yield
      }) : () -> ()
      "tpu.region"() ({
        %run_scoped3A = tpu.sem_alloc : memref<!tpu.dma_semaphore, #tpu.memory_space<semaphore_mem>>
        %dma_start3A_188 = arith.constant 0 : i32
        %dma_start3A_189 = arith.constant 0 : i32
        %dma_start3A_190 = tpu.memref_slice %arg15[%dma_start3A_188, %dma_start3A_189] : memref<128x144xf32, #tpu.memory_space<vmem>> -> memref<113x144xf32, #tpu.memory_space<vmem>>
        %dma_start3A_191 = arith.constant 7387 : i32
        %dma_start3A_192 = arith.constant 0 : i32
        %dma_start3A_193 = tpu.memref_slice %arg18[%dma_start3A_191, %dma_start3A_192] : memref<10000x144xf32, #tpu.memory_space<vmem_shared>> -> memref<113x144xf32, #tpu.memory_space<vmem_shared>>
        %dma_start3A_194 = arith.constant 7387 : i32
        %dma_start3A_195 = arith.constant 0 : i32
        %dma_start3A_196 = tpu.memref_slice %arg18[%dma_start3A_194, %dma_start3A_195] : memref<10000x144xf32, #tpu.memory_space<vmem_shared>> -> memref<113x144xf32, #tpu.memory_space<vmem_shared>>
        %dma_start3A_197 = arith.constant 0 : i32
        %dma_start3A_198 = arith.constant 0 : i32
        %dma_start3A_199 = tpu.memref_slice %arg15[%dma_start3A_197, %dma_start3A_198] : memref<128x144xf32, #tpu.memory_space<vmem>> -> memref<113x144xf32, #tpu.memory_space<vmem>>
        tpu.enqueue_dma source(%dma_start3A_199 : memref<113x144xf32, #tpu.memory_space<vmem>>) target(%dma_start3A_196 : memref<113x144xf32, #tpu.memory_space<vmem_shared>>) target_semaphore(%run_scoped3A : memref<!tpu.dma_semaphore, #tpu.memory_space<semaphore_mem>>)
        %dma_wait3A = arith.constant 0 : i32
        %dma_wait3A_200 = arith.constant 0 : i32
        %dma_wait3A_201 = tpu.memref_slice %arg15[%dma_wait3A, %dma_wait3A_200] : memref<128x144xf32, #tpu.memory_space<vmem>> -> memref<113x144xf32, #tpu.memory_space<vmem>>
        %dma_wait3A_202 = arith.constant 7387 : i32
        %dma_wait3A_203 = arith.constant 0 : i32
        %dma_wait3A_204 = tpu.memref_slice %arg18[%dma_wait3A_202, %dma_wait3A_203] : memref<10000x144xf32, #tpu.memory_space<vmem_shared>> -> memref<113x144xf32, #tpu.memory_space<vmem_shared>>
        %dma_wait3A_205 = arith.constant 7387 : i32
        %dma_wait3A_206 = arith.constant 0 : i32
        %dma_wait3A_207 = tpu.memref_slice %arg18[%dma_wait3A_205, %dma_wait3A_206] : memref<10000x144xf32, #tpu.memory_space<vmem_shared>> -> memref<113x144xf32, #tpu.memory_space<vmem_shared>>
        %dma_wait3A_208 = arith.constant 0 : i32
        %dma_wait3A_209 = arith.constant 0 : i32
        %dma_wait3A_210 = tpu.memref_slice %arg15[%dma_wait3A_208, %dma_wait3A_209] : memref<128x144xf32, #tpu.memory_space<vmem>> -> memref<113x144xf32, #tpu.memory_space<vmem>>
        tpu.wait_dma2 semaphore(%run_scoped3A : memref<!tpu.dma_semaphore, #tpu.memory_space<semaphore_mem>>) src(%dma_wait3A_210 : memref<113x144xf32, #tpu.memory_space<vmem>>) dst(%dma_wait3A_207 : memref<113x144xf32, #tpu.memory_space<vmem_shared>>)
        tpu.yield
      }) : () -> ()
    } else {
    }
    %eq3A_66 = arith.constant 12 : i32
    %eq3A_67 = arith.cmpi eq, %arg1, %eq3A_66 : i32
    %convert_element_type3A_68 = arith.extui %eq3A_67 : i1 to i32
    %cond3A_69 = arith.constant 0 : i32
    %cond3A_70 = arith.cmpi ne, %convert_element_type3A_68, %cond3A_69 : i32
    scf.if %cond3A_70 {
      "tpu.region"() ({
        %run_scoped3A = tpu.sem_alloc : memref<!tpu.dma_semaphore, #tpu.memory_space<semaphore_mem>>
        %dma_start3A_188 = arith.constant 7500 : i32
        %dma_start3A_189 = arith.constant 0 : i32
        %dma_start3A_190 = tpu.memref_slice %arg18[%dma_start3A_188, %dma_start3A_189] : memref<10000x144xf32, #tpu.memory_space<vmem_shared>> -> memref<128x144xf32, #tpu.memory_space<vmem_shared>>
        %dma_start3A_191 = arith.constant 7500 : i32
        %dma_start3A_192 = arith.constant 0 : i32
        %dma_start3A_193 = tpu.memref_slice %arg18[%dma_start3A_191, %dma_start3A_192] : memref<10000x144xf32, #tpu.memory_space<vmem_shared>> -> memref<128x144xf32, #tpu.memory_space<vmem_shared>>
        tpu.enqueue_dma source(%arg15 : memref<128x144xf32, #tpu.memory_space<vmem>>) target(%dma_start3A_193 : memref<128x144xf32, #tpu.memory_space<vmem_shared>>) target_semaphore(%run_scoped3A : memref<!tpu.dma_semaphore, #tpu.memory_space<semaphore_mem>>)
        %dma_wait3A = arith.constant 7500 : i32
        %dma_wait3A_194 = arith.constant 0 : i32
        %dma_wait3A_195 = tpu.memref_slice %arg18[%dma_wait3A, %dma_wait3A_194] : memref<10000x144xf32, #tpu.memory_space<vmem_shared>> -> memref<128x144xf32, #tpu.memory_space<vmem_shared>>
        %dma_wait3A_196 = arith.constant 7500 : i32
        %dma_wait3A_197 = arith.constant 0 : i32
        %dma_wait3A_198 = tpu.memref_slice %arg18[%dma_wait3A_196, %dma_wait3A_197] : memref<10000x144xf32, #tpu.memory_space<vmem_shared>> -> memref<128x144xf32, #tpu.memory_space<vmem_shared>>
        tpu.wait_dma2 semaphore(%run_scoped3A : memref<!tpu.dma_semaphore, #tpu.memory_space<semaphore_mem>>) src(%arg15 : memref<128x144xf32, #tpu.memory_space<vmem>>) dst(%dma_wait3A_198 : memref<128x144xf32, #tpu.memory_space<vmem_shared>>)
        tpu.yield
      }) : () -> ()
      "tpu.region"() ({
        %run_scoped3A = tpu.sem_alloc : memref<!tpu.dma_semaphore, #tpu.memory_space<semaphore_mem>>
        %dma_start3A_188 = arith.constant 7628 : i32
        %dma_start3A_189 = arith.constant 0 : i32
        %dma_start3A_190 = tpu.memref_slice %arg18[%dma_start3A_188, %dma_start3A_189] : memref<10000x144xf32, #tpu.memory_space<vmem_shared>> -> memref<128x144xf32, #tpu.memory_space<vmem_shared>>
        %dma_start3A_191 = arith.constant 7628 : i32
        %dma_start3A_192 = arith.constant 0 : i32
        %dma_start3A_193 = tpu.memref_slice %arg18[%dma_start3A_191, %dma_start3A_192] : memref<10000x144xf32, #tpu.memory_space<vmem_shared>> -> memref<128x144xf32, #tpu.memory_space<vmem_shared>>
        tpu.enqueue_dma source(%arg15 : memref<128x144xf32, #tpu.memory_space<vmem>>) target(%dma_start3A_193 : memref<128x144xf32, #tpu.memory_space<vmem_shared>>) target_semaphore(%run_scoped3A : memref<!tpu.dma_semaphore, #tpu.memory_space<semaphore_mem>>)
        %dma_wait3A = arith.constant 7628 : i32
        %dma_wait3A_194 = arith.constant 0 : i32
        %dma_wait3A_195 = tpu.memref_slice %arg18[%dma_wait3A, %dma_wait3A_194] : memref<10000x144xf32, #tpu.memory_space<vmem_shared>> -> memref<128x144xf32, #tpu.memory_space<vmem_shared>>
        %dma_wait3A_196 = arith.constant 7628 : i32
        %dma_wait3A_197 = arith.constant 0 : i32
        %dma_wait3A_198 = tpu.memref_slice %arg18[%dma_wait3A_196, %dma_wait3A_197] : memref<10000x144xf32, #tpu.memory_space<vmem_shared>> -> memref<128x144xf32, #tpu.memory_space<vmem_shared>>
        tpu.wait_dma2 semaphore(%run_scoped3A : memref<!tpu.dma_semaphore, #tpu.memory_space<semaphore_mem>>) src(%arg15 : memref<128x144xf32, #tpu.memory_space<vmem>>) dst(%dma_wait3A_198 : memref<128x144xf32, #tpu.memory_space<vmem_shared>>)
        tpu.yield
      }) : () -> ()
      "tpu.region"() ({
        %run_scoped3A = tpu.sem_alloc : memref<!tpu.dma_semaphore, #tpu.memory_space<semaphore_mem>>
        %dma_start3A_188 = arith.constant 7756 : i32
        %dma_start3A_189 = arith.constant 0 : i32
        %dma_start3A_190 = tpu.memref_slice %arg18[%dma_start3A_188, %dma_start3A_189] : memref<10000x144xf32, #tpu.memory_space<vmem_shared>> -> memref<128x144xf32, #tpu.memory_space<vmem_shared>>
        %dma_start3A_191 = arith.constant 7756 : i32
        %dma_start3A_192 = arith.constant 0 : i32
        %dma_start3A_193 = tpu.memref_slice %arg18[%dma_start3A_191, %dma_start3A_192] : memref<10000x144xf32, #tpu.memory_space<vmem_shared>> -> memref<128x144xf32, #tpu.memory_space<vmem_shared>>
        tpu.enqueue_dma source(%arg15 : memref<128x144xf32, #tpu.memory_space<vmem>>) target(%dma_start3A_193 : memref<128x144xf32, #tpu.memory_space<vmem_shared>>) target_semaphore(%run_scoped3A : memref<!tpu.dma_semaphore, #tpu.memory_space<semaphore_mem>>)
        %dma_wait3A = arith.constant 7756 : i32
        %dma_wait3A_194 = arith.constant 0 : i32
        %dma_wait3A_195 = tpu.memref_slice %arg18[%dma_wait3A, %dma_wait3A_194] : memref<10000x144xf32, #tpu.memory_space<vmem_shared>> -> memref<128x144xf32, #tpu.memory_space<vmem_shared>>
        %dma_wait3A_196 = arith.constant 7756 : i32
        %dma_wait3A_197 = arith.constant 0 : i32
        %dma_wait3A_198 = tpu.memref_slice %arg18[%dma_wait3A_196, %dma_wait3A_197] : memref<10000x144xf32, #tpu.memory_space<vmem_shared>> -> memref<128x144xf32, #tpu.memory_space<vmem_shared>>
        tpu.wait_dma2 semaphore(%run_scoped3A : memref<!tpu.dma_semaphore, #tpu.memory_space<semaphore_mem>>) src(%arg15 : memref<128x144xf32, #tpu.memory_space<vmem>>) dst(%dma_wait3A_198 : memref<128x144xf32, #tpu.memory_space<vmem_shared>>)
        tpu.yield
      }) : () -> ()
      "tpu.region"() ({
        %run_scoped3A = tpu.sem_alloc : memref<!tpu.dma_semaphore, #tpu.memory_space<semaphore_mem>>
        %dma_start3A_188 = arith.constant 7884 : i32
        %dma_start3A_189 = arith.constant 0 : i32
        %dma_start3A_190 = tpu.memref_slice %arg18[%dma_start3A_188, %dma_start3A_189] : memref<10000x144xf32, #tpu.memory_space<vmem_shared>> -> memref<128x144xf32, #tpu.memory_space<vmem_shared>>
        %dma_start3A_191 = arith.constant 7884 : i32
        %dma_start3A_192 = arith.constant 0 : i32
        %dma_start3A_193 = tpu.memref_slice %arg18[%dma_start3A_191, %dma_start3A_192] : memref<10000x144xf32, #tpu.memory_space<vmem_shared>> -> memref<128x144xf32, #tpu.memory_space<vmem_shared>>
        tpu.enqueue_dma source(%arg15 : memref<128x144xf32, #tpu.memory_space<vmem>>) target(%dma_start3A_193 : memref<128x144xf32, #tpu.memory_space<vmem_shared>>) target_semaphore(%run_scoped3A : memref<!tpu.dma_semaphore, #tpu.memory_space<semaphore_mem>>)
        %dma_wait3A = arith.constant 7884 : i32
        %dma_wait3A_194 = arith.constant 0 : i32
        %dma_wait3A_195 = tpu.memref_slice %arg18[%dma_wait3A, %dma_wait3A_194] : memref<10000x144xf32, #tpu.memory_space<vmem_shared>> -> memref<128x144xf32, #tpu.memory_space<vmem_shared>>
        %dma_wait3A_196 = arith.constant 7884 : i32
        %dma_wait3A_197 = arith.constant 0 : i32
        %dma_wait3A_198 = tpu.memref_slice %arg18[%dma_wait3A_196, %dma_wait3A_197] : memref<10000x144xf32, #tpu.memory_space<vmem_shared>> -> memref<128x144xf32, #tpu.memory_space<vmem_shared>>
        tpu.wait_dma2 semaphore(%run_scoped3A : memref<!tpu.dma_semaphore, #tpu.memory_space<semaphore_mem>>) src(%arg15 : memref<128x144xf32, #tpu.memory_space<vmem>>) dst(%dma_wait3A_198 : memref<128x144xf32, #tpu.memory_space<vmem_shared>>)
        tpu.yield
      }) : () -> ()
      "tpu.region"() ({
        %run_scoped3A = tpu.sem_alloc : memref<!tpu.dma_semaphore, #tpu.memory_space<semaphore_mem>>
        %dma_start3A_188 = arith.constant 0 : i32
        %dma_start3A_189 = arith.constant 0 : i32
        %dma_start3A_190 = tpu.memref_slice %arg15[%dma_start3A_188, %dma_start3A_189] : memref<128x144xf32, #tpu.memory_space<vmem>> -> memref<113x144xf32, #tpu.memory_space<vmem>>
        %dma_start3A_191 = arith.constant 8012 : i32
        %dma_start3A_192 = arith.constant 0 : i32
        %dma_start3A_193 = tpu.memref_slice %arg18[%dma_start3A_191, %dma_start3A_192] : memref<10000x144xf32, #tpu.memory_space<vmem_shared>> -> memref<113x144xf32, #tpu.memory_space<vmem_shared>>
        %dma_start3A_194 = arith.constant 8012 : i32
        %dma_start3A_195 = arith.constant 0 : i32
        %dma_start3A_196 = tpu.memref_slice %arg18[%dma_start3A_194, %dma_start3A_195] : memref<10000x144xf32, #tpu.memory_space<vmem_shared>> -> memref<113x144xf32, #tpu.memory_space<vmem_shared>>
        %dma_start3A_197 = arith.constant 0 : i32
        %dma_start3A_198 = arith.constant 0 : i32
        %dma_start3A_199 = tpu.memref_slice %arg15[%dma_start3A_197, %dma_start3A_198] : memref<128x144xf32, #tpu.memory_space<vmem>> -> memref<113x144xf32, #tpu.memory_space<vmem>>
        tpu.enqueue_dma source(%dma_start3A_199 : memref<113x144xf32, #tpu.memory_space<vmem>>) target(%dma_start3A_196 : memref<113x144xf32, #tpu.memory_space<vmem_shared>>) target_semaphore(%run_scoped3A : memref<!tpu.dma_semaphore, #tpu.memory_space<semaphore_mem>>)
        %dma_wait3A = arith.constant 0 : i32
        %dma_wait3A_200 = arith.constant 0 : i32
        %dma_wait3A_201 = tpu.memref_slice %arg15[%dma_wait3A, %dma_wait3A_200] : memref<128x144xf32, #tpu.memory_space<vmem>> -> memref<113x144xf32, #tpu.memory_space<vmem>>
        %dma_wait3A_202 = arith.constant 8012 : i32
        %dma_wait3A_203 = arith.constant 0 : i32
        %dma_wait3A_204 = tpu.memref_slice %arg18[%dma_wait3A_202, %dma_wait3A_203] : memref<10000x144xf32, #tpu.memory_space<vmem_shared>> -> memref<113x144xf32, #tpu.memory_space<vmem_shared>>
        %dma_wait3A_205 = arith.constant 8012 : i32
        %dma_wait3A_206 = arith.constant 0 : i32
        %dma_wait3A_207 = tpu.memref_slice %arg18[%dma_wait3A_205, %dma_wait3A_206] : memref<10000x144xf32, #tpu.memory_space<vmem_shared>> -> memref<113x144xf32, #tpu.memory_space<vmem_shared>>
        %dma_wait3A_208 = arith.constant 0 : i32
        %dma_wait3A_209 = arith.constant 0 : i32
        %dma_wait3A_210 = tpu.memref_slice %arg15[%dma_wait3A_208, %dma_wait3A_209] : memref<128x144xf32, #tpu.memory_space<vmem>> -> memref<113x144xf32, #tpu.memory_space<vmem>>
        tpu.wait_dma2 semaphore(%run_scoped3A : memref<!tpu.dma_semaphore, #tpu.memory_space<semaphore_mem>>) src(%dma_wait3A_210 : memref<113x144xf32, #tpu.memory_space<vmem>>) dst(%dma_wait3A_207 : memref<113x144xf32, #tpu.memory_space<vmem_shared>>)
        tpu.yield
      }) : () -> ()
    } else {
    }
    %eq3A_71 = arith.constant 13 : i32
    %eq3A_72 = arith.cmpi eq, %arg1, %eq3A_71 : i32
    %convert_element_type3A_73 = arith.extui %eq3A_72 : i1 to i32
    %cond3A_74 = arith.constant 0 : i32
    %cond3A_75 = arith.cmpi ne, %convert_element_type3A_73, %cond3A_74 : i32
    scf.if %cond3A_75 {
      "tpu.region"() ({
        %run_scoped3A = tpu.sem_alloc : memref<!tpu.dma_semaphore, #tpu.memory_space<semaphore_mem>>
        %dma_start3A_188 = arith.constant 8125 : i32
        %dma_start3A_189 = arith.constant 0 : i32
        %dma_start3A_190 = tpu.memref_slice %arg18[%dma_start3A_188, %dma_start3A_189] : memref<10000x144xf32, #tpu.memory_space<vmem_shared>> -> memref<128x144xf32, #tpu.memory_space<vmem_shared>>
        %dma_start3A_191 = arith.constant 8125 : i32
        %dma_start3A_192 = arith.constant 0 : i32
        %dma_start3A_193 = tpu.memref_slice %arg18[%dma_start3A_191, %dma_start3A_192] : memref<10000x144xf32, #tpu.memory_space<vmem_shared>> -> memref<128x144xf32, #tpu.memory_space<vmem_shared>>
        tpu.enqueue_dma source(%arg15 : memref<128x144xf32, #tpu.memory_space<vmem>>) target(%dma_start3A_193 : memref<128x144xf32, #tpu.memory_space<vmem_shared>>) target_semaphore(%run_scoped3A : memref<!tpu.dma_semaphore, #tpu.memory_space<semaphore_mem>>)
        %dma_wait3A = arith.constant 8125 : i32
        %dma_wait3A_194 = arith.constant 0 : i32
        %dma_wait3A_195 = tpu.memref_slice %arg18[%dma_wait3A, %dma_wait3A_194] : memref<10000x144xf32, #tpu.memory_space<vmem_shared>> -> memref<128x144xf32, #tpu.memory_space<vmem_shared>>
        %dma_wait3A_196 = arith.constant 8125 : i32
        %dma_wait3A_197 = arith.constant 0 : i32
        %dma_wait3A_198 = tpu.memref_slice %arg18[%dma_wait3A_196, %dma_wait3A_197] : memref<10000x144xf32, #tpu.memory_space<vmem_shared>> -> memref<128x144xf32, #tpu.memory_space<vmem_shared>>
        tpu.wait_dma2 semaphore(%run_scoped3A : memref<!tpu.dma_semaphore, #tpu.memory_space<semaphore_mem>>) src(%arg15 : memref<128x144xf32, #tpu.memory_space<vmem>>) dst(%dma_wait3A_198 : memref<128x144xf32, #tpu.memory_space<vmem_shared>>)
        tpu.yield
      }) : () -> ()
      "tpu.region"() ({
        %run_scoped3A = tpu.sem_alloc : memref<!tpu.dma_semaphore, #tpu.memory_space<semaphore_mem>>
        %dma_start3A_188 = arith.constant 8253 : i32
        %dma_start3A_189 = arith.constant 0 : i32
        %dma_start3A_190 = tpu.memref_slice %arg18[%dma_start3A_188, %dma_start3A_189] : memref<10000x144xf32, #tpu.memory_space<vmem_shared>> -> memref<128x144xf32, #tpu.memory_space<vmem_shared>>
        %dma_start3A_191 = arith.constant 8253 : i32
        %dma_start3A_192 = arith.constant 0 : i32
        %dma_start3A_193 = tpu.memref_slice %arg18[%dma_start3A_191, %dma_start3A_192] : memref<10000x144xf32, #tpu.memory_space<vmem_shared>> -> memref<128x144xf32, #tpu.memory_space<vmem_shared>>
        tpu.enqueue_dma source(%arg15 : memref<128x144xf32, #tpu.memory_space<vmem>>) target(%dma_start3A_193 : memref<128x144xf32, #tpu.memory_space<vmem_shared>>) target_semaphore(%run_scoped3A : memref<!tpu.dma_semaphore, #tpu.memory_space<semaphore_mem>>)
        %dma_wait3A = arith.constant 8253 : i32
        %dma_wait3A_194 = arith.constant 0 : i32
        %dma_wait3A_195 = tpu.memref_slice %arg18[%dma_wait3A, %dma_wait3A_194] : memref<10000x144xf32, #tpu.memory_space<vmem_shared>> -> memref<128x144xf32, #tpu.memory_space<vmem_shared>>
        %dma_wait3A_196 = arith.constant 8253 : i32
        %dma_wait3A_197 = arith.constant 0 : i32
        %dma_wait3A_198 = tpu.memref_slice %arg18[%dma_wait3A_196, %dma_wait3A_197] : memref<10000x144xf32, #tpu.memory_space<vmem_shared>> -> memref<128x144xf32, #tpu.memory_space<vmem_shared>>
        tpu.wait_dma2 semaphore(%run_scoped3A : memref<!tpu.dma_semaphore, #tpu.memory_space<semaphore_mem>>) src(%arg15 : memref<128x144xf32, #tpu.memory_space<vmem>>) dst(%dma_wait3A_198 : memref<128x144xf32, #tpu.memory_space<vmem_shared>>)
        tpu.yield
      }) : () -> ()
      "tpu.region"() ({
        %run_scoped3A = tpu.sem_alloc : memref<!tpu.dma_semaphore, #tpu.memory_space<semaphore_mem>>
        %dma_start3A_188 = arith.constant 8381 : i32
        %dma_start3A_189 = arith.constant 0 : i32
        %dma_start3A_190 = tpu.memref_slice %arg18[%dma_start3A_188, %dma_start3A_189] : memref<10000x144xf32, #tpu.memory_space<vmem_shared>> -> memref<128x144xf32, #tpu.memory_space<vmem_shared>>
        %dma_start3A_191 = arith.constant 8381 : i32
        %dma_start3A_192 = arith.constant 0 : i32
        %dma_start3A_193 = tpu.memref_slice %arg18[%dma_start3A_191, %dma_start3A_192] : memref<10000x144xf32, #tpu.memory_space<vmem_shared>> -> memref<128x144xf32, #tpu.memory_space<vmem_shared>>
        tpu.enqueue_dma source(%arg15 : memref<128x144xf32, #tpu.memory_space<vmem>>) target(%dma_start3A_193 : memref<128x144xf32, #tpu.memory_space<vmem_shared>>) target_semaphore(%run_scoped3A : memref<!tpu.dma_semaphore, #tpu.memory_space<semaphore_mem>>)
        %dma_wait3A = arith.constant 8381 : i32
        %dma_wait3A_194 = arith.constant 0 : i32
        %dma_wait3A_195 = tpu.memref_slice %arg18[%dma_wait3A, %dma_wait3A_194] : memref<10000x144xf32, #tpu.memory_space<vmem_shared>> -> memref<128x144xf32, #tpu.memory_space<vmem_shared>>
        %dma_wait3A_196 = arith.constant 8381 : i32
        %dma_wait3A_197 = arith.constant 0 : i32
        %dma_wait3A_198 = tpu.memref_slice %arg18[%dma_wait3A_196, %dma_wait3A_197] : memref<10000x144xf32, #tpu.memory_space<vmem_shared>> -> memref<128x144xf32, #tpu.memory_space<vmem_shared>>
        tpu.wait_dma2 semaphore(%run_scoped3A : memref<!tpu.dma_semaphore, #tpu.memory_space<semaphore_mem>>) src(%arg15 : memref<128x144xf32, #tpu.memory_space<vmem>>) dst(%dma_wait3A_198 : memref<128x144xf32, #tpu.memory_space<vmem_shared>>)
        tpu.yield
      }) : () -> ()
      "tpu.region"() ({
        %run_scoped3A = tpu.sem_alloc : memref<!tpu.dma_semaphore, #tpu.memory_space<semaphore_mem>>
        %dma_start3A_188 = arith.constant 8509 : i32
        %dma_start3A_189 = arith.constant 0 : i32
        %dma_start3A_190 = tpu.memref_slice %arg18[%dma_start3A_188, %dma_start3A_189] : memref<10000x144xf32, #tpu.memory_space<vmem_shared>> -> memref<128x144xf32, #tpu.memory_space<vmem_shared>>
        %dma_start3A_191 = arith.constant 8509 : i32
        %dma_start3A_192 = arith.constant 0 : i32
        %dma_start3A_193 = tpu.memref_slice %arg18[%dma_start3A_191, %dma_start3A_192] : memref<10000x144xf32, #tpu.memory_space<vmem_shared>> -> memref<128x144xf32, #tpu.memory_space<vmem_shared>>
        tpu.enqueue_dma source(%arg15 : memref<128x144xf32, #tpu.memory_space<vmem>>) target(%dma_start3A_193 : memref<128x144xf32, #tpu.memory_space<vmem_shared>>) target_semaphore(%run_scoped3A : memref<!tpu.dma_semaphore, #tpu.memory_space<semaphore_mem>>)
        %dma_wait3A = arith.constant 8509 : i32
        %dma_wait3A_194 = arith.constant 0 : i32
        %dma_wait3A_195 = tpu.memref_slice %arg18[%dma_wait3A, %dma_wait3A_194] : memref<10000x144xf32, #tpu.memory_space<vmem_shared>> -> memref<128x144xf32, #tpu.memory_space<vmem_shared>>
        %dma_wait3A_196 = arith.constant 8509 : i32
        %dma_wait3A_197 = arith.constant 0 : i32
        %dma_wait3A_198 = tpu.memref_slice %arg18[%dma_wait3A_196, %dma_wait3A_197] : memref<10000x144xf32, #tpu.memory_space<vmem_shared>> -> memref<128x144xf32, #tpu.memory_space<vmem_shared>>
        tpu.wait_dma2 semaphore(%run_scoped3A : memref<!tpu.dma_semaphore, #tpu.memory_space<semaphore_mem>>) src(%arg15 : memref<128x144xf32, #tpu.memory_space<vmem>>) dst(%dma_wait3A_198 : memref<128x144xf32, #tpu.memory_space<vmem_shared>>)
        tpu.yield
      }) : () -> ()
      "tpu.region"() ({
        %run_scoped3A = tpu.sem_alloc : memref<!tpu.dma_semaphore, #tpu.memory_space<semaphore_mem>>
        %dma_start3A_188 = arith.constant 0 : i32
        %dma_start3A_189 = arith.constant 0 : i32
        %dma_start3A_190 = tpu.memref_slice %arg15[%dma_start3A_188, %dma_start3A_189] : memref<128x144xf32, #tpu.memory_space<vmem>> -> memref<113x144xf32, #tpu.memory_space<vmem>>
        %dma_start3A_191 = arith.constant 8637 : i32
        %dma_start3A_192 = arith.constant 0 : i32
        %dma_start3A_193 = tpu.memref_slice %arg18[%dma_start3A_191, %dma_start3A_192] : memref<10000x144xf32, #tpu.memory_space<vmem_shared>> -> memref<113x144xf32, #tpu.memory_space<vmem_shared>>
        %dma_start3A_194 = arith.constant 8637 : i32
        %dma_start3A_195 = arith.constant 0 : i32
        %dma_start3A_196 = tpu.memref_slice %arg18[%dma_start3A_194, %dma_start3A_195] : memref<10000x144xf32, #tpu.memory_space<vmem_shared>> -> memref<113x144xf32, #tpu.memory_space<vmem_shared>>
        %dma_start3A_197 = arith.constant 0 : i32
        %dma_start3A_198 = arith.constant 0 : i32
        %dma_start3A_199 = tpu.memref_slice %arg15[%dma_start3A_197, %dma_start3A_198] : memref<128x144xf32, #tpu.memory_space<vmem>> -> memref<113x144xf32, #tpu.memory_space<vmem>>
        tpu.enqueue_dma source(%dma_start3A_199 : memref<113x144xf32, #tpu.memory_space<vmem>>) target(%dma_start3A_196 : memref<113x144xf32, #tpu.memory_space<vmem_shared>>) target_semaphore(%run_scoped3A : memref<!tpu.dma_semaphore, #tpu.memory_space<semaphore_mem>>)
        %dma_wait3A = arith.constant 0 : i32
        %dma_wait3A_200 = arith.constant 0 : i32
        %dma_wait3A_201 = tpu.memref_slice %arg15[%dma_wait3A, %dma_wait3A_200] : memref<128x144xf32, #tpu.memory_space<vmem>> -> memref<113x144xf32, #tpu.memory_space<vmem>>
        %dma_wait3A_202 = arith.constant 8637 : i32
        %dma_wait3A_203 = arith.constant 0 : i32
        %dma_wait3A_204 = tpu.memref_slice %arg18[%dma_wait3A_202, %dma_wait3A_203] : memref<10000x144xf32, #tpu.memory_space<vmem_shared>> -> memref<113x144xf32, #tpu.memory_space<vmem_shared>>
        %dma_wait3A_205 = arith.constant 8637 : i32
        %dma_wait3A_206 = arith.constant 0 : i32
        %dma_wait3A_207 = tpu.memref_slice %arg18[%dma_wait3A_205, %dma_wait3A_206] : memref<10000x144xf32, #tpu.memory_space<vmem_shared>> -> memref<113x144xf32, #tpu.memory_space<vmem_shared>>
        %dma_wait3A_208 = arith.constant 0 : i32
        %dma_wait3A_209 = arith.constant 0 : i32
        %dma_wait3A_210 = tpu.memref_slice %arg15[%dma_wait3A_208, %dma_wait3A_209] : memref<128x144xf32, #tpu.memory_space<vmem>> -> memref<113x144xf32, #tpu.memory_space<vmem>>
        tpu.wait_dma2 semaphore(%run_scoped3A : memref<!tpu.dma_semaphore, #tpu.memory_space<semaphore_mem>>) src(%dma_wait3A_210 : memref<113x144xf32, #tpu.memory_space<vmem>>) dst(%dma_wait3A_207 : memref<113x144xf32, #tpu.memory_space<vmem_shared>>)
        tpu.yield
      }) : () -> ()
    } else {
    }
    %eq3A_76 = arith.constant 14 : i32
    %eq3A_77 = arith.cmpi eq, %arg1, %eq3A_76 : i32
    %convert_element_type3A_78 = arith.extui %eq3A_77 : i1 to i32
    %cond3A_79 = arith.constant 0 : i32
    %cond3A_80 = arith.cmpi ne, %convert_element_type3A_78, %cond3A_79 : i32
    scf.if %cond3A_80 {
      "tpu.region"() ({
        %run_scoped3A = tpu.sem_alloc : memref<!tpu.dma_semaphore, #tpu.memory_space<semaphore_mem>>
        %dma_start3A_188 = arith.constant 8750 : i32
        %dma_start3A_189 = arith.constant 0 : i32
        %dma_start3A_190 = tpu.memref_slice %arg18[%dma_start3A_188, %dma_start3A_189] : memref<10000x144xf32, #tpu.memory_space<vmem_shared>> -> memref<128x144xf32, #tpu.memory_space<vmem_shared>>
        %dma_start3A_191 = arith.constant 8750 : i32
        %dma_start3A_192 = arith.constant 0 : i32
        %dma_start3A_193 = tpu.memref_slice %arg18[%dma_start3A_191, %dma_start3A_192] : memref<10000x144xf32, #tpu.memory_space<vmem_shared>> -> memref<128x144xf32, #tpu.memory_space<vmem_shared>>
        tpu.enqueue_dma source(%arg15 : memref<128x144xf32, #tpu.memory_space<vmem>>) target(%dma_start3A_193 : memref<128x144xf32, #tpu.memory_space<vmem_shared>>) target_semaphore(%run_scoped3A : memref<!tpu.dma_semaphore, #tpu.memory_space<semaphore_mem>>)
        %dma_wait3A = arith.constant 8750 : i32
        %dma_wait3A_194 = arith.constant 0 : i32
        %dma_wait3A_195 = tpu.memref_slice %arg18[%dma_wait3A, %dma_wait3A_194] : memref<10000x144xf32, #tpu.memory_space<vmem_shared>> -> memref<128x144xf32, #tpu.memory_space<vmem_shared>>
        %dma_wait3A_196 = arith.constant 8750 : i32
        %dma_wait3A_197 = arith.constant 0 : i32
        %dma_wait3A_198 = tpu.memref_slice %arg18[%dma_wait3A_196, %dma_wait3A_197] : memref<10000x144xf32, #tpu.memory_space<vmem_shared>> -> memref<128x144xf32, #tpu.memory_space<vmem_shared>>
        tpu.wait_dma2 semaphore(%run_scoped3A : memref<!tpu.dma_semaphore, #tpu.memory_space<semaphore_mem>>) src(%arg15 : memref<128x144xf32, #tpu.memory_space<vmem>>) dst(%dma_wait3A_198 : memref<128x144xf32, #tpu.memory_space<vmem_shared>>)
        tpu.yield
      }) : () -> ()
      "tpu.region"() ({
        %run_scoped3A = tpu.sem_alloc : memref<!tpu.dma_semaphore, #tpu.memory_space<semaphore_mem>>
        %dma_start3A_188 = arith.constant 8878 : i32
        %dma_start3A_189 = arith.constant 0 : i32
        %dma_start3A_190 = tpu.memref_slice %arg18[%dma_start3A_188, %dma_start3A_189] : memref<10000x144xf32, #tpu.memory_space<vmem_shared>> -> memref<128x144xf32, #tpu.memory_space<vmem_shared>>
        %dma_start3A_191 = arith.constant 8878 : i32
        %dma_start3A_192 = arith.constant 0 : i32
        %dma_start3A_193 = tpu.memref_slice %arg18[%dma_start3A_191, %dma_start3A_192] : memref<10000x144xf32, #tpu.memory_space<vmem_shared>> -> memref<128x144xf32, #tpu.memory_space<vmem_shared>>
        tpu.enqueue_dma source(%arg15 : memref<128x144xf32, #tpu.memory_space<vmem>>) target(%dma_start3A_193 : memref<128x144xf32, #tpu.memory_space<vmem_shared>>) target_semaphore(%run_scoped3A : memref<!tpu.dma_semaphore, #tpu.memory_space<semaphore_mem>>)
        %dma_wait3A = arith.constant 8878 : i32
        %dma_wait3A_194 = arith.constant 0 : i32
        %dma_wait3A_195 = tpu.memref_slice %arg18[%dma_wait3A, %dma_wait3A_194] : memref<10000x144xf32, #tpu.memory_space<vmem_shared>> -> memref<128x144xf32, #tpu.memory_space<vmem_shared>>
        %dma_wait3A_196 = arith.constant 8878 : i32
        %dma_wait3A_197 = arith.constant 0 : i32
        %dma_wait3A_198 = tpu.memref_slice %arg18[%dma_wait3A_196, %dma_wait3A_197] : memref<10000x144xf32, #tpu.memory_space<vmem_shared>> -> memref<128x144xf32, #tpu.memory_space<vmem_shared>>
        tpu.wait_dma2 semaphore(%run_scoped3A : memref<!tpu.dma_semaphore, #tpu.memory_space<semaphore_mem>>) src(%arg15 : memref<128x144xf32, #tpu.memory_space<vmem>>) dst(%dma_wait3A_198 : memref<128x144xf32, #tpu.memory_space<vmem_shared>>)
        tpu.yield
      }) : () -> ()
      "tpu.region"() ({
        %run_scoped3A = tpu.sem_alloc : memref<!tpu.dma_semaphore, #tpu.memory_space<semaphore_mem>>
        %dma_start3A_188 = arith.constant 9006 : i32
        %dma_start3A_189 = arith.constant 0 : i32
        %dma_start3A_190 = tpu.memref_slice %arg18[%dma_start3A_188, %dma_start3A_189] : memref<10000x144xf32, #tpu.memory_space<vmem_shared>> -> memref<128x144xf32, #tpu.memory_space<vmem_shared>>
        %dma_start3A_191 = arith.constant 9006 : i32
        %dma_start3A_192 = arith.constant 0 : i32
        %dma_start3A_193 = tpu.memref_slice %arg18[%dma_start3A_191, %dma_start3A_192] : memref<10000x144xf32, #tpu.memory_space<vmem_shared>> -> memref<128x144xf32, #tpu.memory_space<vmem_shared>>
        tpu.enqueue_dma source(%arg15 : memref<128x144xf32, #tpu.memory_space<vmem>>) target(%dma_start3A_193 : memref<128x144xf32, #tpu.memory_space<vmem_shared>>) target_semaphore(%run_scoped3A : memref<!tpu.dma_semaphore, #tpu.memory_space<semaphore_mem>>)
        %dma_wait3A = arith.constant 9006 : i32
        %dma_wait3A_194 = arith.constant 0 : i32
        %dma_wait3A_195 = tpu.memref_slice %arg18[%dma_wait3A, %dma_wait3A_194] : memref<10000x144xf32, #tpu.memory_space<vmem_shared>> -> memref<128x144xf32, #tpu.memory_space<vmem_shared>>
        %dma_wait3A_196 = arith.constant 9006 : i32
        %dma_wait3A_197 = arith.constant 0 : i32
        %dma_wait3A_198 = tpu.memref_slice %arg18[%dma_wait3A_196, %dma_wait3A_197] : memref<10000x144xf32, #tpu.memory_space<vmem_shared>> -> memref<128x144xf32, #tpu.memory_space<vmem_shared>>
        tpu.wait_dma2 semaphore(%run_scoped3A : memref<!tpu.dma_semaphore, #tpu.memory_space<semaphore_mem>>) src(%arg15 : memref<128x144xf32, #tpu.memory_space<vmem>>) dst(%dma_wait3A_198 : memref<128x144xf32, #tpu.memory_space<vmem_shared>>)
        tpu.yield
      }) : () -> ()
      "tpu.region"() ({
        %run_scoped3A = tpu.sem_alloc : memref<!tpu.dma_semaphore, #tpu.memory_space<semaphore_mem>>
        %dma_start3A_188 = arith.constant 9134 : i32
        %dma_start3A_189 = arith.constant 0 : i32
        %dma_start3A_190 = tpu.memref_slice %arg18[%dma_start3A_188, %dma_start3A_189] : memref<10000x144xf32, #tpu.memory_space<vmem_shared>> -> memref<128x144xf32, #tpu.memory_space<vmem_shared>>
        %dma_start3A_191 = arith.constant 9134 : i32
        %dma_start3A_192 = arith.constant 0 : i32
        %dma_start3A_193 = tpu.memref_slice %arg18[%dma_start3A_191, %dma_start3A_192] : memref<10000x144xf32, #tpu.memory_space<vmem_shared>> -> memref<128x144xf32, #tpu.memory_space<vmem_shared>>
        tpu.enqueue_dma source(%arg15 : memref<128x144xf32, #tpu.memory_space<vmem>>) target(%dma_start3A_193 : memref<128x144xf32, #tpu.memory_space<vmem_shared>>) target_semaphore(%run_scoped3A : memref<!tpu.dma_semaphore, #tpu.memory_space<semaphore_mem>>)
        %dma_wait3A = arith.constant 9134 : i32
        %dma_wait3A_194 = arith.constant 0 : i32
        %dma_wait3A_195 = tpu.memref_slice %arg18[%dma_wait3A, %dma_wait3A_194] : memref<10000x144xf32, #tpu.memory_space<vmem_shared>> -> memref<128x144xf32, #tpu.memory_space<vmem_shared>>
        %dma_wait3A_196 = arith.constant 9134 : i32
        %dma_wait3A_197 = arith.constant 0 : i32
        %dma_wait3A_198 = tpu.memref_slice %arg18[%dma_wait3A_196, %dma_wait3A_197] : memref<10000x144xf32, #tpu.memory_space<vmem_shared>> -> memref<128x144xf32, #tpu.memory_space<vmem_shared>>
        tpu.wait_dma2 semaphore(%run_scoped3A : memref<!tpu.dma_semaphore, #tpu.memory_space<semaphore_mem>>) src(%arg15 : memref<128x144xf32, #tpu.memory_space<vmem>>) dst(%dma_wait3A_198 : memref<128x144xf32, #tpu.memory_space<vmem_shared>>)
        tpu.yield
      }) : () -> ()
      "tpu.region"() ({
        %run_scoped3A = tpu.sem_alloc : memref<!tpu.dma_semaphore, #tpu.memory_space<semaphore_mem>>
        %dma_start3A_188 = arith.constant 0 : i32
        %dma_start3A_189 = arith.constant 0 : i32
        %dma_start3A_190 = tpu.memref_slice %arg15[%dma_start3A_188, %dma_start3A_189] : memref<128x144xf32, #tpu.memory_space<vmem>> -> memref<113x144xf32, #tpu.memory_space<vmem>>
        %dma_start3A_191 = arith.constant 9262 : i32
        %dma_start3A_192 = arith.constant 0 : i32
        %dma_start3A_193 = tpu.memref_slice %arg18[%dma_start3A_191, %dma_start3A_192] : memref<10000x144xf32, #tpu.memory_space<vmem_shared>> -> memref<113x144xf32, #tpu.memory_space<vmem_shared>>
        %dma_start3A_194 = arith.constant 9262 : i32
        %dma_start3A_195 = arith.constant 0 : i32
        %dma_start3A_196 = tpu.memref_slice %arg18[%dma_start3A_194, %dma_start3A_195] : memref<10000x144xf32, #tpu.memory_space<vmem_shared>> -> memref<113x144xf32, #tpu.memory_space<vmem_shared>>
        %dma_start3A_197 = arith.constant 0 : i32
        %dma_start3A_198 = arith.constant 0 : i32
        %dma_start3A_199 = tpu.memref_slice %arg15[%dma_start3A_197, %dma_start3A_198] : memref<128x144xf32, #tpu.memory_space<vmem>> -> memref<113x144xf32, #tpu.memory_space<vmem>>
        tpu.enqueue_dma source(%dma_start3A_199 : memref<113x144xf32, #tpu.memory_space<vmem>>) target(%dma_start3A_196 : memref<113x144xf32, #tpu.memory_space<vmem_shared>>) target_semaphore(%run_scoped3A : memref<!tpu.dma_semaphore, #tpu.memory_space<semaphore_mem>>)
        %dma_wait3A = arith.constant 0 : i32
        %dma_wait3A_200 = arith.constant 0 : i32
        %dma_wait3A_201 = tpu.memref_slice %arg15[%dma_wait3A, %dma_wait3A_200] : memref<128x144xf32, #tpu.memory_space<vmem>> -> memref<113x144xf32, #tpu.memory_space<vmem>>
        %dma_wait3A_202 = arith.constant 9262 : i32
        %dma_wait3A_203 = arith.constant 0 : i32
        %dma_wait3A_204 = tpu.memref_slice %arg18[%dma_wait3A_202, %dma_wait3A_203] : memref<10000x144xf32, #tpu.memory_space<vmem_shared>> -> memref<113x144xf32, #tpu.memory_space<vmem_shared>>
        %dma_wait3A_205 = arith.constant 9262 : i32
        %dma_wait3A_206 = arith.constant 0 : i32
        %dma_wait3A_207 = tpu.memref_slice %arg18[%dma_wait3A_205, %dma_wait3A_206] : memref<10000x144xf32, #tpu.memory_space<vmem_shared>> -> memref<113x144xf32, #tpu.memory_space<vmem_shared>>
        %dma_wait3A_208 = arith.constant 0 : i32
        %dma_wait3A_209 = arith.constant 0 : i32
        %dma_wait3A_210 = tpu.memref_slice %arg15[%dma_wait3A_208, %dma_wait3A_209] : memref<128x144xf32, #tpu.memory_space<vmem>> -> memref<113x144xf32, #tpu.memory_space<vmem>>
        tpu.wait_dma2 semaphore(%run_scoped3A : memref<!tpu.dma_semaphore, #tpu.memory_space<semaphore_mem>>) src(%dma_wait3A_210 : memref<113x144xf32, #tpu.memory_space<vmem>>) dst(%dma_wait3A_207 : memref<113x144xf32, #tpu.memory_space<vmem_shared>>)
        tpu.yield
      }) : () -> ()
    } else {
    }
    %eq3A_81 = arith.constant 15 : i32
    %eq3A_82 = arith.cmpi eq, %arg1, %eq3A_81 : i32
    %convert_element_type3A_83 = arith.extui %eq3A_82 : i1 to i32
    %cond3A_84 = arith.constant 0 : i32
    %cond3A_85 = arith.cmpi ne, %convert_element_type3A_83, %cond3A_84 : i32
    scf.if %cond3A_85 {
      "tpu.region"() ({
        %run_scoped3A = tpu.sem_alloc : memref<!tpu.dma_semaphore, #tpu.memory_space<semaphore_mem>>
        %dma_start3A_188 = arith.constant 9375 : i32
        %dma_start3A_189 = arith.constant 0 : i32
        %dma_start3A_190 = tpu.memref_slice %arg18[%dma_start3A_188, %dma_start3A_189] : memref<10000x144xf32, #tpu.memory_space<vmem_shared>> -> memref<128x144xf32, #tpu.memory_space<vmem_shared>>
        %dma_start3A_191 = arith.constant 9375 : i32
        %dma_start3A_192 = arith.constant 0 : i32
        %dma_start3A_193 = tpu.memref_slice %arg18[%dma_start3A_191, %dma_start3A_192] : memref<10000x144xf32, #tpu.memory_space<vmem_shared>> -> memref<128x144xf32, #tpu.memory_space<vmem_shared>>
        tpu.enqueue_dma source(%arg15 : memref<128x144xf32, #tpu.memory_space<vmem>>) target(%dma_start3A_193 : memref<128x144xf32, #tpu.memory_space<vmem_shared>>) target_semaphore(%run_scoped3A : memref<!tpu.dma_semaphore, #tpu.memory_space<semaphore_mem>>)
        %dma_wait3A = arith.constant 9375 : i32
        %dma_wait3A_194 = arith.constant 0 : i32
        %dma_wait3A_195 = tpu.memref_slice %arg18[%dma_wait3A, %dma_wait3A_194] : memref<10000x144xf32, #tpu.memory_space<vmem_shared>> -> memref<128x144xf32, #tpu.memory_space<vmem_shared>>
        %dma_wait3A_196 = arith.constant 9375 : i32
        %dma_wait3A_197 = arith.constant 0 : i32
        %dma_wait3A_198 = tpu.memref_slice %arg18[%dma_wait3A_196, %dma_wait3A_197] : memref<10000x144xf32, #tpu.memory_space<vmem_shared>> -> memref<128x144xf32, #tpu.memory_space<vmem_shared>>
        tpu.wait_dma2 semaphore(%run_scoped3A : memref<!tpu.dma_semaphore, #tpu.memory_space<semaphore_mem>>) src(%arg15 : memref<128x144xf32, #tpu.memory_space<vmem>>) dst(%dma_wait3A_198 : memref<128x144xf32, #tpu.memory_space<vmem_shared>>)
        tpu.yield
      }) : () -> ()
      "tpu.region"() ({
        %run_scoped3A = tpu.sem_alloc : memref<!tpu.dma_semaphore, #tpu.memory_space<semaphore_mem>>
        %dma_start3A_188 = arith.constant 9503 : i32
        %dma_start3A_189 = arith.constant 0 : i32
        %dma_start3A_190 = tpu.memref_slice %arg18[%dma_start3A_188, %dma_start3A_189] : memref<10000x144xf32, #tpu.memory_space<vmem_shared>> -> memref<128x144xf32, #tpu.memory_space<vmem_shared>>
        %dma_start3A_191 = arith.constant 9503 : i32
        %dma_start3A_192 = arith.constant 0 : i32
        %dma_start3A_193 = tpu.memref_slice %arg18[%dma_start3A_191, %dma_start3A_192] : memref<10000x144xf32, #tpu.memory_space<vmem_shared>> -> memref<128x144xf32, #tpu.memory_space<vmem_shared>>
        tpu.enqueue_dma source(%arg15 : memref<128x144xf32, #tpu.memory_space<vmem>>) target(%dma_start3A_193 : memref<128x144xf32, #tpu.memory_space<vmem_shared>>) target_semaphore(%run_scoped3A : memref<!tpu.dma_semaphore, #tpu.memory_space<semaphore_mem>>)
        %dma_wait3A = arith.constant 9503 : i32
        %dma_wait3A_194 = arith.constant 0 : i32
        %dma_wait3A_195 = tpu.memref_slice %arg18[%dma_wait3A, %dma_wait3A_194] : memref<10000x144xf32, #tpu.memory_space<vmem_shared>> -> memref<128x144xf32, #tpu.memory_space<vmem_shared>>
        %dma_wait3A_196 = arith.constant 9503 : i32
        %dma_wait3A_197 = arith.constant 0 : i32
        %dma_wait3A_198 = tpu.memref_slice %arg18[%dma_wait3A_196, %dma_wait3A_197] : memref<10000x144xf32, #tpu.memory_space<vmem_shared>> -> memref<128x144xf32, #tpu.memory_space<vmem_shared>>
        tpu.wait_dma2 semaphore(%run_scoped3A : memref<!tpu.dma_semaphore, #tpu.memory_space<semaphore_mem>>) src(%arg15 : memref<128x144xf32, #tpu.memory_space<vmem>>) dst(%dma_wait3A_198 : memref<128x144xf32, #tpu.memory_space<vmem_shared>>)
        tpu.yield
      }) : () -> ()
      "tpu.region"() ({
        %run_scoped3A = tpu.sem_alloc : memref<!tpu.dma_semaphore, #tpu.memory_space<semaphore_mem>>
        %dma_start3A_188 = arith.constant 9631 : i32
        %dma_start3A_189 = arith.constant 0 : i32
        %dma_start3A_190 = tpu.memref_slice %arg18[%dma_start3A_188, %dma_start3A_189] : memref<10000x144xf32, #tpu.memory_space<vmem_shared>> -> memref<128x144xf32, #tpu.memory_space<vmem_shared>>
        %dma_start3A_191 = arith.constant 9631 : i32
        %dma_start3A_192 = arith.constant 0 : i32
        %dma_start3A_193 = tpu.memref_slice %arg18[%dma_start3A_191, %dma_start3A_192] : memref<10000x144xf32, #tpu.memory_space<vmem_shared>> -> memref<128x144xf32, #tpu.memory_space<vmem_shared>>
        tpu.enqueue_dma source(%arg15 : memref<128x144xf32, #tpu.memory_space<vmem>>) target(%dma_start3A_193 : memref<128x144xf32, #tpu.memory_space<vmem_shared>>) target_semaphore(%run_scoped3A : memref<!tpu.dma_semaphore, #tpu.memory_space<semaphore_mem>>)
        %dma_wait3A = arith.constant 9631 : i32
        %dma_wait3A_194 = arith.constant 0 : i32
        %dma_wait3A_195 = tpu.memref_slice %arg18[%dma_wait3A, %dma_wait3A_194] : memref<10000x144xf32, #tpu.memory_space<vmem_shared>> -> memref<128x144xf32, #tpu.memory_space<vmem_shared>>
        %dma_wait3A_196 = arith.constant 9631 : i32
        %dma_wait3A_197 = arith.constant 0 : i32
        %dma_wait3A_198 = tpu.memref_slice %arg18[%dma_wait3A_196, %dma_wait3A_197] : memref<10000x144xf32, #tpu.memory_space<vmem_shared>> -> memref<128x144xf32, #tpu.memory_space<vmem_shared>>
        tpu.wait_dma2 semaphore(%run_scoped3A : memref<!tpu.dma_semaphore, #tpu.memory_space<semaphore_mem>>) src(%arg15 : memref<128x144xf32, #tpu.memory_space<vmem>>) dst(%dma_wait3A_198 : memref<128x144xf32, #tpu.memory_space<vmem_shared>>)
        tpu.yield
      }) : () -> ()
      "tpu.region"() ({
        %run_scoped3A = tpu.sem_alloc : memref<!tpu.dma_semaphore, #tpu.memory_space<semaphore_mem>>
        %dma_start3A_188 = arith.constant 9759 : i32
        %dma_start3A_189 = arith.constant 0 : i32
        %dma_start3A_190 = tpu.memref_slice %arg18[%dma_start3A_188, %dma_start3A_189] : memref<10000x144xf32, #tpu.memory_space<vmem_shared>> -> memref<128x144xf32, #tpu.memory_space<vmem_shared>>
        %dma_start3A_191 = arith.constant 9759 : i32
        %dma_start3A_192 = arith.constant 0 : i32
        %dma_start3A_193 = tpu.memref_slice %arg18[%dma_start3A_191, %dma_start3A_192] : memref<10000x144xf32, #tpu.memory_space<vmem_shared>> -> memref<128x144xf32, #tpu.memory_space<vmem_shared>>
        tpu.enqueue_dma source(%arg15 : memref<128x144xf32, #tpu.memory_space<vmem>>) target(%dma_start3A_193 : memref<128x144xf32, #tpu.memory_space<vmem_shared>>) target_semaphore(%run_scoped3A : memref<!tpu.dma_semaphore, #tpu.memory_space<semaphore_mem>>)
        %dma_wait3A = arith.constant 9759 : i32
        %dma_wait3A_194 = arith.constant 0 : i32
        %dma_wait3A_195 = tpu.memref_slice %arg18[%dma_wait3A, %dma_wait3A_194] : memref<10000x144xf32, #tpu.memory_space<vmem_shared>> -> memref<128x144xf32, #tpu.memory_space<vmem_shared>>
        %dma_wait3A_196 = arith.constant 9759 : i32
        %dma_wait3A_197 = arith.constant 0 : i32
        %dma_wait3A_198 = tpu.memref_slice %arg18[%dma_wait3A_196, %dma_wait3A_197] : memref<10000x144xf32, #tpu.memory_space<vmem_shared>> -> memref<128x144xf32, #tpu.memory_space<vmem_shared>>
        tpu.wait_dma2 semaphore(%run_scoped3A : memref<!tpu.dma_semaphore, #tpu.memory_space<semaphore_mem>>) src(%arg15 : memref<128x144xf32, #tpu.memory_space<vmem>>) dst(%dma_wait3A_198 : memref<128x144xf32, #tpu.memory_space<vmem_shared>>)
        tpu.yield
      }) : () -> ()
      "tpu.region"() ({
        %run_scoped3A = tpu.sem_alloc : memref<!tpu.dma_semaphore, #tpu.memory_space<semaphore_mem>>
        %dma_start3A_188 = arith.constant 0 : i32
        %dma_start3A_189 = arith.constant 0 : i32
        %dma_start3A_190 = tpu.memref_slice %arg15[%dma_start3A_188, %dma_start3A_189] : memref<128x144xf32, #tpu.memory_space<vmem>> -> memref<113x144xf32, #tpu.memory_space<vmem>>
        %dma_start3A_191 = arith.constant 9887 : i32
        %dma_start3A_192 = arith.constant 0 : i32
        %dma_start3A_193 = tpu.memref_slice %arg18[%dma_start3A_191, %dma_start3A_192] : memref<10000x144xf32, #tpu.memory_space<vmem_shared>> -> memref<113x144xf32, #tpu.memory_space<vmem_shared>>
        %dma_start3A_194 = arith.constant 9887 : i32
        %dma_start3A_195 = arith.constant 0 : i32
        %dma_start3A_196 = tpu.memref_slice %arg18[%dma_start3A_194, %dma_start3A_195] : memref<10000x144xf32, #tpu.memory_space<vmem_shared>> -> memref<113x144xf32, #tpu.memory_space<vmem_shared>>
        %dma_start3A_197 = arith.constant 0 : i32
        %dma_start3A_198 = arith.constant 0 : i32
        %dma_start3A_199 = tpu.memref_slice %arg15[%dma_start3A_197, %dma_start3A_198] : memref<128x144xf32, #tpu.memory_space<vmem>> -> memref<113x144xf32, #tpu.memory_space<vmem>>
        tpu.enqueue_dma source(%dma_start3A_199 : memref<113x144xf32, #tpu.memory_space<vmem>>) target(%dma_start3A_196 : memref<113x144xf32, #tpu.memory_space<vmem_shared>>) target_semaphore(%run_scoped3A : memref<!tpu.dma_semaphore, #tpu.memory_space<semaphore_mem>>)
        %dma_wait3A = arith.constant 0 : i32
        %dma_wait3A_200 = arith.constant 0 : i32
        %dma_wait3A_201 = tpu.memref_slice %arg15[%dma_wait3A, %dma_wait3A_200] : memref<128x144xf32, #tpu.memory_space<vmem>> -> memref<113x144xf32, #tpu.memory_space<vmem>>
        %dma_wait3A_202 = arith.constant 9887 : i32
        %dma_wait3A_203 = arith.constant 0 : i32
        %dma_wait3A_204 = tpu.memref_slice %arg18[%dma_wait3A_202, %dma_wait3A_203] : memref<10000x144xf32, #tpu.memory_space<vmem_shared>> -> memref<113x144xf32, #tpu.memory_space<vmem_shared>>
        %dma_wait3A_205 = arith.constant 9887 : i32
        %dma_wait3A_206 = arith.constant 0 : i32
        %dma_wait3A_207 = tpu.memref_slice %arg18[%dma_wait3A_205, %dma_wait3A_206] : memref<10000x144xf32, #tpu.memory_space<vmem_shared>> -> memref<113x144xf32, #tpu.memory_space<vmem_shared>>
        %dma_wait3A_208 = arith.constant 0 : i32
        %dma_wait3A_209 = arith.constant 0 : i32
        %dma_wait3A_210 = tpu.memref_slice %arg15[%dma_wait3A_208, %dma_wait3A_209] : memref<128x144xf32, #tpu.memory_space<vmem>> -> memref<113x144xf32, #tpu.memory_space<vmem>>
        tpu.wait_dma2 semaphore(%run_scoped3A : memref<!tpu.dma_semaphore, #tpu.memory_space<semaphore_mem>>) src(%dma_wait3A_210 : memref<113x144xf32, #tpu.memory_space<vmem>>) dst(%dma_wait3A_207 : memref<113x144xf32, #tpu.memory_space<vmem_shared>>)
        tpu.yield
      }) : () -> ()
    } else {
    }
    "tpu.region"() ({
      %run_scoped3A = tpu.sem_alloc : memref<!tpu.dma_semaphore, #tpu.memory_space<semaphore_mem>>
      tpu.enqueue_dma source(%arg6 : memref<16xf32, #tpu.memory_space<hbm>>) target(%arg17 : memref<16xf32, #tpu.memory_space<vmem>>) target_semaphore(%run_scoped3A : memref<!tpu.dma_semaphore, #tpu.memory_space<semaphore_mem>>)
      tpu.wait_dma2 semaphore(%run_scoped3A : memref<!tpu.dma_semaphore, #tpu.memory_space<semaphore_mem>>) src(%arg6 : memref<16xf32, #tpu.memory_space<hbm>>) dst(%arg17 : memref<16xf32, #tpu.memory_space<vmem>>)
      tpu.yield
    }) : () -> ()
    %barrier3A = arith.constant 0 : index
    tpu.barrier barrier_id(%barrier3A)
    "tpu.region"() ({
      %run_scoped3A = tpu.sem_alloc : memref<!tpu.dma_semaphore, #tpu.memory_space<semaphore_mem>>
      %dma_start3A_188 = tpu.memref_slice %arg3[%mul3A_2] : memref<327680xi32, #tpu.memory_space<hbm>> -> memref<128xi32, #tpu.memory_space<hbm>>
      %dma_start3A_189 = tpu.memref_slice %arg3[%mul3A_2] : memref<327680xi32, #tpu.memory_space<hbm>> -> memref<128xi32, #tpu.memory_space<hbm>>
      tpu.enqueue_dma source(%dma_start3A_189 : memref<128xi32, #tpu.memory_space<hbm>>) target(%arg9 : memref<128xi32, #tpu.memory_space<vmem>>) target_semaphore(%run_scoped3A : memref<!tpu.dma_semaphore, #tpu.memory_space<semaphore_mem>>)
      %dma_wait3A = tpu.memref_slice %arg3[%mul3A_2] : memref<327680xi32, #tpu.memory_space<hbm>> -> memref<128xi32, #tpu.memory_space<hbm>>
      %dma_wait3A_190 = tpu.memref_slice %arg3[%mul3A_2] : memref<327680xi32, #tpu.memory_space<hbm>> -> memref<128xi32, #tpu.memory_space<hbm>>
      tpu.wait_dma2 semaphore(%run_scoped3A : memref<!tpu.dma_semaphore, #tpu.memory_space<semaphore_mem>>) src(%dma_wait3A_190 : memref<128xi32, #tpu.memory_space<hbm>>) dst(%arg9 : memref<128xi32, #tpu.memory_space<vmem>>)
      tpu.yield
    }) : () -> ()
    "tpu.region"() ({
      %run_scoped3A = tpu.sem_alloc : memref<!tpu.dma_semaphore, #tpu.memory_space<semaphore_mem>>
      %dma_start3A_188 = tpu.memref_slice %arg4[%mul3A_2] : memref<327680xi32, #tpu.memory_space<hbm>> -> memref<128xi32, #tpu.memory_space<hbm>>
      %dma_start3A_189 = tpu.memref_slice %arg4[%mul3A_2] : memref<327680xi32, #tpu.memory_space<hbm>> -> memref<128xi32, #tpu.memory_space<hbm>>
      tpu.enqueue_dma source(%dma_start3A_189 : memref<128xi32, #tpu.memory_space<hbm>>) target(%arg11 : memref<128xi32, #tpu.memory_space<vmem>>) target_semaphore(%run_scoped3A : memref<!tpu.dma_semaphore, #tpu.memory_space<semaphore_mem>>)
      %dma_wait3A = tpu.memref_slice %arg4[%mul3A_2] : memref<327680xi32, #tpu.memory_space<hbm>> -> memref<128xi32, #tpu.memory_space<hbm>>
      %dma_wait3A_190 = tpu.memref_slice %arg4[%mul3A_2] : memref<327680xi32, #tpu.memory_space<hbm>> -> memref<128xi32, #tpu.memory_space<hbm>>
      tpu.wait_dma2 semaphore(%run_scoped3A : memref<!tpu.dma_semaphore, #tpu.memory_space<semaphore_mem>>) src(%dma_wait3A_190 : memref<128xi32, #tpu.memory_space<hbm>>) dst(%arg11 : memref<128xi32, #tpu.memory_space<vmem>>)
      tpu.yield
    }) : () -> ()
    "tpu.region"() ({
      %run_scoped3A = tpu.sem_alloc : memref<!tpu.dma_semaphore, #tpu.memory_space<semaphore_mem>>
      %dma_start3A_188 = tpu.memref_slice %arg5[%mul3A_2] : memref<327680xf32, #tpu.memory_space<hbm>> -> memref<128xf32, #tpu.memory_space<hbm>>
      %dma_start3A_189 = tpu.memref_slice %arg5[%mul3A_2] : memref<327680xf32, #tpu.memory_space<hbm>> -> memref<128xf32, #tpu.memory_space<hbm>>
      tpu.enqueue_dma source(%dma_start3A_189 : memref<128xf32, #tpu.memory_space<hbm>>) target(%arg13 : memref<128xf32, #tpu.memory_space<vmem>>) target_semaphore(%run_scoped3A : memref<!tpu.dma_semaphore, #tpu.memory_space<semaphore_mem>>)
      %dma_wait3A = tpu.memref_slice %arg5[%mul3A_2] : memref<327680xf32, #tpu.memory_space<hbm>> -> memref<128xf32, #tpu.memory_space<hbm>>
      %dma_wait3A_190 = tpu.memref_slice %arg5[%mul3A_2] : memref<327680xf32, #tpu.memory_space<hbm>> -> memref<128xf32, #tpu.memory_space<hbm>>
      tpu.wait_dma2 semaphore(%run_scoped3A : memref<!tpu.dma_semaphore, #tpu.memory_space<semaphore_mem>>) src(%dma_wait3A_190 : memref<128xf32, #tpu.memory_space<hbm>>) dst(%arg13 : memref<128xf32, #tpu.memory_space<vmem>>)
      tpu.yield
    }) : () -> ()
    %add3A_86 = arith.constant 128 : i32
    %add3A_87 = arith.addi %mul3A_2, %add3A_86 : i32
    %dma_start3A = tpu.memref_slice %arg3[%add3A_87] : memref<327680xi32, #tpu.memory_space<hbm>> -> memref<128xi32, #tpu.memory_space<hbm>>
    %dma_start3A_88 = tpu.memref_slice %arg3[%add3A_87] : memref<327680xi32, #tpu.memory_space<hbm>> -> memref<128xi32, #tpu.memory_space<hbm>>
    tpu.enqueue_dma source(%dma_start3A_88 : memref<128xi32, #tpu.memory_space<hbm>>) target(%arg10 : memref<128xi32, #tpu.memory_space<vmem>>) target_semaphore(%arg20 : memref<!tpu.dma_semaphore, #tpu.memory_space<semaphore_mem>>)
    %add3A_89 = arith.constant 128 : i32
    %add3A_90 = arith.addi %mul3A_2, %add3A_89 : i32
    %dma_start3A_91 = tpu.memref_slice %arg4[%add3A_90] : memref<327680xi32, #tpu.memory_space<hbm>> -> memref<128xi32, #tpu.memory_space<hbm>>
    %dma_start3A_92 = tpu.memref_slice %arg4[%add3A_90] : memref<327680xi32, #tpu.memory_space<hbm>> -> memref<128xi32, #tpu.memory_space<hbm>>
    tpu.enqueue_dma source(%dma_start3A_92 : memref<128xi32, #tpu.memory_space<hbm>>) target(%arg12 : memref<128xi32, #tpu.memory_space<vmem>>) target_semaphore(%arg20 : memref<!tpu.dma_semaphore, #tpu.memory_space<semaphore_mem>>)
    %add3A_93 = arith.constant 128 : i32
    %add3A_94 = arith.addi %mul3A_2, %add3A_93 : i32
    %dma_start3A_95 = tpu.memref_slice %arg5[%add3A_94] : memref<327680xf32, #tpu.memory_space<hbm>> -> memref<128xf32, #tpu.memory_space<hbm>>
    %dma_start3A_96 = tpu.memref_slice %arg5[%add3A_94] : memref<327680xf32, #tpu.memory_space<hbm>> -> memref<128xf32, #tpu.memory_space<hbm>>
    tpu.enqueue_dma source(%dma_start3A_96 : memref<128xf32, #tpu.memory_space<hbm>>) target(%arg14 : memref<128xf32, #tpu.memory_space<vmem>>) target_semaphore(%arg20 : memref<!tpu.dma_semaphore, #tpu.memory_space<semaphore_mem>>)
    %dma_start3A_97 = arith.constant 0 : i32
    %dma_start3A_98 = arith.constant 0 : i32
    %dma_start3A_99 = tpu.memref_slice %arg2[%dma_start3A_97, %dma_start3A_98] : memref<10000x144xf32, #tpu.memory_space<hbm>> -> memref<10000x144xf32, #tpu.memory_space<hbm>>
    tpu.enqueue_indirect_dma source(%dma_start3A_99 : memref<10000x144xf32, #tpu.memory_space<hbm>>) target(%arg15 : memref<128x144xf32, #tpu.memory_space<vmem>>) offsets(%arg9 : memref<128xi32, #tpu.memory_space<vmem>>) semaphore(%arg21 : memref<!tpu.dma_semaphore, #tpu.memory_space<semaphore_mem>>)
    %scan3A_100 = arith.constant 0 : i32
    %scan3A_101 = arith.constant 0 : i32
    %scan3A_102 = arith.constant 40 : i32
    %scan3A_103 = arith.addi %scan3A_101, %scan3A_102 : i32
    %scan3A_104 = arith.constant 1 : i32
    %scan3A_105 = scf.for %scan3A_188 = %scan3A_101 to %scan3A_103 step %scan3A_104 iter_args(%scan3A_189 = %scan3A_100) -> (i32)  : i32 {
      %mul3A_190 = arith.constant 2 : i32
      %mul3A_191 = arith.muli %mul3A_190, %scan3A_188 : i32
      %add3A_192 = arith.constant 0 : i32
      %add3A_193 = arith.addi %mul3A_191, %add3A_192 : i32
      %add3A_194 = arith.constant 1 : i32
      %add3A_195 = arith.addi %add3A_193, %add3A_194 : i32
      %lt3A = arith.constant 80 : i32
      %lt3A_196 = arith.cmpi slt, %add3A_195, %lt3A : i32
      %convert_element_type3A_197 = arith.extui %lt3A_196 : i1 to i32
      %cond3A_198 = arith.constant 0 : i32
      %cond3A_199 = arith.cmpi ne, %convert_element_type3A_197, %cond3A_198 : i32
      scf.if %cond3A_199 {
        %dma_wait3A_262 = tpu.memref_slice %arg3[%mul3A_2] : memref<327680xi32, #tpu.memory_space<hbm>> -> memref<128xi32, #tpu.memory_space<hbm>>
        %dma_wait3A_263 = tpu.memref_slice %arg3[%mul3A_2] : memref<327680xi32, #tpu.memory_space<hbm>> -> memref<128xi32, #tpu.memory_space<hbm>>
        tpu.wait_dma2 semaphore(%arg20 : memref<!tpu.dma_semaphore, #tpu.memory_space<semaphore_mem>>) src(%dma_wait3A_263 : memref<128xi32, #tpu.memory_space<hbm>>) dst(%arg10 : memref<128xi32, #tpu.memory_space<vmem>>)
        %dma_wait3A_264 = tpu.memref_slice %arg4[%mul3A_2] : memref<327680xi32, #tpu.memory_space<hbm>> -> memref<128xi32, #tpu.memory_space<hbm>>
        %dma_wait3A_265 = tpu.memref_slice %arg4[%mul3A_2] : memref<327680xi32, #tpu.memory_space<hbm>> -> memref<128xi32, #tpu.memory_space<hbm>>
        tpu.wait_dma2 semaphore(%arg20 : memref<!tpu.dma_semaphore, #tpu.memory_space<semaphore_mem>>) src(%dma_wait3A_265 : memref<128xi32, #tpu.memory_space<hbm>>) dst(%arg12 : memref<128xi32, #tpu.memory_space<vmem>>)
        %dma_wait3A_266 = tpu.memref_slice %arg5[%mul3A_2] : memref<327680xf32, #tpu.memory_space<hbm>> -> memref<128xf32, #tpu.memory_space<hbm>>
        %dma_wait3A_267 = tpu.memref_slice %arg5[%mul3A_2] : memref<327680xf32, #tpu.memory_space<hbm>> -> memref<128xf32, #tpu.memory_space<hbm>>
        tpu.wait_dma2 semaphore(%arg20 : memref<!tpu.dma_semaphore, #tpu.memory_space<semaphore_mem>>) src(%dma_wait3A_267 : memref<128xf32, #tpu.memory_space<hbm>>) dst(%arg14 : memref<128xf32, #tpu.memory_space<vmem>>)
        %dma_start3A_268 = arith.constant 0 : i32
        %dma_start3A_269 = arith.constant 0 : i32
        %dma_start3A_270 = tpu.memref_slice %arg2[%dma_start3A_268, %dma_start3A_269] : memref<10000x144xf32, #tpu.memory_space<hbm>> -> memref<10000x144xf32, #tpu.memory_space<hbm>>
        tpu.enqueue_indirect_dma source(%dma_start3A_270 : memref<10000x144xf32, #tpu.memory_space<hbm>>) target(%arg16 : memref<128x144xf32, #tpu.memory_space<vmem>>) offsets(%arg10 : memref<128xi32, #tpu.memory_space<vmem>>) semaphore(%arg22 : memref<!tpu.dma_semaphore, #tpu.memory_space<semaphore_mem>>)
      } else {
      }
      %dma_wait3A = arith.constant 0 : i32
      %dma_wait3A_200 = arith.constant 0 : i32
      %dma_wait3A_201 = tpu.memref_slice %arg2[%dma_wait3A, %dma_wait3A_200] : memref<10000x144xf32, #tpu.memory_space<hbm>> -> memref<10000x144xf32, #tpu.memory_space<hbm>>
      tpu.wait_indirect_dma semaphore(%arg21 : memref<!tpu.dma_semaphore, #tpu.memory_space<semaphore_mem>>) src(%dma_wait3A_201 : memref<10000x144xf32, #tpu.memory_space<hbm>>) dst(%arg15 : memref<128x144xf32, #tpu.memory_space<vmem>>)
      %get3A = arith.constant 0 : index
      %get3A_202 = tpu.vector_load %arg17[%get3A] {strides = array<i32>} : memref<16xf32, #tpu.memory_space<vmem>>, vector<16xf32>,
      %scan3A_203 = arith.constant 0 : i32
      %scan3A_204 = arith.constant 0 : i32
      %scan3A_205 = arith.constant 8 : i32
      %scan3A_206 = arith.addi %scan3A_204, %scan3A_205 : i32
      %scan3A_207 = arith.constant 1 : i32
      %scan3A_208 = scf.for %scan3A_262 = %scan3A_204 to %scan3A_206 step %scan3A_207 iter_args(%scan3A_263 = %scan3A_203) -> (i32)  : i32 {
        %mul3A_264 = arith.constant 16 : i32
        %mul3A_265 = arith.muli %scan3A_262, %mul3A_264 : i32
        %get3A_266 = arith.index_cast %mul3A_265 : i32 to index
        %get3A_267 = tpu.vector_load %arg13[%get3A_266] {strides = array<i32>} : memref<128xf32, #tpu.memory_space<vmem>>, vector<16xf32>,
        %sub3A = arith.subf %get3A_267, %get3A_202 : vector<16xf32>
        %exp3A = math.exp %sub3A : vector<16xf32>
        %swap3A = arith.index_cast %mul3A_265 : i32 to index
        %swap3A_268 = tpu.vector_load %arg13[%swap3A] {strides = array<i32>} : memref<128xf32, #tpu.memory_space<vmem>>, vector<16xf32>,
        tpu.vector_store %arg13[%swap3A], %exp3A {strides = array<i32>} : memref<128xf32, #tpu.memory_space<vmem>>, vector<16xf32>,
        %scan3A_269 = arith.constant 0 : i32
        scf.yield %scan3A_269 : i32
      }
      %scan3A_209 = arith.constant 8 : i32
      %scan3A_210 = arith.constant 0 : i32
      %scan3A_211 = arith.constant 0 : i32
      %scan3A_212 = arith.constant 128 : i32
      %scan3A_213 = arith.addi %scan3A_211, %scan3A_212 : i32
      %scan3A_214 = arith.constant 1 : i32
      %scan3A_215 = scf.for %scan3A_262 = %scan3A_211 to %scan3A_213 step %scan3A_214 iter_args(%scan3A_263 = %scan3A_210) -> (i32)  : i32 {
        %broadcast_in_dim3A = vector.broadcast %scan3A_262 : i32 to vector<16xi32>
        %gather3A = tpu.vector_load_idx %arg13[%broadcast_in_dim3A] : memref<128xf32, #tpu.memory_space<vmem>>[vector<16xi32>], vector<16xf32>,
        %get3A_264 = arith.index_cast %scan3A_262 : i32 to index
        %get3A_265 = arith.constant 0 : index
        %get3A_266 = tpu.vector_load %arg15[%get3A_264, %get3A_265] {strides = array<i32>} : memref<128x144xf32, #tpu.memory_space<vmem>>, vector<16xf32>,
        %mul3A_267 = arith.mulf %get3A_266, %gather3A : vector<16xf32>
        %swap3A = arith.index_cast %scan3A_262 : i32 to index
        %swap3A_268 = arith.constant 0 : index
        %swap3A_269 = tpu.vector_load %arg15[%swap3A, %swap3A_268] {strides = array<i32>} : memref<128x144xf32, #tpu.memory_space<vmem>>, vector<16xf32>,
        tpu.vector_store %arg15[%swap3A, %swap3A_268], %mul3A_267 {strides = array<i32>} : memref<128x144xf32, #tpu.memory_space<vmem>>, vector<16xf32>,
        %get3A_270 = arith.index_cast %scan3A_262 : i32 to index
        %get3A_271 = arith.constant 16 : index
        %get3A_272 = tpu.vector_load %arg15[%get3A_270, %get3A_271] {strides = array<i32>} : memref<128x144xf32, #tpu.memory_space<vmem>>, vector<16xf32>,
        %mul3A_273 = arith.mulf %get3A_272, %gather3A : vector<16xf32>
        %swap3A_274 = arith.index_cast %scan3A_262 : i32 to index
        %swap3A_275 = arith.constant 16 : index
        %swap3A_276 = tpu.vector_load %arg15[%swap3A_274, %swap3A_275] {strides = array<i32>} : memref<128x144xf32, #tpu.memory_space<vmem>>, vector<16xf32>,
        tpu.vector_store %arg15[%swap3A_274, %swap3A_275], %mul3A_273 {strides = array<i32>} : memref<128x144xf32, #tpu.memory_space<vmem>>, vector<16xf32>,
        %get3A_277 = arith.index_cast %scan3A_262 : i32 to index
        %get3A_278 = arith.constant 32 : index
        %get3A_279 = tpu.vector_load %arg15[%get3A_277, %get3A_278] {strides = array<i32>} : memref<128x144xf32, #tpu.memory_space<vmem>>, vector<16xf32>,
        %mul3A_280 = arith.mulf %get3A_279, %gather3A : vector<16xf32>
        %swap3A_281 = arith.index_cast %scan3A_262 : i32 to index
        %swap3A_282 = arith.constant 32 : index
        %swap3A_283 = tpu.vector_load %arg15[%swap3A_281, %swap3A_282] {strides = array<i32>} : memref<128x144xf32, #tpu.memory_space<vmem>>, vector<16xf32>,
        tpu.vector_store %arg15[%swap3A_281, %swap3A_282], %mul3A_280 {strides = array<i32>} : memref<128x144xf32, #tpu.memory_space<vmem>>, vector<16xf32>,
        %get3A_284 = arith.index_cast %scan3A_262 : i32 to index
        %get3A_285 = arith.constant 48 : index
        %get3A_286 = tpu.vector_load %arg15[%get3A_284, %get3A_285] {strides = array<i32>} : memref<128x144xf32, #tpu.memory_space<vmem>>, vector<16xf32>,
        %mul3A_287 = arith.mulf %get3A_286, %gather3A : vector<16xf32>
        %swap3A_288 = arith.index_cast %scan3A_262 : i32 to index
        %swap3A_289 = arith.constant 48 : index
        %swap3A_290 = tpu.vector_load %arg15[%swap3A_288, %swap3A_289] {strides = array<i32>} : memref<128x144xf32, #tpu.memory_space<vmem>>, vector<16xf32>,
        tpu.vector_store %arg15[%swap3A_288, %swap3A_289], %mul3A_287 {strides = array<i32>} : memref<128x144xf32, #tpu.memory_space<vmem>>, vector<16xf32>,
        %get3A_291 = arith.index_cast %scan3A_262 : i32 to index
        %get3A_292 = arith.constant 64 : index
        %get3A_293 = tpu.vector_load %arg15[%get3A_291, %get3A_292] {strides = array<i32>} : memref<128x144xf32, #tpu.memory_space<vmem>>, vector<16xf32>,
        %mul3A_294 = arith.mulf %get3A_293, %gather3A : vector<16xf32>
        %swap3A_295 = arith.index_cast %scan3A_262 : i32 to index
        %swap3A_296 = arith.constant 64 : index
        %swap3A_297 = tpu.vector_load %arg15[%swap3A_295, %swap3A_296] {strides = array<i32>} : memref<128x144xf32, #tpu.memory_space<vmem>>, vector<16xf32>,
        tpu.vector_store %arg15[%swap3A_295, %swap3A_296], %mul3A_294 {strides = array<i32>} : memref<128x144xf32, #tpu.memory_space<vmem>>, vector<16xf32>,
        %get3A_298 = arith.index_cast %scan3A_262 : i32 to index
        %get3A_299 = arith.constant 80 : index
        %get3A_300 = tpu.vector_load %arg15[%get3A_298, %get3A_299] {strides = array<i32>} : memref<128x144xf32, #tpu.memory_space<vmem>>, vector<16xf32>,
        %mul3A_301 = arith.mulf %get3A_300, %gather3A : vector<16xf32>
        %swap3A_302 = arith.index_cast %scan3A_262 : i32 to index
        %swap3A_303 = arith.constant 80 : index
        %swap3A_304 = tpu.vector_load %arg15[%swap3A_302, %swap3A_303] {strides = array<i32>} : memref<128x144xf32, #tpu.memory_space<vmem>>, vector<16xf32>,
        tpu.vector_store %arg15[%swap3A_302, %swap3A_303], %mul3A_301 {strides = array<i32>} : memref<128x144xf32, #tpu.memory_space<vmem>>, vector<16xf32>,
        %get3A_305 = arith.index_cast %scan3A_262 : i32 to index
        %get3A_306 = arith.constant 96 : index
        %get3A_307 = tpu.vector_load %arg15[%get3A_305, %get3A_306] {strides = array<i32>} : memref<128x144xf32, #tpu.memory_space<vmem>>, vector<16xf32>,
        %mul3A_308 = arith.mulf %get3A_307, %gather3A : vector<16xf32>
        %swap3A_309 = arith.index_cast %scan3A_262 : i32 to index
        %swap3A_310 = arith.constant 96 : index
        %swap3A_311 = tpu.vector_load %arg15[%swap3A_309, %swap3A_310] {strides = array<i32>} : memref<128x144xf32, #tpu.memory_space<vmem>>, vector<16xf32>,
        tpu.vector_store %arg15[%swap3A_309, %swap3A_310], %mul3A_308 {strides = array<i32>} : memref<128x144xf32, #tpu.memory_space<vmem>>, vector<16xf32>,
        %get3A_312 = arith.index_cast %scan3A_262 : i32 to index
        %get3A_313 = arith.constant 112 : index
        %get3A_314 = tpu.vector_load %arg15[%get3A_312, %get3A_313] {strides = array<i32>} : memref<128x144xf32, #tpu.memory_space<vmem>>, vector<16xf32>,
        %mul3A_315 = arith.mulf %get3A_314, %gather3A : vector<16xf32>
        %swap3A_316 = arith.index_cast %scan3A_262 : i32 to index
        %swap3A_317 = arith.constant 112 : index
        %swap3A_318 = tpu.vector_load %arg15[%swap3A_316, %swap3A_317] {strides = array<i32>} : memref<128x144xf32, #tpu.memory_space<vmem>>, vector<16xf32>,
        tpu.vector_store %arg15[%swap3A_316, %swap3A_317], %mul3A_315 {strides = array<i32>} : memref<128x144xf32, #tpu.memory_space<vmem>>, vector<16xf32>,
        %get3A_319 = arith.index_cast %scan3A_262 : i32 to index
        %get3A_320 = arith.constant 128 : index
        %get3A_321 = tpu.vector_load %arg15[%get3A_319, %get3A_320] {strides = array<i32>} : memref<128x144xf32, #tpu.memory_space<vmem>>, vector<16xf32>,
        %mul3A_322 = arith.mulf %get3A_321, %gather3A : vector<16xf32>
        %swap3A_323 = arith.index_cast %scan3A_262 : i32 to index
        %swap3A_324 = arith.constant 128 : index
        %swap3A_325 = tpu.vector_load %arg15[%swap3A_323, %swap3A_324] {strides = array<i32>} : memref<128x144xf32, #tpu.memory_space<vmem>>, vector<16xf32>,
        tpu.vector_store %arg15[%swap3A_323, %swap3A_324], %mul3A_322 {strides = array<i32>} : memref<128x144xf32, #tpu.memory_space<vmem>>, vector<16xf32>,
        %scan3A_326 = arith.constant 0 : i32
        scf.yield %scan3A_326 : i32
      }
      %scan3A_216 = arith.constant 128 : i32
      "tpu.region"() ({
        %run_scoped3A = tpu.sem_alloc : memref<!tpu.dma_semaphore, #tpu.memory_space<semaphore_mem>>
        %dma_start3A_262 = arith.constant 0 : i32
        %dma_start3A_263 = arith.constant 0 : i32
        %dma_start3A_264 = tpu.memref_slice %arg18[%dma_start3A_262, %dma_start3A_263] : memref<10000x144xf32, #tpu.memory_space<vmem_shared>> -> memref<10000x144xf32, #tpu.memory_space<vmem_shared>>
        tpu.enqueue_indirect_dma source(%arg15 : memref<128x144xf32, #tpu.memory_space<vmem>>) target(%dma_start3A_264 : memref<10000x144xf32, #tpu.memory_space<vmem_shared>>) offsets(%arg11 : memref<128xi32, #tpu.memory_space<vmem>>) semaphore(%run_scoped3A : memref<!tpu.dma_semaphore, #tpu.memory_space<semaphore_mem>>) {add = true}
        %dma_wait3A_265 = arith.constant 0 : i32
        %dma_wait3A_266 = arith.constant 0 : i32
        %dma_wait3A_267 = tpu.memref_slice %arg18[%dma_wait3A_265, %dma_wait3A_266] : memref<10000x144xf32, #tpu.memory_space<vmem_shared>> -> memref<10000x144xf32, #tpu.memory_space<vmem_shared>>
        tpu.wait_indirect_dma semaphore(%run_scoped3A : memref<!tpu.dma_semaphore, #tpu.memory_space<semaphore_mem>>) src(%arg15 : memref<128x144xf32, #tpu.memory_space<vmem>>) dst(%dma_wait3A_267 : memref<10000x144xf32, #tpu.memory_space<vmem_shared>>)
        tpu.yield
      }) : () -> ()
      %add3A_217 = arith.constant 2 : i32
      %add3A_218 = arith.addi %add3A_193, %add3A_217 : i32
      %lt3A_219 = arith.constant 80 : i32
      %lt3A_220 = arith.cmpi slt, %add3A_218, %lt3A_219 : i32
      %convert_element_type3A_221 = arith.extui %lt3A_220 : i1 to i32
      %cond3A_222 = arith.constant 0 : i32
      %cond3A_223 = arith.cmpi ne, %convert_element_type3A_221, %cond3A_222 : i32
      scf.if %cond3A_223 {
        %add3A_262 = arith.constant 2 : i32
        %add3A_263 = arith.addi %add3A_193, %add3A_262 : i32
        %mul3A_264 = arith.constant 128 : i32
        %mul3A_265 = arith.muli %add3A_263, %mul3A_264 : i32
        %add3A_266 = arith.addi %mul3A_2, %mul3A_265 : i32
        %dma_start3A_267 = tpu.memref_slice %arg3[%add3A_266] : memref<327680xi32, #tpu.memory_space<hbm>> -> memref<128xi32, #tpu.memory_space<hbm>>
        %dma_start3A_268 = tpu.memref_slice %arg3[%add3A_266] : memref<327680xi32, #tpu.memory_space<hbm>> -> memref<128xi32, #tpu.memory_space<hbm>>
        tpu.enqueue_dma source(%dma_start3A_268 : memref<128xi32, #tpu.memory_space<hbm>>) target(%arg9 : memref<128xi32, #tpu.memory_space<vmem>>) target_semaphore(%arg19 : memref<!tpu.dma_semaphore, #tpu.memory_space<semaphore_mem>>)
        %dma_start3A_269 = tpu.memref_slice %arg4[%add3A_266] : memref<327680xi32, #tpu.memory_space<hbm>> -> memref<128xi32, #tpu.memory_space<hbm>>
        %dma_start3A_270 = tpu.memref_slice %arg4[%add3A_266] : memref<327680xi32, #tpu.memory_space<hbm>> -> memref<128xi32, #tpu.memory_space<hbm>>
        tpu.enqueue_dma source(%dma_start3A_270 : memref<128xi32, #tpu.memory_space<hbm>>) target(%arg11 : memref<128xi32, #tpu.memory_space<vmem>>) target_semaphore(%arg19 : memref<!tpu.dma_semaphore, #tpu.memory_space<semaphore_mem>>)
        %dma_start3A_271 = tpu.memref_slice %arg5[%add3A_266] : memref<327680xf32, #tpu.memory_space<hbm>> -> memref<128xf32, #tpu.memory_space<hbm>>
        %dma_start3A_272 = tpu.memref_slice %arg5[%add3A_266] : memref<327680xf32, #tpu.memory_space<hbm>> -> memref<128xf32, #tpu.memory_space<hbm>>
        tpu.enqueue_dma source(%dma_start3A_272 : memref<128xf32, #tpu.memory_space<hbm>>) target(%arg13 : memref<128xf32, #tpu.memory_space<vmem>>) target_semaphore(%arg19 : memref<!tpu.dma_semaphore, #tpu.memory_space<semaphore_mem>>)
      } else {
      }
      %mul3A_224 = arith.constant 2 : i32
      %mul3A_225 = arith.muli %mul3A_224, %scan3A_188 : i32
      %add3A_226 = arith.constant 1 : i32
      %add3A_227 = arith.addi %mul3A_225, %add3A_226 : i32
      %add3A_228 = arith.constant 1 : i32
      %add3A_229 = arith.addi %add3A_227, %add3A_228 : i32
      %lt3A_230 = arith.constant 80 : i32
      %lt3A_231 = arith.cmpi slt, %add3A_229, %lt3A_230 : i32
      %convert_element_type3A_232 = arith.extui %lt3A_231 : i1 to i32
      %cond3A_233 = arith.constant 0 : i32
      %cond3A_234 = arith.cmpi ne, %convert_element_type3A_232, %cond3A_233 : i32
      scf.if %cond3A_234 {
        %dma_wait3A_262 = tpu.memref_slice %arg3[%mul3A_2] : memref<327680xi32, #tpu.memory_space<hbm>> -> memref<128xi32, #tpu.memory_space<hbm>>
        %dma_wait3A_263 = tpu.memref_slice %arg3[%mul3A_2] : memref<327680xi32, #tpu.memory_space<hbm>> -> memref<128xi32, #tpu.memory_space<hbm>>
        tpu.wait_dma2 semaphore(%arg19 : memref<!tpu.dma_semaphore, #tpu.memory_space<semaphore_mem>>) src(%dma_wait3A_263 : memref<128xi32, #tpu.memory_space<hbm>>) dst(%arg9 : memref<128xi32, #tpu.memory_space<vmem>>)
        %dma_wait3A_264 = tpu.memref_slice %arg4[%mul3A_2] : memref<327680xi32, #tpu.memory_space<hbm>> -> memref<128xi32, #tpu.memory_space<hbm>>
        %dma_wait3A_265 = tpu.memref_slice %arg4[%mul3A_2] : memref<327680xi32, #tpu.memory_space<hbm>> -> memref<128xi32, #tpu.memory_space<hbm>>
        tpu.wait_dma2 semaphore(%arg19 : memref<!tpu.dma_semaphore, #tpu.memory_space<semaphore_mem>>) src(%dma_wait3A_265 : memref<128xi32, #tpu.memory_space<hbm>>) dst(%arg11 : memref<128xi32, #tpu.memory_space<vmem>>)
        %dma_wait3A_266 = tpu.memref_slice %arg5[%mul3A_2] : memref<327680xf32, #tpu.memory_space<hbm>> -> memref<128xf32, #tpu.memory_space<hbm>>
        %dma_wait3A_267 = tpu.memref_slice %arg5[%mul3A_2] : memref<327680xf32, #tpu.memory_space<hbm>> -> memref<128xf32, #tpu.memory_space<hbm>>
        tpu.wait_dma2 semaphore(%arg19 : memref<!tpu.dma_semaphore, #tpu.memory_space<semaphore_mem>>) src(%dma_wait3A_267 : memref<128xf32, #tpu.memory_space<hbm>>) dst(%arg13 : memref<128xf32, #tpu.memory_space<vmem>>)
        %dma_start3A_268 = arith.constant 0 : i32
        %dma_start3A_269 = arith.constant 0 : i32
        %dma_start3A_270 = tpu.memref_slice %arg2[%dma_start3A_268, %dma_start3A_269] : memref<10000x144xf32, #tpu.memory_space<hbm>> -> memref<10000x144xf32, #tpu.memory_space<hbm>>
        tpu.enqueue_indirect_dma source(%dma_start3A_270 : memref<10000x144xf32, #tpu.memory_space<hbm>>) target(%arg15 : memref<128x144xf32, #tpu.memory_space<vmem>>) offsets(%arg9 : memref<128xi32, #tpu.memory_space<vmem>>) semaphore(%arg21 : memref<!tpu.dma_semaphore, #tpu.memory_space<semaphore_mem>>)
      } else {
      }
      %dma_wait3A_235 = arith.constant 0 : i32
      %dma_wait3A_236 = arith.constant 0 : i32
      %dma_wait3A_237 = tpu.memref_slice %arg2[%dma_wait3A_235, %dma_wait3A_236] : memref<10000x144xf32, #tpu.memory_space<hbm>> -> memref<10000x144xf32, #tpu.memory_space<hbm>>
      tpu.wait_indirect_dma semaphore(%arg22 : memref<!tpu.dma_semaphore, #tpu.memory_space<semaphore_mem>>) src(%dma_wait3A_237 : memref<10000x144xf32, #tpu.memory_space<hbm>>) dst(%arg16 : memref<128x144xf32, #tpu.memory_space<vmem>>)
      %get3A_238 = arith.constant 0 : index
      %get3A_239 = tpu.vector_load %arg17[%get3A_238] {strides = array<i32>} : memref<16xf32, #tpu.memory_space<vmem>>, vector<16xf32>,
      %scan3A_240 = arith.constant 0 : i32
      %scan3A_241 = arith.constant 0 : i32
      %scan3A_242 = arith.constant 8 : i32
      %scan3A_243 = arith.addi %scan3A_241, %scan3A_242 : i32
      %scan3A_244 = arith.constant 1 : i32
      %scan3A_245 = scf.for %scan3A_262 = %scan3A_241 to %scan3A_243 step %scan3A_244 iter_args(%scan3A_263 = %scan3A_240) -> (i32)  : i32 {
        %mul3A_264 = arith.constant 16 : i32
        %mul3A_265 = arith.muli %scan3A_262, %mul3A_264 : i32
        %get3A_266 = arith.index_cast %mul3A_265 : i32 to index
        %get3A_267 = tpu.vector_load %arg14[%get3A_266] {strides = array<i32>} : memref<128xf32, #tpu.memory_space<vmem>>, vector<16xf32>,
        %sub3A = arith.subf %get3A_267, %get3A_239 : vector<16xf32>
        %exp3A = math.exp %sub3A : vector<16xf32>
        %swap3A = arith.index_cast %mul3A_265 : i32 to index
        %swap3A_268 = tpu.vector_load %arg14[%swap3A] {strides = array<i32>} : memref<128xf32, #tpu.memory_space<vmem>>, vector<16xf32>,
        tpu.vector_store %arg14[%swap3A], %exp3A {strides = array<i32>} : memref<128xf32, #tpu.memory_space<vmem>>, vector<16xf32>,
        %scan3A_269 = arith.constant 0 : i32
        scf.yield %scan3A_269 : i32
      }
      %scan3A_246 = arith.constant 8 : i32
      %scan3A_247 = arith.constant 0 : i32
      %scan3A_248 = arith.constant 0 : i32
      %scan3A_249 = arith.constant 128 : i32
      %scan3A_250 = arith.addi %scan3A_248, %scan3A_249 : i32
      %scan3A_251 = arith.constant 1 : i32
      %scan3A_252 = scf.for %scan3A_262 = %scan3A_248 to %scan3A_250 step %scan3A_251 iter_args(%scan3A_263 = %scan3A_247) -> (i32)  : i32 {
        %broadcast_in_dim3A = vector.broadcast %scan3A_262 : i32 to vector<16xi32>
        %gather3A = tpu.vector_load_idx %arg14[%broadcast_in_dim3A] : memref<128xf32, #tpu.memory_space<vmem>>[vector<16xi32>], vector<16xf32>,
        %get3A_264 = arith.index_cast %scan3A_262 : i32 to index
        %get3A_265 = arith.constant 0 : index
        %get3A_266 = tpu.vector_load %arg16[%get3A_264, %get3A_265] {strides = array<i32>} : memref<128x144xf32, #tpu.memory_space<vmem>>, vector<16xf32>,
        %mul3A_267 = arith.mulf %get3A_266, %gather3A : vector<16xf32>
        %swap3A = arith.index_cast %scan3A_262 : i32 to index
        %swap3A_268 = arith.constant 0 : index
        %swap3A_269 = tpu.vector_load %arg16[%swap3A, %swap3A_268] {strides = array<i32>} : memref<128x144xf32, #tpu.memory_space<vmem>>, vector<16xf32>,
        tpu.vector_store %arg16[%swap3A, %swap3A_268], %mul3A_267 {strides = array<i32>} : memref<128x144xf32, #tpu.memory_space<vmem>>, vector<16xf32>,
        %get3A_270 = arith.index_cast %scan3A_262 : i32 to index
        %get3A_271 = arith.constant 16 : index
        %get3A_272 = tpu.vector_load %arg16[%get3A_270, %get3A_271] {strides = array<i32>} : memref<128x144xf32, #tpu.memory_space<vmem>>, vector<16xf32>,
        %mul3A_273 = arith.mulf %get3A_272, %gather3A : vector<16xf32>
        %swap3A_274 = arith.index_cast %scan3A_262 : i32 to index
        %swap3A_275 = arith.constant 16 : index
        %swap3A_276 = tpu.vector_load %arg16[%swap3A_274, %swap3A_275] {strides = array<i32>} : memref<128x144xf32, #tpu.memory_space<vmem>>, vector<16xf32>,
        tpu.vector_store %arg16[%swap3A_274, %swap3A_275], %mul3A_273 {strides = array<i32>} : memref<128x144xf32, #tpu.memory_space<vmem>>, vector<16xf32>,
        %get3A_277 = arith.index_cast %scan3A_262 : i32 to index
        %get3A_278 = arith.constant 32 : index
        %get3A_279 = tpu.vector_load %arg16[%get3A_277, %get3A_278] {strides = array<i32>} : memref<128x144xf32, #tpu.memory_space<vmem>>, vector<16xf32>,
        %mul3A_280 = arith.mulf %get3A_279, %gather3A : vector<16xf32>
        %swap3A_281 = arith.index_cast %scan3A_262 : i32 to index
        %swap3A_282 = arith.constant 32 : index
        %swap3A_283 = tpu.vector_load %arg16[%swap3A_281, %swap3A_282] {strides = array<i32>} : memref<128x144xf32, #tpu.memory_space<vmem>>, vector<16xf32>,
        tpu.vector_store %arg16[%swap3A_281, %swap3A_282], %mul3A_280 {strides = array<i32>} : memref<128x144xf32, #tpu.memory_space<vmem>>, vector<16xf32>,
        %get3A_284 = arith.index_cast %scan3A_262 : i32 to index
        %get3A_285 = arith.constant 48 : index
        %get3A_286 = tpu.vector_load %arg16[%get3A_284, %get3A_285] {strides = array<i32>} : memref<128x144xf32, #tpu.memory_space<vmem>>, vector<16xf32>,
        %mul3A_287 = arith.mulf %get3A_286, %gather3A : vector<16xf32>
        %swap3A_288 = arith.index_cast %scan3A_262 : i32 to index
        %swap3A_289 = arith.constant 48 : index
        %swap3A_290 = tpu.vector_load %arg16[%swap3A_288, %swap3A_289] {strides = array<i32>} : memref<128x144xf32, #tpu.memory_space<vmem>>, vector<16xf32>,
        tpu.vector_store %arg16[%swap3A_288, %swap3A_289], %mul3A_287 {strides = array<i32>} : memref<128x144xf32, #tpu.memory_space<vmem>>, vector<16xf32>,
        %get3A_291 = arith.index_cast %scan3A_262 : i32 to index
        %get3A_292 = arith.constant 64 : index
        %get3A_293 = tpu.vector_load %arg16[%get3A_291, %get3A_292] {strides = array<i32>} : memref<128x144xf32, #tpu.memory_space<vmem>>, vector<16xf32>,
        %mul3A_294 = arith.mulf %get3A_293, %gather3A : vector<16xf32>
        %swap3A_295 = arith.index_cast %scan3A_262 : i32 to index
        %swap3A_296 = arith.constant 64 : index
        %swap3A_297 = tpu.vector_load %arg16[%swap3A_295, %swap3A_296] {strides = array<i32>} : memref<128x144xf32, #tpu.memory_space<vmem>>, vector<16xf32>,
        tpu.vector_store %arg16[%swap3A_295, %swap3A_296], %mul3A_294 {strides = array<i32>} : memref<128x144xf32, #tpu.memory_space<vmem>>, vector<16xf32>,
        %get3A_298 = arith.index_cast %scan3A_262 : i32 to index
        %get3A_299 = arith.constant 80 : index
        %get3A_300 = tpu.vector_load %arg16[%get3A_298, %get3A_299] {strides = array<i32>} : memref<128x144xf32, #tpu.memory_space<vmem>>, vector<16xf32>,
        %mul3A_301 = arith.mulf %get3A_300, %gather3A : vector<16xf32>
        %swap3A_302 = arith.index_cast %scan3A_262 : i32 to index
        %swap3A_303 = arith.constant 80 : index
        %swap3A_304 = tpu.vector_load %arg16[%swap3A_302, %swap3A_303] {strides = array<i32>} : memref<128x144xf32, #tpu.memory_space<vmem>>, vector<16xf32>,
        tpu.vector_store %arg16[%swap3A_302, %swap3A_303], %mul3A_301 {strides = array<i32>} : memref<128x144xf32, #tpu.memory_space<vmem>>, vector<16xf32>,
        %get3A_305 = arith.index_cast %scan3A_262 : i32 to index
        %get3A_306 = arith.constant 96 : index
        %get3A_307 = tpu.vector_load %arg16[%get3A_305, %get3A_306] {strides = array<i32>} : memref<128x144xf32, #tpu.memory_space<vmem>>, vector<16xf32>,
        %mul3A_308 = arith.mulf %get3A_307, %gather3A : vector<16xf32>
        %swap3A_309 = arith.index_cast %scan3A_262 : i32 to index
        %swap3A_310 = arith.constant 96 : index
        %swap3A_311 = tpu.vector_load %arg16[%swap3A_309, %swap3A_310] {strides = array<i32>} : memref<128x144xf32, #tpu.memory_space<vmem>>, vector<16xf32>,
        tpu.vector_store %arg16[%swap3A_309, %swap3A_310], %mul3A_308 {strides = array<i32>} : memref<128x144xf32, #tpu.memory_space<vmem>>, vector<16xf32>,
        %get3A_312 = arith.index_cast %scan3A_262 : i32 to index
        %get3A_313 = arith.constant 112 : index
        %get3A_314 = tpu.vector_load %arg16[%get3A_312, %get3A_313] {strides = array<i32>} : memref<128x144xf32, #tpu.memory_space<vmem>>, vector<16xf32>,
        %mul3A_315 = arith.mulf %get3A_314, %gather3A : vector<16xf32>
        %swap3A_316 = arith.index_cast %scan3A_262 : i32 to index
        %swap3A_317 = arith.constant 112 : index
        %swap3A_318 = tpu.vector_load %arg16[%swap3A_316, %swap3A_317] {strides = array<i32>} : memref<128x144xf32, #tpu.memory_space<vmem>>, vector<16xf32>,
        tpu.vector_store %arg16[%swap3A_316, %swap3A_317], %mul3A_315 {strides = array<i32>} : memref<128x144xf32, #tpu.memory_space<vmem>>, vector<16xf32>,
        %get3A_319 = arith.index_cast %scan3A_262 : i32 to index
        %get3A_320 = arith.constant 128 : index
        %get3A_321 = tpu.vector_load %arg16[%get3A_319, %get3A_320] {strides = array<i32>} : memref<128x144xf32, #tpu.memory_space<vmem>>, vector<16xf32>,
        %mul3A_322 = arith.mulf %get3A_321, %gather3A : vector<16xf32>
        %swap3A_323 = arith.index_cast %scan3A_262 : i32 to index
        %swap3A_324 = arith.constant 128 : index
        %swap3A_325 = tpu.vector_load %arg16[%swap3A_323, %swap3A_324] {strides = array<i32>} : memref<128x144xf32, #tpu.memory_space<vmem>>, vector<16xf32>,
        tpu.vector_store %arg16[%swap3A_323, %swap3A_324], %mul3A_322 {strides = array<i32>} : memref<128x144xf32, #tpu.memory_space<vmem>>, vector<16xf32>,
        %scan3A_326 = arith.constant 0 : i32
        scf.yield %scan3A_326 : i32
      }
      %scan3A_253 = arith.constant 128 : i32
      "tpu.region"() ({
        %run_scoped3A = tpu.sem_alloc : memref<!tpu.dma_semaphore, #tpu.memory_space<semaphore_mem>>
        %dma_start3A_262 = arith.constant 0 : i32
        %dma_start3A_263 = arith.constant 0 : i32
        %dma_start3A_264 = tpu.memref_slice %arg18[%dma_start3A_262, %dma_start3A_263] : memref<10000x144xf32, #tpu.memory_space<vmem_shared>> -> memref<10000x144xf32, #tpu.memory_space<vmem_shared>>
        tpu.enqueue_indirect_dma source(%arg16 : memref<128x144xf32, #tpu.memory_space<vmem>>) target(%dma_start3A_264 : memref<10000x144xf32, #tpu.memory_space<vmem_shared>>) offsets(%arg12 : memref<128xi32, #tpu.memory_space<vmem>>) semaphore(%run_scoped3A : memref<!tpu.dma_semaphore, #tpu.memory_space<semaphore_mem>>) {add = true}
        %dma_wait3A_265 = arith.constant 0 : i32
        %dma_wait3A_266 = arith.constant 0 : i32
        %dma_wait3A_267 = tpu.memref_slice %arg18[%dma_wait3A_265, %dma_wait3A_266] : memref<10000x144xf32, #tpu.memory_space<vmem_shared>> -> memref<10000x144xf32, #tpu.memory_space<vmem_shared>>
        tpu.wait_indirect_dma semaphore(%run_scoped3A : memref<!tpu.dma_semaphore, #tpu.memory_space<semaphore_mem>>) src(%arg16 : memref<128x144xf32, #tpu.memory_space<vmem>>) dst(%dma_wait3A_267 : memref<10000x144xf32, #tpu.memory_space<vmem_shared>>)
        tpu.yield
      }) : () -> ()
      %add3A_254 = arith.constant 2 : i32
      %add3A_255 = arith.addi %add3A_227, %add3A_254 : i32
      %lt3A_256 = arith.constant 80 : i32
      %lt3A_257 = arith.cmpi slt, %add3A_255, %lt3A_256 : i32
      %convert_element_type3A_258 = arith.extui %lt3A_257 : i1 to i32
      %cond3A_259 = arith.constant 0 : i32
      %cond3A_260 = arith.cmpi ne, %convert_element_type3A_258, %cond3A_259 : i32
      scf.if %cond3A_260 {
        %add3A_262 = arith.constant 2 : i32
        %add3A_263 = arith.addi %add3A_227, %add3A_262 : i32
        %mul3A_264 = arith.constant 128 : i32
        %mul3A_265 = arith.muli %add3A_263, %mul3A_264 : i32
        %add3A_266 = arith.addi %mul3A_2, %mul3A_265 : i32
        %dma_start3A_267 = tpu.memref_slice %arg3[%add3A_266] : memref<327680xi32, #tpu.memory_space<hbm>> -> memref<128xi32, #tpu.memory_space<hbm>>
        %dma_start3A_268 = tpu.memref_slice %arg3[%add3A_266] : memref<327680xi32, #tpu.memory_space<hbm>> -> memref<128xi32, #tpu.memory_space<hbm>>
        tpu.enqueue_dma source(%dma_start3A_268 : memref<128xi32, #tpu.memory_space<hbm>>) target(%arg10 : memref<128xi32, #tpu.memory_space<vmem>>) target_semaphore(%arg20 : memref<!tpu.dma_semaphore, #tpu.memory_space<semaphore_mem>>)
        %dma_start3A_269 = tpu.memref_slice %arg4[%add3A_266] : memref<327680xi32, #tpu.memory_space<hbm>> -> memref<128xi32, #tpu.memory_space<hbm>>
        %dma_start3A_270 = tpu.memref_slice %arg4[%add3A_266] : memref<327680xi32, #tpu.memory_space<hbm>> -> memref<128xi32, #tpu.memory_space<hbm>>
        tpu.enqueue_dma source(%dma_start3A_270 : memref<128xi32, #tpu.memory_space<hbm>>) target(%arg12 : memref<128xi32, #tpu.memory_space<vmem>>) target_semaphore(%arg20 : memref<!tpu.dma_semaphore, #tpu.memory_space<semaphore_mem>>)
        %dma_start3A_271 = tpu.memref_slice %arg5[%add3A_266] : memref<327680xf32, #tpu.memory_space<hbm>> -> memref<128xf32, #tpu.memory_space<hbm>>
        %dma_start3A_272 = tpu.memref_slice %arg5[%add3A_266] : memref<327680xf32, #tpu.memory_space<hbm>> -> memref<128xf32, #tpu.memory_space<hbm>>
        tpu.enqueue_dma source(%dma_start3A_272 : memref<128xf32, #tpu.memory_space<hbm>>) target(%arg14 : memref<128xf32, #tpu.memory_space<vmem>>) target_semaphore(%arg20 : memref<!tpu.dma_semaphore, #tpu.memory_space<semaphore_mem>>)
      } else {
      }
      %scan3A_261 = arith.constant 0 : i32
      scf.yield %scan3A_261 : i32
    }
    %scan3A_106 = arith.constant 40 : i32
    %barrier3A_107 = arith.constant 0 : index
    tpu.barrier barrier_id(%barrier3A_107)
    %eq3A_108 = arith.constant 0 : i32
    %eq3A_109 = arith.cmpi eq, %arg1, %eq3A_108 : i32
    %convert_element_type3A_110 = arith.extui %eq3A_109 : i1 to i32
    %cond3A_111 = arith.constant 0 : i32
    %cond3A_112 = arith.cmpi ne, %convert_element_type3A_110, %cond3A_111 : i32
    scf.if %cond3A_112 {
      %eq3A_188 = arith.constant 0 : i32
      %eq3A_189 = arith.cmpi eq, %arg0, %eq3A_188 : i32
      %convert_element_type3A_190 = arith.extui %eq3A_189 : i1 to i32
      %cond3A_191 = arith.constant 0 : i32
      %cond3A_192 = arith.cmpi ne, %convert_element_type3A_190, %cond3A_191 : i32
      scf.if %cond3A_192 {
        "tpu.region"() ({
          %run_scoped3A = tpu.sem_alloc : memref<!tpu.dma_semaphore, #tpu.memory_space<semaphore_mem>>
          %dma_start3A_198 = arith.constant 0 : i32
          %dma_start3A_199 = arith.constant 0 : i32
          %dma_start3A_200 = tpu.memref_slice %arg7[%dma_start3A_198, %dma_start3A_199] : memref<10000x144xf32, #tpu.memory_space<hbm>> -> memref<625x144xf32, #tpu.memory_space<hbm>>
          %dma_start3A_201 = arith.constant 0 : i32
          %dma_start3A_202 = arith.constant 0 : i32
          %dma_start3A_203 = tpu.memref_slice %arg18[%dma_start3A_201, %dma_start3A_202] : memref<10000x144xf32, #tpu.memory_space<vmem_shared>> -> memref<625x144xf32, #tpu.memory_space<vmem_shared>>
          tpu.enqueue_dma source(%dma_start3A_203 : memref<625x144xf32, #tpu.memory_space<vmem_shared>>) target(%dma_start3A_200 : memref<625x144xf32, #tpu.memory_space<hbm>>) target_semaphore(%run_scoped3A : memref<!tpu.dma_semaphore, #tpu.memory_space<semaphore_mem>>)
          %dma_wait3A = arith.constant 0 : i32
          %dma_wait3A_204 = arith.constant 0 : i32
          %dma_wait3A_205 = tpu.memref_slice %arg7[%dma_wait3A, %dma_wait3A_204] : memref<10000x144xf32, #tpu.memory_space<hbm>> -> memref<625x144xf32, #tpu.memory_space<hbm>>
          %dma_wait3A_206 = arith.constant 0 : i32
          %dma_wait3A_207 = arith.constant 0 : i32
          %dma_wait3A_208 = tpu.memref_slice %arg18[%dma_wait3A_206, %dma_wait3A_207] : memref<10000x144xf32, #tpu.memory_space<vmem_shared>> -> memref<625x144xf32, #tpu.memory_space<vmem_shared>>
          tpu.wait_dma2 semaphore(%run_scoped3A : memref<!tpu.dma_semaphore, #tpu.memory_space<semaphore_mem>>) src(%dma_wait3A_208 : memref<625x144xf32, #tpu.memory_space<vmem_shared>>) dst(%dma_wait3A_205 : memref<625x144xf32, #tpu.memory_space<hbm>>)
          tpu.yield
        }) : () -> ()
      } else {
      }
      %eq3A_193 = arith.constant 1 : i32
      %eq3A_194 = arith.cmpi eq, %arg0, %eq3A_193 : i32
      %convert_element_type3A_195 = arith.extui %eq3A_194 : i1 to i32
      %cond3A_196 = arith.constant 0 : i32
      %cond3A_197 = arith.cmpi ne, %convert_element_type3A_195, %cond3A_196 : i32
      scf.if %cond3A_197 {
        "tpu.region"() ({
          %run_scoped3A = tpu.sem_alloc : memref<!tpu.dma_semaphore, #tpu.memory_space<semaphore_mem>>
          %dma_start3A_198 = arith.constant 0 : i32
          %dma_start3A_199 = arith.constant 0 : i32
          %dma_start3A_200 = tpu.memref_slice %arg8[%dma_start3A_198, %dma_start3A_199] : memref<10000x144xf32, #tpu.memory_space<hbm>> -> memref<625x144xf32, #tpu.memory_space<hbm>>
          %dma_start3A_201 = arith.constant 0 : i32
          %dma_start3A_202 = arith.constant 0 : i32
          %dma_start3A_203 = tpu.memref_slice %arg18[%dma_start3A_201, %dma_start3A_202] : memref<10000x144xf32, #tpu.memory_space<vmem_shared>> -> memref<625x144xf32, #tpu.memory_space<vmem_shared>>
          tpu.enqueue_dma source(%dma_start3A_203 : memref<625x144xf32, #tpu.memory_space<vmem_shared>>) target(%dma_start3A_200 : memref<625x144xf32, #tpu.memory_space<hbm>>) target_semaphore(%run_scoped3A : memref<!tpu.dma_semaphore, #tpu.memory_space<semaphore_mem>>)
          %dma_wait3A = arith.constant 0 : i32
          %dma_wait3A_204 = arith.constant 0 : i32
          %dma_wait3A_205 = tpu.memref_slice %arg8[%dma_wait3A, %dma_wait3A_204] : memref<10000x144xf32, #tpu.memory_space<hbm>> -> memref<625x144xf32, #tpu.memory_space<hbm>>
          %dma_wait3A_206 = arith.constant 0 : i32
          %dma_wait3A_207 = arith.constant 0 : i32
          %dma_wait3A_208 = tpu.memref_slice %arg18[%dma_wait3A_206, %dma_wait3A_207] : memref<10000x144xf32, #tpu.memory_space<vmem_shared>> -> memref<625x144xf32, #tpu.memory_space<vmem_shared>>
          tpu.wait_dma2 semaphore(%run_scoped3A : memref<!tpu.dma_semaphore, #tpu.memory_space<semaphore_mem>>) src(%dma_wait3A_208 : memref<625x144xf32, #tpu.memory_space<vmem_shared>>) dst(%dma_wait3A_205 : memref<625x144xf32, #tpu.memory_space<hbm>>)
          tpu.yield
        }) : () -> ()
      } else {
      }
    } else {
    }
    %eq3A_113 = arith.constant 1 : i32
    %eq3A_114 = arith.cmpi eq, %arg1, %eq3A_113 : i32
    %convert_element_type3A_115 = arith.extui %eq3A_114 : i1 to i32
    %cond3A_116 = arith.constant 0 : i32
    %cond3A_117 = arith.cmpi ne, %convert_element_type3A_115, %cond3A_116 : i32
    scf.if %cond3A_117 {
      %eq3A_188 = arith.constant 0 : i32
      %eq3A_189 = arith.cmpi eq, %arg0, %eq3A_188 : i32
      %convert_element_type3A_190 = arith.extui %eq3A_189 : i1 to i32
      %cond3A_191 = arith.constant 0 : i32
      %cond3A_192 = arith.cmpi ne, %convert_element_type3A_190, %cond3A_191 : i32
      scf.if %cond3A_192 {
        "tpu.region"() ({
          %run_scoped3A = tpu.sem_alloc : memref<!tpu.dma_semaphore, #tpu.memory_space<semaphore_mem>>
          %dma_start3A_198 = arith.constant 625 : i32
          %dma_start3A_199 = arith.constant 0 : i32
          %dma_start3A_200 = tpu.memref_slice %arg7[%dma_start3A_198, %dma_start3A_199] : memref<10000x144xf32, #tpu.memory_space<hbm>> -> memref<625x144xf32, #tpu.memory_space<hbm>>
          %dma_start3A_201 = arith.constant 625 : i32
          %dma_start3A_202 = arith.constant 0 : i32
          %dma_start3A_203 = tpu.memref_slice %arg18[%dma_start3A_201, %dma_start3A_202] : memref<10000x144xf32, #tpu.memory_space<vmem_shared>> -> memref<625x144xf32, #tpu.memory_space<vmem_shared>>
          tpu.enqueue_dma source(%dma_start3A_203 : memref<625x144xf32, #tpu.memory_space<vmem_shared>>) target(%dma_start3A_200 : memref<625x144xf32, #tpu.memory_space<hbm>>) target_semaphore(%run_scoped3A : memref<!tpu.dma_semaphore, #tpu.memory_space<semaphore_mem>>)
          %dma_wait3A = arith.constant 625 : i32
          %dma_wait3A_204 = arith.constant 0 : i32
          %dma_wait3A_205 = tpu.memref_slice %arg7[%dma_wait3A, %dma_wait3A_204] : memref<10000x144xf32, #tpu.memory_space<hbm>> -> memref<625x144xf32, #tpu.memory_space<hbm>>
          %dma_wait3A_206 = arith.constant 625 : i32
          %dma_wait3A_207 = arith.constant 0 : i32
          %dma_wait3A_208 = tpu.memref_slice %arg18[%dma_wait3A_206, %dma_wait3A_207] : memref<10000x144xf32, #tpu.memory_space<vmem_shared>> -> memref<625x144xf32, #tpu.memory_space<vmem_shared>>
          tpu.wait_dma2 semaphore(%run_scoped3A : memref<!tpu.dma_semaphore, #tpu.memory_space<semaphore_mem>>) src(%dma_wait3A_208 : memref<625x144xf32, #tpu.memory_space<vmem_shared>>) dst(%dma_wait3A_205 : memref<625x144xf32, #tpu.memory_space<hbm>>)
          tpu.yield
        }) : () -> ()
      } else {
      }
      %eq3A_193 = arith.constant 1 : i32
      %eq3A_194 = arith.cmpi eq, %arg0, %eq3A_193 : i32
      %convert_element_type3A_195 = arith.extui %eq3A_194 : i1 to i32
      %cond3A_196 = arith.constant 0 : i32
      %cond3A_197 = arith.cmpi ne, %convert_element_type3A_195, %cond3A_196 : i32
      scf.if %cond3A_197 {
        "tpu.region"() ({
          %run_scoped3A = tpu.sem_alloc : memref<!tpu.dma_semaphore, #tpu.memory_space<semaphore_mem>>
          %dma_start3A_198 = arith.constant 625 : i32
          %dma_start3A_199 = arith.constant 0 : i32
          %dma_start3A_200 = tpu.memref_slice %arg8[%dma_start3A_198, %dma_start3A_199] : memref<10000x144xf32, #tpu.memory_space<hbm>> -> memref<625x144xf32, #tpu.memory_space<hbm>>
          %dma_start3A_201 = arith.constant 625 : i32
          %dma_start3A_202 = arith.constant 0 : i32
          %dma_start3A_203 = tpu.memref_slice %arg18[%dma_start3A_201, %dma_start3A_202] : memref<10000x144xf32, #tpu.memory_space<vmem_shared>> -> memref<625x144xf32, #tpu.memory_space<vmem_shared>>
          tpu.enqueue_dma source(%dma_start3A_203 : memref<625x144xf32, #tpu.memory_space<vmem_shared>>) target(%dma_start3A_200 : memref<625x144xf32, #tpu.memory_space<hbm>>) target_semaphore(%run_scoped3A : memref<!tpu.dma_semaphore, #tpu.memory_space<semaphore_mem>>)
          %dma_wait3A = arith.constant 625 : i32
          %dma_wait3A_204 = arith.constant 0 : i32
          %dma_wait3A_205 = tpu.memref_slice %arg8[%dma_wait3A, %dma_wait3A_204] : memref<10000x144xf32, #tpu.memory_space<hbm>> -> memref<625x144xf32, #tpu.memory_space<hbm>>
          %dma_wait3A_206 = arith.constant 625 : i32
          %dma_wait3A_207 = arith.constant 0 : i32
          %dma_wait3A_208 = tpu.memref_slice %arg18[%dma_wait3A_206, %dma_wait3A_207] : memref<10000x144xf32, #tpu.memory_space<vmem_shared>> -> memref<625x144xf32, #tpu.memory_space<vmem_shared>>
          tpu.wait_dma2 semaphore(%run_scoped3A : memref<!tpu.dma_semaphore, #tpu.memory_space<semaphore_mem>>) src(%dma_wait3A_208 : memref<625x144xf32, #tpu.memory_space<vmem_shared>>) dst(%dma_wait3A_205 : memref<625x144xf32, #tpu.memory_space<hbm>>)
          tpu.yield
        }) : () -> ()
      } else {
      }
    } else {
    }
    %eq3A_118 = arith.constant 2 : i32
    %eq3A_119 = arith.cmpi eq, %arg1, %eq3A_118 : i32
    %convert_element_type3A_120 = arith.extui %eq3A_119 : i1 to i32
    %cond3A_121 = arith.constant 0 : i32
    %cond3A_122 = arith.cmpi ne, %convert_element_type3A_120, %cond3A_121 : i32
    scf.if %cond3A_122 {
      %eq3A_188 = arith.constant 0 : i32
      %eq3A_189 = arith.cmpi eq, %arg0, %eq3A_188 : i32
      %convert_element_type3A_190 = arith.extui %eq3A_189 : i1 to i32
      %cond3A_191 = arith.constant 0 : i32
      %cond3A_192 = arith.cmpi ne, %convert_element_type3A_190, %cond3A_191 : i32
      scf.if %cond3A_192 {
        "tpu.region"() ({
          %run_scoped3A = tpu.sem_alloc : memref<!tpu.dma_semaphore, #tpu.memory_space<semaphore_mem>>
          %dma_start3A_198 = arith.constant 1250 : i32
          %dma_start3A_199 = arith.constant 0 : i32
          %dma_start3A_200 = tpu.memref_slice %arg7[%dma_start3A_198, %dma_start3A_199] : memref<10000x144xf32, #tpu.memory_space<hbm>> -> memref<625x144xf32, #tpu.memory_space<hbm>>
          %dma_start3A_201 = arith.constant 1250 : i32
          %dma_start3A_202 = arith.constant 0 : i32
          %dma_start3A_203 = tpu.memref_slice %arg18[%dma_start3A_201, %dma_start3A_202] : memref<10000x144xf32, #tpu.memory_space<vmem_shared>> -> memref<625x144xf32, #tpu.memory_space<vmem_shared>>
          tpu.enqueue_dma source(%dma_start3A_203 : memref<625x144xf32, #tpu.memory_space<vmem_shared>>) target(%dma_start3A_200 : memref<625x144xf32, #tpu.memory_space<hbm>>) target_semaphore(%run_scoped3A : memref<!tpu.dma_semaphore, #tpu.memory_space<semaphore_mem>>)
          %dma_wait3A = arith.constant 1250 : i32
          %dma_wait3A_204 = arith.constant 0 : i32
          %dma_wait3A_205 = tpu.memref_slice %arg7[%dma_wait3A, %dma_wait3A_204] : memref<10000x144xf32, #tpu.memory_space<hbm>> -> memref<625x144xf32, #tpu.memory_space<hbm>>
          %dma_wait3A_206 = arith.constant 1250 : i32
          %dma_wait3A_207 = arith.constant 0 : i32
          %dma_wait3A_208 = tpu.memref_slice %arg18[%dma_wait3A_206, %dma_wait3A_207] : memref<10000x144xf32, #tpu.memory_space<vmem_shared>> -> memref<625x144xf32, #tpu.memory_space<vmem_shared>>
          tpu.wait_dma2 semaphore(%run_scoped3A : memref<!tpu.dma_semaphore, #tpu.memory_space<semaphore_mem>>) src(%dma_wait3A_208 : memref<625x144xf32, #tpu.memory_space<vmem_shared>>) dst(%dma_wait3A_205 : memref<625x144xf32, #tpu.memory_space<hbm>>)
          tpu.yield
        }) : () -> ()
      } else {
      }
      %eq3A_193 = arith.constant 1 : i32
      %eq3A_194 = arith.cmpi eq, %arg0, %eq3A_193 : i32
      %convert_element_type3A_195 = arith.extui %eq3A_194 : i1 to i32
      %cond3A_196 = arith.constant 0 : i32
      %cond3A_197 = arith.cmpi ne, %convert_element_type3A_195, %cond3A_196 : i32
      scf.if %cond3A_197 {
        "tpu.region"() ({
          %run_scoped3A = tpu.sem_alloc : memref<!tpu.dma_semaphore, #tpu.memory_space<semaphore_mem>>
          %dma_start3A_198 = arith.constant 1250 : i32
          %dma_start3A_199 = arith.constant 0 : i32
          %dma_start3A_200 = tpu.memref_slice %arg8[%dma_start3A_198, %dma_start3A_199] : memref<10000x144xf32, #tpu.memory_space<hbm>> -> memref<625x144xf32, #tpu.memory_space<hbm>>
          %dma_start3A_201 = arith.constant 1250 : i32
          %dma_start3A_202 = arith.constant 0 : i32
          %dma_start3A_203 = tpu.memref_slice %arg18[%dma_start3A_201, %dma_start3A_202] : memref<10000x144xf32, #tpu.memory_space<vmem_shared>> -> memref<625x144xf32, #tpu.memory_space<vmem_shared>>
          tpu.enqueue_dma source(%dma_start3A_203 : memref<625x144xf32, #tpu.memory_space<vmem_shared>>) target(%dma_start3A_200 : memref<625x144xf32, #tpu.memory_space<hbm>>) target_semaphore(%run_scoped3A : memref<!tpu.dma_semaphore, #tpu.memory_space<semaphore_mem>>)
          %dma_wait3A = arith.constant 1250 : i32
          %dma_wait3A_204 = arith.constant 0 : i32
          %dma_wait3A_205 = tpu.memref_slice %arg8[%dma_wait3A, %dma_wait3A_204] : memref<10000x144xf32, #tpu.memory_space<hbm>> -> memref<625x144xf32, #tpu.memory_space<hbm>>
          %dma_wait3A_206 = arith.constant 1250 : i32
          %dma_wait3A_207 = arith.constant 0 : i32
          %dma_wait3A_208 = tpu.memref_slice %arg18[%dma_wait3A_206, %dma_wait3A_207] : memref<10000x144xf32, #tpu.memory_space<vmem_shared>> -> memref<625x144xf32, #tpu.memory_space<vmem_shared>>
          tpu.wait_dma2 semaphore(%run_scoped3A : memref<!tpu.dma_semaphore, #tpu.memory_space<semaphore_mem>>) src(%dma_wait3A_208 : memref<625x144xf32, #tpu.memory_space<vmem_shared>>) dst(%dma_wait3A_205 : memref<625x144xf32, #tpu.memory_space<hbm>>)
          tpu.yield
        }) : () -> ()
      } else {
      }
    } else {
    }
    %eq3A_123 = arith.constant 3 : i32
    %eq3A_124 = arith.cmpi eq, %arg1, %eq3A_123 : i32
    %convert_element_type3A_125 = arith.extui %eq3A_124 : i1 to i32
    %cond3A_126 = arith.constant 0 : i32
    %cond3A_127 = arith.cmpi ne, %convert_element_type3A_125, %cond3A_126 : i32
    scf.if %cond3A_127 {
      %eq3A_188 = arith.constant 0 : i32
      %eq3A_189 = arith.cmpi eq, %arg0, %eq3A_188 : i32
      %convert_element_type3A_190 = arith.extui %eq3A_189 : i1 to i32
      %cond3A_191 = arith.constant 0 : i32
      %cond3A_192 = arith.cmpi ne, %convert_element_type3A_190, %cond3A_191 : i32
      scf.if %cond3A_192 {
        "tpu.region"() ({
          %run_scoped3A = tpu.sem_alloc : memref<!tpu.dma_semaphore, #tpu.memory_space<semaphore_mem>>
          %dma_start3A_198 = arith.constant 1875 : i32
          %dma_start3A_199 = arith.constant 0 : i32
          %dma_start3A_200 = tpu.memref_slice %arg7[%dma_start3A_198, %dma_start3A_199] : memref<10000x144xf32, #tpu.memory_space<hbm>> -> memref<625x144xf32, #tpu.memory_space<hbm>>
          %dma_start3A_201 = arith.constant 1875 : i32
          %dma_start3A_202 = arith.constant 0 : i32
          %dma_start3A_203 = tpu.memref_slice %arg18[%dma_start3A_201, %dma_start3A_202] : memref<10000x144xf32, #tpu.memory_space<vmem_shared>> -> memref<625x144xf32, #tpu.memory_space<vmem_shared>>
          tpu.enqueue_dma source(%dma_start3A_203 : memref<625x144xf32, #tpu.memory_space<vmem_shared>>) target(%dma_start3A_200 : memref<625x144xf32, #tpu.memory_space<hbm>>) target_semaphore(%run_scoped3A : memref<!tpu.dma_semaphore, #tpu.memory_space<semaphore_mem>>)
          %dma_wait3A = arith.constant 1875 : i32
          %dma_wait3A_204 = arith.constant 0 : i32
          %dma_wait3A_205 = tpu.memref_slice %arg7[%dma_wait3A, %dma_wait3A_204] : memref<10000x144xf32, #tpu.memory_space<hbm>> -> memref<625x144xf32, #tpu.memory_space<hbm>>
          %dma_wait3A_206 = arith.constant 1875 : i32
          %dma_wait3A_207 = arith.constant 0 : i32
          %dma_wait3A_208 = tpu.memref_slice %arg18[%dma_wait3A_206, %dma_wait3A_207] : memref<10000x144xf32, #tpu.memory_space<vmem_shared>> -> memref<625x144xf32, #tpu.memory_space<vmem_shared>>
          tpu.wait_dma2 semaphore(%run_scoped3A : memref<!tpu.dma_semaphore, #tpu.memory_space<semaphore_mem>>) src(%dma_wait3A_208 : memref<625x144xf32, #tpu.memory_space<vmem_shared>>) dst(%dma_wait3A_205 : memref<625x144xf32, #tpu.memory_space<hbm>>)
          tpu.yield
        }) : () -> ()
      } else {
      }
      %eq3A_193 = arith.constant 1 : i32
      %eq3A_194 = arith.cmpi eq, %arg0, %eq3A_193 : i32
      %convert_element_type3A_195 = arith.extui %eq3A_194 : i1 to i32
      %cond3A_196 = arith.constant 0 : i32
      %cond3A_197 = arith.cmpi ne, %convert_element_type3A_195, %cond3A_196 : i32
      scf.if %cond3A_197 {
        "tpu.region"() ({
          %run_scoped3A = tpu.sem_alloc : memref<!tpu.dma_semaphore, #tpu.memory_space<semaphore_mem>>
          %dma_start3A_198 = arith.constant 1875 : i32
          %dma_start3A_199 = arith.constant 0 : i32
          %dma_start3A_200 = tpu.memref_slice %arg8[%dma_start3A_198, %dma_start3A_199] : memref<10000x144xf32, #tpu.memory_space<hbm>> -> memref<625x144xf32, #tpu.memory_space<hbm>>
          %dma_start3A_201 = arith.constant 1875 : i32
          %dma_start3A_202 = arith.constant 0 : i32
          %dma_start3A_203 = tpu.memref_slice %arg18[%dma_start3A_201, %dma_start3A_202] : memref<10000x144xf32, #tpu.memory_space<vmem_shared>> -> memref<625x144xf32, #tpu.memory_space<vmem_shared>>
          tpu.enqueue_dma source(%dma_start3A_203 : memref<625x144xf32, #tpu.memory_space<vmem_shared>>) target(%dma_start3A_200 : memref<625x144xf32, #tpu.memory_space<hbm>>) target_semaphore(%run_scoped3A : memref<!tpu.dma_semaphore, #tpu.memory_space<semaphore_mem>>)
          %dma_wait3A = arith.constant 1875 : i32
          %dma_wait3A_204 = arith.constant 0 : i32
          %dma_wait3A_205 = tpu.memref_slice %arg8[%dma_wait3A, %dma_wait3A_204] : memref<10000x144xf32, #tpu.memory_space<hbm>> -> memref<625x144xf32, #tpu.memory_space<hbm>>
          %dma_wait3A_206 = arith.constant 1875 : i32
          %dma_wait3A_207 = arith.constant 0 : i32
          %dma_wait3A_208 = tpu.memref_slice %arg18[%dma_wait3A_206, %dma_wait3A_207] : memref<10000x144xf32, #tpu.memory_space<vmem_shared>> -> memref<625x144xf32, #tpu.memory_space<vmem_shared>>
          tpu.wait_dma2 semaphore(%run_scoped3A : memref<!tpu.dma_semaphore, #tpu.memory_space<semaphore_mem>>) src(%dma_wait3A_208 : memref<625x144xf32, #tpu.memory_space<vmem_shared>>) dst(%dma_wait3A_205 : memref<625x144xf32, #tpu.memory_space<hbm>>)
          tpu.yield
        }) : () -> ()
      } else {
      }
    } else {
    }
    %eq3A_128 = arith.constant 4 : i32
    %eq3A_129 = arith.cmpi eq, %arg1, %eq3A_128 : i32
    %convert_element_type3A_130 = arith.extui %eq3A_129 : i1 to i32
    %cond3A_131 = arith.constant 0 : i32
    %cond3A_132 = arith.cmpi ne, %convert_element_type3A_130, %cond3A_131 : i32
    scf.if %cond3A_132 {
      %eq3A_188 = arith.constant 0 : i32
      %eq3A_189 = arith.cmpi eq, %arg0, %eq3A_188 : i32
      %convert_element_type3A_190 = arith.extui %eq3A_189 : i1 to i32
      %cond3A_191 = arith.constant 0 : i32
      %cond3A_192 = arith.cmpi ne, %convert_element_type3A_190, %cond3A_191 : i32
      scf.if %cond3A_192 {
        "tpu.region"() ({
          %run_scoped3A = tpu.sem_alloc : memref<!tpu.dma_semaphore, #tpu.memory_space<semaphore_mem>>
          %dma_start3A_198 = arith.constant 2500 : i32
          %dma_start3A_199 = arith.constant 0 : i32
          %dma_start3A_200 = tpu.memref_slice %arg7[%dma_start3A_198, %dma_start3A_199] : memref<10000x144xf32, #tpu.memory_space<hbm>> -> memref<625x144xf32, #tpu.memory_space<hbm>>
          %dma_start3A_201 = arith.constant 2500 : i32
          %dma_start3A_202 = arith.constant 0 : i32
          %dma_start3A_203 = tpu.memref_slice %arg18[%dma_start3A_201, %dma_start3A_202] : memref<10000x144xf32, #tpu.memory_space<vmem_shared>> -> memref<625x144xf32, #tpu.memory_space<vmem_shared>>
          tpu.enqueue_dma source(%dma_start3A_203 : memref<625x144xf32, #tpu.memory_space<vmem_shared>>) target(%dma_start3A_200 : memref<625x144xf32, #tpu.memory_space<hbm>>) target_semaphore(%run_scoped3A : memref<!tpu.dma_semaphore, #tpu.memory_space<semaphore_mem>>)
          %dma_wait3A = arith.constant 2500 : i32
          %dma_wait3A_204 = arith.constant 0 : i32
          %dma_wait3A_205 = tpu.memref_slice %arg7[%dma_wait3A, %dma_wait3A_204] : memref<10000x144xf32, #tpu.memory_space<hbm>> -> memref<625x144xf32, #tpu.memory_space<hbm>>
          %dma_wait3A_206 = arith.constant 2500 : i32
          %dma_wait3A_207 = arith.constant 0 : i32
          %dma_wait3A_208 = tpu.memref_slice %arg18[%dma_wait3A_206, %dma_wait3A_207] : memref<10000x144xf32, #tpu.memory_space<vmem_shared>> -> memref<625x144xf32, #tpu.memory_space<vmem_shared>>
          tpu.wait_dma2 semaphore(%run_scoped3A : memref<!tpu.dma_semaphore, #tpu.memory_space<semaphore_mem>>) src(%dma_wait3A_208 : memref<625x144xf32, #tpu.memory_space<vmem_shared>>) dst(%dma_wait3A_205 : memref<625x144xf32, #tpu.memory_space<hbm>>)
          tpu.yield
        }) : () -> ()
      } else {
      }
      %eq3A_193 = arith.constant 1 : i32
      %eq3A_194 = arith.cmpi eq, %arg0, %eq3A_193 : i32
      %convert_element_type3A_195 = arith.extui %eq3A_194 : i1 to i32
      %cond3A_196 = arith.constant 0 : i32
      %cond3A_197 = arith.cmpi ne, %convert_element_type3A_195, %cond3A_196 : i32
      scf.if %cond3A_197 {
        "tpu.region"() ({
          %run_scoped3A = tpu.sem_alloc : memref<!tpu.dma_semaphore, #tpu.memory_space<semaphore_mem>>
          %dma_start3A_198 = arith.constant 2500 : i32
          %dma_start3A_199 = arith.constant 0 : i32
          %dma_start3A_200 = tpu.memref_slice %arg8[%dma_start3A_198, %dma_start3A_199] : memref<10000x144xf32, #tpu.memory_space<hbm>> -> memref<625x144xf32, #tpu.memory_space<hbm>>
          %dma_start3A_201 = arith.constant 2500 : i32
          %dma_start3A_202 = arith.constant 0 : i32
          %dma_start3A_203 = tpu.memref_slice %arg18[%dma_start3A_201, %dma_start3A_202] : memref<10000x144xf32, #tpu.memory_space<vmem_shared>> -> memref<625x144xf32, #tpu.memory_space<vmem_shared>>
          tpu.enqueue_dma source(%dma_start3A_203 : memref<625x144xf32, #tpu.memory_space<vmem_shared>>) target(%dma_start3A_200 : memref<625x144xf32, #tpu.memory_space<hbm>>) target_semaphore(%run_scoped3A : memref<!tpu.dma_semaphore, #tpu.memory_space<semaphore_mem>>)
          %dma_wait3A = arith.constant 2500 : i32
          %dma_wait3A_204 = arith.constant 0 : i32
          %dma_wait3A_205 = tpu.memref_slice %arg8[%dma_wait3A, %dma_wait3A_204] : memref<10000x144xf32, #tpu.memory_space<hbm>> -> memref<625x144xf32, #tpu.memory_space<hbm>>
          %dma_wait3A_206 = arith.constant 2500 : i32
          %dma_wait3A_207 = arith.constant 0 : i32
          %dma_wait3A_208 = tpu.memref_slice %arg18[%dma_wait3A_206, %dma_wait3A_207] : memref<10000x144xf32, #tpu.memory_space<vmem_shared>> -> memref<625x144xf32, #tpu.memory_space<vmem_shared>>
          tpu.wait_dma2 semaphore(%run_scoped3A : memref<!tpu.dma_semaphore, #tpu.memory_space<semaphore_mem>>) src(%dma_wait3A_208 : memref<625x144xf32, #tpu.memory_space<vmem_shared>>) dst(%dma_wait3A_205 : memref<625x144xf32, #tpu.memory_space<hbm>>)
          tpu.yield
        }) : () -> ()
      } else {
      }
    } else {
    }
    %eq3A_133 = arith.constant 5 : i32
    %eq3A_134 = arith.cmpi eq, %arg1, %eq3A_133 : i32
    %convert_element_type3A_135 = arith.extui %eq3A_134 : i1 to i32
    %cond3A_136 = arith.constant 0 : i32
    %cond3A_137 = arith.cmpi ne, %convert_element_type3A_135, %cond3A_136 : i32
    scf.if %cond3A_137 {
      %eq3A_188 = arith.constant 0 : i32
      %eq3A_189 = arith.cmpi eq, %arg0, %eq3A_188 : i32
      %convert_element_type3A_190 = arith.extui %eq3A_189 : i1 to i32
      %cond3A_191 = arith.constant 0 : i32
      %cond3A_192 = arith.cmpi ne, %convert_element_type3A_190, %cond3A_191 : i32
      scf.if %cond3A_192 {
        "tpu.region"() ({
          %run_scoped3A = tpu.sem_alloc : memref<!tpu.dma_semaphore, #tpu.memory_space<semaphore_mem>>
          %dma_start3A_198 = arith.constant 3125 : i32
          %dma_start3A_199 = arith.constant 0 : i32
          %dma_start3A_200 = tpu.memref_slice %arg7[%dma_start3A_198, %dma_start3A_199] : memref<10000x144xf32, #tpu.memory_space<hbm>> -> memref<625x144xf32, #tpu.memory_space<hbm>>
          %dma_start3A_201 = arith.constant 3125 : i32
          %dma_start3A_202 = arith.constant 0 : i32
          %dma_start3A_203 = tpu.memref_slice %arg18[%dma_start3A_201, %dma_start3A_202] : memref<10000x144xf32, #tpu.memory_space<vmem_shared>> -> memref<625x144xf32, #tpu.memory_space<vmem_shared>>
          tpu.enqueue_dma source(%dma_start3A_203 : memref<625x144xf32, #tpu.memory_space<vmem_shared>>) target(%dma_start3A_200 : memref<625x144xf32, #tpu.memory_space<hbm>>) target_semaphore(%run_scoped3A : memref<!tpu.dma_semaphore, #tpu.memory_space<semaphore_mem>>)
          %dma_wait3A = arith.constant 3125 : i32
          %dma_wait3A_204 = arith.constant 0 : i32
          %dma_wait3A_205 = tpu.memref_slice %arg7[%dma_wait3A, %dma_wait3A_204] : memref<10000x144xf32, #tpu.memory_space<hbm>> -> memref<625x144xf32, #tpu.memory_space<hbm>>
          %dma_wait3A_206 = arith.constant 3125 : i32
          %dma_wait3A_207 = arith.constant 0 : i32
          %dma_wait3A_208 = tpu.memref_slice %arg18[%dma_wait3A_206, %dma_wait3A_207] : memref<10000x144xf32, #tpu.memory_space<vmem_shared>> -> memref<625x144xf32, #tpu.memory_space<vmem_shared>>
          tpu.wait_dma2 semaphore(%run_scoped3A : memref<!tpu.dma_semaphore, #tpu.memory_space<semaphore_mem>>) src(%dma_wait3A_208 : memref<625x144xf32, #tpu.memory_space<vmem_shared>>) dst(%dma_wait3A_205 : memref<625x144xf32, #tpu.memory_space<hbm>>)
          tpu.yield
        }) : () -> ()
      } else {
      }
      %eq3A_193 = arith.constant 1 : i32
      %eq3A_194 = arith.cmpi eq, %arg0, %eq3A_193 : i32
      %convert_element_type3A_195 = arith.extui %eq3A_194 : i1 to i32
      %cond3A_196 = arith.constant 0 : i32
      %cond3A_197 = arith.cmpi ne, %convert_element_type3A_195, %cond3A_196 : i32
      scf.if %cond3A_197 {
        "tpu.region"() ({
          %run_scoped3A = tpu.sem_alloc : memref<!tpu.dma_semaphore, #tpu.memory_space<semaphore_mem>>
          %dma_start3A_198 = arith.constant 3125 : i32
          %dma_start3A_199 = arith.constant 0 : i32
          %dma_start3A_200 = tpu.memref_slice %arg8[%dma_start3A_198, %dma_start3A_199] : memref<10000x144xf32, #tpu.memory_space<hbm>> -> memref<625x144xf32, #tpu.memory_space<hbm>>
          %dma_start3A_201 = arith.constant 3125 : i32
          %dma_start3A_202 = arith.constant 0 : i32
          %dma_start3A_203 = tpu.memref_slice %arg18[%dma_start3A_201, %dma_start3A_202] : memref<10000x144xf32, #tpu.memory_space<vmem_shared>> -> memref<625x144xf32, #tpu.memory_space<vmem_shared>>
          tpu.enqueue_dma source(%dma_start3A_203 : memref<625x144xf32, #tpu.memory_space<vmem_shared>>) target(%dma_start3A_200 : memref<625x144xf32, #tpu.memory_space<hbm>>) target_semaphore(%run_scoped3A : memref<!tpu.dma_semaphore, #tpu.memory_space<semaphore_mem>>)
          %dma_wait3A = arith.constant 3125 : i32
          %dma_wait3A_204 = arith.constant 0 : i32
          %dma_wait3A_205 = tpu.memref_slice %arg8[%dma_wait3A, %dma_wait3A_204] : memref<10000x144xf32, #tpu.memory_space<hbm>> -> memref<625x144xf32, #tpu.memory_space<hbm>>
          %dma_wait3A_206 = arith.constant 3125 : i32
          %dma_wait3A_207 = arith.constant 0 : i32
          %dma_wait3A_208 = tpu.memref_slice %arg18[%dma_wait3A_206, %dma_wait3A_207] : memref<10000x144xf32, #tpu.memory_space<vmem_shared>> -> memref<625x144xf32, #tpu.memory_space<vmem_shared>>
          tpu.wait_dma2 semaphore(%run_scoped3A : memref<!tpu.dma_semaphore, #tpu.memory_space<semaphore_mem>>) src(%dma_wait3A_208 : memref<625x144xf32, #tpu.memory_space<vmem_shared>>) dst(%dma_wait3A_205 : memref<625x144xf32, #tpu.memory_space<hbm>>)
          tpu.yield
        }) : () -> ()
      } else {
      }
    } else {
    }
    %eq3A_138 = arith.constant 6 : i32
    %eq3A_139 = arith.cmpi eq, %arg1, %eq3A_138 : i32
    %convert_element_type3A_140 = arith.extui %eq3A_139 : i1 to i32
    %cond3A_141 = arith.constant 0 : i32
    %cond3A_142 = arith.cmpi ne, %convert_element_type3A_140, %cond3A_141 : i32
    scf.if %cond3A_142 {
      %eq3A_188 = arith.constant 0 : i32
      %eq3A_189 = arith.cmpi eq, %arg0, %eq3A_188 : i32
      %convert_element_type3A_190 = arith.extui %eq3A_189 : i1 to i32
      %cond3A_191 = arith.constant 0 : i32
      %cond3A_192 = arith.cmpi ne, %convert_element_type3A_190, %cond3A_191 : i32
      scf.if %cond3A_192 {
        "tpu.region"() ({
          %run_scoped3A = tpu.sem_alloc : memref<!tpu.dma_semaphore, #tpu.memory_space<semaphore_mem>>
          %dma_start3A_198 = arith.constant 3750 : i32
          %dma_start3A_199 = arith.constant 0 : i32
          %dma_start3A_200 = tpu.memref_slice %arg7[%dma_start3A_198, %dma_start3A_199] : memref<10000x144xf32, #tpu.memory_space<hbm>> -> memref<625x144xf32, #tpu.memory_space<hbm>>
          %dma_start3A_201 = arith.constant 3750 : i32
          %dma_start3A_202 = arith.constant 0 : i32
          %dma_start3A_203 = tpu.memref_slice %arg18[%dma_start3A_201, %dma_start3A_202] : memref<10000x144xf32, #tpu.memory_space<vmem_shared>> -> memref<625x144xf32, #tpu.memory_space<vmem_shared>>
          tpu.enqueue_dma source(%dma_start3A_203 : memref<625x144xf32, #tpu.memory_space<vmem_shared>>) target(%dma_start3A_200 : memref<625x144xf32, #tpu.memory_space<hbm>>) target_semaphore(%run_scoped3A : memref<!tpu.dma_semaphore, #tpu.memory_space<semaphore_mem>>)
          %dma_wait3A = arith.constant 3750 : i32
          %dma_wait3A_204 = arith.constant 0 : i32
          %dma_wait3A_205 = tpu.memref_slice %arg7[%dma_wait3A, %dma_wait3A_204] : memref<10000x144xf32, #tpu.memory_space<hbm>> -> memref<625x144xf32, #tpu.memory_space<hbm>>
          %dma_wait3A_206 = arith.constant 3750 : i32
          %dma_wait3A_207 = arith.constant 0 : i32
          %dma_wait3A_208 = tpu.memref_slice %arg18[%dma_wait3A_206, %dma_wait3A_207] : memref<10000x144xf32, #tpu.memory_space<vmem_shared>> -> memref<625x144xf32, #tpu.memory_space<vmem_shared>>
          tpu.wait_dma2 semaphore(%run_scoped3A : memref<!tpu.dma_semaphore, #tpu.memory_space<semaphore_mem>>) src(%dma_wait3A_208 : memref<625x144xf32, #tpu.memory_space<vmem_shared>>) dst(%dma_wait3A_205 : memref<625x144xf32, #tpu.memory_space<hbm>>)
          tpu.yield
        }) : () -> ()
      } else {
      }
      %eq3A_193 = arith.constant 1 : i32
      %eq3A_194 = arith.cmpi eq, %arg0, %eq3A_193 : i32
      %convert_element_type3A_195 = arith.extui %eq3A_194 : i1 to i32
      %cond3A_196 = arith.constant 0 : i32
      %cond3A_197 = arith.cmpi ne, %convert_element_type3A_195, %cond3A_196 : i32
      scf.if %cond3A_197 {
        "tpu.region"() ({
          %run_scoped3A = tpu.sem_alloc : memref<!tpu.dma_semaphore, #tpu.memory_space<semaphore_mem>>
          %dma_start3A_198 = arith.constant 3750 : i32
          %dma_start3A_199 = arith.constant 0 : i32
          %dma_start3A_200 = tpu.memref_slice %arg8[%dma_start3A_198, %dma_start3A_199] : memref<10000x144xf32, #tpu.memory_space<hbm>> -> memref<625x144xf32, #tpu.memory_space<hbm>>
          %dma_start3A_201 = arith.constant 3750 : i32
          %dma_start3A_202 = arith.constant 0 : i32
          %dma_start3A_203 = tpu.memref_slice %arg18[%dma_start3A_201, %dma_start3A_202] : memref<10000x144xf32, #tpu.memory_space<vmem_shared>> -> memref<625x144xf32, #tpu.memory_space<vmem_shared>>
          tpu.enqueue_dma source(%dma_start3A_203 : memref<625x144xf32, #tpu.memory_space<vmem_shared>>) target(%dma_start3A_200 : memref<625x144xf32, #tpu.memory_space<hbm>>) target_semaphore(%run_scoped3A : memref<!tpu.dma_semaphore, #tpu.memory_space<semaphore_mem>>)
          %dma_wait3A = arith.constant 3750 : i32
          %dma_wait3A_204 = arith.constant 0 : i32
          %dma_wait3A_205 = tpu.memref_slice %arg8[%dma_wait3A, %dma_wait3A_204] : memref<10000x144xf32, #tpu.memory_space<hbm>> -> memref<625x144xf32, #tpu.memory_space<hbm>>
          %dma_wait3A_206 = arith.constant 3750 : i32
          %dma_wait3A_207 = arith.constant 0 : i32
          %dma_wait3A_208 = tpu.memref_slice %arg18[%dma_wait3A_206, %dma_wait3A_207] : memref<10000x144xf32, #tpu.memory_space<vmem_shared>> -> memref<625x144xf32, #tpu.memory_space<vmem_shared>>
          tpu.wait_dma2 semaphore(%run_scoped3A : memref<!tpu.dma_semaphore, #tpu.memory_space<semaphore_mem>>) src(%dma_wait3A_208 : memref<625x144xf32, #tpu.memory_space<vmem_shared>>) dst(%dma_wait3A_205 : memref<625x144xf32, #tpu.memory_space<hbm>>)
          tpu.yield
        }) : () -> ()
      } else {
      }
    } else {
    }
    %eq3A_143 = arith.constant 7 : i32
    %eq3A_144 = arith.cmpi eq, %arg1, %eq3A_143 : i32
    %convert_element_type3A_145 = arith.extui %eq3A_144 : i1 to i32
    %cond3A_146 = arith.constant 0 : i32
    %cond3A_147 = arith.cmpi ne, %convert_element_type3A_145, %cond3A_146 : i32
    scf.if %cond3A_147 {
      %eq3A_188 = arith.constant 0 : i32
      %eq3A_189 = arith.cmpi eq, %arg0, %eq3A_188 : i32
      %convert_element_type3A_190 = arith.extui %eq3A_189 : i1 to i32
      %cond3A_191 = arith.constant 0 : i32
      %cond3A_192 = arith.cmpi ne, %convert_element_type3A_190, %cond3A_191 : i32
      scf.if %cond3A_192 {
        "tpu.region"() ({
          %run_scoped3A = tpu.sem_alloc : memref<!tpu.dma_semaphore, #tpu.memory_space<semaphore_mem>>
          %dma_start3A_198 = arith.constant 4375 : i32
          %dma_start3A_199 = arith.constant 0 : i32
          %dma_start3A_200 = tpu.memref_slice %arg7[%dma_start3A_198, %dma_start3A_199] : memref<10000x144xf32, #tpu.memory_space<hbm>> -> memref<625x144xf32, #tpu.memory_space<hbm>>
          %dma_start3A_201 = arith.constant 4375 : i32
          %dma_start3A_202 = arith.constant 0 : i32
          %dma_start3A_203 = tpu.memref_slice %arg18[%dma_start3A_201, %dma_start3A_202] : memref<10000x144xf32, #tpu.memory_space<vmem_shared>> -> memref<625x144xf32, #tpu.memory_space<vmem_shared>>
          tpu.enqueue_dma source(%dma_start3A_203 : memref<625x144xf32, #tpu.memory_space<vmem_shared>>) target(%dma_start3A_200 : memref<625x144xf32, #tpu.memory_space<hbm>>) target_semaphore(%run_scoped3A : memref<!tpu.dma_semaphore, #tpu.memory_space<semaphore_mem>>)
          %dma_wait3A = arith.constant 4375 : i32
          %dma_wait3A_204 = arith.constant 0 : i32
          %dma_wait3A_205 = tpu.memref_slice %arg7[%dma_wait3A, %dma_wait3A_204] : memref<10000x144xf32, #tpu.memory_space<hbm>> -> memref<625x144xf32, #tpu.memory_space<hbm>>
          %dma_wait3A_206 = arith.constant 4375 : i32
          %dma_wait3A_207 = arith.constant 0 : i32
          %dma_wait3A_208 = tpu.memref_slice %arg18[%dma_wait3A_206, %dma_wait3A_207] : memref<10000x144xf32, #tpu.memory_space<vmem_shared>> -> memref<625x144xf32, #tpu.memory_space<vmem_shared>>
          tpu.wait_dma2 semaphore(%run_scoped3A : memref<!tpu.dma_semaphore, #tpu.memory_space<semaphore_mem>>) src(%dma_wait3A_208 : memref<625x144xf32, #tpu.memory_space<vmem_shared>>) dst(%dma_wait3A_205 : memref<625x144xf32, #tpu.memory_space<hbm>>)
          tpu.yield
        }) : () -> ()
      } else {
      }
      %eq3A_193 = arith.constant 1 : i32
      %eq3A_194 = arith.cmpi eq, %arg0, %eq3A_193 : i32
      %convert_element_type3A_195 = arith.extui %eq3A_194 : i1 to i32
      %cond3A_196 = arith.constant 0 : i32
      %cond3A_197 = arith.cmpi ne, %convert_element_type3A_195, %cond3A_196 : i32
      scf.if %cond3A_197 {
        "tpu.region"() ({
          %run_scoped3A = tpu.sem_alloc : memref<!tpu.dma_semaphore, #tpu.memory_space<semaphore_mem>>
          %dma_start3A_198 = arith.constant 4375 : i32
          %dma_start3A_199 = arith.constant 0 : i32
          %dma_start3A_200 = tpu.memref_slice %arg8[%dma_start3A_198, %dma_start3A_199] : memref<10000x144xf32, #tpu.memory_space<hbm>> -> memref<625x144xf32, #tpu.memory_space<hbm>>
          %dma_start3A_201 = arith.constant 4375 : i32
          %dma_start3A_202 = arith.constant 0 : i32
          %dma_start3A_203 = tpu.memref_slice %arg18[%dma_start3A_201, %dma_start3A_202] : memref<10000x144xf32, #tpu.memory_space<vmem_shared>> -> memref<625x144xf32, #tpu.memory_space<vmem_shared>>
          tpu.enqueue_dma source(%dma_start3A_203 : memref<625x144xf32, #tpu.memory_space<vmem_shared>>) target(%dma_start3A_200 : memref<625x144xf32, #tpu.memory_space<hbm>>) target_semaphore(%run_scoped3A : memref<!tpu.dma_semaphore, #tpu.memory_space<semaphore_mem>>)
          %dma_wait3A = arith.constant 4375 : i32
          %dma_wait3A_204 = arith.constant 0 : i32
          %dma_wait3A_205 = tpu.memref_slice %arg8[%dma_wait3A, %dma_wait3A_204] : memref<10000x144xf32, #tpu.memory_space<hbm>> -> memref<625x144xf32, #tpu.memory_space<hbm>>
          %dma_wait3A_206 = arith.constant 4375 : i32
          %dma_wait3A_207 = arith.constant 0 : i32
          %dma_wait3A_208 = tpu.memref_slice %arg18[%dma_wait3A_206, %dma_wait3A_207] : memref<10000x144xf32, #tpu.memory_space<vmem_shared>> -> memref<625x144xf32, #tpu.memory_space<vmem_shared>>
          tpu.wait_dma2 semaphore(%run_scoped3A : memref<!tpu.dma_semaphore, #tpu.memory_space<semaphore_mem>>) src(%dma_wait3A_208 : memref<625x144xf32, #tpu.memory_space<vmem_shared>>) dst(%dma_wait3A_205 : memref<625x144xf32, #tpu.memory_space<hbm>>)
          tpu.yield
        }) : () -> ()
      } else {
      }
    } else {
    }
    %eq3A_148 = arith.constant 8 : i32
    %eq3A_149 = arith.cmpi eq, %arg1, %eq3A_148 : i32
    %convert_element_type3A_150 = arith.extui %eq3A_149 : i1 to i32
    %cond3A_151 = arith.constant 0 : i32
    %cond3A_152 = arith.cmpi ne, %convert_element_type3A_150, %cond3A_151 : i32
    scf.if %cond3A_152 {
      %eq3A_188 = arith.constant 0 : i32
      %eq3A_189 = arith.cmpi eq, %arg0, %eq3A_188 : i32
      %convert_element_type3A_190 = arith.extui %eq3A_189 : i1 to i32
      %cond3A_191 = arith.constant 0 : i32
      %cond3A_192 = arith.cmpi ne, %convert_element_type3A_190, %cond3A_191 : i32
      scf.if %cond3A_192 {
        "tpu.region"() ({
          %run_scoped3A = tpu.sem_alloc : memref<!tpu.dma_semaphore, #tpu.memory_space<semaphore_mem>>
          %dma_start3A_198 = arith.constant 5000 : i32
          %dma_start3A_199 = arith.constant 0 : i32
          %dma_start3A_200 = tpu.memref_slice %arg7[%dma_start3A_198, %dma_start3A_199] : memref<10000x144xf32, #tpu.memory_space<hbm>> -> memref<625x144xf32, #tpu.memory_space<hbm>>
          %dma_start3A_201 = arith.constant 5000 : i32
          %dma_start3A_202 = arith.constant 0 : i32
          %dma_start3A_203 = tpu.memref_slice %arg18[%dma_start3A_201, %dma_start3A_202] : memref<10000x144xf32, #tpu.memory_space<vmem_shared>> -> memref<625x144xf32, #tpu.memory_space<vmem_shared>>
          tpu.enqueue_dma source(%dma_start3A_203 : memref<625x144xf32, #tpu.memory_space<vmem_shared>>) target(%dma_start3A_200 : memref<625x144xf32, #tpu.memory_space<hbm>>) target_semaphore(%run_scoped3A : memref<!tpu.dma_semaphore, #tpu.memory_space<semaphore_mem>>)
          %dma_wait3A = arith.constant 5000 : i32
          %dma_wait3A_204 = arith.constant 0 : i32
          %dma_wait3A_205 = tpu.memref_slice %arg7[%dma_wait3A, %dma_wait3A_204] : memref<10000x144xf32, #tpu.memory_space<hbm>> -> memref<625x144xf32, #tpu.memory_space<hbm>>
          %dma_wait3A_206 = arith.constant 5000 : i32
          %dma_wait3A_207 = arith.constant 0 : i32
          %dma_wait3A_208 = tpu.memref_slice %arg18[%dma_wait3A_206, %dma_wait3A_207] : memref<10000x144xf32, #tpu.memory_space<vmem_shared>> -> memref<625x144xf32, #tpu.memory_space<vmem_shared>>
          tpu.wait_dma2 semaphore(%run_scoped3A : memref<!tpu.dma_semaphore, #tpu.memory_space<semaphore_mem>>) src(%dma_wait3A_208 : memref<625x144xf32, #tpu.memory_space<vmem_shared>>) dst(%dma_wait3A_205 : memref<625x144xf32, #tpu.memory_space<hbm>>)
          tpu.yield
        }) : () -> ()
      } else {
      }
      %eq3A_193 = arith.constant 1 : i32
      %eq3A_194 = arith.cmpi eq, %arg0, %eq3A_193 : i32
      %convert_element_type3A_195 = arith.extui %eq3A_194 : i1 to i32
      %cond3A_196 = arith.constant 0 : i32
      %cond3A_197 = arith.cmpi ne, %convert_element_type3A_195, %cond3A_196 : i32
      scf.if %cond3A_197 {
        "tpu.region"() ({
          %run_scoped3A = tpu.sem_alloc : memref<!tpu.dma_semaphore, #tpu.memory_space<semaphore_mem>>
          %dma_start3A_198 = arith.constant 5000 : i32
          %dma_start3A_199 = arith.constant 0 : i32
          %dma_start3A_200 = tpu.memref_slice %arg8[%dma_start3A_198, %dma_start3A_199] : memref<10000x144xf32, #tpu.memory_space<hbm>> -> memref<625x144xf32, #tpu.memory_space<hbm>>
          %dma_start3A_201 = arith.constant 5000 : i32
          %dma_start3A_202 = arith.constant 0 : i32
          %dma_start3A_203 = tpu.memref_slice %arg18[%dma_start3A_201, %dma_start3A_202] : memref<10000x144xf32, #tpu.memory_space<vmem_shared>> -> memref<625x144xf32, #tpu.memory_space<vmem_shared>>
          tpu.enqueue_dma source(%dma_start3A_203 : memref<625x144xf32, #tpu.memory_space<vmem_shared>>) target(%dma_start3A_200 : memref<625x144xf32, #tpu.memory_space<hbm>>) target_semaphore(%run_scoped3A : memref<!tpu.dma_semaphore, #tpu.memory_space<semaphore_mem>>)
          %dma_wait3A = arith.constant 5000 : i32
          %dma_wait3A_204 = arith.constant 0 : i32
          %dma_wait3A_205 = tpu.memref_slice %arg8[%dma_wait3A, %dma_wait3A_204] : memref<10000x144xf32, #tpu.memory_space<hbm>> -> memref<625x144xf32, #tpu.memory_space<hbm>>
          %dma_wait3A_206 = arith.constant 5000 : i32
          %dma_wait3A_207 = arith.constant 0 : i32
          %dma_wait3A_208 = tpu.memref_slice %arg18[%dma_wait3A_206, %dma_wait3A_207] : memref<10000x144xf32, #tpu.memory_space<vmem_shared>> -> memref<625x144xf32, #tpu.memory_space<vmem_shared>>
          tpu.wait_dma2 semaphore(%run_scoped3A : memref<!tpu.dma_semaphore, #tpu.memory_space<semaphore_mem>>) src(%dma_wait3A_208 : memref<625x144xf32, #tpu.memory_space<vmem_shared>>) dst(%dma_wait3A_205 : memref<625x144xf32, #tpu.memory_space<hbm>>)
          tpu.yield
        }) : () -> ()
      } else {
      }
    } else {
    }
    %eq3A_153 = arith.constant 9 : i32
    %eq3A_154 = arith.cmpi eq, %arg1, %eq3A_153 : i32
    %convert_element_type3A_155 = arith.extui %eq3A_154 : i1 to i32
    %cond3A_156 = arith.constant 0 : i32
    %cond3A_157 = arith.cmpi ne, %convert_element_type3A_155, %cond3A_156 : i32
    scf.if %cond3A_157 {
      %eq3A_188 = arith.constant 0 : i32
      %eq3A_189 = arith.cmpi eq, %arg0, %eq3A_188 : i32
      %convert_element_type3A_190 = arith.extui %eq3A_189 : i1 to i32
      %cond3A_191 = arith.constant 0 : i32
      %cond3A_192 = arith.cmpi ne, %convert_element_type3A_190, %cond3A_191 : i32
      scf.if %cond3A_192 {
        "tpu.region"() ({
          %run_scoped3A = tpu.sem_alloc : memref<!tpu.dma_semaphore, #tpu.memory_space<semaphore_mem>>
          %dma_start3A_198 = arith.constant 5625 : i32
          %dma_start3A_199 = arith.constant 0 : i32
          %dma_start3A_200 = tpu.memref_slice %arg7[%dma_start3A_198, %dma_start3A_199] : memref<10000x144xf32, #tpu.memory_space<hbm>> -> memref<625x144xf32, #tpu.memory_space<hbm>>
          %dma_start3A_201 = arith.constant 5625 : i32
          %dma_start3A_202 = arith.constant 0 : i32
          %dma_start3A_203 = tpu.memref_slice %arg18[%dma_start3A_201, %dma_start3A_202] : memref<10000x144xf32, #tpu.memory_space<vmem_shared>> -> memref<625x144xf32, #tpu.memory_space<vmem_shared>>
          tpu.enqueue_dma source(%dma_start3A_203 : memref<625x144xf32, #tpu.memory_space<vmem_shared>>) target(%dma_start3A_200 : memref<625x144xf32, #tpu.memory_space<hbm>>) target_semaphore(%run_scoped3A : memref<!tpu.dma_semaphore, #tpu.memory_space<semaphore_mem>>)
          %dma_wait3A = arith.constant 5625 : i32
          %dma_wait3A_204 = arith.constant 0 : i32
          %dma_wait3A_205 = tpu.memref_slice %arg7[%dma_wait3A, %dma_wait3A_204] : memref<10000x144xf32, #tpu.memory_space<hbm>> -> memref<625x144xf32, #tpu.memory_space<hbm>>
          %dma_wait3A_206 = arith.constant 5625 : i32
          %dma_wait3A_207 = arith.constant 0 : i32
          %dma_wait3A_208 = tpu.memref_slice %arg18[%dma_wait3A_206, %dma_wait3A_207] : memref<10000x144xf32, #tpu.memory_space<vmem_shared>> -> memref<625x144xf32, #tpu.memory_space<vmem_shared>>
          tpu.wait_dma2 semaphore(%run_scoped3A : memref<!tpu.dma_semaphore, #tpu.memory_space<semaphore_mem>>) src(%dma_wait3A_208 : memref<625x144xf32, #tpu.memory_space<vmem_shared>>) dst(%dma_wait3A_205 : memref<625x144xf32, #tpu.memory_space<hbm>>)
          tpu.yield
        }) : () -> ()
      } else {
      }
      %eq3A_193 = arith.constant 1 : i32
      %eq3A_194 = arith.cmpi eq, %arg0, %eq3A_193 : i32
      %convert_element_type3A_195 = arith.extui %eq3A_194 : i1 to i32
      %cond3A_196 = arith.constant 0 : i32
      %cond3A_197 = arith.cmpi ne, %convert_element_type3A_195, %cond3A_196 : i32
      scf.if %cond3A_197 {
        "tpu.region"() ({
          %run_scoped3A = tpu.sem_alloc : memref<!tpu.dma_semaphore, #tpu.memory_space<semaphore_mem>>
          %dma_start3A_198 = arith.constant 5625 : i32
          %dma_start3A_199 = arith.constant 0 : i32
          %dma_start3A_200 = tpu.memref_slice %arg8[%dma_start3A_198, %dma_start3A_199] : memref<10000x144xf32, #tpu.memory_space<hbm>> -> memref<625x144xf32, #tpu.memory_space<hbm>>
          %dma_start3A_201 = arith.constant 5625 : i32
          %dma_start3A_202 = arith.constant 0 : i32
          %dma_start3A_203 = tpu.memref_slice %arg18[%dma_start3A_201, %dma_start3A_202] : memref<10000x144xf32, #tpu.memory_space<vmem_shared>> -> memref<625x144xf32, #tpu.memory_space<vmem_shared>>
          tpu.enqueue_dma source(%dma_start3A_203 : memref<625x144xf32, #tpu.memory_space<vmem_shared>>) target(%dma_start3A_200 : memref<625x144xf32, #tpu.memory_space<hbm>>) target_semaphore(%run_scoped3A : memref<!tpu.dma_semaphore, #tpu.memory_space<semaphore_mem>>)
          %dma_wait3A = arith.constant 5625 : i32
          %dma_wait3A_204 = arith.constant 0 : i32
          %dma_wait3A_205 = tpu.memref_slice %arg8[%dma_wait3A, %dma_wait3A_204] : memref<10000x144xf32, #tpu.memory_space<hbm>> -> memref<625x144xf32, #tpu.memory_space<hbm>>
          %dma_wait3A_206 = arith.constant 5625 : i32
          %dma_wait3A_207 = arith.constant 0 : i32
          %dma_wait3A_208 = tpu.memref_slice %arg18[%dma_wait3A_206, %dma_wait3A_207] : memref<10000x144xf32, #tpu.memory_space<vmem_shared>> -> memref<625x144xf32, #tpu.memory_space<vmem_shared>>
          tpu.wait_dma2 semaphore(%run_scoped3A : memref<!tpu.dma_semaphore, #tpu.memory_space<semaphore_mem>>) src(%dma_wait3A_208 : memref<625x144xf32, #tpu.memory_space<vmem_shared>>) dst(%dma_wait3A_205 : memref<625x144xf32, #tpu.memory_space<hbm>>)
          tpu.yield
        }) : () -> ()
      } else {
      }
    } else {
    }
    %eq3A_158 = arith.constant 10 : i32
    %eq3A_159 = arith.cmpi eq, %arg1, %eq3A_158 : i32
    %convert_element_type3A_160 = arith.extui %eq3A_159 : i1 to i32
    %cond3A_161 = arith.constant 0 : i32
    %cond3A_162 = arith.cmpi ne, %convert_element_type3A_160, %cond3A_161 : i32
    scf.if %cond3A_162 {
      %eq3A_188 = arith.constant 0 : i32
      %eq3A_189 = arith.cmpi eq, %arg0, %eq3A_188 : i32
      %convert_element_type3A_190 = arith.extui %eq3A_189 : i1 to i32
      %cond3A_191 = arith.constant 0 : i32
      %cond3A_192 = arith.cmpi ne, %convert_element_type3A_190, %cond3A_191 : i32
      scf.if %cond3A_192 {
        "tpu.region"() ({
          %run_scoped3A = tpu.sem_alloc : memref<!tpu.dma_semaphore, #tpu.memory_space<semaphore_mem>>
          %dma_start3A_198 = arith.constant 6250 : i32
          %dma_start3A_199 = arith.constant 0 : i32
          %dma_start3A_200 = tpu.memref_slice %arg7[%dma_start3A_198, %dma_start3A_199] : memref<10000x144xf32, #tpu.memory_space<hbm>> -> memref<625x144xf32, #tpu.memory_space<hbm>>
          %dma_start3A_201 = arith.constant 6250 : i32
          %dma_start3A_202 = arith.constant 0 : i32
          %dma_start3A_203 = tpu.memref_slice %arg18[%dma_start3A_201, %dma_start3A_202] : memref<10000x144xf32, #tpu.memory_space<vmem_shared>> -> memref<625x144xf32, #tpu.memory_space<vmem_shared>>
          tpu.enqueue_dma source(%dma_start3A_203 : memref<625x144xf32, #tpu.memory_space<vmem_shared>>) target(%dma_start3A_200 : memref<625x144xf32, #tpu.memory_space<hbm>>) target_semaphore(%run_scoped3A : memref<!tpu.dma_semaphore, #tpu.memory_space<semaphore_mem>>)
          %dma_wait3A = arith.constant 6250 : i32
          %dma_wait3A_204 = arith.constant 0 : i32
          %dma_wait3A_205 = tpu.memref_slice %arg7[%dma_wait3A, %dma_wait3A_204] : memref<10000x144xf32, #tpu.memory_space<hbm>> -> memref<625x144xf32, #tpu.memory_space<hbm>>
          %dma_wait3A_206 = arith.constant 6250 : i32
          %dma_wait3A_207 = arith.constant 0 : i32
          %dma_wait3A_208 = tpu.memref_slice %arg18[%dma_wait3A_206, %dma_wait3A_207] : memref<10000x144xf32, #tpu.memory_space<vmem_shared>> -> memref<625x144xf32, #tpu.memory_space<vmem_shared>>
          tpu.wait_dma2 semaphore(%run_scoped3A : memref<!tpu.dma_semaphore, #tpu.memory_space<semaphore_mem>>) src(%dma_wait3A_208 : memref<625x144xf32, #tpu.memory_space<vmem_shared>>) dst(%dma_wait3A_205 : memref<625x144xf32, #tpu.memory_space<hbm>>)
          tpu.yield
        }) : () -> ()
      } else {
      }
      %eq3A_193 = arith.constant 1 : i32
      %eq3A_194 = arith.cmpi eq, %arg0, %eq3A_193 : i32
      %convert_element_type3A_195 = arith.extui %eq3A_194 : i1 to i32
      %cond3A_196 = arith.constant 0 : i32
      %cond3A_197 = arith.cmpi ne, %convert_element_type3A_195, %cond3A_196 : i32
      scf.if %cond3A_197 {
        "tpu.region"() ({
          %run_scoped3A = tpu.sem_alloc : memref<!tpu.dma_semaphore, #tpu.memory_space<semaphore_mem>>
          %dma_start3A_198 = arith.constant 6250 : i32
          %dma_start3A_199 = arith.constant 0 : i32
          %dma_start3A_200 = tpu.memref_slice %arg8[%dma_start3A_198, %dma_start3A_199] : memref<10000x144xf32, #tpu.memory_space<hbm>> -> memref<625x144xf32, #tpu.memory_space<hbm>>
          %dma_start3A_201 = arith.constant 6250 : i32
          %dma_start3A_202 = arith.constant 0 : i32
          %dma_start3A_203 = tpu.memref_slice %arg18[%dma_start3A_201, %dma_start3A_202] : memref<10000x144xf32, #tpu.memory_space<vmem_shared>> -> memref<625x144xf32, #tpu.memory_space<vmem_shared>>
          tpu.enqueue_dma source(%dma_start3A_203 : memref<625x144xf32, #tpu.memory_space<vmem_shared>>) target(%dma_start3A_200 : memref<625x144xf32, #tpu.memory_space<hbm>>) target_semaphore(%run_scoped3A : memref<!tpu.dma_semaphore, #tpu.memory_space<semaphore_mem>>)
          %dma_wait3A = arith.constant 6250 : i32
          %dma_wait3A_204 = arith.constant 0 : i32
          %dma_wait3A_205 = tpu.memref_slice %arg8[%dma_wait3A, %dma_wait3A_204] : memref<10000x144xf32, #tpu.memory_space<hbm>> -> memref<625x144xf32, #tpu.memory_space<hbm>>
          %dma_wait3A_206 = arith.constant 6250 : i32
          %dma_wait3A_207 = arith.constant 0 : i32
          %dma_wait3A_208 = tpu.memref_slice %arg18[%dma_wait3A_206, %dma_wait3A_207] : memref<10000x144xf32, #tpu.memory_space<vmem_shared>> -> memref<625x144xf32, #tpu.memory_space<vmem_shared>>
          tpu.wait_dma2 semaphore(%run_scoped3A : memref<!tpu.dma_semaphore, #tpu.memory_space<semaphore_mem>>) src(%dma_wait3A_208 : memref<625x144xf32, #tpu.memory_space<vmem_shared>>) dst(%dma_wait3A_205 : memref<625x144xf32, #tpu.memory_space<hbm>>)
          tpu.yield
        }) : () -> ()
      } else {
      }
    } else {
    }
    %eq3A_163 = arith.constant 11 : i32
    %eq3A_164 = arith.cmpi eq, %arg1, %eq3A_163 : i32
    %convert_element_type3A_165 = arith.extui %eq3A_164 : i1 to i32
    %cond3A_166 = arith.constant 0 : i32
    %cond3A_167 = arith.cmpi ne, %convert_element_type3A_165, %cond3A_166 : i32
    scf.if %cond3A_167 {
      %eq3A_188 = arith.constant 0 : i32
      %eq3A_189 = arith.cmpi eq, %arg0, %eq3A_188 : i32
      %convert_element_type3A_190 = arith.extui %eq3A_189 : i1 to i32
      %cond3A_191 = arith.constant 0 : i32
      %cond3A_192 = arith.cmpi ne, %convert_element_type3A_190, %cond3A_191 : i32
      scf.if %cond3A_192 {
        "tpu.region"() ({
          %run_scoped3A = tpu.sem_alloc : memref<!tpu.dma_semaphore, #tpu.memory_space<semaphore_mem>>
          %dma_start3A_198 = arith.constant 6875 : i32
          %dma_start3A_199 = arith.constant 0 : i32
          %dma_start3A_200 = tpu.memref_slice %arg7[%dma_start3A_198, %dma_start3A_199] : memref<10000x144xf32, #tpu.memory_space<hbm>> -> memref<625x144xf32, #tpu.memory_space<hbm>>
          %dma_start3A_201 = arith.constant 6875 : i32
          %dma_start3A_202 = arith.constant 0 : i32
          %dma_start3A_203 = tpu.memref_slice %arg18[%dma_start3A_201, %dma_start3A_202] : memref<10000x144xf32, #tpu.memory_space<vmem_shared>> -> memref<625x144xf32, #tpu.memory_space<vmem_shared>>
          tpu.enqueue_dma source(%dma_start3A_203 : memref<625x144xf32, #tpu.memory_space<vmem_shared>>) target(%dma_start3A_200 : memref<625x144xf32, #tpu.memory_space<hbm>>) target_semaphore(%run_scoped3A : memref<!tpu.dma_semaphore, #tpu.memory_space<semaphore_mem>>)
          %dma_wait3A = arith.constant 6875 : i32
          %dma_wait3A_204 = arith.constant 0 : i32
          %dma_wait3A_205 = tpu.memref_slice %arg7[%dma_wait3A, %dma_wait3A_204] : memref<10000x144xf32, #tpu.memory_space<hbm>> -> memref<625x144xf32, #tpu.memory_space<hbm>>
          %dma_wait3A_206 = arith.constant 6875 : i32
          %dma_wait3A_207 = arith.constant 0 : i32
          %dma_wait3A_208 = tpu.memref_slice %arg18[%dma_wait3A_206, %dma_wait3A_207] : memref<10000x144xf32, #tpu.memory_space<vmem_shared>> -> memref<625x144xf32, #tpu.memory_space<vmem_shared>>
          tpu.wait_dma2 semaphore(%run_scoped3A : memref<!tpu.dma_semaphore, #tpu.memory_space<semaphore_mem>>) src(%dma_wait3A_208 : memref<625x144xf32, #tpu.memory_space<vmem_shared>>) dst(%dma_wait3A_205 : memref<625x144xf32, #tpu.memory_space<hbm>>)
          tpu.yield
        }) : () -> ()
      } else {
      }
      %eq3A_193 = arith.constant 1 : i32
      %eq3A_194 = arith.cmpi eq, %arg0, %eq3A_193 : i32
      %convert_element_type3A_195 = arith.extui %eq3A_194 : i1 to i32
      %cond3A_196 = arith.constant 0 : i32
      %cond3A_197 = arith.cmpi ne, %convert_element_type3A_195, %cond3A_196 : i32
      scf.if %cond3A_197 {
        "tpu.region"() ({
          %run_scoped3A = tpu.sem_alloc : memref<!tpu.dma_semaphore, #tpu.memory_space<semaphore_mem>>
          %dma_start3A_198 = arith.constant 6875 : i32
          %dma_start3A_199 = arith.constant 0 : i32
          %dma_start3A_200 = tpu.memref_slice %arg8[%dma_start3A_198, %dma_start3A_199] : memref<10000x144xf32, #tpu.memory_space<hbm>> -> memref<625x144xf32, #tpu.memory_space<hbm>>
          %dma_start3A_201 = arith.constant 6875 : i32
          %dma_start3A_202 = arith.constant 0 : i32
          %dma_start3A_203 = tpu.memref_slice %arg18[%dma_start3A_201, %dma_start3A_202] : memref<10000x144xf32, #tpu.memory_space<vmem_shared>> -> memref<625x144xf32, #tpu.memory_space<vmem_shared>>
          tpu.enqueue_dma source(%dma_start3A_203 : memref<625x144xf32, #tpu.memory_space<vmem_shared>>) target(%dma_start3A_200 : memref<625x144xf32, #tpu.memory_space<hbm>>) target_semaphore(%run_scoped3A : memref<!tpu.dma_semaphore, #tpu.memory_space<semaphore_mem>>)
          %dma_wait3A = arith.constant 6875 : i32
          %dma_wait3A_204 = arith.constant 0 : i32
          %dma_wait3A_205 = tpu.memref_slice %arg8[%dma_wait3A, %dma_wait3A_204] : memref<10000x144xf32, #tpu.memory_space<hbm>> -> memref<625x144xf32, #tpu.memory_space<hbm>>
          %dma_wait3A_206 = arith.constant 6875 : i32
          %dma_wait3A_207 = arith.constant 0 : i32
          %dma_wait3A_208 = tpu.memref_slice %arg18[%dma_wait3A_206, %dma_wait3A_207] : memref<10000x144xf32, #tpu.memory_space<vmem_shared>> -> memref<625x144xf32, #tpu.memory_space<vmem_shared>>
          tpu.wait_dma2 semaphore(%run_scoped3A : memref<!tpu.dma_semaphore, #tpu.memory_space<semaphore_mem>>) src(%dma_wait3A_208 : memref<625x144xf32, #tpu.memory_space<vmem_shared>>) dst(%dma_wait3A_205 : memref<625x144xf32, #tpu.memory_space<hbm>>)
          tpu.yield
        }) : () -> ()
      } else {
      }
    } else {
    }
    %eq3A_168 = arith.constant 12 : i32
    %eq3A_169 = arith.cmpi eq, %arg1, %eq3A_168 : i32
    %convert_element_type3A_170 = arith.extui %eq3A_169 : i1 to i32
    %cond3A_171 = arith.constant 0 : i32
    %cond3A_172 = arith.cmpi ne, %convert_element_type3A_170, %cond3A_171 : i32
    scf.if %cond3A_172 {
      %eq3A_188 = arith.constant 0 : i32
      %eq3A_189 = arith.cmpi eq, %arg0, %eq3A_188 : i32
      %convert_element_type3A_190 = arith.extui %eq3A_189 : i1 to i32
      %cond3A_191 = arith.constant 0 : i32
      %cond3A_192 = arith.cmpi ne, %convert_element_type3A_190, %cond3A_191 : i32
      scf.if %cond3A_192 {
        "tpu.region"() ({
          %run_scoped3A = tpu.sem_alloc : memref<!tpu.dma_semaphore, #tpu.memory_space<semaphore_mem>>
          %dma_start3A_198 = arith.constant 7500 : i32
          %dma_start3A_199 = arith.constant 0 : i32
          %dma_start3A_200 = tpu.memref_slice %arg7[%dma_start3A_198, %dma_start3A_199] : memref<10000x144xf32, #tpu.memory_space<hbm>> -> memref<625x144xf32, #tpu.memory_space<hbm>>
          %dma_start3A_201 = arith.constant 7500 : i32
          %dma_start3A_202 = arith.constant 0 : i32
          %dma_start3A_203 = tpu.memref_slice %arg18[%dma_start3A_201, %dma_start3A_202] : memref<10000x144xf32, #tpu.memory_space<vmem_shared>> -> memref<625x144xf32, #tpu.memory_space<vmem_shared>>
          tpu.enqueue_dma source(%dma_start3A_203 : memref<625x144xf32, #tpu.memory_space<vmem_shared>>) target(%dma_start3A_200 : memref<625x144xf32, #tpu.memory_space<hbm>>) target_semaphore(%run_scoped3A : memref<!tpu.dma_semaphore, #tpu.memory_space<semaphore_mem>>)
          %dma_wait3A = arith.constant 7500 : i32
          %dma_wait3A_204 = arith.constant 0 : i32
          %dma_wait3A_205 = tpu.memref_slice %arg7[%dma_wait3A, %dma_wait3A_204] : memref<10000x144xf32, #tpu.memory_space<hbm>> -> memref<625x144xf32, #tpu.memory_space<hbm>>
          %dma_wait3A_206 = arith.constant 7500 : i32
          %dma_wait3A_207 = arith.constant 0 : i32
          %dma_wait3A_208 = tpu.memref_slice %arg18[%dma_wait3A_206, %dma_wait3A_207] : memref<10000x144xf32, #tpu.memory_space<vmem_shared>> -> memref<625x144xf32, #tpu.memory_space<vmem_shared>>
          tpu.wait_dma2 semaphore(%run_scoped3A : memref<!tpu.dma_semaphore, #tpu.memory_space<semaphore_mem>>) src(%dma_wait3A_208 : memref<625x144xf32, #tpu.memory_space<vmem_shared>>) dst(%dma_wait3A_205 : memref<625x144xf32, #tpu.memory_space<hbm>>)
          tpu.yield
        }) : () -> ()
      } else {
      }
      %eq3A_193 = arith.constant 1 : i32
      %eq3A_194 = arith.cmpi eq, %arg0, %eq3A_193 : i32
      %convert_element_type3A_195 = arith.extui %eq3A_194 : i1 to i32
      %cond3A_196 = arith.constant 0 : i32
      %cond3A_197 = arith.cmpi ne, %convert_element_type3A_195, %cond3A_196 : i32
      scf.if %cond3A_197 {
        "tpu.region"() ({
          %run_scoped3A = tpu.sem_alloc : memref<!tpu.dma_semaphore, #tpu.memory_space<semaphore_mem>>
          %dma_start3A_198 = arith.constant 7500 : i32
          %dma_start3A_199 = arith.constant 0 : i32
          %dma_start3A_200 = tpu.memref_slice %arg8[%dma_start3A_198, %dma_start3A_199] : memref<10000x144xf32, #tpu.memory_space<hbm>> -> memref<625x144xf32, #tpu.memory_space<hbm>>
          %dma_start3A_201 = arith.constant 7500 : i32
          %dma_start3A_202 = arith.constant 0 : i32
          %dma_start3A_203 = tpu.memref_slice %arg18[%dma_start3A_201, %dma_start3A_202] : memref<10000x144xf32, #tpu.memory_space<vmem_shared>> -> memref<625x144xf32, #tpu.memory_space<vmem_shared>>
          tpu.enqueue_dma source(%dma_start3A_203 : memref<625x144xf32, #tpu.memory_space<vmem_shared>>) target(%dma_start3A_200 : memref<625x144xf32, #tpu.memory_space<hbm>>) target_semaphore(%run_scoped3A : memref<!tpu.dma_semaphore, #tpu.memory_space<semaphore_mem>>)
          %dma_wait3A = arith.constant 7500 : i32
          %dma_wait3A_204 = arith.constant 0 : i32
          %dma_wait3A_205 = tpu.memref_slice %arg8[%dma_wait3A, %dma_wait3A_204] : memref<10000x144xf32, #tpu.memory_space<hbm>> -> memref<625x144xf32, #tpu.memory_space<hbm>>
          %dma_wait3A_206 = arith.constant 7500 : i32
          %dma_wait3A_207 = arith.constant 0 : i32
          %dma_wait3A_208 = tpu.memref_slice %arg18[%dma_wait3A_206, %dma_wait3A_207] : memref<10000x144xf32, #tpu.memory_space<vmem_shared>> -> memref<625x144xf32, #tpu.memory_space<vmem_shared>>
          tpu.wait_dma2 semaphore(%run_scoped3A : memref<!tpu.dma_semaphore, #tpu.memory_space<semaphore_mem>>) src(%dma_wait3A_208 : memref<625x144xf32, #tpu.memory_space<vmem_shared>>) dst(%dma_wait3A_205 : memref<625x144xf32, #tpu.memory_space<hbm>>)
          tpu.yield
        }) : () -> ()
      } else {
      }
    } else {
    }
    %eq3A_173 = arith.constant 13 : i32
    %eq3A_174 = arith.cmpi eq, %arg1, %eq3A_173 : i32
    %convert_element_type3A_175 = arith.extui %eq3A_174 : i1 to i32
    %cond3A_176 = arith.constant 0 : i32
    %cond3A_177 = arith.cmpi ne, %convert_element_type3A_175, %cond3A_176 : i32
    scf.if %cond3A_177 {
      %eq3A_188 = arith.constant 0 : i32
      %eq3A_189 = arith.cmpi eq, %arg0, %eq3A_188 : i32
      %convert_element_type3A_190 = arith.extui %eq3A_189 : i1 to i32
      %cond3A_191 = arith.constant 0 : i32
      %cond3A_192 = arith.cmpi ne, %convert_element_type3A_190, %cond3A_191 : i32
      scf.if %cond3A_192 {
        "tpu.region"() ({
          %run_scoped3A = tpu.sem_alloc : memref<!tpu.dma_semaphore, #tpu.memory_space<semaphore_mem>>
          %dma_start3A_198 = arith.constant 8125 : i32
          %dma_start3A_199 = arith.constant 0 : i32
          %dma_start3A_200 = tpu.memref_slice %arg7[%dma_start3A_198, %dma_start3A_199] : memref<10000x144xf32, #tpu.memory_space<hbm>> -> memref<625x144xf32, #tpu.memory_space<hbm>>
          %dma_start3A_201 = arith.constant 8125 : i32
          %dma_start3A_202 = arith.constant 0 : i32
          %dma_start3A_203 = tpu.memref_slice %arg18[%dma_start3A_201, %dma_start3A_202] : memref<10000x144xf32, #tpu.memory_space<vmem_shared>> -> memref<625x144xf32, #tpu.memory_space<vmem_shared>>
          tpu.enqueue_dma source(%dma_start3A_203 : memref<625x144xf32, #tpu.memory_space<vmem_shared>>) target(%dma_start3A_200 : memref<625x144xf32, #tpu.memory_space<hbm>>) target_semaphore(%run_scoped3A : memref<!tpu.dma_semaphore, #tpu.memory_space<semaphore_mem>>)
          %dma_wait3A = arith.constant 8125 : i32
          %dma_wait3A_204 = arith.constant 0 : i32
          %dma_wait3A_205 = tpu.memref_slice %arg7[%dma_wait3A, %dma_wait3A_204] : memref<10000x144xf32, #tpu.memory_space<hbm>> -> memref<625x144xf32, #tpu.memory_space<hbm>>
          %dma_wait3A_206 = arith.constant 8125 : i32
          %dma_wait3A_207 = arith.constant 0 : i32
          %dma_wait3A_208 = tpu.memref_slice %arg18[%dma_wait3A_206, %dma_wait3A_207] : memref<10000x144xf32, #tpu.memory_space<vmem_shared>> -> memref<625x144xf32, #tpu.memory_space<vmem_shared>>
          tpu.wait_dma2 semaphore(%run_scoped3A : memref<!tpu.dma_semaphore, #tpu.memory_space<semaphore_mem>>) src(%dma_wait3A_208 : memref<625x144xf32, #tpu.memory_space<vmem_shared>>) dst(%dma_wait3A_205 : memref<625x144xf32, #tpu.memory_space<hbm>>)
          tpu.yield
        }) : () -> ()
      } else {
      }
      %eq3A_193 = arith.constant 1 : i32
      %eq3A_194 = arith.cmpi eq, %arg0, %eq3A_193 : i32
      %convert_element_type3A_195 = arith.extui %eq3A_194 : i1 to i32
      %cond3A_196 = arith.constant 0 : i32
      %cond3A_197 = arith.cmpi ne, %convert_element_type3A_195, %cond3A_196 : i32
      scf.if %cond3A_197 {
        "tpu.region"() ({
          %run_scoped3A = tpu.sem_alloc : memref<!tpu.dma_semaphore, #tpu.memory_space<semaphore_mem>>
          %dma_start3A_198 = arith.constant 8125 : i32
          %dma_start3A_199 = arith.constant 0 : i32
          %dma_start3A_200 = tpu.memref_slice %arg8[%dma_start3A_198, %dma_start3A_199] : memref<10000x144xf32, #tpu.memory_space<hbm>> -> memref<625x144xf32, #tpu.memory_space<hbm>>
          %dma_start3A_201 = arith.constant 8125 : i32
          %dma_start3A_202 = arith.constant 0 : i32
          %dma_start3A_203 = tpu.memref_slice %arg18[%dma_start3A_201, %dma_start3A_202] : memref<10000x144xf32, #tpu.memory_space<vmem_shared>> -> memref<625x144xf32, #tpu.memory_space<vmem_shared>>
          tpu.enqueue_dma source(%dma_start3A_203 : memref<625x144xf32, #tpu.memory_space<vmem_shared>>) target(%dma_start3A_200 : memref<625x144xf32, #tpu.memory_space<hbm>>) target_semaphore(%run_scoped3A : memref<!tpu.dma_semaphore, #tpu.memory_space<semaphore_mem>>)
          %dma_wait3A = arith.constant 8125 : i32
          %dma_wait3A_204 = arith.constant 0 : i32
          %dma_wait3A_205 = tpu.memref_slice %arg8[%dma_wait3A, %dma_wait3A_204] : memref<10000x144xf32, #tpu.memory_space<hbm>> -> memref<625x144xf32, #tpu.memory_space<hbm>>
          %dma_wait3A_206 = arith.constant 8125 : i32
          %dma_wait3A_207 = arith.constant 0 : i32
          %dma_wait3A_208 = tpu.memref_slice %arg18[%dma_wait3A_206, %dma_wait3A_207] : memref<10000x144xf32, #tpu.memory_space<vmem_shared>> -> memref<625x144xf32, #tpu.memory_space<vmem_shared>>
          tpu.wait_dma2 semaphore(%run_scoped3A : memref<!tpu.dma_semaphore, #tpu.memory_space<semaphore_mem>>) src(%dma_wait3A_208 : memref<625x144xf32, #tpu.memory_space<vmem_shared>>) dst(%dma_wait3A_205 : memref<625x144xf32, #tpu.memory_space<hbm>>)
          tpu.yield
        }) : () -> ()
      } else {
      }
    } else {
    }
    %eq3A_178 = arith.constant 14 : i32
    %eq3A_179 = arith.cmpi eq, %arg1, %eq3A_178 : i32
    %convert_element_type3A_180 = arith.extui %eq3A_179 : i1 to i32
    %cond3A_181 = arith.constant 0 : i32
    %cond3A_182 = arith.cmpi ne, %convert_element_type3A_180, %cond3A_181 : i32
    scf.if %cond3A_182 {
      %eq3A_188 = arith.constant 0 : i32
      %eq3A_189 = arith.cmpi eq, %arg0, %eq3A_188 : i32
      %convert_element_type3A_190 = arith.extui %eq3A_189 : i1 to i32
      %cond3A_191 = arith.constant 0 : i32
      %cond3A_192 = arith.cmpi ne, %convert_element_type3A_190, %cond3A_191 : i32
      scf.if %cond3A_192 {
        "tpu.region"() ({
          %run_scoped3A = tpu.sem_alloc : memref<!tpu.dma_semaphore, #tpu.memory_space<semaphore_mem>>
          %dma_start3A_198 = arith.constant 8750 : i32
          %dma_start3A_199 = arith.constant 0 : i32
          %dma_start3A_200 = tpu.memref_slice %arg7[%dma_start3A_198, %dma_start3A_199] : memref<10000x144xf32, #tpu.memory_space<hbm>> -> memref<625x144xf32, #tpu.memory_space<hbm>>
          %dma_start3A_201 = arith.constant 8750 : i32
          %dma_start3A_202 = arith.constant 0 : i32
          %dma_start3A_203 = tpu.memref_slice %arg18[%dma_start3A_201, %dma_start3A_202] : memref<10000x144xf32, #tpu.memory_space<vmem_shared>> -> memref<625x144xf32, #tpu.memory_space<vmem_shared>>
          tpu.enqueue_dma source(%dma_start3A_203 : memref<625x144xf32, #tpu.memory_space<vmem_shared>>) target(%dma_start3A_200 : memref<625x144xf32, #tpu.memory_space<hbm>>) target_semaphore(%run_scoped3A : memref<!tpu.dma_semaphore, #tpu.memory_space<semaphore_mem>>)
          %dma_wait3A = arith.constant 8750 : i32
          %dma_wait3A_204 = arith.constant 0 : i32
          %dma_wait3A_205 = tpu.memref_slice %arg7[%dma_wait3A, %dma_wait3A_204] : memref<10000x144xf32, #tpu.memory_space<hbm>> -> memref<625x144xf32, #tpu.memory_space<hbm>>
          %dma_wait3A_206 = arith.constant 8750 : i32
          %dma_wait3A_207 = arith.constant 0 : i32
          %dma_wait3A_208 = tpu.memref_slice %arg18[%dma_wait3A_206, %dma_wait3A_207] : memref<10000x144xf32, #tpu.memory_space<vmem_shared>> -> memref<625x144xf32, #tpu.memory_space<vmem_shared>>
          tpu.wait_dma2 semaphore(%run_scoped3A : memref<!tpu.dma_semaphore, #tpu.memory_space<semaphore_mem>>) src(%dma_wait3A_208 : memref<625x144xf32, #tpu.memory_space<vmem_shared>>) dst(%dma_wait3A_205 : memref<625x144xf32, #tpu.memory_space<hbm>>)
          tpu.yield
        }) : () -> ()
      } else {
      }
      %eq3A_193 = arith.constant 1 : i32
      %eq3A_194 = arith.cmpi eq, %arg0, %eq3A_193 : i32
      %convert_element_type3A_195 = arith.extui %eq3A_194 : i1 to i32
      %cond3A_196 = arith.constant 0 : i32
      %cond3A_197 = arith.cmpi ne, %convert_element_type3A_195, %cond3A_196 : i32
      scf.if %cond3A_197 {
        "tpu.region"() ({
          %run_scoped3A = tpu.sem_alloc : memref<!tpu.dma_semaphore, #tpu.memory_space<semaphore_mem>>
          %dma_start3A_198 = arith.constant 8750 : i32
          %dma_start3A_199 = arith.constant 0 : i32
          %dma_start3A_200 = tpu.memref_slice %arg8[%dma_start3A_198, %dma_start3A_199] : memref<10000x144xf32, #tpu.memory_space<hbm>> -> memref<625x144xf32, #tpu.memory_space<hbm>>
          %dma_start3A_201 = arith.constant 8750 : i32
          %dma_start3A_202 = arith.constant 0 : i32
          %dma_start3A_203 = tpu.memref_slice %arg18[%dma_start3A_201, %dma_start3A_202] : memref<10000x144xf32, #tpu.memory_space<vmem_shared>> -> memref<625x144xf32, #tpu.memory_space<vmem_shared>>
          tpu.enqueue_dma source(%dma_start3A_203 : memref<625x144xf32, #tpu.memory_space<vmem_shared>>) target(%dma_start3A_200 : memref<625x144xf32, #tpu.memory_space<hbm>>) target_semaphore(%run_scoped3A : memref<!tpu.dma_semaphore, #tpu.memory_space<semaphore_mem>>)
          %dma_wait3A = arith.constant 8750 : i32
          %dma_wait3A_204 = arith.constant 0 : i32
          %dma_wait3A_205 = tpu.memref_slice %arg8[%dma_wait3A, %dma_wait3A_204] : memref<10000x144xf32, #tpu.memory_space<hbm>> -> memref<625x144xf32, #tpu.memory_space<hbm>>
          %dma_wait3A_206 = arith.constant 8750 : i32
          %dma_wait3A_207 = arith.constant 0 : i32
          %dma_wait3A_208 = tpu.memref_slice %arg18[%dma_wait3A_206, %dma_wait3A_207] : memref<10000x144xf32, #tpu.memory_space<vmem_shared>> -> memref<625x144xf32, #tpu.memory_space<vmem_shared>>
          tpu.wait_dma2 semaphore(%run_scoped3A : memref<!tpu.dma_semaphore, #tpu.memory_space<semaphore_mem>>) src(%dma_wait3A_208 : memref<625x144xf32, #tpu.memory_space<vmem_shared>>) dst(%dma_wait3A_205 : memref<625x144xf32, #tpu.memory_space<hbm>>)
          tpu.yield
        }) : () -> ()
      } else {
      }
    } else {
    }
    %eq3A_183 = arith.constant 15 : i32
    %eq3A_184 = arith.cmpi eq, %arg1, %eq3A_183 : i32
    %convert_element_type3A_185 = arith.extui %eq3A_184 : i1 to i32
    %cond3A_186 = arith.constant 0 : i32
    %cond3A_187 = arith.cmpi ne, %convert_element_type3A_185, %cond3A_186 : i32
    scf.if %cond3A_187 {
      %eq3A_188 = arith.constant 0 : i32
      %eq3A_189 = arith.cmpi eq, %arg0, %eq3A_188 : i32
      %convert_element_type3A_190 = arith.extui %eq3A_189 : i1 to i32
      %cond3A_191 = arith.constant 0 : i32
      %cond3A_192 = arith.cmpi ne, %convert_element_type3A_190, %cond3A_191 : i32
      scf.if %cond3A_192 {
        "tpu.region"() ({
          %run_scoped3A = tpu.sem_alloc : memref<!tpu.dma_semaphore, #tpu.memory_space<semaphore_mem>>
          %dma_start3A_198 = arith.constant 9375 : i32
          %dma_start3A_199 = arith.constant 0 : i32
          %dma_start3A_200 = tpu.memref_slice %arg7[%dma_start3A_198, %dma_start3A_199] : memref<10000x144xf32, #tpu.memory_space<hbm>> -> memref<625x144xf32, #tpu.memory_space<hbm>>
          %dma_start3A_201 = arith.constant 9375 : i32
          %dma_start3A_202 = arith.constant 0 : i32
          %dma_start3A_203 = tpu.memref_slice %arg18[%dma_start3A_201, %dma_start3A_202] : memref<10000x144xf32, #tpu.memory_space<vmem_shared>> -> memref<625x144xf32, #tpu.memory_space<vmem_shared>>
          tpu.enqueue_dma source(%dma_start3A_203 : memref<625x144xf32, #tpu.memory_space<vmem_shared>>) target(%dma_start3A_200 : memref<625x144xf32, #tpu.memory_space<hbm>>) target_semaphore(%run_scoped3A : memref<!tpu.dma_semaphore, #tpu.memory_space<semaphore_mem>>)
          %dma_wait3A = arith.constant 9375 : i32
          %dma_wait3A_204 = arith.constant 0 : i32
          %dma_wait3A_205 = tpu.memref_slice %arg7[%dma_wait3A, %dma_wait3A_204] : memref<10000x144xf32, #tpu.memory_space<hbm>> -> memref<625x144xf32, #tpu.memory_space<hbm>>
          %dma_wait3A_206 = arith.constant 9375 : i32
          %dma_wait3A_207 = arith.constant 0 : i32
          %dma_wait3A_208 = tpu.memref_slice %arg18[%dma_wait3A_206, %dma_wait3A_207] : memref<10000x144xf32, #tpu.memory_space<vmem_shared>> -> memref<625x144xf32, #tpu.memory_space<vmem_shared>>
          tpu.wait_dma2 semaphore(%run_scoped3A : memref<!tpu.dma_semaphore, #tpu.memory_space<semaphore_mem>>) src(%dma_wait3A_208 : memref<625x144xf32, #tpu.memory_space<vmem_shared>>) dst(%dma_wait3A_205 : memref<625x144xf32, #tpu.memory_space<hbm>>)
          tpu.yield
        }) : () -> ()
      } else {
      }
      %eq3A_193 = arith.constant 1 : i32
      %eq3A_194 = arith.cmpi eq, %arg0, %eq3A_193 : i32
      %convert_element_type3A_195 = arith.extui %eq3A_194 : i1 to i32
      %cond3A_196 = arith.constant 0 : i32
      %cond3A_197 = arith.cmpi ne, %convert_element_type3A_195, %cond3A_196 : i32
      scf.if %cond3A_197 {
        "tpu.region"() ({
          %run_scoped3A = tpu.sem_alloc : memref<!tpu.dma_semaphore, #tpu.memory_space<semaphore_mem>>
          %dma_start3A_198 = arith.constant 9375 : i32
          %dma_start3A_199 = arith.constant 0 : i32
          %dma_start3A_200 = tpu.memref_slice %arg8[%dma_start3A_198, %dma_start3A_199] : memref<10000x144xf32, #tpu.memory_space<hbm>> -> memref<625x144xf32, #tpu.memory_space<hbm>>
          %dma_start3A_201 = arith.constant 9375 : i32
          %dma_start3A_202 = arith.constant 0 : i32
          %dma_start3A_203 = tpu.memref_slice %arg18[%dma_start3A_201, %dma_start3A_202] : memref<10000x144xf32, #tpu.memory_space<vmem_shared>> -> memref<625x144xf32, #tpu.memory_space<vmem_shared>>
          tpu.enqueue_dma source(%dma_start3A_203 : memref<625x144xf32, #tpu.memory_space<vmem_shared>>) target(%dma_start3A_200 : memref<625x144xf32, #tpu.memory_space<hbm>>) target_semaphore(%run_scoped3A : memref<!tpu.dma_semaphore, #tpu.memory_space<semaphore_mem>>)
          %dma_wait3A = arith.constant 9375 : i32
          %dma_wait3A_204 = arith.constant 0 : i32
          %dma_wait3A_205 = tpu.memref_slice %arg8[%dma_wait3A, %dma_wait3A_204] : memref<10000x144xf32, #tpu.memory_space<hbm>> -> memref<625x144xf32, #tpu.memory_space<hbm>>
          %dma_wait3A_206 = arith.constant 9375 : i32
          %dma_wait3A_207 = arith.constant 0 : i32
          %dma_wait3A_208 = tpu.memref_slice %arg18[%dma_wait3A_206, %dma_wait3A_207] : memref<10000x144xf32, #tpu.memory_space<vmem_shared>> -> memref<625x144xf32, #tpu.memory_space<vmem_shared>>
          tpu.wait_dma2 semaphore(%run_scoped3A : memref<!tpu.dma_semaphore, #tpu.memory_space<semaphore_mem>>) src(%dma_wait3A_208 : memref<625x144xf32, #tpu.memory_space<vmem_shared>>) dst(%dma_wait3A_205 : memref<625x144xf32, #tpu.memory_space<hbm>>)
          tpu.yield
        }) : () -> ()
      } else {
      }
    } else {
    }
    return
  }
}

#map = affine_map<(d0, d1) -> (0, 0)>
#map1 = affine_map<(d0, d1) -> (0)>
module attributes {stable_mosaic.version = 14 : i64} {
  func.func @s3(%arg0: i32, %arg1: i32, %arg2: memref<10000x144xf32, #tpu.memory_space<hbm>>, %arg3: memref<10000x144xf32, #tpu.memory_space<hbm>>, %arg4: memref<4096xi32, #tpu.memory_space<hbm>>, %arg5: memref<4096x128xf32, #tpu.memory_space<hbm>>, %arg6: memref<128xi32, #tpu.memory_space<vmem>>, %arg7: memref<128x144xf32, #tpu.memory_space<vmem>>, %arg8: memref<128x144xf32, #tpu.memory_space<vmem>>, %arg9: memref<128x128xf32, #tpu.memory_space<vmem>>) attributes {dimension_semantics = [#tpu.dimension_semantics<core_parallel>, #tpu.dimension_semantics<subcore_parallel>], iteration_bounds = array<i64: 2, 16>, scalar_prefetch = 0 : i64, scratch_operands = 4 : i64, tpu.core_type = #tpu.core_type<sc_vector_subcore>, window_params = [{transform_indices = #map}, {transform_indices = #map}, {transform_indices = #map1}, {transform_indices = #map}]} {
    %mul3A = arith.constant 2 : i32
    %mul3A_0 = arith.muli %arg1, %mul3A : i32
    %add3A = arith.addi %mul3A_0, %arg0 : i32
    %mul3A_1 = arith.constant 128 : i32
    %mul3A_2 = arith.muli %add3A, %mul3A_1 : i32
    "tpu.region"() ({
      %run_scoped3A = tpu.sem_alloc : memref<!tpu.dma_semaphore, #tpu.memory_space<semaphore_mem>>
      %dma_start3A = tpu.memref_slice %arg4[%mul3A_2] : memref<4096xi32, #tpu.memory_space<hbm>> -> memref<128xi32, #tpu.memory_space<hbm>>
      %dma_start3A_9 = tpu.memref_slice %arg4[%mul3A_2] : memref<4096xi32, #tpu.memory_space<hbm>> -> memref<128xi32, #tpu.memory_space<hbm>>
      tpu.enqueue_dma source(%dma_start3A_9 : memref<128xi32, #tpu.memory_space<hbm>>) target(%arg6 : memref<128xi32, #tpu.memory_space<vmem>>) target_semaphore(%run_scoped3A : memref<!tpu.dma_semaphore, #tpu.memory_space<semaphore_mem>>)
      %dma_wait3A = tpu.memref_slice %arg4[%mul3A_2] : memref<4096xi32, #tpu.memory_space<hbm>> -> memref<128xi32, #tpu.memory_space<hbm>>
      %dma_wait3A_10 = tpu.memref_slice %arg4[%mul3A_2] : memref<4096xi32, #tpu.memory_space<hbm>> -> memref<128xi32, #tpu.memory_space<hbm>>
      tpu.wait_dma2 semaphore(%run_scoped3A : memref<!tpu.dma_semaphore, #tpu.memory_space<semaphore_mem>>) src(%dma_wait3A_10 : memref<128xi32, #tpu.memory_space<hbm>>) dst(%arg6 : memref<128xi32, #tpu.memory_space<vmem>>)
      tpu.yield
    }) : () -> ()
    "tpu.region"() ({
      %run_scoped3A = tpu.sem_alloc : memref<!tpu.dma_semaphore, #tpu.memory_space<semaphore_mem>>
      %dma_start3A = arith.constant 0 : i32
      %dma_start3A_9 = arith.constant 0 : i32
      %dma_start3A_10 = tpu.memref_slice %arg2[%dma_start3A, %dma_start3A_9] : memref<10000x144xf32, #tpu.memory_space<hbm>> -> memref<10000x144xf32, #tpu.memory_space<hbm>>
      tpu.enqueue_indirect_dma source(%dma_start3A_10 : memref<10000x144xf32, #tpu.memory_space<hbm>>) target(%arg7 : memref<128x144xf32, #tpu.memory_space<vmem>>) offsets(%arg6 : memref<128xi32, #tpu.memory_space<vmem>>) semaphore(%run_scoped3A : memref<!tpu.dma_semaphore, #tpu.memory_space<semaphore_mem>>)
      %dma_wait3A = arith.constant 0 : i32
      %dma_wait3A_11 = arith.constant 0 : i32
      %dma_wait3A_12 = tpu.memref_slice %arg2[%dma_wait3A, %dma_wait3A_11] : memref<10000x144xf32, #tpu.memory_space<hbm>> -> memref<10000x144xf32, #tpu.memory_space<hbm>>
      tpu.wait_indirect_dma semaphore(%run_scoped3A : memref<!tpu.dma_semaphore, #tpu.memory_space<semaphore_mem>>) src(%dma_wait3A_12 : memref<10000x144xf32, #tpu.memory_space<hbm>>) dst(%arg7 : memref<128x144xf32, #tpu.memory_space<vmem>>)
      tpu.yield
    }) : () -> ()
    "tpu.region"() ({
      %run_scoped3A = tpu.sem_alloc : memref<!tpu.dma_semaphore, #tpu.memory_space<semaphore_mem>>
      %dma_start3A = arith.constant 0 : i32
      %dma_start3A_9 = arith.constant 0 : i32
      %dma_start3A_10 = tpu.memref_slice %arg3[%dma_start3A, %dma_start3A_9] : memref<10000x144xf32, #tpu.memory_space<hbm>> -> memref<10000x144xf32, #tpu.memory_space<hbm>>
      tpu.enqueue_indirect_dma source(%dma_start3A_10 : memref<10000x144xf32, #tpu.memory_space<hbm>>) target(%arg8 : memref<128x144xf32, #tpu.memory_space<vmem>>) offsets(%arg6 : memref<128xi32, #tpu.memory_space<vmem>>) semaphore(%run_scoped3A : memref<!tpu.dma_semaphore, #tpu.memory_space<semaphore_mem>>)
      %dma_wait3A = arith.constant 0 : i32
      %dma_wait3A_11 = arith.constant 0 : i32
      %dma_wait3A_12 = tpu.memref_slice %arg3[%dma_wait3A, %dma_wait3A_11] : memref<10000x144xf32, #tpu.memory_space<hbm>> -> memref<10000x144xf32, #tpu.memory_space<hbm>>
      tpu.wait_indirect_dma semaphore(%run_scoped3A : memref<!tpu.dma_semaphore, #tpu.memory_space<semaphore_mem>>) src(%dma_wait3A_12 : memref<10000x144xf32, #tpu.memory_space<hbm>>) dst(%arg8 : memref<128x144xf32, #tpu.memory_space<vmem>>)
      tpu.yield
    }) : () -> ()
    %scan3A = arith.constant 0 : i32
    %scan3A_3 = arith.constant 0 : i32
    %scan3A_4 = arith.constant 128 : i32
    %scan3A_5 = arith.addi %scan3A_3, %scan3A_4 : i32
    %scan3A_6 = arith.constant 1 : i32
    %scan3A_7 = scf.for %scan3A_9 = %scan3A_3 to %scan3A_5 step %scan3A_6 iter_args(%scan3A_10 = %scan3A) -> (i32)  : i32 {
      %broadcast_in_dim3A = vector.broadcast %scan3A_9 : i32 to vector<16xi32>
      %broadcast_in_dim3A_11 = arith.constant 128 : i32
      %broadcast_in_dim3A_12 = vector.broadcast %broadcast_in_dim3A_11 : i32 to vector<16xi32>
      %gather3A = tpu.vector_load_idx %arg7[%broadcast_in_dim3A, %broadcast_in_dim3A_12] : memref<128x144xf32, #tpu.memory_space<vmem>>[vector<16xi32>, vector<16xi32>], vector<16xf32>,
      %gather3A_13 = tpu.vector_load_idx %arg8[%broadcast_in_dim3A, %broadcast_in_dim3A_12] : memref<128x144xf32, #tpu.memory_space<vmem>>[vector<16xi32>, vector<16xi32>], vector<16xf32>,
      %add3A_14 = arith.addf %gather3A, %gather3A_13 : vector<16xf32>
      %gt3A = arith.constant 0.000000e+00 : f32
      %gt3A_15 = vector.broadcast %gt3A : f32 to vector<16xf32>
      %gt3A_16 = arith.cmpf ogt, %add3A_14, %gt3A_15 : vector<16xf32>
      %div3A = arith.constant 1.000000e+00 : f32
      %div3A_17 = vector.broadcast %div3A : f32 to vector<16xf32>
      %div3A_18 = arith.divf %div3A_17, %add3A_14 : vector<16xf32>
      %jit3A = arith.constant 0.000000e+00 : f32
      %broadcast_in_dim3A_19 = vector.broadcast %jit3A : f32 to vector<16xf32>
      %select_n3A = arith.select %gt3A_16, %div3A_18, %broadcast_in_dim3A_19 : vector<16xi1>, vector<16xf32>
      %get3A = arith.index_cast %scan3A_9 : i32 to index
      %get3A_20 = arith.constant 0 : index
      %get3A_21 = tpu.vector_load %arg7[%get3A, %get3A_20] {strides = array<i32>} : memref<128x144xf32, #tpu.memory_space<vmem>>, vector<16xf32>,
      %get3A_22 = arith.index_cast %scan3A_9 : i32 to index
      %get3A_23 = arith.constant 0 : index
      %get3A_24 = tpu.vector_load %arg8[%get3A_22, %get3A_23] {strides = array<i32>} : memref<128x144xf32, #tpu.memory_space<vmem>>, vector<16xf32>,
      %add3A_25 = arith.addf %get3A_21, %get3A_24 : vector<16xf32>
      %mul3A_26 = arith.mulf %add3A_25, %select_n3A : vector<16xf32>
      %swap3A = arith.index_cast %scan3A_9 : i32 to index
      %swap3A_27 = arith.constant 0 : index
      %swap3A_28 = tpu.vector_load %arg9[%swap3A, %swap3A_27] {strides = array<i32>} : memref<128x128xf32, #tpu.memory_space<vmem>>, vector<16xf32>,
      tpu.vector_store %arg9[%swap3A, %swap3A_27], %mul3A_26 {strides = array<i32>} : memref<128x128xf32, #tpu.memory_space<vmem>>, vector<16xf32>,
      %get3A_29 = arith.index_cast %scan3A_9 : i32 to index
      %get3A_30 = arith.constant 16 : index
      %get3A_31 = tpu.vector_load %arg7[%get3A_29, %get3A_30] {strides = array<i32>} : memref<128x144xf32, #tpu.memory_space<vmem>>, vector<16xf32>,
      %get3A_32 = arith.index_cast %scan3A_9 : i32 to index
      %get3A_33 = arith.constant 16 : index
      %get3A_34 = tpu.vector_load %arg8[%get3A_32, %get3A_33] {strides = array<i32>} : memref<128x144xf32, #tpu.memory_space<vmem>>, vector<16xf32>,
      %add3A_35 = arith.addf %get3A_31, %get3A_34 : vector<16xf32>
      %mul3A_36 = arith.mulf %add3A_35, %select_n3A : vector<16xf32>
      %swap3A_37 = arith.index_cast %scan3A_9 : i32 to index
      %swap3A_38 = arith.constant 16 : index
      %swap3A_39 = tpu.vector_load %arg9[%swap3A_37, %swap3A_38] {strides = array<i32>} : memref<128x128xf32, #tpu.memory_space<vmem>>, vector<16xf32>,
      tpu.vector_store %arg9[%swap3A_37, %swap3A_38], %mul3A_36 {strides = array<i32>} : memref<128x128xf32, #tpu.memory_space<vmem>>, vector<16xf32>,
      %get3A_40 = arith.index_cast %scan3A_9 : i32 to index
      %get3A_41 = arith.constant 32 : index
      %get3A_42 = tpu.vector_load %arg7[%get3A_40, %get3A_41] {strides = array<i32>} : memref<128x144xf32, #tpu.memory_space<vmem>>, vector<16xf32>,
      %get3A_43 = arith.index_cast %scan3A_9 : i32 to index
      %get3A_44 = arith.constant 32 : index
      %get3A_45 = tpu.vector_load %arg8[%get3A_43, %get3A_44] {strides = array<i32>} : memref<128x144xf32, #tpu.memory_space<vmem>>, vector<16xf32>,
      %add3A_46 = arith.addf %get3A_42, %get3A_45 : vector<16xf32>
      %mul3A_47 = arith.mulf %add3A_46, %select_n3A : vector<16xf32>
      %swap3A_48 = arith.index_cast %scan3A_9 : i32 to index
      %swap3A_49 = arith.constant 32 : index
      %swap3A_50 = tpu.vector_load %arg9[%swap3A_48, %swap3A_49] {strides = array<i32>} : memref<128x128xf32, #tpu.memory_space<vmem>>, vector<16xf32>,
      tpu.vector_store %arg9[%swap3A_48, %swap3A_49], %mul3A_47 {strides = array<i32>} : memref<128x128xf32, #tpu.memory_space<vmem>>, vector<16xf32>,
      %get3A_51 = arith.index_cast %scan3A_9 : i32 to index
      %get3A_52 = arith.constant 48 : index
      %get3A_53 = tpu.vector_load %arg7[%get3A_51, %get3A_52] {strides = array<i32>} : memref<128x144xf32, #tpu.memory_space<vmem>>, vector<16xf32>,
      %get3A_54 = arith.index_cast %scan3A_9 : i32 to index
      %get3A_55 = arith.constant 48 : index
      %get3A_56 = tpu.vector_load %arg8[%get3A_54, %get3A_55] {strides = array<i32>} : memref<128x144xf32, #tpu.memory_space<vmem>>, vector<16xf32>,
      %add3A_57 = arith.addf %get3A_53, %get3A_56 : vector<16xf32>
      %mul3A_58 = arith.mulf %add3A_57, %select_n3A : vector<16xf32>
      %swap3A_59 = arith.index_cast %scan3A_9 : i32 to index
      %swap3A_60 = arith.constant 48 : index
      %swap3A_61 = tpu.vector_load %arg9[%swap3A_59, %swap3A_60] {strides = array<i32>} : memref<128x128xf32, #tpu.memory_space<vmem>>, vector<16xf32>,
      tpu.vector_store %arg9[%swap3A_59, %swap3A_60], %mul3A_58 {strides = array<i32>} : memref<128x128xf32, #tpu.memory_space<vmem>>, vector<16xf32>,
      %get3A_62 = arith.index_cast %scan3A_9 : i32 to index
      %get3A_63 = arith.constant 64 : index
      %get3A_64 = tpu.vector_load %arg7[%get3A_62, %get3A_63] {strides = array<i32>} : memref<128x144xf32, #tpu.memory_space<vmem>>, vector<16xf32>,
      %get3A_65 = arith.index_cast %scan3A_9 : i32 to index
      %get3A_66 = arith.constant 64 : index
      %get3A_67 = tpu.vector_load %arg8[%get3A_65, %get3A_66] {strides = array<i32>} : memref<128x144xf32, #tpu.memory_space<vmem>>, vector<16xf32>,
      %add3A_68 = arith.addf %get3A_64, %get3A_67 : vector<16xf32>
      %mul3A_69 = arith.mulf %add3A_68, %select_n3A : vector<16xf32>
      %swap3A_70 = arith.index_cast %scan3A_9 : i32 to index
      %swap3A_71 = arith.constant 64 : index
      %swap3A_72 = tpu.vector_load %arg9[%swap3A_70, %swap3A_71] {strides = array<i32>} : memref<128x128xf32, #tpu.memory_space<vmem>>, vector<16xf32>,
      tpu.vector_store %arg9[%swap3A_70, %swap3A_71], %mul3A_69 {strides = array<i32>} : memref<128x128xf32, #tpu.memory_space<vmem>>, vector<16xf32>,
      %get3A_73 = arith.index_cast %scan3A_9 : i32 to index
      %get3A_74 = arith.constant 80 : index
      %get3A_75 = tpu.vector_load %arg7[%get3A_73, %get3A_74] {strides = array<i32>} : memref<128x144xf32, #tpu.memory_space<vmem>>, vector<16xf32>,
      %get3A_76 = arith.index_cast %scan3A_9 : i32 to index
      %get3A_77 = arith.constant 80 : index
      %get3A_78 = tpu.vector_load %arg8[%get3A_76, %get3A_77] {strides = array<i32>} : memref<128x144xf32, #tpu.memory_space<vmem>>, vector<16xf32>,
      %add3A_79 = arith.addf %get3A_75, %get3A_78 : vector<16xf32>
      %mul3A_80 = arith.mulf %add3A_79, %select_n3A : vector<16xf32>
      %swap3A_81 = arith.index_cast %scan3A_9 : i32 to index
      %swap3A_82 = arith.constant 80 : index
      %swap3A_83 = tpu.vector_load %arg9[%swap3A_81, %swap3A_82] {strides = array<i32>} : memref<128x128xf32, #tpu.memory_space<vmem>>, vector<16xf32>,
      tpu.vector_store %arg9[%swap3A_81, %swap3A_82], %mul3A_80 {strides = array<i32>} : memref<128x128xf32, #tpu.memory_space<vmem>>, vector<16xf32>,
      %get3A_84 = arith.index_cast %scan3A_9 : i32 to index
      %get3A_85 = arith.constant 96 : index
      %get3A_86 = tpu.vector_load %arg7[%get3A_84, %get3A_85] {strides = array<i32>} : memref<128x144xf32, #tpu.memory_space<vmem>>, vector<16xf32>,
      %get3A_87 = arith.index_cast %scan3A_9 : i32 to index
      %get3A_88 = arith.constant 96 : index
      %get3A_89 = tpu.vector_load %arg8[%get3A_87, %get3A_88] {strides = array<i32>} : memref<128x144xf32, #tpu.memory_space<vmem>>, vector<16xf32>,
      %add3A_90 = arith.addf %get3A_86, %get3A_89 : vector<16xf32>
      %mul3A_91 = arith.mulf %add3A_90, %select_n3A : vector<16xf32>
      %swap3A_92 = arith.index_cast %scan3A_9 : i32 to index
      %swap3A_93 = arith.constant 96 : index
      %swap3A_94 = tpu.vector_load %arg9[%swap3A_92, %swap3A_93] {strides = array<i32>} : memref<128x128xf32, #tpu.memory_space<vmem>>, vector<16xf32>,
      tpu.vector_store %arg9[%swap3A_92, %swap3A_93], %mul3A_91 {strides = array<i32>} : memref<128x128xf32, #tpu.memory_space<vmem>>, vector<16xf32>,
      %get3A_95 = arith.index_cast %scan3A_9 : i32 to index
      %get3A_96 = arith.constant 112 : index
      %get3A_97 = tpu.vector_load %arg7[%get3A_95, %get3A_96] {strides = array<i32>} : memref<128x144xf32, #tpu.memory_space<vmem>>, vector<16xf32>,
      %get3A_98 = arith.index_cast %scan3A_9 : i32 to index
      %get3A_99 = arith.constant 112 : index
      %get3A_100 = tpu.vector_load %arg8[%get3A_98, %get3A_99] {strides = array<i32>} : memref<128x144xf32, #tpu.memory_space<vmem>>, vector<16xf32>,
      %add3A_101 = arith.addf %get3A_97, %get3A_100 : vector<16xf32>
      %mul3A_102 = arith.mulf %add3A_101, %select_n3A : vector<16xf32>
      %swap3A_103 = arith.index_cast %scan3A_9 : i32 to index
      %swap3A_104 = arith.constant 112 : index
      %swap3A_105 = tpu.vector_load %arg9[%swap3A_103, %swap3A_104] {strides = array<i32>} : memref<128x128xf32, #tpu.memory_space<vmem>>, vector<16xf32>,
      tpu.vector_store %arg9[%swap3A_103, %swap3A_104], %mul3A_102 {strides = array<i32>} : memref<128x128xf32, #tpu.memory_space<vmem>>, vector<16xf32>,
      %scan3A_106 = arith.constant 0 : i32
      scf.yield %scan3A_106 : i32
    }
    %scan3A_8 = arith.constant 128 : i32
    "tpu.region"() ({
      %run_scoped3A = tpu.sem_alloc : memref<!tpu.dma_semaphore, #tpu.memory_space<semaphore_mem>>
      %dma_start3A = arith.constant 0 : i32
      %dma_start3A_9 = tpu.memref_slice %arg5[%mul3A_2, %dma_start3A] : memref<4096x128xf32, #tpu.memory_space<hbm>> -> memref<128x128xf32, #tpu.memory_space<hbm>>
      %dma_start3A_10 = arith.constant 0 : i32
      %dma_start3A_11 = tpu.memref_slice %arg5[%mul3A_2, %dma_start3A_10] : memref<4096x128xf32, #tpu.memory_space<hbm>> -> memref<128x128xf32, #tpu.memory_space<hbm>>
      tpu.enqueue_dma source(%arg9 : memref<128x128xf32, #tpu.memory_space<vmem>>) target(%dma_start3A_11 : memref<128x128xf32, #tpu.memory_space<hbm>>) target_semaphore(%run_scoped3A : memref<!tpu.dma_semaphore, #tpu.memory_space<semaphore_mem>>)
      %dma_wait3A = arith.constant 0 : i32
      %dma_wait3A_12 = tpu.memref_slice %arg5[%mul3A_2, %dma_wait3A] : memref<4096x128xf32, #tpu.memory_space<hbm>> -> memref<128x128xf32, #tpu.memory_space<hbm>>
      %dma_wait3A_13 = arith.constant 0 : i32
      %dma_wait3A_14 = tpu.memref_slice %arg5[%mul3A_2, %dma_wait3A_13] : memref<4096x128xf32, #tpu.memory_space<hbm>> -> memref<128x128xf32, #tpu.memory_space<hbm>>
      tpu.wait_dma2 semaphore(%run_scoped3A : memref<!tpu.dma_semaphore, #tpu.memory_space<semaphore_mem>>) src(%arg9 : memref<128x128xf32, #tpu.memory_space<vmem>>) dst(%dma_wait3A_14 : memref<128x128xf32, #tpu.memory_space<hbm>>)
      tpu.yield
    }) : () -> ()
    return
  }
}

module attributes {stable_mosaic.version = 14 : i64} {
  func.func @_t1_body(%arg0: i32, %arg1: memref<1000x128xf32, #tpu.memory_space<vmem>>, %arg2: memref<128x128xf32, #tpu.memory_space<vmem>>, %arg3: memref<128x128xf32, #tpu.memory_space<vmem>>, %arg4: memref<1x128xf32, #tpu.memory_space<vmem>>, %arg5: memref<1000x128xbf16, #tpu.memory_space<vmem>>, %arg6: memref<1000x128xbf16, #tpu.memory_space<vmem>>, %arg7: memref<1000x144xf32, #tpu.memory_space<vmem>>) attributes {dimension_semantics = [#tpu.dimension_semantics<arbitrary>], iteration_bounds = array<i64: 10>, scalar_prefetch = 0 : i64, scratch_operands = 0 : i64, tpu.core_type = #tpu.core_type<tc>, window_params = [{transform_indices = @transform_0, window_bounds = array<i64: 1000, 128>}, {pipeline_mode = #tpu.pipeline_mode<synchronous>, transform_indices = @transform_1, window_bounds = array<i64: 128, 128>}, {pipeline_mode = #tpu.pipeline_mode<synchronous>, transform_indices = @transform_2, window_bounds = array<i64: 128, 128>}, {pipeline_mode = #tpu.pipeline_mode<synchronous>, transform_indices = @transform_3, window_bounds = array<i64: 1, 128>}, {transform_indices = @transform_4, window_bounds = array<i64: 1000, 128>}, {transform_indices = @transform_5, window_bounds = array<i64: 1000, 128>}, {transform_indices = @transform_6, window_bounds = array<i64: 1000, 144>}]} {
    %get3A = arith.constant 0 : index
    %get3A_0 = arith.constant 0 : index
    %get3A_1 = vector.load %arg1[%get3A, %get3A_0] : memref<1000x128xf32, #tpu.memory_space<vmem>>, vector<1000x128xf32>
    %get3A_2 = arith.constant 0 : index
    %get3A_3 = arith.constant 0 : index
    %get3A_4 = vector.load %arg2[%get3A_2, %get3A_3] : memref<128x128xf32, #tpu.memory_space<vmem>>, vector<128x128xf32>
    %dot_general3A = arith.constant dense<0.000000e+00> : vector<1000x128xf32>
    %dot_general3A_5 = tpu.matmul %get3A_1, %get3A_4, %dot_general3A {dimension_numbers = #tpu.dot_dimension_numbers<[1], [0], [0], [1], [0, 0, 1, 1], [], []>, transpose_lhs_hint = false} : vector<1000x128xf32>, vector<128x128xf32>, vector<1000x128xf32> -> vector<1000x128xf32>
    %convert_element_type3A = arith.truncf %dot_general3A_5 : vector<1000x128xf32> to vector<1000x128xbf16>
    %swap3A = arith.constant 0 : index
    %swap3A_6 = arith.constant 0 : index
    %swap3A_7 = vector.load %arg5[%swap3A, %swap3A_6] : memref<1000x128xbf16, #tpu.memory_space<vmem>>, vector<1000x128xbf16>
    tpu.vector_store %arg5[%swap3A, %swap3A_6], %convert_element_type3A {strides = array<i32>} : memref<1000x128xbf16, #tpu.memory_space<vmem>>, vector<1000x128xbf16>,
    %get3A_8 = arith.constant 0 : index
    %get3A_9 = arith.constant 0 : index
    %get3A_10 = vector.load %arg3[%get3A_8, %get3A_9] : memref<128x128xf32, #tpu.memory_space<vmem>>, vector<128x128xf32>
    %dot_general3A_11 = arith.constant dense<0.000000e+00> : vector<1000x128xf32>
    %dot_general3A_12 = tpu.matmul %get3A_1, %get3A_10, %dot_general3A_11 {dimension_numbers = #tpu.dot_dimension_numbers<[1], [0], [0], [1], [0, 0, 1, 1], [], []>, transpose_lhs_hint = false} : vector<1000x128xf32>, vector<128x128xf32>, vector<1000x128xf32> -> vector<1000x128xf32>
    %get3A_13 = arith.constant 0 : index
    %get3A_14 = arith.constant 0 : index
    %get3A_15 = vector.load %arg4[%get3A_13, %get3A_14] : memref<1x128xf32, #tpu.memory_space<vmem>>, vector<1x128xf32>
    %add3A = vector.broadcast %get3A_15 : vector<1x128xf32> to vector<1000x128xf32>
    %add3A_16 = arith.addf %dot_general3A_12, %add3A : vector<1000x128xf32>
    %convert_element_type3A_17 = arith.truncf %add3A_16 : vector<1000x128xf32> to vector<1000x128xbf16>
    %swap3A_18 = arith.constant 0 : index
    %swap3A_19 = arith.constant 0 : index
    %swap3A_20 = vector.load %arg6[%swap3A_18, %swap3A_19] : memref<1000x128xbf16, #tpu.memory_space<vmem>>, vector<1000x128xbf16>
    tpu.vector_store %arg6[%swap3A_18, %swap3A_19], %convert_element_type3A_17 {strides = array<i32>} : memref<1000x128xbf16, #tpu.memory_space<vmem>>, vector<1000x128xbf16>,
    %iota3A = tpu.iota {dimensions = array<i32: 1>} : vector<1000x16xi32>
    %eq3A = arith.constant 0 : i32
    %eq3A_21 = vector.broadcast %eq3A : i32 to vector<1000x16xi32>
    %eq3A_22 = arith.cmpi eq, %iota3A, %eq3A_21 : vector<1000x16xi32>
    %convert_element_type3A_23 = arith.extui %eq3A_22 : vector<1000x16xi1> to vector<1000x16xi32>
    %convert_element_type3A_24 = arith.sitofp %convert_element_type3A_23 : vector<1000x16xi32> to vector<1000x16xf32>
    %concatenate3A = tpu.concatenate %get3A_1, %convert_element_type3A_24 in 1 : vector<1000x128xf32>, vector<1000x16xf32> -> vector<1000x144xf32>
    %swap3A_25 = arith.constant 0 : index
    %swap3A_26 = arith.constant 0 : index
    %swap3A_27 = vector.load %arg7[%swap3A_25, %swap3A_26] : memref<1000x144xf32, #tpu.memory_space<vmem>>, vector<1000x144xf32>
    tpu.vector_store %arg7[%swap3A_25, %swap3A_26], %concatenate3A {strides = array<i32>} : memref<1000x144xf32, #tpu.memory_space<vmem>>, vector<1000x144xf32>,
    return
  }
  func.func @transform_0(%arg0: i32) -> (i32, i32) {
    %c0_i32 = arith.constant 0 : i32
    %c0_i32_0 = arith.constant 0 : i32
    return %arg0, %c0_i32 : i32, i32
  }
  func.func @transform_1(%arg0: i32) -> (i32, i32) {
    %c0_i32 = arith.constant 0 : i32
    %c0_i32_0 = arith.constant 0 : i32
    %c0_i32_1 = arith.constant 0 : i32
    return %c0_i32, %c0_i32_0 : i32, i32
  }
  func.func @transform_2(%arg0: i32) -> (i32, i32) {
    %c0_i32 = arith.constant 0 : i32
    %c0_i32_0 = arith.constant 0 : i32
    %c0_i32_1 = arith.constant 0 : i32
    return %c0_i32, %c0_i32_0 : i32, i32
  }
  func.func @transform_3(%arg0: i32) -> (i32, i32) {
    %c0_i32 = arith.constant 0 : i32
    %c0_i32_0 = arith.constant 0 : i32
    %c0_i32_1 = arith.constant 0 : i32
    return %c0_i32, %c0_i32_0 : i32, i32
  }
  func.func @transform_4(%arg0: i32) -> (i32, i32) {
    %c0_i32 = arith.constant 0 : i32
    %c0_i32_0 = arith.constant 0 : i32
    return %arg0, %c0_i32 : i32, i32
  }
  func.func @transform_5(%arg0: i32) -> (i32, i32) {
    %c0_i32 = arith.constant 0 : i32
    %c0_i32_0 = arith.constant 0 : i32
    return %arg0, %c0_i32 : i32, i32
  }
  func.func @transform_6(%arg0: i32) -> (i32, i32) {
    %c0_i32 = arith.constant 0 : i32
    %c0_i32_0 = arith.constant 0 : i32
    return %arg0, %c0_i32 : i32, i32
  }
}

module attributes {stable_mosaic.version = 14 : i64} {
  func.func @_t2_body(%arg0: i32, %arg1: memref<1024x128xf32, #tpu.memory_space<vmem>>, %arg2: memref<128x128xbf16, #tpu.memory_space<vmem>>, %arg3: memref<1x128xf32, #tpu.memory_space<vmem>>, %arg4: memref<1x128xf32, #tpu.memory_space<vmem>>, %arg5: memref<1024x2xf32, #tpu.memory_space<vmem>>, %arg6: memref<1x1xf32, #tpu.memory_space<vmem>>) attributes {dimension_semantics = [#tpu.dimension_semantics<arbitrary>], iteration_bounds = array<i64: 160>, scalar_prefetch = 0 : i64, scratch_operands = 0 : i64, tpu.core_type = #tpu.core_type<tc>, window_params = [{transform_indices = @transform_0, window_bounds = array<i64: 1024, 128>}, {pipeline_mode = #tpu.pipeline_mode<synchronous>, transform_indices = @transform_1, window_bounds = array<i64: 128, 128>}, {pipeline_mode = #tpu.pipeline_mode<synchronous>, transform_indices = @transform_2, window_bounds = array<i64: 1, 128>}, {pipeline_mode = #tpu.pipeline_mode<synchronous>, transform_indices = @transform_3, window_bounds = array<i64: 1, 128>}, {transform_indices = @transform_4, window_bounds = array<i64: 1024, 2>}, {pipeline_mode = #tpu.pipeline_mode<synchronous>, transform_indices = @transform_5, window_bounds = array<i64: 1, 1>}]} {
    %get3A = arith.constant 0 : index
    %get3A_0 = arith.constant 0 : index
    %get3A_1 = vector.load %arg1[%get3A, %get3A_0] : memref<1024x128xf32, #tpu.memory_space<vmem>>, vector<1024x128xf32>
    %bitcast_convert_type3A = tpu.bitcast %get3A_1 : vector<1024x128xf32> -> vector<1024x128xi32>
    %shift_left3A = arith.constant 16 : i32
    %shift_left3A_2 = vector.broadcast %shift_left3A : i32 to vector<1024x128xi32>
    %shift_left3A_3 = arith.shli %bitcast_convert_type3A, %shift_left3A_2 : vector<1024x128xi32>
    %bitcast_convert_type3A_4 = tpu.bitcast %shift_left3A_3 : vector<1024x128xi32> -> vector<1024x128xf32>
    %and3A = arith.constant -65536 : i32
    %and3A_5 = vector.broadcast %and3A : i32 to vector<1024x128xi32>
    %and3A_6 = arith.andi %bitcast_convert_type3A, %and3A_5 : vector<1024x128xi32>
    %bitcast_convert_type3A_7 = tpu.bitcast %and3A_6 : vector<1024x128xi32> -> vector<1024x128xf32>
    %slice3A = vector.extract_strided_slice %bitcast_convert_type3A_4 {offsets = [0, 0], sizes = [1024, 64], strides = [1, 1]} : vector<1024x128xf32> to vector<1024x64xf32>
    %slice3A_8 = vector.extract_strided_slice %bitcast_convert_type3A_7 {offsets = [0, 0], sizes = [1024, 64], strides = [1, 1]} : vector<1024x128xf32> to vector<1024x64xf32>
    %concatenate3A = tpu.concatenate %slice3A, %slice3A_8 in 1 : vector<1024x64xf32>, vector<1024x64xf32> -> vector<1024x128xf32>
    %max3A = arith.constant 0.000000e+00 : f32
    %max3A_9 = vector.broadcast %max3A : f32 to vector<1024x128xf32>
    %max3A_10 = arith.maximumf %concatenate3A, %max3A_9 : vector<1024x128xf32>
    %convert_element_type3A = arith.truncf %max3A_10 : vector<1024x128xf32> to vector<1024x128xbf16>
    %get3A_11 = arith.constant 0 : index
    %get3A_12 = arith.constant 0 : index
    %get3A_13 = vector.load %arg2[%get3A_11, %get3A_12] : memref<128x128xbf16, #tpu.memory_space<vmem>>, vector<128x128xbf16>
    %dot_general3A = arith.constant dense<0.000000e+00> : vector<1024x128xf32>
    %dot_general3A_14 = tpu.matmul %convert_element_type3A, %get3A_13, %dot_general3A {dimension_numbers = #tpu.dot_dimension_numbers<[1], [0], [0], [1], [0, 0, 1, 1], [], []>, transpose_lhs_hint = false} : vector<1024x128xbf16>, vector<128x128xbf16>, vector<1024x128xf32> -> vector<1024x128xf32>
    %get3A_15 = arith.constant 0 : index
    %get3A_16 = arith.constant 0 : index
    %get3A_17 = vector.load %arg3[%get3A_15, %get3A_16] : memref<1x128xf32, #tpu.memory_space<vmem>>, vector<1x128xf32>
    %add3A = vector.broadcast %get3A_17 : vector<1x128xf32> to vector<1024x128xf32>
    %add3A_18 = arith.addf %dot_general3A_14, %add3A : vector<1024x128xf32>
    %max3A_19 = arith.constant 0.000000e+00 : f32
    %max3A_20 = vector.broadcast %max3A_19 : f32 to vector<1024x128xf32>
    %max3A_21 = arith.maximumf %add3A_18, %max3A_20 : vector<1024x128xf32>
    %get3A_22 = arith.constant 0 : index
    %get3A_23 = arith.constant 0 : index
    %get3A_24 = vector.load %arg4[%get3A_22, %get3A_23] : memref<1x128xf32, #tpu.memory_space<vmem>>, vector<1x128xf32>
    %mul3A = vector.broadcast %get3A_24 : vector<1x128xf32> to vector<1024x128xf32>
    %mul3A_25 = arith.mulf %max3A_21, %mul3A : vector<1024x128xf32>
    %reduce_sum3A = arith.constant dense<0.000000e+00> : vector<1024xf32>
    %reduce_sum3A_26 = vector.multi_reduction <add>, %mul3A_25, %reduce_sum3A [1] : vector<1024x128xf32> to vector<1024xf32>
    %broadcast_in_dim3A = vector.shape_cast %reduce_sum3A_26 : vector<1024xf32> to vector<1024x1xf32>
    %slice3A_27 = vector.extract_strided_slice %bitcast_convert_type3A_4 {offsets = [0, 64], sizes = [1024, 64], strides = [1, 1]} : vector<1024x128xf32> to vector<1024x64xf32>
    %slice3A_28 = vector.extract_strided_slice %bitcast_convert_type3A_7 {offsets = [0, 64], sizes = [1024, 64], strides = [1, 1]} : vector<1024x128xf32> to vector<1024x64xf32>
    %concatenate3A_29 = tpu.concatenate %slice3A_27, %slice3A_28 in 1 : vector<1024x64xf32>, vector<1024x64xf32> -> vector<1024x128xf32>
    %max3A_30 = arith.constant 0.000000e+00 : f32
    %max3A_31 = vector.broadcast %max3A_30 : f32 to vector<1024x128xf32>
    %max3A_32 = arith.maximumf %concatenate3A_29, %max3A_31 : vector<1024x128xf32>
    %convert_element_type3A_33 = arith.truncf %max3A_32 : vector<1024x128xf32> to vector<1024x128xbf16>
    %get3A_34 = arith.constant 0 : index
    %get3A_35 = arith.constant 0 : index
    %get3A_36 = vector.load %arg2[%get3A_34, %get3A_35] : memref<128x128xbf16, #tpu.memory_space<vmem>>, vector<128x128xbf16>
    %dot_general3A_37 = arith.constant dense<0.000000e+00> : vector<1024x128xf32>
    %dot_general3A_38 = tpu.matmul %convert_element_type3A_33, %get3A_36, %dot_general3A_37 {dimension_numbers = #tpu.dot_dimension_numbers<[1], [0], [0], [1], [0, 0, 1, 1], [], []>, transpose_lhs_hint = false} : vector<1024x128xbf16>, vector<128x128xbf16>, vector<1024x128xf32> -> vector<1024x128xf32>
    %get3A_39 = arith.constant 0 : index
    %get3A_40 = arith.constant 0 : index
    %get3A_41 = vector.load %arg3[%get3A_39, %get3A_40] : memref<1x128xf32, #tpu.memory_space<vmem>>, vector<1x128xf32>
    %add3A_42 = vector.broadcast %get3A_41 : vector<1x128xf32> to vector<1024x128xf32>
    %add3A_43 = arith.addf %dot_general3A_38, %add3A_42 : vector<1024x128xf32>
    %max3A_44 = arith.constant 0.000000e+00 : f32
    %max3A_45 = vector.broadcast %max3A_44 : f32 to vector<1024x128xf32>
    %max3A_46 = arith.maximumf %add3A_43, %max3A_45 : vector<1024x128xf32>
    %get3A_47 = arith.constant 0 : index
    %get3A_48 = arith.constant 0 : index
    %get3A_49 = vector.load %arg4[%get3A_47, %get3A_48] : memref<1x128xf32, #tpu.memory_space<vmem>>, vector<1x128xf32>
    %mul3A_50 = vector.broadcast %get3A_49 : vector<1x128xf32> to vector<1024x128xf32>
    %mul3A_51 = arith.mulf %max3A_46, %mul3A_50 : vector<1024x128xf32>
    %reduce_sum3A_52 = arith.constant dense<0.000000e+00> : vector<1024xf32>
    %reduce_sum3A_53 = vector.multi_reduction <add>, %mul3A_51, %reduce_sum3A_52 [1] : vector<1024x128xf32> to vector<1024xf32>
    %broadcast_in_dim3A_54 = vector.shape_cast %reduce_sum3A_53 : vector<1024xf32> to vector<1024x1xf32>
    %concatenate3A_55 = tpu.concatenate %broadcast_in_dim3A, %broadcast_in_dim3A_54 in 1 : vector<1024x1xf32>, vector<1024x1xf32> -> vector<1024x2xf32>
    %mul3A_56 = arith.constant 2048 : i32
    %mul3A_57 = arith.muli %arg0, %mul3A_56 : i32
    %iota3A = tpu.iota {dimensions = array<i32: 0>} : vector<1024x2xi32>
    %mul3A_58 = arith.constant 2 : i32
    %mul3A_59 = vector.broadcast %mul3A_58 : i32 to vector<1024x2xi32>
    %mul3A_60 = arith.muli %mul3A_59, %iota3A : vector<1024x2xi32>
    %add3A_61 = vector.broadcast %mul3A_57 : i32 to vector<1024x2xi32>
    %add3A_62 = arith.addi %add3A_61, %mul3A_60 : vector<1024x2xi32>
    %iota3A_63 = tpu.iota {dimensions = array<i32: 1>} : vector<1024x2xi32>
    %add3A_64 = arith.addi %add3A_62, %iota3A_63 : vector<1024x2xi32>
    %lt3A = arith.constant 320000 : i32
    %lt3A_65 = vector.broadcast %lt3A : i32 to vector<1024x2xi32>
    %lt3A_66 = arith.cmpi slt, %add3A_64, %lt3A_65 : vector<1024x2xi32>
    %jit3A = arith.constant -1.000000e+30 : f32
    %broadcast_in_dim3A_67 = vector.broadcast %jit3A : f32 to vector<1024x2xf32>
    %select_n3A = arith.select %lt3A_66, %concatenate3A_55, %broadcast_in_dim3A_67 : vector<1024x2xi1>, vector<1024x2xf32>
    %swap3A = arith.constant 0 : index
    %swap3A_68 = arith.constant 0 : index
    %swap3A_69 = vector.load %arg5[%swap3A, %swap3A_68] : memref<1024x2xf32, #tpu.memory_space<vmem>>, vector<1024x2xf32>
    tpu.vector_store %arg5[%swap3A, %swap3A_68], %select_n3A {strides = array<i32>} : memref<1024x2xf32, #tpu.memory_space<vmem>>, vector<1024x2xf32>,
    %reduce_max3A = vector.shape_cast %select_n3A : vector<1024x2xf32> to vector<1x1024x2xf32>
    %reduce_max3A_70 = arith.constant dense<0xFF800000> : vector<1xf32>
    %reduce_max3A_71 = vector.multi_reduction <maximumf>, %reduce_max3A, %reduce_max3A_70 [1, 2] : vector<1x1024x2xf32> to vector<1xf32>
    %reduce_max3A_72 = vector.shape_cast %reduce_max3A_71 : vector<1xf32> to vector<1x1x1xf32>
    %reduce_max3A_73 = vector.extract %reduce_max3A_72[0, 0, 0] : f32 from vector<1x1x1xf32>
    %broadcast_in_dim3A_74 = vector.broadcast %reduce_max3A_73 : f32 to vector<1x1xf32>
    %eq3A = arith.constant 0 : i32
    %eq3A_75 = arith.cmpi eq, %arg0, %eq3A : i32
    %convert_element_type3A_76 = arith.extui %eq3A_75 : i1 to i32
    %cond3A = arith.constant 0 : i32
    %cond3A_77 = arith.cmpi ne, %convert_element_type3A_76, %cond3A : i32
    scf.if %cond3A_77 {
      %swap3A_82 = arith.constant 0 : index
      %swap3A_83 = arith.constant 0 : index
      %swap3A_84 = vector.load %arg6[%swap3A_82, %swap3A_83] : memref<1x1xf32, #tpu.memory_space<vmem>>, vector<1x1xf32>
      tpu.vector_store %arg6[%swap3A_82, %swap3A_83], %broadcast_in_dim3A_74 {strides = array<i32>} : memref<1x1xf32, #tpu.memory_space<vmem>>, vector<1x1xf32>,
    } else {
    }
    %ne3A = arith.constant 0 : i32
    %ne3A_78 = arith.cmpi ne, %arg0, %ne3A : i32
    %convert_element_type3A_79 = arith.extui %ne3A_78 : i1 to i32
    %cond3A_80 = arith.constant 0 : i32
    %cond3A_81 = arith.cmpi ne, %convert_element_type3A_79, %cond3A_80 : i32
    scf.if %cond3A_81 {
      %get3A_82 = arith.constant 0 : index
      %get3A_83 = arith.constant 0 : index
      %get3A_84 = vector.load %arg6[%get3A_82, %get3A_83] : memref<1x1xf32, #tpu.memory_space<vmem>>, vector<1x1xf32>
      %max3A_85 = arith.maximumf %get3A_84, %broadcast_in_dim3A_74 : vector<1x1xf32>
      %swap3A_86 = arith.constant 0 : index
      %swap3A_87 = arith.constant 0 : index
      %swap3A_88 = vector.load %arg6[%swap3A_86, %swap3A_87] : memref<1x1xf32, #tpu.memory_space<vmem>>, vector<1x1xf32>
      tpu.vector_store %arg6[%swap3A_86, %swap3A_87], %max3A_85 {strides = array<i32>} : memref<1x1xf32, #tpu.memory_space<vmem>>, vector<1x1xf32>,
    } else {
    }
    return
  }
  func.func @transform_0(%arg0: i32) -> (i32, i32) {
    %c0_i32 = arith.constant 0 : i32
    %c0_i32_0 = arith.constant 0 : i32
    return %arg0, %c0_i32 : i32, i32
  }
  func.func @transform_1(%arg0: i32) -> (i32, i32) {
    %c0_i32 = arith.constant 0 : i32
    %c0_i32_0 = arith.constant 0 : i32
    %c0_i32_1 = arith.constant 0 : i32
    return %c0_i32, %c0_i32_0 : i32, i32
  }
  func.func @transform_2(%arg0: i32) -> (i32, i32) {
    %c0_i32 = arith.constant 0 : i32
    %c0_i32_0 = arith.constant 0 : i32
    %c0_i32_1 = arith.constant 0 : i32
    return %c0_i32, %c0_i32_0 : i32, i32
  }
  func.func @transform_3(%arg0: i32) -> (i32, i32) {
    %c0_i32 = arith.constant 0 : i32
    %c0_i32_0 = arith.constant 0 : i32
    %c0_i32_1 = arith.constant 0 : i32
    return %c0_i32, %c0_i32_0 : i32, i32
  }
  func.func @transform_4(%arg0: i32) -> (i32, i32) {
    %c0_i32 = arith.constant 0 : i32
    %c0_i32_0 = arith.constant 0 : i32
    return %arg0, %c0_i32 : i32, i32
  }
  func.func @transform_5(%arg0: i32) -> (i32, i32) {
    %c0_i32 = arith.constant 0 : i32
    %c0_i32_0 = arith.constant 0 : i32
    %c0_i32_1 = arith.constant 0 : i32
    return %c0_i32, %c0_i32_0 : i32, i32
  }
}

</mosaic_0001>

<sc_bundles>
// kernel: kernel.10.cloned.1.call-start
scs
__scs_entry_jumppad:
0x0: {  	(pc) =	sbr.rel $0x88, $3  }
0x1: {  	(tag) =	ssettag $0x0;
	lr =	simm.s32 $0x1  }
0x2: {  	[smem:$0x3F98] =	sst lr;
	_ =	strace $0xD0000000  }
0x3: {  	_ = 	snop  }
0x4: {  	_ = 	snop  }
0x5: {  	_ = 	snop  }
0x6: {  	_ = 	snop  }
0x7: {  	_ = 	snop  }
__scs_overlays_trampoline_lowered:
0x8: {  	[smem:$0x3FA7] =	sst s0  }
0x9: {  	[smem:$0x3FA8] =	sst s1  }
0xa: {  	[smem:$0x3FA9] =	sst s2  }
0xb: {  	[smem:$0x3FAA] =	sst s3  }
0xc: {  	[smem:$0x3FAB] =	sst s4  }
0xd: {  	[smem:$0x3FAC] =	sst s5  }
0xe: {  	[smem:$0x3FAD] =	sst s6  }
0xf: {  	[smem:$0x3FAE] =	sst s7  }
0x10: {  	[smem:$0x3FAF] =	sst s8  }
0x11: {  	[smem:$0x3FB0] =	sst s9;
	s0 =	simm.s32 @!p0 $0x0  }
0x12: {  	s1 =	sld [smem:$0x3F96];
	s0 =	simm.s32 @p0 $0x1  }
0x13: {  	[smem:$0x3FB1] =	sst s0;
	s0 =	simm.s32 @!p1 $0x0  }
0x14: {  	s2 =	sld [smem:$0x3F95];
	s0 =	simm.s32 @p1 $0x1  }
0x15: {  	[smem:$0x3FB2] =	sst s0;
	s0 =	simm.s32 @!p2 $0x0  }
0x16: {  	s3 =	sld [smem:$0x3FDB];
	s0 =	simm.s32 @p2 $0x1  }
0x17: {  	s4 =	simm.s32 $0x1BF5;
	[smem:$0x3FB4] =	sst s0  }
0x18: {  	s0 =	sld [smem:$0x3F97];
	_ =	swait.ge [sflag:s4], $0x0  }
0x19: {  	s7 =	sld [smem:$0x3F98]  }
0x1a: {  	s8 =	sadd.s32 $0xFFFFE003, lr  }
0x1b: {  	s9 =	sadd.s32 $0xFFFFFEF7, lr;
	s5 =	simm.s32 $0xFFFFFFFF;
	p2 =	slt.u32 s8, $0xFFFFF086  }
0x1c: {  	p1 =	slt.u32 s9, $0xF7A;
	s5 =	simm.s32 @!p2 $0x0  }
0x1d: {  	s5 =	simm.s32 @p1 $0x1;
	p0 =	seq.s32 s7, s2  }
0x1e: {  	s7 =	smul.u32 @!p0 $0xF7A, s2;
	p2 =	seq.s32 @!p0 s5, $0x0  }
0x1f: {  	s9 =	smul.u32 $0xF7A, s1;
	s8 =	simm.s32 @!p0 $0x1BF5;
	p2 =	por !p2, p0  }
0x20: {  	[sflag:s8] =	ssyncset.s32 @!p0 $0xFFFFF086;
	s6 =	sadd.s32 @!p0 s3, s7;
	s7 =	simm.s32 @!p0 $0x108  }
0x21: {  	s3 =	sadd.s32 s3, s9;
	s6 =	sadd.s32 @!p0 $0x88, s6;
	s7 =	simm.s32 @p2 $0x1082  }
0x22: {  	[simem:s7], [sflag:s8] =	dma.local @!p0 [hbm:s6], $0xF7A  }
0x23: {  	s9 =	sor.u32 $0xD0000000, s2;
	s6 =	simm.s32 $0x108;
	_ =	swait.ge @!p0 [sflag:s8], $0x0  }
0x24: {  	s3 =	sadd.s32 $0x88, s3;
	s6 =	simm.s32 @!p1 $0x1082;
	[sflag:s4] =	ssyncset.s32 $0xFFFFF086  }
0x25: {  	[simem:s6], [sflag:s4] =	dma.local [hbm:s3], $0xF7A  }
0x26: {  	[smem:$0x3F98] =	sst s1;
	(tag) =	ssettag s2;
	_ =	strace s9  }
0x27: {  	s1 =	sld [smem:$0x3FA8]  }
0x28: {  	s2 =	sld [smem:$0x3FA9]  }
0x29: {  	s4 =	sld [smem:$0x3FAB]  }
0x2a: {  	p0 =	seq.s32 s5, $0x0;
	s5 =	sld [smem:$0x3FAC]  }
0x2b: {  	s6 =	sld [smem:$0x3FAD]  }
0x2c: {  	s7 =	sld [smem:$0x3FAE]  }
0x2d: {  	s3 =	simm.s32 $0x108;
	s8 =	sld [smem:$0x3FAF]  }
0x2e: {  	s3 =	simm.s32 @!p0 $0x1082;
	s9 =	sld [smem:$0x3FB0]  }
0x2f: {  	lr =	sadd.s32 s0, s3;
	s0 =	sld [smem:$0x3FA7]  }
0x30: {  	s3 =	sld [smem:$0x3FAA]  }
0x31: {  	[smem:$0x3FB3] =	sst s10  }
0x32: {  	s10 =	sld [smem:$0x3FB1];
	_ =	sdelay $0x3  }
0x33: {  	p0 =	seq.s32 s10, $0x1;
	s10 =	sld [smem:$0x3FB3];
	_ =	sdelay $0x3  }
0x34: {  	[smem:$0x3FB3] =	sst s10  }
0x35: {  	s10 =	sld [smem:$0x3FB2];
	_ =	sdelay $0x3  }
0x36: {  	p1 =	seq.s32 s10, $0x1;
	s10 =	sld [smem:$0x3FB3];
	_ =	sdelay $0x3  }
0x37: {  	[smem:$0x3FB3] =	sst s10  }
0x38: {  	s10 =	sld [smem:$0x3FB4]  }
0x39: {  	_ = 	snop;
	(pc) =	sbr.ind lr, $3  }
0x3a: {  	_ = 	snop  }
0x3b: {  	_ = 	snop  }
0x3c: {  	p2 =	seq.s32 s10, $0x1;
	s10 =	sld [smem:$0x3FB3]  }
0x3d: {  	_ =	shalt  }
0x3e: {  	_ =	shalt  }
0x3f: {  	_ =	shalt  }
0x40: {  	_ =	shalt  }
0x41: {  	_ =	shalt  }
0x42: {  	_ =	shalt  }
0x43: {  	_ =	shalt  }
0x44: {  	_ =	shalt  }
0x45: {  	_ =	shalt  }
0x46: {  	_ =	shalt  }
0x47: {  	_ =	shalt  }
0x48: {  	_ =	shalt  }
0x49: {  	_ =	shalt  }
0x4a: {  	_ =	shalt  }
0x4b: {  	_ =	shalt  }
0x4c: {  	_ =	shalt  }
0x4d: {  	_ =	shalt  }
0x4e: {  	_ =	shalt  }
0x4f: {  	_ =	shalt  }
0x50: {  	_ =	shalt  }
0x51: {  	_ =	shalt  }
0x52: {  	_ =	shalt  }
0x53: {  	_ =	shalt  }
0x54: {  	_ =	shalt  }
0x55: {  	_ =	shalt  }
0x56: {  	_ =	shalt  }
0x57: {  	_ =	shalt  }
0x58: {  	_ =	shalt  }
0x59: {  	_ =	shalt  }
0x5a: {  	_ =	shalt  }
0x5b: {  	_ =	shalt  }
0x5c: {  	_ =	shalt  }
0x5d: {  	_ =	shalt  }
0x5e: {  	_ =	shalt  }
0x5f: {  	_ =	shalt  }
0x60: {  	_ =	shalt  }
0x61: {  	_ =	shalt  }
0x62: {  	_ =	shalt  }
0x63: {  	_ =	shalt  }
0x64: {  	_ =	shalt  }
0x65: {  	_ =	shalt  }
0x66: {  	_ =	shalt  }
0x67: {  	_ =	shalt  }
0x68: {  	_ =	shalt  }
0x69: {  	_ =	shalt  }
0x6a: {  	_ =	shalt  }
0x6b: {  	_ =	shalt  }
0x6c: {  	_ =	shalt  }
0x6d: {  	_ =	shalt  }
0x6e: {  	_ =	shalt  }
0x6f: {  	_ =	shalt  }
0x70: {  	_ =	shalt  }
0x71: {  	_ =	shalt  }
0x72: {  	_ =	shalt  }
0x73: {  	_ =	shalt  }
0x74: {  	_ =	shalt  }
0x75: {  	_ =	shalt  }
0x76: {  	_ =	shalt  }
0x77: {  	_ =	shalt  }
0x78: {  	_ =	shalt  }
0x79: {  	_ =	shalt  }
0x7a: {  	_ =	shalt  }
0x7b: {  	_ =	shalt  }
0x7c: {  	_ =	shalt  }
0x7d: {  	_ =	shalt  }
0x7e: {  	_ =	shalt  }
0x7f: {  	_ =	shalt  }
0x80: {  	_ =	shalt  }
0x81: {  	_ =	shalt  }
0x82: {  	_ =	shalt  }
0x83: {  	_ =	shalt  }
0x84: {  	_ =	shalt  }
0x85: {  	_ =	shalt  }
0x86: {  	_ =	shalt  }
0x87: {  	_ =	shalt  }
.Lfunc_end0:
.L_simem_size_0:
called_computation.1_lowered:
.L_overlay_start_0:
0x88: {  	s2 =	sld [smem:$0x3FD9]  }
0x89: {  	s3 =	sld [smem:$0x3FFE];
	_ =	sdelay $0x1  }
0x8a: {  	s1 =	srdreg.scid  }
0x8b: {  	s0 =	sand.u32 $0x1, s1  }
0x8c: {  	s17 =	sshll.u32 s0, $0xA;
	s2 =	sadd.s32 s3, s2  }
0x8d: {  	s2 =	sadd.s32 s2, s17  }
0x8e: {  	[smem:$0x3FBF] =	sst s2  }
0x8f: {  	_ = 	snop  }
0x90: {  	s2 =	sld [smem:$0x3FD0];
	(tm) =	ssettm $0x1  }
0x91: {  	s18 =	sld [smem:$0x3FFB];
	_ =	sdelay $0x3  }
0x92: {  	_ =	strace s18  }
0x93: {  	s3 =	sld [smem:$0x3FFC];
	_ =	sdelay $0x3  }
0x94: {  	_ =	strace s3  }
0x95: {  	s3 =	sld [smem:$0x3FFD];
	_ =	sdelay $0x3  }
0x96: {  	_ =	strace s3  }
0x97: {  	_ =	strace $0x8FFFFFFF  }
0x98: {  	s19 =	sld [smem:$0x3FDB];
	_ =	sdelay $0x1  }
0x99: {  	s4 =	simm.s32 $_scs_section_size  }
0x9a: {  	s5 =	simm.s32 $_size__tile_overlayer_lowered;
	s6 =	simm.s32 $_tile_overlayer_lowered  }
0x9b: {  	s22 =	simm.s32 $0x1BFF;
	s21 =	sshll.u32 s6, $0x1;
	s3 =	sadd.s32 s4, s19  }
0x9c: {  	s7 =	simm.s32 $0x0;
	s20 =	sshll.u32 s5, $0x1;
	s5 =	sadd.s32 s21, s3  }
0x9d: {  	[timem:s7], [sflag:s22] =	dma.local [hbm:s5], s20  }
0x9e: {  	_ =	swait.ge [sflag:s22], s20  }
0x9f: {  	s4 =	ssub.s32 $0x0, s20;
	[sflag:s22] =	ssyncset.done $0x0  }
0xa0: {  	[sflag:s22] =	ssyncadd.s32 s4;
	_ =	sdelay $0x1  }
0xa1: {  	s23 =	simm.s32 $0x1B8B  }
0xa2: {  	_ =	swait.ge [sflag:s23], $0x1  }
0xa3: {  	[sflag:s23] =	ssyncset.done $0x0  }
0xa4: {  	s25 =	simm.s32 $0x1B8E;
	s24 =	sld [smem:$0x3FFE];
	[sflag:s23] =	ssyncadd.s32 $0xFFFFFFFF  }
0xa5: {  	s26 =	simm.s32 $execute0_lowered;
	[smem:$0x3FD2] =	sst s25  }
0xa6: {  	s5 =	sshll.u32 s26, $0x1;
	_ =	strace $0x80000049;
	[dreg:$0x1] =	wrdreg $0xFFFFFFFF  }
0xa7: {  	s28 =	simm.s32 $_size_execute0_lowered;
	s3 =	sadd.s32 s3, s5;
	[dreg:$0x0] =	wrdreg $0x0  }
0xa8: {  	s5 =	sshll.u32 s28, $0x1;
	[dreg:$0x2] =	wrdreg s3  }
0xa9: {  	[dreg:$0x3] =	wrdreg s5  }
0xaa: {  	[dreg:$0x4] =	wrdreg $0xC0  }
0xab: {  	_ =	task [dreg:s7], $0x5FFFF  }
0xac: {  	[dreg:$0x1] =	wrdreg $0xFFFFFFFF  }
0xad: {  	[dreg:$0x0] =	wrdreg $0x60  }
0xae: {  	[dreg:$0x2] =	wrdreg s24  }
0xaf: {  	[dreg:$0x3] =	wrdreg s2  }
0xb0: {  	[dreg:$0x4] =	wrdreg $0x93100  }
0xb1: {  	[dreg:$0x5] =	wrdreg $0x9  }
0xb2: {  	_ =	task.clear_ibuf [dreg:s7], $0x6FFFF;
	_ =	strace $0x90000049  }
0xb3: {  	s29 =	simm.s32 $0x9;
	_ =	strace $0x8000004B  }
0xb4: {  	_ =	swait.ge [sflag:s29], $0x1  }
0xb5: {  	[sflag:s29] =	ssyncadd.s32 $0xFFFFFFFF  }
0xb6: {  	_ =	strace $0x9000004B  }
0xb7: {  	_ =	sfence  }
0xb8: {  	s30 =	sld [smem:$0x0];
	_ =	sdelay $0x2  }
0xb9: {  	s31 =	sshll.u32 s1, $0xD;
	s1 =	sshrl.u32 s1, $0x2  }
0xba: {  	s3 =	sand.u32 $0x4000, s31;
	s1 =	sadd.s32 s1, s30  }
0xbb: {  	s0 =	sor.u32 s3, s0;
	s1 =	sshll.u32 s1, $0x11  }
0xbc: {  	s0 =	sor.u32 s1, s0  }
0xbd: {  	s0 =	sadd.s32 $0x8F2B, s0  }
0xbe: {  	[sflag:s0] =	ssyncadd.remote.s32 $0x1  }
0xbf: {  	_ =	sfence.sel $0xFFFF  }
0xc0: {  	[dreg:$0x0] =	wrdreg $0xFFFFFFFF;
	(pc) =	sbr.abs _section_cstart, $3  }
0xc1: {  	[dreg:$0x1] =	wrdreg $0xFFFFFFFF  }
0xc2: {  	_ =	task.clear_ibuf [dreg:s7], $0x2FFFF;
	_ =	strace $0x9FFFFFFF  }
0xc3: {  	(tm) =	ssettm $0x7FFFFFFF  }
tec
execute0_lowered:
.L_overlay_start_1:
0x0: {  	(tag) =	ssettag $0x1  }
0x1: {  	s0 =	rddreg [dreg:$0x0]  }
0x2: {  	s1 =	rddreg [dreg:$0x1]  }
0x3: {  	s2 =	rddreg [dreg:$0x2]  }
0x4: {  	s3 =	simm.s32 $0x0;
	s5 =	srdreg.scid;
	s26 =	stileid.u32  }
0x5: {  	[smem:$0x7FF] =	sst s3;
	s9 =	sand.u32 $0x1, s5;
	s7 =	sshll.u32 s26, $0x1  }
0x6: {  	s6 =	sadd.s32 $0x2000, s0;
	s12 =	sadd.s32 $0xA2CF0, s2;
	s13 =	sadd.s32 $0xA74F0, s2  }
0x7: {  	s14 =	sadd.s32 $0xABCF0, s2;
	s15 =	sadd.s32 $0x88560, s2;
	s16 =	sadd.s32 $0x466B0, s2  }
0x8: {  	s17 =	sadd.s32 $0x4AEB0, s2;
	s18 =	sadd.s32 $0x4F6B0, s2;
	p4 =	sgt.s32 s26, $0x1  }
0x9: {  	s19 =	sadd.s32 $0x53EB0, s2;
	s20 =	sadd.s32 $0x30720, s2;
	s21 =	sadd.s32 $0x34F20, s2  }
0xa: {  	s22 =	sadd.s32 $0x39720, s2;
	s23 =	sadd.s32 $0x3DF20, s2;
	s24 =	sadd.s32 $0x1A790, s2  }
0xb: {  	s25 =	sadd.s32 $0x12000, s2;
	_ =	strace $0x8000004A;
	s8 =	ssub.s32 $0x2, s9  }
0xc: {  	s11 =	sor.u32 s9, s7;
	s7 =	sadd.s32 $0xC200, s0;
	p0 =	seq.s32 @p4 s26, $0x2  }
0xd: {  	p3 =	seq.s32 s9, $0x1;
	s10 =	sshrl.u32 s8, $0x1;
	s4 =	simm.s32 @!p0 $0x0  }
0xe: {  	p5 =	por !p0, !p4;
	s9 =	simm.s32 @!p3 $0x0;
	s8 =	ssub.s32 s8, s10  }
0xf: {  	s10 =	smul.u32 $0x2800, s11;
	s11 =	sadd.s32 $0x9E4F0, s2;
	s4 =	simm.s32 @p0 $0x1  }
0x10: {  	s20 =	smov.u32 @p5 s16;
	s16 =	sadd.s32 $0x1EF90, s2;
	s21 =	smov.u32 @p5 s17  }
0x11: {  	s17 =	sadd.s32 $0x23790, s2;
	s22 =	smov.u32 @p5 s18;
	s18 =	sadd.s32 $0x4800, s2  }
0x12: {  	p0 =	seq.s32 @!p4 s26, $0x0;
	s23 =	smov.u32 @p5 s19;
	s19 =	sadd.s32 $0x9000, s2  }
0x13: {  	s9 =	simm.s32 @p3 $0x1;
	[smem:$0x7BA] =	sst s4;
	s4 =	simm.s32 @!p0 $0x0  }
0x14: {  	p6 =	por !p0, p4;
	[smem:$0x7B6] =	sst s9;
	s4 =	simm.s32 @p0 $0x1  }
0x15: {  	s18 =	smov.u32 @p6 s24;
	s24 =	sadd.s32 $0xD800, s2;
	s19 =	smov.u32 @p6 s16  }
0x16: {  	s16 =	sadd.s32 $0x27F90, s2;
	p0 =	sgt.s32 s26, $0x5;
	[smem:$0x7BD] =	sst s4  }
0x17: {  	s24 =	smov.u32 @p6 s17;
	s25 =	smov.u32 @p6 s16;
	s16 =	sadd.s32 $0x8CD60, s2  }
0x18: {  	s18 =	smov.u32 @p4 s20;
	s17 =	sadd.s32 $0x91560, s2;
	s19 =	smov.u32 @p4 s21  }
0x19: {  	p1 =	seq.s32 @p0 s26, $0x6;
	s20 =	sadd.s32 $0x76DD0, s2;
	[dreg:$0x4] =	wrdreg s18  }
0x1a: {  	s21 =	sadd.s32 $0x16400, s0;
	[dreg:$0x5] =	wrdreg s19;
	s18 =	sadd.s32 $0x95D60, s2  }
0x1b: {  	s24 =	smov.u32 @p4 s22;
	s4 =	simm.s32 @!p1 $0x0;
	s19 =	sadd.s32 $0x725D0, s2  }
0x1c: {  	s25 =	smov.u32 @p4 s23;
	p2 =	por !p1, !p0;
	[dreg:$0x12] =	wrdreg s21  }
0x1d: {  	s23 =	sshrl.u32 s10, $0x3;
	s22 =	sor.u32 $0x100, s10;
	[dreg:$0x6] =	wrdreg s24  }
0x1e: {  	s21 =	sadd.s32 $0x37358, s0;
	s4 =	simm.s32 @p1 $0x1;
	[dreg:$0x7] =	wrdreg s25  }
0x1f: {  	s15 =	smov.u32 @p2 s11;
	s11 =	sadd.s32 $0x7B5D0, s2;
	s16 =	smov.u32 @p2 s12  }
0x20: {  	s12 =	sadd.s32 $0x7FDD0, s2;
	p1 =	seq.s32 @!p0 s26, $0x4;
	[dreg:$0x1e] =	wrdreg s21  }
0x21: {  	s17 =	smov.u32 @p2 s13;
	s21 =	sadd.s32 $0x1339E0, s2;
	[smem:$0x7C6] =	sst s4  }
0x22: {  	s13 =	sadd.s32 $0x5C640, s2;
	s25 =	sadd.s32 s7, s23;
	[smem:$0x7C8] =	sst s21  }
0x23: {  	s18 =	smov.u32 @p2 s14;
	s24 =	sadd.s32 s1, s23;
	[dreg:$0xd] =	wrdreg s25  }
0x24: {  	s4 =	simm.s32 @!p1 $0x0;
	s21 =	sadd.s32 $0x1152C0, s2;
	[smem:$0x7FD] =	sst s24  }
0x25: {  	s14 =	sadd.s32 $0x60E40, s2;
	s4 =	simm.s32 @p1 $0x1;
	[smem:$0x7E0] =	sst s21  }
0x26: {  	p1 =	por !p1, p0;
	s21 =	sadd.s32 $0xCEC10, s2;
	[smem:$0x7CB] =	sst s4  }
0x27: {  	s13 =	smov.u32 @p1 s19;
	s19 =	sadd.s32 $0x65640, s2;
	[smem:$0x7EE] =	sst s21  }
0x28: {  	s14 =	smov.u32 @p1 s20;
	s21 =	sadd.s32 $0x15F90, s2;
	s9 =	sld [smem:$0x7CB]  }
0x29: {  	s20 =	sadd.s32 $0x69E40, s2;
	s4 =	sadd.s32 s6, s23;
	[smem:$0x7FC] =	sst s21  }
0x2a: {  	s19 =	smov.u32 @p1 s11;
	s13 =	smov.u32 @p0 s15;
	[dreg:$0xc] =	wrdreg s4  }
0x2b: {  	s14 =	smov.u32 @p0 s16;
	s11 =	sor.u32 $0x10, s23;
	[dreg:$0x8] =	wrdreg s13  }
0x2c: {  	s23 =	sor.u32 $0x180, s10;
	s10 =	sadd.s32 $0x42400, s0;
	[dreg:$0x9] =	wrdreg s14  }
0x2d: {  	s20 =	smov.u32 @p1 s12;
	s12 =	sadd.s32 $0x47BE4, s0;
	[dreg:$0x13] =	wrdreg s10  }
0x2e: {  	s15 =	sadd.s32 $0x26BAC, s0;
	[dreg:$0x15] =	wrdreg s12  }
0x2f: {  	s16 =	sadd.s32 $0x52BAC, s0;
	[dreg:$0x18] =	wrdreg s15  }
0x30: {  	s19 =	smov.u32 @p0 s17;
	[dreg:$0x19] =	wrdreg s16  }
0x31: {  	s17 =	sadd.s32 s1, s11;
	[dreg:$0xa] =	wrdreg s19  }
0x32: {  	s20 =	smov.u32 @p0 s18;
	[dreg:$0xe] =	wrdreg s17  }
0x33: {  	s13 =	sadd.s32 $0x213C8, s0;
	[dreg:$0xb] =	wrdreg s20  }
0x34: {  	s14 =	sadd.s32 $0x4D3C8, s0;
	[dreg:$0x16] =	wrdreg s13  }
0x35: {  	s18 =	sadd.s32 $0x58390, s0;
	[dreg:$0x17] =	wrdreg s14  }
0x36: {  	s10 =	sadd.s32 $0x63358, s0;
	[dreg:$0x1b] =	wrdreg s18  }
0x37: {  	s12 =	smax.u32 s8, $0x1;
	[dreg:$0x1f] =	wrdreg s10  }
0x38: {  	[smem:$0x7B9] =	sst s12  }
0x39: {  	s13 =	sld [smem:$0x7BA]  }
0x3a: {  	s15 =	sadd.s32 $0x149970, s2;
	s14 =	sld [smem:$0x7BD]  }
0x3b: {  	s16 =	sadd.s32 $0x14E170, s2;
	[smem:$0x7BE] =	sst s15  }
0x3c: {  	s8 =	sadd.s32 $0x1381E0, s2;
	[smem:$0x7C0] =	sst s16  }
0x3d: {  	s19 =	sadd.s32 s6, s11;
	[smem:$0x7C9] =	sst s8  }
0x3e: {  	s11 =	sadd.s32 s7, s11;
	[dreg:$0xf] =	wrdreg s19  }
0x3f: {  	s20 =	sadd.s32 $0x16200, s0;
	[dreg:$0x10] =	wrdreg s11  }
0x40: {  	s17 =	sadd.s32 $0x2C390, s0;
	[dreg:$0x11] =	wrdreg s20  }
0x41: {  	s18 =	sadd.s32 $0x157170, s2;
	[dreg:$0x1a] =	wrdreg s17  }
0x42: {  	s10 =	sadd.s32 $0x13C9E0, s2;
	[smem:$0x7C4] =	sst s18  }
0x43: {  	s12 =	sadd.s32 $0x1459E0, s2;
	[smem:$0x7CD] =	sst s10  }
0x44: {  	s15 =	sadd.s32 $0x126A50, s2;
	[smem:$0x7D0] =	sst s12  }
0x45: {  	s16 =	sadd.s32 $0x12B250, s2;
	[smem:$0x7D4] =	sst s15  }
0x46: {  	s8 =	sadd.s32 $0x119AC0, s2;
	[smem:$0x7D7] =	sst s16  }
0x47: {  	s11 =	sadd.s32 $0x1BBE4, s0;
	[smem:$0x7E1] =	sst s8  }
0x48: {  	s19 =	sadd.s32 $0x31B74, s0;
	[dreg:$0x14] =	wrdreg s11  }
0x49: {  	s20 =	sadd.s32 $0x5DB74, s0;
	[dreg:$0x1c] =	wrdreg s19  }
0x4a: {  	s17 =	sadd.s32 $0x152970, s2;
	[dreg:$0x1d] =	wrdreg s20  }
0x4b: {  	[smem:$0x7C1] =	sst s17  }
0x4c: {  	s18 =	sadd.s32 $0x107AC0, s2;
	s20 =	sld [smem:$0x7C6]  }
0x4d: {  	s10 =	sadd.s32 $0xF6330, s2;
	[smem:$0x7DB] =	sst s18  }
0x4e: {  	s12 =	sadd.s32 $0xFF330, s2;
	[smem:$0x7E3] =	sst s10  }
0x4f: {  	s15 =	sadd.s32 $0xE03A0, s2;
	[smem:$0x7E5] =	sst s12  }
0x50: {  	s16 =	sadd.s32 $0xE4BA0, s2;
	[smem:$0x7E8] =	sst s15  }
0x51: {  	s8 =	sadd.s32 $0xD3410, s2;
	[smem:$0x7E9] =	sst s16  }
0x52: {  	s11 =	sadd.s32 $0x3CB3C, s0;
	[smem:$0x7EF] =	sst s8  }
0x53: {  	s5 =	sadd.s32 $0x2B3400, s0;
	s0 =	sadd.s32 $0x68B3C, s0;
	[smem:$0x7B7] =	sst s11  }
0x54: {  	s29 =	simm.s32 $0x5;
	s19 =	sadd.s32 $0x15B970, s2;
	[smem:$0x7B8] =	sst s0  }
0x55: {  	s28 =	simm.s32 $0x280;
	s17 =	sadd.s32 $0x12FA50, s2;
	[smem:$0x7C5] =	sst s19  }
0x56: {  	s30 =	simm.s32 $0x4B00;
	s18 =	sadd.s32 $0xEDBA0, s2;
	[smem:$0x7D8] =	sst s17  }
0x57: {  	s31 =	simm.s32 $0x0;
	s10 =	sadd.s32 $0xAFC80, s2;
	[smem:$0x7EB] =	sst s18  }
0x58: {  	s12 =	sadd.s32 $0xB8C80, s2;
	s15 =	sadd.s32 $0x99CF0, s2;
	[smem:$0x7F1] =	sst s10  }
0x59: {  	s16 =	sadd.s32 $0x83D60, s2;
	s11 =	sadd.s32 $0x1411E0, s2;
	[smem:$0x7F3] =	sst s12  }
0x5a: {  	p3 =	seq.s32 s13, $0x1;
	s13 =	sadd.s32 $0x11DA50, s2;
	[smem:$0x7F6] =	sst s15  }
0x5b: {  	s8 =	simm.s32 $0x300;
	s19 =	sadd.s32 $0x10C2C0, s2;
	[smem:$0x7F7] =	sst s16  }
0x5c: {  	s17 =	sadd.s32 $0xE93A0, s2;
	s18 =	sadd.s32 $0x57E40, s2;
	[smem:$0x7CE] =	sst s11  }
0x5d: {  	s10 =	simm.s32 $0x100;
	s12 =	simm.s32 $0x80;
	[smem:$0x7D1] =	sst s13  }
0x5e: {  	p3 =	por p3, !p4;
	[smem:$0x7DC] =	sst s19;
	s11 =	sadd.s32 $0xFAB30, s2  }
0x5f: {  	s13 =	sadd.s32 $0x103B30, s2;
	[smem:$0x7EA] =	sst s17;
	s0 =	simm.s32 @!p3 $0x0  }
0x60: {  	s19 =	sadd.s32 $0xC5C10, s2;
	[smem:$0x7F9] =	sst s18;
	s0 =	simm.s32 @p3 $0x1  }
0x61: {  	p3 =	seq.s32 s14, $0x1;
	[smem:$0x7BB] =	sst s0;
	s0 =	simm.s32 @!p4 $0x0  }
0x62: {  	[smem:$0x7E4] =	sst s11;
	p3 =	por p3, p4;
	s0 =	simm.s32 @p4 $0x1  }
0x63: {  	s17 =	sadd.s32 $0x6DDD0, s2;
	[smem:$0x7BC] =	sst s0;
	s0 =	simm.s32 @!p3 $0x0  }
0x64: {  	[smem:$0x7E6] =	sst s13;
	p4 =	por $0x0, $0x0;
	s0 =	simm.s32 @p3 $0x1  }
0x65: {  	p3 =	por @!p3 $0x1, $0x1;
	[smem:$0x7BF] =	sst s0;
	s0 =	simm.s32 @!p6 $0x0  }
0x66: {  	[smem:$0x7EC] =	sst s19;
	p3 =	por @!p6 p4, p4;
	s0 =	simm.s32 @p6 $0x1  }
0x67: {  	p4 =	seq.s32 s20, $0x1;
	[smem:$0x7C2] =	sst s0;
	s0 =	simm.s32 @!p3 $0x0  }
0x68: {  	[smem:$0x7F8] =	sst s17;
	s0 =	simm.s32 @p3 $0x1;
	p3 =	por p4, !p0  }
0x69: {  	s11 =	sadd.s32 $0xB4480, s2;
	[smem:$0x7C3] =	sst s0;
	s0 =	simm.s32 @!p3 $0x0  }
0x6a: {  	s13 =	sadd.s32 $0xBD480, s2;
	[smem:$0x7F2] =	sst s11;
	s0 =	simm.s32 @p3 $0x1  }
0x6b: {  	p6 =	seq.s32 s9, $0x1;
	[smem:$0x7C7] =	sst s0;
	s0 =	simm.s32 @!p0 $0x0  }
0x6c: {  	[smem:$0x7F4] =	sst s13;
	s0 =	simm.s32 @p0 $0x1;
	p0 =	por p6, p0  }
0x6d: {  	s19 =	sadd.s32 $0x41EB0, s2;
	[smem:$0x7CA] =	sst s0;
	s0 =	simm.s32 @!p0 $0x0  }
0x6e: {  	[smem:$0x7FA] =	sst s19;
	s0 =	simm.s32 @p0 $0x1;
	p0 =	sgt.s32 s26, $0x7  }
0x6f: {  	s14 =	sadd.s32 $0x122250, s2;
	[smem:$0x7CC] =	sst s0;
	s0 =	simm.s32 @!p0 $0x0  }
0x70: {  	[smem:$0x7D3] =	sst s14;
	s0 =	simm.s32 @p0 $0x1;
	p0 =	sgt.s32 s26, $0x3  }
0x71: {  	s14 =	sadd.s32 $0xDBBA0, s2;
	[smem:$0x7CF] =	sst s0;
	s0 =	simm.s32 @!p0 $0x0  }
0x72: {  	s15 =	simm.s32 $0x4;
	[smem:$0x7E7] =	sst s14;
	s0 =	simm.s32 @p0 $0x1  }
0x73: {  	s14 =	sadd.s32 $0xC1C80, s2;
	[smem:$0x7D2] =	sst s0;
	s0 =	simm.s32 @!p5 $0x0  }
0x74: {  	[smem:$0x7F5] =	sst s14;
	p0 =	por @!p5 $0x1, $0x1;
	s0 =	simm.s32 @p5 $0x1  }
0x75: {  	s20 =	sadd.s32 $0x110AC0, s2;
	[smem:$0x7D5] =	sst s0;
	s0 =	simm.s32 @!p0 $0x0  }
0x76: {  	s11 =	simm.s32 $0x2;
	[smem:$0x7DF] =	sst s20;
	s0 =	simm.s32 @p0 $0x1  }
0x77: {  	s9 =	sadd.s32 $0xF1B30, s2;
	[smem:$0x7D6] =	sst s0;
	s0 =	simm.s32 @!p2 $0x0  }
0x78: {  	[smem:$0x7E2] =	sst s9;
	p0 =	por @!p2 $0x1, $0x1;
	s0 =	simm.s32 @p2 $0x1  }
0x79: {  	s20 =	sadd.s32 $0xCA410, s2;
	[smem:$0x7D9] =	sst s0;
	s0 =	simm.s32 @!p0 $0x0  }
0x7a: {  	[smem:$0x7ED] =	sst s20;
	s9 =	sadd.s32 $0xD7C10, s2;
	s0 =	simm.s32 @p0 $0x1  }
.Ltmp0:
0x7b: {  	[smem:$0x7DA] =	sst s0;
	s0 =	simm.s32 @!p1 $0x0;
	(pc) =	sbr.rel .LBB2_1-.Ltmp0, $4  }
0x7c: {  	[smem:$0x7F0] =	sst s9;
	p0 =	por @!p1 $0x1, $0x1;
	s0 =	simm.s32 @p1 $0x1  }
0x7d: {  	s20 =	sadd.s32 $0x2BF20, s2;
	[smem:$0x7DD] =	sst s0;
	s0 =	simm.s32 @!p0 $0x0  }
0x7e: {  	s13 =	simm.s32 $0x3;
	[smem:$0x7FB] =	sst s20;
	s0 =	simm.s32 @p0 $0x1  }
0x7f: {  	v0 =	vimm.f32 $0.0e+00;
	s14 =	simm.s32 $0x180;
	s9 =	simm.s32 $0x200;
	[smem:$0x7DE] =	sst s0  }
.LBB2_79:
0x80: {  	s16 =	smov.u32 s19  }
.LBB2_80:
0x81: {  	s17 =	sld [smem:$0x7BE];
	_ =	sdelay $0x1  }
0x82: {  	s0 =	sshll.u32 s26, $0x6  }
0x83: {  	s16 =	sadd.s32 $0x2932E, s16;
	s0 =	sor.u32 $0x1C05, s0;
	s17 =	sshrl.u32 s17, $0x3  }
0x84: {  	[hbm:s16], [sflag:s0] =	dma.local [spmem:s17], $0x2BF2  }
0x85: {  	_ =	swait.ge [sflag:s29], $0x2BF2  }
0x86: {  	[sflag:s29] =	ssyncset.done $0x0  }
0x87: {  	[sflag:s29] =	ssyncadd.s32 $0xFFFFD40E  }
.LBB2_81:
0x88: {  	s0 =	sld [smem:$0x7B9];
	_ =	sdelay $0x1  }
0x89: {  	s31 =	sadd.s32 $0x1, s31  }
0x8a: {  	p0 =	sne.s32 s31, s0  }
.Ltmp1:
0x8b: {  	_ = 	snop;
	(pc) =	sbr.rel @!p0 .LBB2_82-.Ltmp1, $1  }
0x8c: {  	_ =	sdelay $0x3  }
.LBB2_1:
0x8d: {  	s16 =	simm.s32 $0x0;
	s17 =	simm.s32 $0x240  }
.LBB2_2:
0x8e: {  	p0 =	sne.s32 s17, $0x11DC0;
	[tilespmem:s16+$0x380] =	vst v0  }
0x8f: {  	[tilespmem:s16+$0x300] =	vst v0  }
0x90: {  	[tilespmem:s16+$0x310] =	vst v0  }
0x91: {  	[tilespmem:s16+$0x320] =	vst v0  }
.Ltmp2:
0x92: {  	[tilespmem:s16+$0x330] =	vst v0;
	(pc) =	sbr.rel @p0 .LBB2_2-.Ltmp2, $4  }
0x93: {  	[tilespmem:s16+$0x340] =	vst v0  }
0x94: {  	[tilespmem:s16+$0x350] =	vst v0  }
0x95: {  	[tilespmem:s16+$0x360] =	vst v0  }
0x96: {  	[tilespmem:s16+$0x370] =	vst v0;
	s16 =	sshra.s32 s17, $0x2;
	s17 =	sadd.s32 $0x240, s17  }
0x97: {  	[tilespmem:s16+$0x380] =	vst v0;
	s0 =	sld [smem:$0x7CF]  }
0x98: {  	[tilespmem:s16+$0x300] =	vst v0  }
0x99: {  	[tilespmem:s16+$0x310] =	vst v0  }
0x9a: {  	[tilespmem:s16+$0x320] =	vst v0;
	p0 =	seq.s32 s0, $0x1  }
.Ltmp3:
0x9b: {  	[tilespmem:s16+$0x330] =	vst v0;
	(pc) =	sbr.rel @p0 .LBB2_7-.Ltmp3, $4  }
0x9c: {  	[tilespmem:s16+$0x340] =	vst v0  }
0x9d: {  	[tilespmem:s16+$0x350] =	vst v0  }
0x9e: {  	[tilespmem:s16+$0x360] =	vst v0  }
0x9f: {  	[tilespmem:s16+$0x370] =	vst v0  }
0xa0: {  	s0 =	sld [smem:$0x7D2];
	_ =	sdelay $0x2  }
0xa1: {  	p0 =	seq.s32 s0, $0x1  }
.Ltmp4:
0xa2: {  	_ = 	snop;
	(pc) =	sbr.rel @p0 .LBB2_6-.Ltmp4, $1  }
0xa3: {  	_ =	sdelay $0x3  }
0xa4: {  	s0 =	sld [smem:$0x7D5]  }
0xa5: {  	s20 =	sld [smem:$0x7BB]  }
0xa6: {  	s21 =	sld [smem:$0x7BF]  }
0xa7: {  	s16 =	sld [smem:$0x7D6]  }
0xa8: {  	s17 =	sld [smem:$0x7C2]  }
0xa9: {  	s18 =	sld [smem:$0x7BC];
	p2 =	seq.s32 s0, $0x1;
	p1 =	seq.s32 s20, $0x1  }
0xaa: {  	p0 =	por @!p2 $0x0, $0x0;
	p4 =	por @!p1 $0x0, $0x0;
	p6 =	por @!p1 $0x0, $0x0  }
0xab: {  	p5 =	por @!p1 $0x1, $0x1;
	p1 =	seq.s32 s16, $0x1;
	p6 =	por @!p2 p0, p0  }
0xac: {  	p5 =	por @!p2 p0, p0;
	p0 =	seq.s32 s21, $0x1;
	p4 =	por @!p2 p1, p1  }
0xad: {  	p2 =	seq.s32 s17, $0x1;
	p1 =	por $0x0, $0x0;
	p0 =	por @!p0 $0x0, $0x0  }
0xae: {  	p3 =	por p6, p6;
	p0 =	por @!p2 p1, p1;
	p1 =	seq.s32 s18, $0x1  }
0xaf: {  	p3 =	por @!p1 p0, p0  }
0xb0: {  	p2 =	por p6, p6;
	s0 =	simm.s32 @!p3 $0x0  }
0xb1: {  	p2 =	por @!p1 p0, p0;
	s0 =	simm.s32 @p3 $0x1  }
0xb2: {  	p3 =	por p6, p6;
	[smem:$0x7A9] =	sst s0;
	s0 =	simm.s32 @!p2 $0x0  }
0xb3: {  	p3 =	por @!p1 p0, p0;
	s0 =	simm.s32 @p2 $0x1  }
0xb4: {  	p2 =	por p6, p6;
	[smem:$0x7AA] =	sst s0;
	s0 =	simm.s32 @!p3 $0x0  }
0xb5: {  	p2 =	por @!p1 p0, p0;
	s0 =	simm.s32 @p3 $0x1  }
0xb6: {  	[smem:$0x7AB] =	sst s0;
	s0 =	simm.s32 @!p2 $0x0  }
0xb7: {  	s0 =	simm.s32 @p2 $0x1;
	p2 =	por p6, p6  }
0xb8: {  	p2 =	por @!p1 p0, p0  }
0xb9: {  	p3 =	por p6, p6;
	[smem:$0x7AC] =	sst s0;
	s0 =	simm.s32 @!p2 $0x0  }
0xba: {  	p3 =	por @!p1 p0, p0;
	s0 =	simm.s32 @p2 $0x1  }
0xbb: {  	[smem:$0x7B4] =	sst s0;
	s0 =	simm.s32 @!p3 $0x0  }
0xbc: {  	p5 =	por @!p1 p0, p0;
	s0 =	simm.s32 @p3 $0x1  }
0xbd: {  	[smem:$0x7AD] =	sst s0;
	s0 =	simm.s32 @!p5 $0x0  }
0xbe: {  	p4 =	por @!p1 p0, p0;
	s0 =	simm.s32 @p5 $0x1  }
0xbf: {  	p2 =	por p6, p6;
	[smem:$0x7AE] =	sst s0;
	s0 =	simm.s32 @!p4 $0x0  }
0xc0: {  	p2 =	por @!p1 p0, p0;
	s0 =	simm.s32 @p4 $0x1  }
0xc1: {  	[smem:$0x7AF] =	sst s0;
	s0 =	simm.s32 @!p2 $0x0  }
0xc2: {  	s0 =	simm.s32 @p2 $0x1;
	p2 =	por p6, p6  }
0xc3: {  	p2 =	por @!p1 p0, p0  }
0xc4: {  	[smem:$0x7B0] =	sst s0;
	s0 =	simm.s32 @!p2 $0x0  }
0xc5: {  	s20 =	sld [smem:$0x7C2];
	s0 =	simm.s32 @p2 $0x1;
	p2 =	por p6, p6  }
0xc6: {  	s17 =	sld [smem:$0x7FB];
	p3 =	por p6, p6;
	p2 =	por @!p1 p0, p0  }
0xc7: {  	p5 =	por p6, p6;
	[smem:$0x7B1] =	sst s0;
	s0 =	simm.s32 @!p2 $0x0  }
0xc8: {  	p4 =	por p6, p6;
	p6 =	por @!p1 p0, p0;
	s0 =	simm.s32 @p2 $0x1  }
0xc9: {  	[smem:$0x7B2] =	sst s0;
	s0 =	simm.s32 @!p6 $0x0  }
0xca: {  	s18 =	sld [smem:$0x7D5];
	s0 =	simm.s32 @p6 $0x1  }
0xcb: {  	[smem:$0x7B3] =	sst s0  }
0xcc: {  	s0 =	sld [smem:$0x7FA]  }
0xcd: {  	s21 =	sld [smem:$0x7C3]  }
0xce: {  	p3 =	por @!p1 p0, p0;
	p4 =	por @!p1 p0, p0;
	p0 =	seq.s32 s18, $0x1  }
0xcf: {  	s17 =	smov.u32 @p0 s0;
	s0 =	sld [smem:$0x7FC]  }
0xd0: {  	s19 =	sld [smem:$0x7B4]  }
0xd1: {  	s16 =	smov.u32 s2;
	s18 =	rddreg [dreg:$0x5];
	p0 =	seq.s32 s20, $0x1  }
.Ltmp5:
0xd2: {  	s16 =	smov.u32 @p0 s0;
	p0 =	seq.s32 s21, $0x1;
	(pc) =	sbr.rel .LBB2_10-.Ltmp5, $4  }
0xd3: {  	p2 =	seq.s32 s19, $0x1;
	s19 =	rddreg [dreg:$0x6];
	p5 =	por @!p1 p0, p0  }
0xd4: {  	s20 =	rddreg [dreg:$0x7];
	s0 =	simm.s32 @!p5 $0x0  }
0xd5: {  	s16 =	smov.u32 @p1 s17;
	s17 =	rddreg [dreg:$0x4];
	s0 =	simm.s32 @p5 $0x1  }
0xd6: {  	p1 =	por p4, p4;
	[smem:$0x7B5] =	sst s0  }
.LBB2_7:
0xd7: {  	p0 =	sgt.s32 s26, $0xB  }
.Ltmp6:
0xd8: {  	_ = 	snop;
	(pc) =	sbr.rel @p0 .LBB2_9-.Ltmp6, $1  }
0xd9: {  	_ =	sdelay $0x3  }
0xda: {  	p6 =	sgt.s32 s26, $0x9;
	s21 =	sld [smem:$0x7E7]  }
0xdb: {  	s0 =	sld [smem:$0x7E2];
	p1 =	seq.s32 @p6 s26, $0xA  }
0xdc: {  	p0 =	por !p1, !p6  }
0xdd: {  	s24 =	sld [smem:$0x7E8];
	p2 =	por p1, !p6;
	p3 =	por @!p0 $0x0, $0x0  }
0xde: {  	p5 =	por @!p2 $0x1, $0x1;
	s21 =	smov.u32 @p0 s0;
	s0 =	sld [smem:$0x7E3]  }
0xdf: {  	p5 =	por @!p0 p3, p3  }
0xe0: {  	s4 =	simm.s32 @!p5 $0x0  }
0xe1: {  	s24 =	smov.u32 @p0 s0;
	s0 =	sld [smem:$0x7E9];
	s4 =	simm.s32 @p5 $0x1  }
0xe2: {  	[smem:$0x7AB] =	sst s4  }
0xe3: {  	s4 =	sld [smem:$0x7E4]  }
0xe4: {  	p1 =	por @!p0 $0x1, $0x1;
	p4 =	por @!p2 $0x0, $0x0  }
0xe5: {  	p2 =	por p4, p4;
	p4 =	por @!p0 p1, p1  }
0xe6: {  	p2 =	por @!p0 p3, p3;
	s0 =	smov.u32 @p0 s4;
	s4 =	simm.s32 @!p4 $0x0  }
0xe7: {  	p3 =	seq.s32 @!p6 s26, $0x8;
	s26 =	sld [smem:$0x7EA];
	s4 =	simm.s32 @p4 $0x1  }
0xe8: {  	[smem:$0x7A7] =	sst s4  }
0xe9: {  	s4 =	sld [smem:$0x7E5];
	_ =	sdelay $0x1  }
0xea: {  	s25 =	sld [smem:$0x7EB];
	p5 =	por p3, p6  }
0xeb: {  	p4 =	por !p3, p6;
	s26 =	smov.u32 @p0 s4;
	s4 =	sld [smem:$0x7E6]  }
0xec: {  	p1 =	por @!p5 $0x1, $0x1;
	p3 =	por @!p5 $0x0, $0x0;
	p5 =	por @!p4 $0x0, $0x0  }
0xed: {  	p1 =	por @!p4 p5, p5  }
0xee: {  	s25 =	smov.u32 @p0 s4;
	s4 =	simm.s32 @!p1 $0x0  }
0xef: {  	s16 =	sld [smem:$0x7F1];
	s4 =	simm.s32 @p1 $0x1  }
0xf0: {  	[smem:$0x7A6] =	sst s4  }
0xf1: {  	s4 =	sld [smem:$0x7EC];
	_ =	sdelay $0x1  }
0xf2: {  	s17 =	sld [smem:$0x7F2]  }
0xf3: {  	s16 =	smov.u32 @p4 s4;
	s4 =	sld [smem:$0x7ED];
	_ =	sdelay $0x1  }
0xf4: {  	s18 =	sld [smem:$0x7F3]  }
0xf5: {  	s17 =	smov.u32 @p4 s4;
	s4 =	sld [smem:$0x7EE];
	_ =	sdelay $0x1  }
0xf6: {  	s19 =	sld [smem:$0x7F4]  }
0xf7: {  	s18 =	smov.u32 @p4 s4;
	s4 =	sld [smem:$0x7EF];
	_ =	sdelay $0x1  }
0xf8: {  	s20 =	sld [smem:$0x7F5]  }
0xf9: {  	s19 =	smov.u32 @p4 s4;
	s4 =	sld [smem:$0x7F0];
	_ =	sdelay $0x2  }
0xfa: {  	s20 =	smov.u32 @p4 s4;
	s4 =	sld [smem:$0x7A6]  }
0xfb: {  	p0 =	por p3, p3  }
0xfc: {  	p0 =	por @!p4 p5, p5;
	p5 =	por @!p4 $0x1, $0x1  }
0xfd: {  	p3 =	por @!p4 p5, p5;
	p4 =	por p2, p2;
	p5 =	seq.s32 s4, $0x1  }
0xfe: {  	p4 =	por @!p6 p5, p5  }
0xff: {  	s4 =	simm.s32 @!p4 $0x0  }
0x100: {  	s4 =	simm.s32 @p4 $0x1  }
0x101: {  	[smem:$0x7AC] =	sst s4  }
0x102: {  	s4 =	sld [smem:$0x7AB]  }
0x103: {  	p1 =	por p2, p2  }
0x104: {  	p1 =	por @!p6 p3, p3  }
0x105: {  	p3 =	por p2, p2;
	p4 =	seq.s32 s4, $0x1;
	s4 =	simm.s32 @!p1 $0x0  }
0x106: {  	p3 =	por @!p6 p0, p0;
	s4 =	simm.s32 @p1 $0x1  }
0x107: {  	p1 =	por p2, p2;
	[smem:$0x7B1] =	sst s4;
	s4 =	simm.s32 @!p3 $0x0  }
0x108: {  	p1 =	por @!p6 p0, p0;
	s4 =	simm.s32 @p3 $0x1  }
0x109: {  	[smem:$0x7A9] =	sst s4;
	s4 =	simm.s32 @!p1 $0x0  }
0x10a: {  	p4 =	por @!p6 p0, p0;
	s4 =	simm.s32 @p1 $0x1  }
0x10b: {  	p1 =	por p2, p2;
	[smem:$0x7AA] =	sst s4;
	s4 =	simm.s32 @!p4 $0x0  }
0x10c: {  	p1 =	por @!p6 p0, p0;
	s4 =	simm.s32 @p4 $0x1  }
0x10d: {  	[smem:$0x7AB] =	sst s4;
	s4 =	simm.s32 @!p1 $0x0  }
0x10e: {  	s4 =	simm.s32 @p1 $0x1;
	p1 =	por p2, p2  }
0x10f: {  	p1 =	por @!p6 p0, p0  }
0x110: {  	p3 =	por p2, p2;
	[smem:$0x7B4] =	sst s4;
	s4 =	simm.s32 @!p1 $0x0  }
0x111: {  	p3 =	por @!p6 p0, p0;
	s4 =	simm.s32 @p1 $0x1  }
0x112: {  	[smem:$0x7AD] =	sst s4;
	s4 =	simm.s32 @!p3 $0x0  }
0x113: {  	s4 =	simm.s32 @p3 $0x1;
	p3 =	por p2, p2  }
0x114: {  	p3 =	por @!p6 p0, p0  }
0x115: {  	p1 =	por p2, p2;
	[smem:$0x7AE] =	sst s4;
	s4 =	simm.s32 @!p3 $0x0  }
0x116: {  	p1 =	por @!p6 p0, p0;
	s4 =	simm.s32 @p3 $0x1  }
0x117: {  	[smem:$0x7B5] =	sst s4;
	s4 =	simm.s32 @!p1 $0x0  }
0x118: {  	s4 =	simm.s32 @p1 $0x1;
	p1 =	por p2, p2  }
0x119: {  	p1 =	por @!p6 p0, p0  }
0x11a: {  	[smem:$0x7AF] =	sst s4;
	s4 =	simm.s32 @!p1 $0x0  }
0x11b: {  	s4 =	simm.s32 @p1 $0x1  }
0x11c: {  	[smem:$0x7B0] =	sst s4  }
0x11d: {  	s4 =	sld [smem:$0x7A7];
	_ =	sdelay $0x2  }
0x11e: {  	p4 =	seq.s32 s4, $0x1  }
0x11f: {  	p4 =	por @!p6 p0, p0  }
0x120: {  	p1 =	por p2, p2;
	s4 =	simm.s32 @!p4 $0x0  }
0x121: {  	p1 =	por @!p6 p0, p0;
	s4 =	simm.s32 @p4 $0x1  }
0x122: {  	[smem:$0x7A7] =	sst s4;
	s4 =	simm.s32 @!p1 $0x0  }
0x123: {  	p5 =	por p2, p2;
	p2 =	por @!p6 p0, p0;
	s4 =	simm.s32 @p1 $0x1  }
0x124: {  	[smem:$0x7B2] =	sst s4;
	s4 =	simm.s32 @!p2 $0x0  }
0x125: {  	s4 =	simm.s32 @p2 $0x1  }
0x126: {  	[smem:$0x7B3] =	sst s4  }
0x127: {  	s4 =	sld [smem:$0x7B4];
	_ =	sdelay $0x1  }
.Ltmp7:
0x128: {  	s17 =	smov.u32 @p6 s24;
	s24 =	sld [smem:$0x7FD];
	(pc) =	sbr.rel .LBB2_10-.Ltmp7, $4  }
0x129: {  	s16 =	smov.u32 @p6 s21;
	p2 =	seq.s32 s4, $0x1;
	s4 =	sld [smem:$0x7A7]  }
0x12a: {  	s18 =	smov.u32 @p6 s0;
	s19 =	smov.u32 @p6 s26;
	s26 =	stileid.u32  }
0x12b: {  	s20 =	smov.u32 @p6 s25;
	s25 =	rddreg [dreg:$0xd];
	p5 =	por @!p6 p0, p0  }
0x12c: {  	p1 =	por p5, p5;
	p3 =	seq.s32 s4, $0x1;
	s4 =	rddreg [dreg:$0xc]  }
.LBB2_6:
0x12d: {  	s0 =	sld [smem:$0x7D9]  }
0x12e: {  	s17 =	sld [smem:$0x7C7]  }
0x12f: {  	s18 =	sld [smem:$0x7DA]  }
0x130: {  	s19 =	sld [smem:$0x7DD]  }
0x131: {  	s20 =	sld [smem:$0x7CC]  }
0x132: {  	p1 =	seq.s32 s0, $0x1;
	p3 =	seq.s32 s17, $0x1;
	s17 =	sld [smem:$0x7F7]  }
0x133: {  	s0 =	sld [smem:$0x7F6];
	p0 =	por @!p1 $0x0, $0x0  }
0x134: {  	p4 =	por @!p3 $0x0, $0x0;
	p2 =	por @!p3 $0x0, $0x0;
	p3 =	por @!p3 $0x1, $0x1  }
0x135: {  	s21 =	sld [smem:$0x7DE];
	p2 =	por @!p1 p0, p0;
	p3 =	por @!p1 p0, p0  }
0x136: {  	p0 =	seq.s32 s18, $0x1;
	s17 =	smov.u32 @p1 s0;
	s0 =	simm.s32 @!p3 $0x0  }
0x137: {  	s18 =	sld [smem:$0x7CA];
	p4 =	por @!p1 p0, p0;
	s0 =	simm.s32 @p3 $0x1  }
0x138: {  	p5 =	seq.s32 s19, $0x1;
	[smem:$0x7B4] =	sst s0;
	s0 =	simm.s32 @!p4 $0x0  }
0x139: {  	p1 =	por @!p5 $0x0, $0x0;
	s0 =	simm.s32 @p4 $0x1;
	p4 =	seq.s32 s20, $0x1  }
0x13a: {  	p0 =	por @!p4 $0x0, $0x0;
	p3 =	por @!p4 $0x1, $0x1;
	p4 =	por @!p4 $0x0, $0x0  }
0x13b: {  	p0 =	por @!p5 p1, p1;
	p3 =	por @!p5 p1, p1;
	p1 =	seq.s32 s21, $0x1  }
0x13c: {  	p6 =	por p2, p2;
	p4 =	por @!p5 p1, p1;
	p1 =	seq.s32 s18, $0x1  }
0x13d: {  	p6 =	por @!p1 p3, p3  }
0x13e: {  	[smem:$0x7B0] =	sst s0;
	s0 =	simm.s32 @!p6 $0x0  }
0x13f: {  	s16 =	sld [smem:$0x7F9];
	s0 =	simm.s32 @p6 $0x1  }
0x140: {  	[smem:$0x7AD] =	sst s0  }
0x141: {  	s0 =	sld [smem:$0x7F8]  }
0x142: {  	p3 =	por p2, p2  }
0x143: {  	p3 =	por @!p1 p4, p4  }
0x144: {  	p4 =	por p2, p2;
	s16 =	smov.u32 @p5 s0;
	s0 =	simm.s32 @!p3 $0x0  }
0x145: {  	p4 =	por @!p1 p0, p0;
	s0 =	simm.s32 @p3 $0x1  }
0x146: {  	p3 =	por p2, p2;
	[smem:$0x7A8] =	sst s0;
	s0 =	simm.s32 @!p4 $0x0  }
0x147: {  	p3 =	por @!p1 p0, p0;
	s0 =	simm.s32 @p4 $0x1  }
0x148: {  	[smem:$0x7A9] =	sst s0;
	s0 =	simm.s32 @!p3 $0x0  }
0x149: {  	s20 =	sld [smem:$0x7B4];
	s0 =	simm.s32 @p3 $0x1;
	p3 =	por p2, p2  }
0x14a: {  	s19 =	sld [smem:$0x7B0];
	p3 =	por @!p1 p0, p0  }
0x14b: {  	p5 =	por p2, p2;
	[smem:$0x7AA] =	sst s0;
	s0 =	simm.s32 @!p3 $0x0  }
0x14c: {  	s18 =	rddreg [dreg:$0x9];
	p5 =	por @!p1 p0, p0;
	s0 =	simm.s32 @p3 $0x1  }
0x14d: {  	p3 =	por p2, p2;
	[smem:$0x7AB] =	sst s0;
	s0 =	simm.s32 @!p5 $0x0  }
0x14e: {  	p6 =	por p2, p2;
	p3 =	por @!p1 p0, p0;
	s0 =	simm.s32 @p5 $0x1  }
0x14f: {  	p6 =	por @!p1 p0, p0;
	[smem:$0x7AC] =	sst s0;
	s0 =	simm.s32 @!p3 $0x0  }
0x150: {  	s16 =	smov.u32 @p1 s17;
	s17 =	rddreg [dreg:$0x8];
	s0 =	simm.s32 @p3 $0x1  }
0x151: {  	p3 =	por p2, p2;
	[smem:$0x7AE] =	sst s0;
	s0 =	simm.s32 @!p6 $0x0  }
0x152: {  	s21 =	sld [smem:$0x7A8];
	p3 =	por @!p1 p0, p0;
	s0 =	simm.s32 @p6 $0x1  }
0x153: {  	p4 =	seq.s32 s19, $0x1;
	[smem:$0x7B5] =	sst s0;
	s0 =	simm.s32 @!p3 $0x0  }
0x154: {  	s19 =	rddreg [dreg:$0xa];
	p4 =	por @!p1 p0, p0;
	s0 =	simm.s32 @p3 $0x1  }
0x155: {  	p3 =	por p2, p2;
	[smem:$0x7AF] =	sst s0;
	s0 =	simm.s32 @!p4 $0x0  }
0x156: {  	p5 =	seq.s32 s20, $0x1;
	p3 =	por @!p1 p0, p0;
	s0 =	simm.s32 @p4 $0x1  }
0x157: {  	p6 =	por p2, p2;
	[smem:$0x7B0] =	sst s0;
	s0 =	simm.s32 @!p3 $0x0  }
0x158: {  	s20 =	rddreg [dreg:$0xb];
	p6 =	por @!p1 p0, p0;
	s0 =	simm.s32 @p3 $0x1  }
.Ltmp8:
0x159: {  	[smem:$0x7B1] =	sst s0;
	s0 =	simm.s32 @!p6 $0x0;
	(pc) =	sbr.rel .LBB2_10-.Ltmp8, $4  }
0x15a: {  	p3 =	por p2, p2;
	p2 =	por @!p1 p0, p0;
	s0 =	simm.s32 @p6 $0x1  }
0x15b: {  	[smem:$0x7B2] =	sst s0;
	s0 =	simm.s32 @!p2 $0x0  }
0x15c: {  	p5 =	por @!p1 p0, p0;
	p3 =	por @!p1 p0, p0;
	s0 =	simm.s32 @p2 $0x1  }
0x15d: {  	p1 =	seq.s32 s21, $0x1;
	p2 =	por p5, p5;
	[smem:$0x7B3] =	sst s0  }
.LBB2_9:
0x15e: {  	s21 =	sld [smem:$0x7C8]  }
0x15f: {  	p6 =	sgt.s32 s26, $0xD;
	s0 =	sld [smem:$0x7BE]  }
0x160: {  	p1 =	seq.s32 @p6 s26, $0xE  }
0x161: {  	s24 =	sld [smem:$0x7C9];
	p0 =	por !p1, !p6  }
0x162: {  	s21 =	smov.u32 @p0 s0;
	s0 =	sld [smem:$0x7C0]  }
0x163: {  	s16 =	sld [smem:$0x7C1]  }
0x164: {  	s25 =	sld [smem:$0x7CE]  }
0x165: {  	s24 =	smov.u32 @p0 s0;
	s0 =	sld [smem:$0x7CD]  }
0x166: {  	s17 =	sld [smem:$0x7D1];
	p3 =	por p1, !p6  }
0x167: {  	p4 =	por @!p0 $0x0, $0x0;
	p5 =	por @!p3 $0x0, $0x0;
	p3 =	por @!p3 $0x1, $0x1  }
0x168: {  	p3 =	por @!p0 p4, p4;
	s0 =	smov.u32 @p0 s16;
	s16 =	sld [smem:$0x7C4]  }
0x169: {  	p1 =	por @!p0 $0x1, $0x1;
	p2 =	por p5, p5;
	s4 =	simm.s32 @!p3 $0x0  }
0x16a: {  	s4 =	simm.s32 @p3 $0x1;
	p3 =	seq.s32 @!p6 s26, $0xC;
	s26 =	sld [smem:$0x7D0]  }
0x16b: {  	p5 =	por @!p0 p1, p1;
	s25 =	smov.u32 @p0 s16;
	s16 =	sld [smem:$0x7C5]  }
0x16c: {  	p2 =	por @!p0 p4, p4;
	[smem:$0x7A9] =	sst s4;
	s4 =	simm.s32 @!p5 $0x0  }
0x16d: {  	p1 =	por p3, p6;
	p3 =	por !p3, p6;
	s4 =	simm.s32 @p5 $0x1  }
0x16e: {  	p5 =	por @!p1 $0x0, $0x0;
	s26 =	smov.u32 @p0 s16;
	s16 =	sld [smem:$0x7DB]  }
0x16f: {  	p1 =	por @!p1 $0x1, $0x1;
	p4 =	por @!p3 $0x0, $0x0;
	p0 =	por p5, p5  }
0x170: {  	s19 =	sld [smem:$0x7D3];
	p1 =	por @!p3 p4, p4;
	p0 =	por @!p3 p4, p4  }
0x171: {  	p4 =	por @!p3 $0x1, $0x1;
	s16 =	smov.u32 @p3 s17;
	s17 =	sld [smem:$0x7DC]  }
0x172: {  	s18 =	sld [smem:$0x7DF];
	p5 =	por @!p3 p4, p4  }
0x173: {  	[smem:$0x7B3] =	sst s4;
	s4 =	simm.s32 @!p5 $0x0  }
0x174: {  	s4 =	simm.s32 @p5 $0x1;
	s17 =	smov.u32 @p3 s19;
	s19 =	sld [smem:$0x7D4]  }
0x175: {  	[smem:$0x7A5] =	sst s4  }
0x176: {  	s4 =	sld [smem:$0x7D7]  }
0x177: {  	s18 =	smov.u32 @p3 s19;
	s19 =	sld [smem:$0x7E0];
	_ =	sdelay $0x1  }
0x178: {  	s20 =	sld [smem:$0x7E1]  }
0x179: {  	s19 =	smov.u32 @p3 s4;
	s4 =	sld [smem:$0x7D8];
	_ =	sdelay $0x2  }
0x17a: {  	s20 =	smov.u32 @p3 s4;
	s4 =	simm.s32 @!p2 $0x0  }
0x17b: {  	s4 =	simm.s32 @p2 $0x1  }
0x17c: {  	[smem:$0x7AB] =	sst s4;
	s4 =	simm.s32 @!p2 $0x0  }
0x17d: {  	s4 =	simm.s32 @p2 $0x1  }
0x17e: {  	[smem:$0x7B4] =	sst s4;
	s4 =	simm.s32 @!p2 $0x0  }
0x17f: {  	s4 =	simm.s32 @p2 $0x1  }
0x180: {  	[smem:$0x7AD] =	sst s4;
	s4 =	simm.s32 @!p2 $0x0  }
0x181: {  	s4 =	simm.s32 @p2 $0x1  }
0x182: {  	[smem:$0x7AE] =	sst s4;
	s4 =	simm.s32 @!p2 $0x0  }
0x183: {  	s4 =	simm.s32 @p2 $0x1  }
0x184: {  	[smem:$0x7B5] =	sst s4;
	s4 =	simm.s32 @!p2 $0x0  }
0x185: {  	s4 =	simm.s32 @p2 $0x1  }
0x186: {  	[smem:$0x7AF] =	sst s4;
	s4 =	simm.s32 @!p2 $0x0  }
0x187: {  	s4 =	simm.s32 @p2 $0x1  }
0x188: {  	[smem:$0x7A8] =	sst s4;
	s4 =	simm.s32 @!p2 $0x0  }
0x189: {  	s4 =	simm.s32 @p2 $0x1  }
0x18a: {  	p3 =	por p2, p2;
	[smem:$0x7B0] =	sst s4;
	s4 =	simm.s32 @!p2 $0x0  }
0x18b: {  	p3 =	por @!p6 p1, p1;
	s4 =	simm.s32 @p2 $0x1  }
0x18c: {  	[smem:$0x7A7] =	sst s4;
	s4 =	simm.s32 @!p3 $0x0  }
0x18d: {  	s4 =	simm.s32 @p3 $0x1  }
0x18e: {  	[smem:$0x7AA] =	sst s4  }
0x18f: {  	s4 =	sld [smem:$0x7A7];
	_ =	sdelay $0x2  }
0x190: {  	p3 =	seq.s32 s4, $0x1;
	s4 =	sld [smem:$0x7A5];
	_ =	sdelay $0x2  }
0x191: {  	p5 =	seq.s32 s4, $0x1  }
0x192: {  	p4 =	por p2, p2;
	p1 =	por p2, p2;
	p2 =	por @!p6 p5, p5  }
0x193: {  	s4 =	simm.s32 @!p2 $0x0  }
0x194: {  	s4 =	simm.s32 @p2 $0x1  }
0x195: {  	[smem:$0x7B2] =	sst s4  }
0x196: {  	s4 =	sld [smem:$0x7AB];
	_ =	sdelay $0x2  }
0x197: {  	p2 =	seq.s32 s4, $0x1;
	s4 =	sld [smem:$0x7A9];
	_ =	sdelay $0x2  }
0x198: {  	p5 =	seq.s32 s4, $0x1  }
0x199: {  	p5 =	por @!p6 p0, p0  }
0x19a: {  	s4 =	simm.s32 @!p5 $0x0  }
0x19b: {  	p2 =	por @!p6 p0, p0;
	s4 =	simm.s32 @p5 $0x1  }
0x19c: {  	[smem:$0x7A9] =	sst s4;
	s4 =	simm.s32 @!p2 $0x0  }
0x19d: {  	s4 =	simm.s32 @p2 $0x1  }
0x19e: {  	[smem:$0x7AB] =	sst s4  }
0x19f: {  	s4 =	sld [smem:$0x7B4];
	_ =	sdelay $0x1  }
0x1a0: {  	p1 =	por @!p6 p0, p0  }
0x1a1: {  	p2 =	seq.s32 s4, $0x1;
	s4 =	simm.s32 @!p1 $0x0  }
0x1a2: {  	s4 =	simm.s32 @p1 $0x1  }
0x1a3: {  	[smem:$0x7AC] =	sst s4  }
0x1a4: {  	s4 =	sld [smem:$0x7A8];
	_ =	sdelay $0x2  }
0x1a5: {  	p1 =	seq.s32 s4, $0x1;
	s4 =	sld [smem:$0x7AD];
	_ =	sdelay $0x2  }
0x1a6: {  	p5 =	seq.s32 s4, $0x1  }
0x1a7: {  	p5 =	por @!p6 p0, p0  }
0x1a8: {  	s4 =	simm.s32 @!p5 $0x0  }
0x1a9: {  	s4 =	simm.s32 @p5 $0x1  }
0x1aa: {  	[smem:$0x7AD] =	sst s4  }
0x1ab: {  	s4 =	sld [smem:$0x7AE];
	_ =	sdelay $0x2  }
0x1ac: {  	p5 =	seq.s32 s4, $0x1  }
0x1ad: {  	p5 =	por @!p6 p0, p0  }
0x1ae: {  	s4 =	simm.s32 @!p5 $0x0  }
0x1af: {  	s4 =	simm.s32 @p5 $0x1  }
0x1b0: {  	[smem:$0x7AE] =	sst s4  }
0x1b1: {  	s4 =	sld [smem:$0x7B5];
	_ =	sdelay $0x2  }
0x1b2: {  	p5 =	seq.s32 s4, $0x1  }
0x1b3: {  	p5 =	por @!p6 p0, p0  }
0x1b4: {  	s4 =	simm.s32 @!p5 $0x0  }
0x1b5: {  	s4 =	simm.s32 @p5 $0x1  }
0x1b6: {  	[smem:$0x7B5] =	sst s4  }
0x1b7: {  	s4 =	sld [smem:$0x7AF];
	_ =	sdelay $0x2  }
0x1b8: {  	p5 =	seq.s32 s4, $0x1  }
0x1b9: {  	p5 =	por @!p6 p0, p0  }
0x1ba: {  	s4 =	simm.s32 @!p5 $0x0  }
0x1bb: {  	s4 =	simm.s32 @p5 $0x1  }
0x1bc: {  	[smem:$0x7AF] =	sst s4  }
0x1bd: {  	s4 =	sld [smem:$0x7B0];
	_ =	sdelay $0x2  }
0x1be: {  	p5 =	seq.s32 s4, $0x1  }
0x1bf: {  	p5 =	por @!p6 p0, p0  }
0x1c0: {  	s4 =	simm.s32 @!p5 $0x0  }
0x1c1: {  	p4 =	por @!p6 p0, p0;
	s4 =	simm.s32 @p5 $0x1  }
0x1c2: {  	[smem:$0x7B0] =	sst s4;
	s4 =	simm.s32 @!p4 $0x0  }
0x1c3: {  	s4 =	simm.s32 @p4 $0x1  }
0x1c4: {  	[smem:$0x7B1] =	sst s4  }
0x1c5: {  	s4 =	sld [smem:$0x7B3];
	_ =	sdelay $0x2  }
0x1c6: {  	s16 =	smov.u32 @p6 s21;
	p5 =	seq.s32 s4, $0x1  }
0x1c7: {  	s17 =	smov.u32 @p6 s24;
	s24 =	sld [smem:$0x7FD];
	p5 =	por @!p6 p0, p0  }
0x1c8: {  	s18 =	smov.u32 @p6 s0;
	s19 =	smov.u32 @p6 s25;
	s4 =	simm.s32 @!p5 $0x0  }
0x1c9: {  	s25 =	rddreg [dreg:$0xd];
	s20 =	smov.u32 @p6 s26;
	s4 =	simm.s32 @p5 $0x1  }
0x1ca: {  	s26 =	stileid.u32;
	p3 =	por @!p6 p0, p0;
	[smem:$0x7B3] =	sst s4  }
0x1cb: {  	p2 =	por @!p6 p0, p0;
	p1 =	por @!p6 p0, p0;
	s4 =	rddreg [dreg:$0xc]  }
.LBB2_10:
0x1cc: {  	[spmem:s16] =	stream.linear.scatter [tilespmem:s8], [sflag:$0x5], $0x4800, $0x38;
	[tilespmem:$0x1F2A0] =	vst v63  }
0x1cd: {  	_ =	swait.ge [sflag:s29], $0x4800  }
0x1ce: {  	[sflag:s29] =	ssyncset.done $0x0  }
0x1cf: {  	[sflag:s29] =	ssyncadd.s32 $0xFFFFB800  }
0x1d0: {  	[spmem:s17] =	stream.linear.scatter [tilespmem:s8], [sflag:$0x5], $0x4800, $0x38;
	[tilespmem:$0x1F2A0] =	vst v63  }
0x1d1: {  	_ =	swait.ge [sflag:s29], $0x4800  }
0x1d2: {  	[sflag:s29] =	ssyncset.done $0x0  }
0x1d3: {  	[sflag:s29] =	ssyncadd.s32 $0xFFFFB800  }
0x1d4: {  	[spmem:s18] =	stream.linear.scatter [tilespmem:s8], [sflag:$0x5], $0x4800, $0x38;
	[tilespmem:$0x1F2A0] =	vst v63  }
0x1d5: {  	_ =	swait.ge [sflag:s29], $0x4800  }
0x1d6: {  	[sflag:s29] =	ssyncset.done $0x0  }
0x1d7: {  	[sflag:s29] =	ssyncadd.s32 $0xFFFFB800  }
0x1d8: {  	[spmem:s19] =	stream.linear.scatter [tilespmem:s8], [sflag:$0x5], $0x4800, $0x38;
	[tilespmem:$0x1F2A0] =	vst v63  }
0x1d9: {  	_ =	swait.ge [sflag:s29], $0x4800  }
0x1da: {  	[sflag:s29] =	ssyncset.done $0x0  }
0x1db: {  	[sflag:s29] =	ssyncadd.s32 $0xFFFFB800  }
0x1dc: {  	[spmem:s20] =	stream.linear.scatter [tilespmem:s8], [sflag:$0x5], $0x3F90, $0x38;
	[tilespmem:$0x1F2A0] =	vst v63  }
0x1dd: {  	_ =	swait.ge [sflag:s29], $0x3F90  }
0x1de: {  	s16 =	simm.s32 $0x0;
	[sflag:s29] =	ssyncset.done $0x0  }
0x1df: {  	s18 =	simm.s32 $0x9300;
	s0 =	rddreg [dreg:$0x11];
	[sflag:s29] =	ssyncadd.s32 $0xFFFFC070  }
0x1e0: {  	[tilespmem:s18], [sflag:$0x5] =	stream.linear.gather [hbm4b:s0+s16], $0x10, $0x38;
	[tilespmem:$0x1F2A0] =	vst v63  }
0x1e1: {  	_ =	swait.ge [sflag:s29], $0x10  }
0x1e2: {  	[sflag:s29] =	ssyncset.done $0x0  }
0x1e3: {  	[sflag:s29] =	ssyncadd.s32 $0xFFFFFFF0  }
0x1e4: {  	[bflag:$0x0] =	sbarrier.arrive $0xFFFF  }
0x1e5: {  	[tilespmem:s16], [sflag:$0x5] =	stream.linear.gather [hbm4b:s24+s16], $0x80, $0x38;
	[tilespmem:$0x1F2A0] =	vst v63  }
0x1e6: {  	_ =	swait.ge [sflag:s29], $0x80  }
0x1e7: {  	[sflag:s29] =	ssyncset.done $0x0  }
0x1e8: {  	[sflag:s29] =	ssyncadd.s32 $0xFFFFFF80  }
0x1e9: {  	[tilespmem:s10], [sflag:$0x5] =	stream.linear.gather [hbm4b:s4+s16], $0x80, $0x38;
	[tilespmem:$0x1F2A0] =	vst v63  }
0x1ea: {  	_ =	swait.ge [sflag:s29], $0x80  }
0x1eb: {  	[sflag:s29] =	ssyncset.done $0x0  }
0x1ec: {  	[sflag:s29] =	ssyncadd.s32 $0xFFFFFF80  }
0x1ed: {  	[tilespmem:s9], [sflag:$0x5] =	stream.linear.gather [hbm4b:s25+s16], $0x80, $0x38;
	[tilespmem:$0x1F2A0] =	vst v63  }
0x1ee: {  	_ =	swait.ge [sflag:s29], $0x80  }
0x1ef: {  	[sflag:s29] =	ssyncset.done $0x0  }
0x1f0: {  	s19 =	rddreg [dreg:$0xe];
	[sflag:s29] =	ssyncadd.s32 $0xFFFFFF80  }
0x1f1: {  	[tilespmem:s12], [sflag:$0x2] =	stream.linear.gather [hbm4b:s19+s16], $0x80, $0x38;
	[tilespmem:$0x1F2A0] =	vst v63  }
0x1f2: {  	s20 =	rddreg [dreg:$0xf]  }
0x1f3: {  	[tilespmem:s14], [sflag:$0x2] =	stream.linear.gather [hbm4b:s20+s16], $0x80, $0x38;
	[tilespmem:$0x1F2A0] =	vst v63  }
0x1f4: {  	s21 =	rddreg [dreg:$0x10]  }
0x1f5: {  	[tilespmem:s28], [sflag:$0x2] =	stream.linear.gather [hbm4b:s21+s16], $0x80, $0x38;
	[tilespmem:$0x1F2A0] =	vst v63  }
0x1f6: {  	s17 =	simm.s32 $0x0  }
0x1f7: {  	[tilespmem:s8], [sflag:$0x3] =	stream.indirect.gather [hbm4b:s5+s12], $0x90, s16, s12, $0xb8;
	[tilespmem:$0x1F2A0] =	vst v63  }
.LBB2_11:
0x1f8: {  	_ =	swait.ge [sflag:s11], $0x80  }
0x1f9: {  	[sflag:s11] =	ssyncset.done $0x0  }
0x1fa: {  	[sflag:s11] =	ssyncadd.s32 $0xFFFFFF80  }
0x1fb: {  	_ =	swait.ge [sflag:s11], $0x80  }
0x1fc: {  	[sflag:s11] =	ssyncset.done $0x0  }
0x1fd: {  	[sflag:s11] =	ssyncadd.s32 $0xFFFFFF80  }
0x1fe: {  	_ =	swait.ge [sflag:s11], $0x80  }
0x1ff: {  	[sflag:s11] =	ssyncset.done $0x0  }
0x200: {  	[sflag:s11] =	ssyncadd.s32 $0xFFFFFF80  }
0x201: {  	[tilespmem:s30], [sflag:$0x4] =	stream.indirect.gather [hbm4b:s5+s12], $0x90, s12, s12, $0xb8;
	[tilespmem:$0x1F2A0] =	vst v63  }
0x202: {  	_ =	swait.ge [sflag:s13], $0x4800  }
0x203: {  	[sflag:s13] =	ssyncset.done $0x0  }
0x204: {  	[sflag:s13] =	ssyncadd.s32 $0xFFFFB800  }
0x205: {  	v1 =	vld [tilespmem:$0x9300]  }
0x206: {  	v2 =	vld [tilespmem:$0x200]  }
0x207: {  	v3 =	vld [tilespmem:$0x210]  }
0x208: {  	v4 =	vld [tilespmem:$0x220]  }
0x209: {  	v5 =	vld [tilespmem:$0x230]  }
0x20a: {  	v6 =	vld [tilespmem:$0x240]  }
0x20b: {  	v7 =	vld [tilespmem:$0x250];
	v2 =	vsub.f32 v2, v1  }
0x20c: {  	v8 =	vld [tilespmem:$0x260];
	v3 =	vsub.f32 v3, v1  }
0x20d: {  	v9 =	vld [tilespmem:$0x270];
	v4 =	vsub.f32 v4, v1;
	v2 =	vmul.f32 $1.442695020e+00, v2  }
0x20e: {  	v5 =	vsub.f32 v5, v1;
	v3 =	vmul.f32 $1.442695020e+00, v3  }
0x20f: {  	(erf) = vpow2.f32 v2;
	v2 =	vmul.f32 $1.442695020e+00, v4;
	v4 =	vsub.f32 v6, v1  }
0x210: {  	(erf) = vpow2.f32 v3;
	v3 =	vmul.f32 $1.442695020e+00, v5;
	v5 =	vsub.f32 v7, v1  }
0x211: {  	(erf) = vpow2.f32 v2;
	v2 =	vmul.f32 $1.442695020e+00, v4;
	v4 =	vsub.f32 v8, v1  }
0x212: {  	v1 =	vsub.f32 v9, v1;
	(erf) = vpow2.f32 v3;
	v3 =	vmul.f32 $1.442695020e+00, v5  }
0x213: {  	(erf) = vpow2.f32 v2;
	v2 =	vmul.f32 $1.442695020e+00, v4  }
0x214: {  	v1 =	vmul.f32 $1.442695020e+00, v1;
	(erf) = vpow2.f32 v3  }
0x215: {  	(erf) = vpow2.f32 v2  }
0x216: {  	(erf) = vpow2.f32 v1;
	_ =	sdelay $0x1  }
0x217: {  	v1 =	vpop (erf)  }
0x218: {  	v2 =	vpop (erf);
	[tilespmem:$0x200] =	vst v1  }
0x219: {  	v1 =	vpop (erf);
	[tilespmem:$0x210] =	vst v2  }
0x21a: {  	v2 =	vpop (erf);
	[tilespmem:$0x220] =	vst v1  }
0x21b: {  	v1 =	vpop (erf);
	[tilespmem:$0x230] =	vst v2  }
0x21c: {  	v2 =	vpop (erf);
	[tilespmem:$0x240] =	vst v1  }
0x21d: {  	v1 =	vpop (erf);
	[tilespmem:$0x250] =	vst v2  }
0x21e: {  	[tilespmem:$0x260] =	vst v1;
	v1 =	vpop (erf)  }
0x21f: {  	s18 =	simm.s32 $0x340;
	v2 =	vmov s16;
	[tilespmem:$0x270] =	vst v1  }
0x220: {  	v6 =	vld [tilespmem:s18+$0xFFFFFFC0]  }
0x221: {  	v9 =	vld [tilespmem:s18+$0x30]  }
0x222: {  	v7 =	vld [tilespmem:s18+$0x40]  }
0x223: {  	v11 =	vld [tilespmem:s18+$0xFFFFFFE0]  }
0x224: {  	v2 =	vld.idx.msk [tilespmem:v2+s9+$0x0], $0xffff  }
0x225: {  	v1 =	vld [tilespmem:s18+$0xFFFFFFF0]  }
0x226: {  	v3 =	vld [tilespmem:s18+$0x20]  }
0x227: {  	v4 =	vld [tilespmem:s18+$0xFFFFFFD0]  }
0x228: {  	v5 =	vld [tilespmem:s18+$0x10]  }
0x229: {  	v10 =	vmul.f32 v6, v2;
	v8 =	vmul.f32 v7, v2;
	v6 =	vld [tilespmem:s18+$0x0]  }
0x22a: {  	s19 =	simm.s32 $0x1;
	s20 =	simm.s32 $0x340;
	v7 =	vmul.f32 v11, v2;
	v9 =	vmul.f32 v9, v2  }
.LBB2_12:
0x22b: {  	p6 =	sne.s32 s19, $0x7F  }
0x22c: {  	[tilespmem:s18+$0xFFFFFFC0] =	vst v10;
	v4 =	vmul.f32 v4, v2;
	v3 =	vmul.f32 v3, v2;
	s20 =	sadd.s32 $0x90, s20;
	s0 =	smov.u32 s19;
	s19 =	sadd.s32 $0x1, s19  }
0x22d: {  	v10 =	vmul.f32 v1, v2;
	v1 =	vmul.f32 v5, v2;
	[tilespmem:s18+$0x40] =	vst v8  }
0x22e: {  	v2 =	vmul.f32 v6, v2;
	[tilespmem:s18+$0x30] =	vst v9  }
0x22f: {  	[tilespmem:s18+$0xFFFFFFE0] =	vst v7  }
0x230: {  	v5 =	vmov s0;
	[tilespmem:s18+$0x10] =	vst v1  }
0x231: {  	v1 =	vld [tilespmem:s20+$0xFFFFFFF0];
	[tilespmem:s18+$0x0] =	vst v2  }
0x232: {  	v7 =	vld [tilespmem:s20+$0xFFFFFFC0];
	[tilespmem:s18+$0xFFFFFFF0] =	vst v10  }
0x233: {  	v9 =	vld [tilespmem:s20+$0x30];
	[tilespmem:s18+$0x20] =	vst v3  }
0x234: {  	v8 =	vld [tilespmem:s20+$0x40];
	[tilespmem:s18+$0xFFFFFFD0] =	vst v4;
	s18 =	smov.u32 s20  }
0x235: {  	v2 =	vld.idx.msk [tilespmem:v5+s9+$0x0], $0xffff  }
0x236: {  	v11 =	vld [tilespmem:s20+$0xFFFFFFE0]  }
0x237: {  	v3 =	vld [tilespmem:s20+$0x20]  }
.Ltmp9:
0x238: {  	v4 =	vld [tilespmem:s20+$0xFFFFFFD0];
	(pc) =	sbr.rel @p6 .LBB2_12-.Ltmp9, $4  }
0x239: {  	v5 =	vld [tilespmem:s20+$0x10]  }
0x23a: {  	v6 =	vld [tilespmem:s20+$0x0]  }
0x23b: {  	v10 =	vmul.f32 v7, v2;
	v8 =	vmul.f32 v8, v2  }
0x23c: {  	v9 =	vmul.f32 v9, v2;
	v7 =	vmul.f32 v11, v2  }
0x23d: {  	[tilespmem:s18+$0xFFFFFFC0] =	vst v10  }
0x23e: {  	[tilespmem:s18+$0x40] =	vst v8  }
0x23f: {  	v1 =	vmul.f32 v1, v2;
	[tilespmem:s18+$0x30] =	vst v9  }
0x240: {  	v3 =	vmul.f32 v3, v2;
	[tilespmem:s18+$0xFFFFFFE0] =	vst v7  }
0x241: {  	v5 =	vmul.f32 v5, v2;
	[tilespmem:s18+$0xFFFFFFF0] =	vst v1  }
0x242: {  	v6 =	vmul.f32 v6, v2;
	[tilespmem:s18+$0x20] =	vst v3  }
0x243: {  	v2 =	vmul.f32 v4, v2;
	[tilespmem:s18+$0x10] =	vst v5  }
0x244: {  	[tilespmem:s18+$0x0] =	vst v6  }
0x245: {  	p6 =	seq.s32 s17, $0x27;
	[tilespmem:s18+$0xFFFFFFD0] =	vst v2;
	s18 =	sshll.u32 s17, $0x8  }
0x246: {  	[spmem:s2] =	stream.indirect.scatter.add.f32 [tilespmem:s8], [sflag:$0x5], $0x90, s10, s12, $0xb8;
	[tilespmem:$0x1F2A0] =	vst v63  }
0x247: {  	s0 =	sadd.s32 @!p6 s18, s22;
	_ =	swait.ge [sflag:s29], $0x4800  }
0x248: {  	s0 =	sshrl.u32 @!p6 s0, $0x3;
	[sflag:s29] =	ssyncset.done $0x0  }
0x249: {  	s20 =	simm.s32 @!p6 $0x0;
	s19 =	sadd.s32 @!p6 s1, s0;
	[sflag:s29] =	ssyncadd.s32 $0xFFFFB800  }
0x24a: {  	[tilespmem:s20], [sflag:$0x1] =	stream.linear.gather @!p6 [hbm4b:s19+s20], $0x80, $0x38;
	[tilespmem:$0x1F2A0] =	vst v63  }
0x24b: {  	s21 =	simm.s32 @!p6 $0x100;
	s19 =	sadd.s32 @!p6 s6, s0  }
0x24c: {  	[tilespmem:s21], [sflag:$0x1] =	stream.linear.gather @!p6 [hbm4b:s19+s20], $0x80, $0x38;
	[tilespmem:$0x1F2A0] =	vst v63  }
0x24d: {  	s0 =	sadd.s32 @!p6 s7, s0;
	s19 =	simm.s32 @!p6 $0x200  }
0x24e: {  	[tilespmem:s19], [sflag:$0x1] =	stream.linear.gather @!p6 [hbm4b:s0+s20], $0x80, $0x38;
	[tilespmem:$0x1F2A0] =	vst v63  }
0x24f: {  	s0 =	simm.s32 @!p6 $0x1  }
0x250: {  	_ =	swait.ge @!p6 [sflag:s0], $0x80  }
0x251: {  	[sflag:s0] =	ssyncset.done @!p6 $0x0  }
0x252: {  	[sflag:s0] =	ssyncadd.s32 @!p6 $0xFFFFFF80  }
0x253: {  	_ =	swait.ge @!p6 [sflag:s0], $0x80  }
0x254: {  	[sflag:s0] =	ssyncset.done @!p6 $0x0  }
0x255: {  	[sflag:s0] =	ssyncadd.s32 @!p6 $0xFFFFFF80  }
0x256: {  	_ =	swait.ge @!p6 [sflag:s0], $0x80  }
0x257: {  	[sflag:s0] =	ssyncset.done @!p6 $0x0  }
0x258: {  	s19 =	simm.s32 @!p6 $0x300;
	[sflag:s0] =	ssyncadd.s32 @!p6 $0xFFFFFF80;
	s0 =	simm.s32 @!p6 $0x80  }
0x259: {  	[tilespmem:s19], [sflag:$0x3] =	stream.indirect.gather @!p6 [hbm4b:s5+s0], $0x90, s20, s0, $0xb8;
	[tilespmem:$0x1F2A0] =	vst v63  }
0x25a: {  	_ =	swait.ge [sflag:s15], $0x4800  }
0x25b: {  	[sflag:s15] =	ssyncset.done $0x0  }
0x25c: {  	[sflag:s15] =	ssyncadd.s32 $0xFFFFB800  }
0x25d: {  	v1 =	vld [tilespmem:$0x9300]  }
0x25e: {  	v2 =	vld [tilespmem:$0x280]  }
0x25f: {  	v3 =	vld [tilespmem:$0x290]  }
0x260: {  	v4 =	vld [tilespmem:$0x2A0]  }
0x261: {  	v5 =	vld [tilespmem:$0x2B0]  }
0x262: {  	v6 =	vld [tilespmem:$0x2C0]  }
0x263: {  	v7 =	vld [tilespmem:$0x2D0];
	v2 =	vsub.f32 v2, v1  }
0x264: {  	v8 =	vld [tilespmem:$0x2E0];
	v3 =	vsub.f32 v3, v1  }
0x265: {  	v9 =	vld [tilespmem:$0x2F0];
	v4 =	vsub.f32 v4, v1;
	v2 =	vmul.f32 $1.442695020e+00, v2  }
0x266: {  	v5 =	vsub.f32 v5, v1;
	v3 =	vmul.f32 $1.442695020e+00, v3  }
0x267: {  	(erf) = vpow2.f32 v2;
	v2 =	vmul.f32 $1.442695020e+00, v4;
	v4 =	vsub.f32 v6, v1  }
0x268: {  	(erf) = vpow2.f32 v3;
	v3 =	vmul.f32 $1.442695020e+00, v5;
	v5 =	vsub.f32 v7, v1  }
0x269: {  	(erf) = vpow2.f32 v2;
	v2 =	vmul.f32 $1.442695020e+00, v4;
	v4 =	vsub.f32 v8, v1  }
0x26a: {  	v1 =	vsub.f32 v9, v1;
	(erf) = vpow2.f32 v3;
	v3 =	vmul.f32 $1.442695020e+00, v5  }
0x26b: {  	(erf) = vpow2.f32 v2;
	v2 =	vmul.f32 $1.442695020e+00, v4  }
0x26c: {  	v1 =	vmul.f32 $1.442695020e+00, v1;
	(erf) = vpow2.f32 v3  }
0x26d: {  	(erf) = vpow2.f32 v2  }
0x26e: {  	(erf) = vpow2.f32 v1;
	_ =	sdelay $0x1  }
0x26f: {  	v1 =	vpop (erf)  }
0x270: {  	v2 =	vpop (erf);
	[tilespmem:$0x280] =	vst v1  }
0x271: {  	v1 =	vpop (erf);
	[tilespmem:$0x290] =	vst v2  }
0x272: {  	v2 =	vpop (erf);
	[tilespmem:$0x2A0] =	vst v1  }
0x273: {  	v1 =	vpop (erf);
	[tilespmem:$0x2B0] =	vst v2  }
0x274: {  	v2 =	vpop (erf);
	[tilespmem:$0x2C0] =	vst v1  }
0x275: {  	v1 =	vpop (erf);
	[tilespmem:$0x2D0] =	vst v2  }
0x276: {  	s21 =	simm.s32 $0x0;
	[tilespmem:$0x2E0] =	vst v1;
	v1 =	vpop (erf)  }
0x277: {  	s19 =	simm.s32 $0x4B40;
	v2 =	vmov s21;
	[tilespmem:$0x2F0] =	vst v1  }
0x278: {  	v6 =	vld [tilespmem:s19+$0xFFFFFFC0]  }
0x279: {  	v9 =	vld [tilespmem:s19+$0x30]  }
0x27a: {  	v7 =	vld [tilespmem:s19+$0x40]  }
0x27b: {  	v11 =	vld [tilespmem:s19+$0xFFFFFFE0]  }
0x27c: {  	v2 =	vld.idx.msk [tilespmem:v2+s28+$0x0], $0xffff  }
0x27d: {  	v1 =	vld [tilespmem:s19+$0xFFFFFFF0]  }
0x27e: {  	v3 =	vld [tilespmem:s19+$0x20]  }
0x27f: {  	v4 =	vld [tilespmem:s19+$0xFFFFFFD0]  }
0x280: {  	v5 =	vld [tilespmem:s19+$0x10]  }
0x281: {  	v10 =	vmul.f32 v6, v2;
	v8 =	vmul.f32 v7, v2;
	v6 =	vld [tilespmem:s19+$0x0]  }
0x282: {  	s20 =	simm.s32 $0x1;
	s21 =	simm.s32 $0x4B40;
	v7 =	vmul.f32 v11, v2;
	v9 =	vmul.f32 v9, v2  }
.LBB2_14:
0x283: {  	p0 =	sne.s32 s20, $0x7F  }
0x284: {  	[tilespmem:s19+$0xFFFFFFC0] =	vst v10;
	v4 =	vmul.f32 v4, v2;
	v3 =	vmul.f32 v3, v2;
	s21 =	sadd.s32 $0x90, s21;
	s0 =	smov.u32 s20;
	s20 =	sadd.s32 $0x1, s20  }
0x285: {  	v10 =	vmul.f32 v1, v2;
	v1 =	vmul.f32 v5, v2;
	[tilespmem:s19+$0x40] =	vst v8  }
0x286: {  	v2 =	vmul.f32 v6, v2;
	[tilespmem:s19+$0x30] =	vst v9  }
0x287: {  	[tilespmem:s19+$0xFFFFFFE0] =	vst v7  }
0x288: {  	v5 =	vmov s0;
	[tilespmem:s19+$0x10] =	vst v1  }
0x289: {  	v1 =	vld [tilespmem:s21+$0xFFFFFFF0];
	[tilespmem:s19+$0x0] =	vst v2  }
0x28a: {  	v7 =	vld [tilespmem:s21+$0xFFFFFFC0];
	[tilespmem:s19+$0xFFFFFFF0] =	vst v10  }
0x28b: {  	v9 =	vld [tilespmem:s21+$0x30];
	[tilespmem:s19+$0x20] =	vst v3  }
0x28c: {  	v8 =	vld [tilespmem:s21+$0x40];
	[tilespmem:s19+$0xFFFFFFD0] =	vst v4;
	s19 =	smov.u32 s21  }
0x28d: {  	v2 =	vld.idx.msk [tilespmem:v5+s28+$0x0], $0xffff  }
0x28e: {  	v11 =	vld [tilespmem:s21+$0xFFFFFFE0]  }
0x28f: {  	v3 =	vld [tilespmem:s21+$0x20]  }
.Ltmp10:
0x290: {  	v4 =	vld [tilespmem:s21+$0xFFFFFFD0];
	(pc) =	sbr.rel @p0 .LBB2_14-.Ltmp10, $4  }
0x291: {  	v5 =	vld [tilespmem:s21+$0x10]  }
0x292: {  	v6 =	vld [tilespmem:s21+$0x0]  }
0x293: {  	v10 =	vmul.f32 v7, v2;
	v8 =	vmul.f32 v8, v2  }
0x294: {  	v9 =	vmul.f32 v9, v2;
	v7 =	vmul.f32 v11, v2  }
0x295: {  	[tilespmem:s19+$0xFFFFFFC0] =	vst v10  }
0x296: {  	[tilespmem:s19+$0x40] =	vst v8  }
0x297: {  	v1 =	vmul.f32 v1, v2;
	[tilespmem:s19+$0x30] =	vst v9  }
0x298: {  	v3 =	vmul.f32 v3, v2;
	[tilespmem:s19+$0xFFFFFFE0] =	vst v7  }
0x299: {  	v5 =	vmul.f32 v5, v2;
	[tilespmem:s19+$0xFFFFFFF0] =	vst v1  }
0x29a: {  	v6 =	vmul.f32 v6, v2;
	[tilespmem:s19+$0x20] =	vst v3  }
0x29b: {  	v2 =	vmul.f32 v4, v2;
	[tilespmem:s19+$0x10] =	vst v5  }
0x29c: {  	[tilespmem:s19+$0x0] =	vst v6  }
.Ltmp11:
0x29d: {  	[tilespmem:s19+$0xFFFFFFD0] =	vst v2;
	(pc) =	sbr.rel @p6 .LBB2_17-.Ltmp11, $4  }
0x29e: {  	[spmem:s2] =	stream.indirect.scatter.add.f32 [tilespmem:s30], [sflag:$0x5], $0x90, s14, s12, $0xb8;
	[tilespmem:$0x1F2A0] =	vst v63  }
0x29f: {  	_ =	swait.ge [sflag:s29], $0x4800  }
0x2a0: {  	[sflag:s29] =	ssyncset.done $0x0  }
0x2a1: {  	[sflag:s29] =	ssyncadd.s32 $0xFFFFB800  }
0x2a2: {  	s0 =	sadd.s32 s18, s23  }
0x2a3: {  	s0 =	sshrl.u32 s0, $0x3  }
0x2a4: {  	s20 =	sadd.s32 s1, s0  }
0x2a5: {  	[tilespmem:s12], [sflag:$0x2] =	stream.linear.gather [hbm4b:s20+s3], $0x80, $0x38;
	[tilespmem:$0x1F2A0] =	vst v63  }
.Ltmp12:
0x2a6: {  	_ = 	snop;
	(pc) =	sbr.rel .LBB2_11-.Ltmp12, $4  }
0x2a7: {  	s21 =	sadd.s32 s6, s0  }
0x2a8: {  	[tilespmem:s14], [sflag:$0x2] =	stream.linear.gather [hbm4b:s21+s3], $0x80, $0x38;
	[tilespmem:$0x1F2A0] =	vst v63  }
0x2a9: {  	s17 =	sadd.s32 $0x1, s17;
	s0 =	sadd.s32 s7, s0  }
0x2aa: {  	[tilespmem:s28], [sflag:$0x2] =	stream.linear.gather [hbm4b:s0+s3], $0x80, $0x38;
	[tilespmem:$0x1F2A0] =	vst v63  }
.LBB2_17:
0x2ab: {  	p6 =	sne.s32 s26, $0x0  }
.Ltmp13:
0x2ac: {  	[bflag:$0x0] =	sbarrier.arrive $0xFFFF;
	(pc) =	sbr.rel @!p6 .LBB2_18-.Ltmp13, $2  }
0x2ad: {  	s0 =	sld [smem:$0x7B6];
	_ =	sdelay $0x2  }
0x2ae: {  	s19 =	rddreg [dreg:$0x13];
	p0 =	seq.s32 s0, $0x1  }
0x2af: {  	s0 =	sld [smem:$0x7B5];
	_ =	sdelay $0x2  }
0x2b0: {  	p4 =	seq.s32 s0, $0x1  }
.Ltmp14:
0x2b1: {  	_ = 	snop;
	(pc) =	sbr.rel @!p4 .LBB2_25-.Ltmp14, $2  }
0x2b2: {  	_ =	sdelay $0x2  }
0x2b3: {  	s18 =	rddreg [dreg:$0x12]  }
.Ltmp15:
0x2b4: {  	(pc) =	sbr.rel @!p0 .LBB2_24-.Ltmp15, $4  }
.Ltmp16:
0x2b5: {  	(pc) =	sbr.rel @p0 .LBB2_23-.Ltmp16, $4  }
0x2b6: {  	_ = 	snop  }
0x2b7: {  	_ = 	snop  }
0x2b8: {  	s16 =	smov.u32 s18  }
0x2b9: {  	_ = 	snop  }
.LBB2_18:
.Ltmp17:
0x2ba: {  	(pc) =	sbr.rel @!p0 .LBB2_20-.Ltmp17, $2  }
0x2bb: {  	_ =	sdelay $0x2  }
0x2bc: {  	s16 =	sshrl.u32 s2, $0x3;
	s18 =	rddreg [dreg:$0x12];
	s0 =	simm.s32 $0x1C05  }
0x2bd: {  	[hbm:s19], [sflag:s0] =	dma.local [spmem:s16], $0x2BF2  }
0x2be: {  	_ =	swait.ge [sflag:s29], $0x2BF2  }
0x2bf: {  	s21 =	sld [smem:$0x7B5];
	_ =	sdelay $0x2  }
0x2c0: {  	p4 =	seq.s32 s21, $0x1  }
.Ltmp18:
0x2c1: {  	_ = 	snop;
	(pc) =	sbr.rel @!p4 .LBB2_25-.Ltmp18, $3  }
0x2c2: {  	_ =	sdelay $0x1  }
0x2c3: {  	[sflag:s29] =	ssyncset.done $0x0  }
0x2c4: {  	[sflag:s29] =	ssyncadd.s32 $0xFFFFD40E  }
.LBB2_23:
.Ltmp19:
0x2c5: {  	(pc) =	sbr.rel .LBB2_24-.Ltmp19, $2  }
0x2c6: {  	_ =	sdelay $0x2  }
0x2c7: {  	s16 =	smov.u32 s19  }
.LBB2_20:
0x2c8: {  	[hbm:s18], [sflag:s0] =	dma.local [spmem:s16], $0x2BF2  }
0x2c9: {  	_ =	swait.ge [sflag:s29], $0x2BF2  }
0x2ca: {  	s21 =	sld [smem:$0x7B5];
	_ =	sdelay $0x2  }
0x2cb: {  	p4 =	seq.s32 s21, $0x1  }
.Ltmp20:
0x2cc: {  	_ = 	snop;
	(pc) =	sbr.rel @!p4 .LBB2_25-.Ltmp20, $3  }
0x2cd: {  	_ =	sdelay $0x1  }
0x2ce: {  	[sflag:s29] =	ssyncset.done $0x0  }
0x2cf: {  	s16 =	smov.u32 s18;
	[sflag:s29] =	ssyncadd.s32 $0xFFFFD40E  }
.LBB2_24:
0x2d0: {  	s17 =	sld [smem:$0x7FC];
	_ =	sdelay $0x1  }
0x2d1: {  	s0 =	sshll.u32 s26, $0x6  }
0x2d2: {  	s16 =	sadd.s32 $0x2BF2, s16;
	s0 =	sor.u32 $0x1C05, s0;
	s17 =	sshrl.u32 s17, $0x3  }
0x2d3: {  	[hbm:s16], [sflag:s0] =	dma.local [spmem:s17], $0x2BF2  }
0x2d4: {  	_ =	swait.ge [sflag:s29], $0x2BF2  }
0x2d5: {  	[sflag:s29] =	ssyncset.done $0x0  }
0x2d6: {  	[sflag:s29] =	ssyncadd.s32 $0xFFFFD40E  }
.LBB2_25:
0x2d7: {  	s0 =	sld [smem:$0x7AF];
	_ =	sdelay $0x2  }
0x2d8: {  	p4 =	seq.s32 s0, $0x1  }
.Ltmp21:
0x2d9: {  	_ = 	snop;
	(pc) =	sbr.rel @!p4 .LBB2_29-.Ltmp21, $1  }
0x2da: {  	_ =	sdelay $0x3  }
.Ltmp22:
0x2db: {  	(pc) =	sbr.rel @!p0 .LBB2_28-.Ltmp22, $3  }
0x2dc: {  	s0 =	sld [smem:$0x7FB];
	_ =	sdelay $0x1  }
0x2dd: {  	s21 =	sshll.u32 s26, $0x6  }
0x2de: {  	s16 =	sshrl.u32 s0, $0x3;
	s0 =	sor.u32 $0x1C05, s21  }
0x2df: {  	s17 =	rddreg [dreg:$0x15]  }
0x2e0: {  	[hbm:s17], [sflag:s0] =	dma.local [spmem:s16], $0x2BF2  }
0x2e1: {  	_ =	swait.ge [sflag:s29], $0x2BF2  }
0x2e2: {  	s21 =	sld [smem:$0x7AE];
	_ =	sdelay $0x2  }
0x2e3: {  	p4 =	seq.s32 s21, $0x1  }
.Ltmp23:
0x2e4: {  	_ = 	snop;
	(pc) =	sbr.rel @p4 .LBB2_31-.Ltmp23, $4  }
.Ltmp24:
0x2e5: {  	_ = 	snop;
	(pc) =	sbr.rel @!p4 .LBB2_33-.Ltmp24, $4  }
0x2e6: {  	_ = 	snop  }
0x2e7: {  	[sflag:s29] =	ssyncset.done $0x0  }
0x2e8: {  	[sflag:s29] =	ssyncadd.s32 $0xFFFFD40E  }
0x2e9: {  	_ = 	snop  }
.LBB2_29:
0x2ea: {  	s0 =	sld [smem:$0x7AE];
	_ =	sdelay $0x2  }
0x2eb: {  	p4 =	seq.s32 s0, $0x1  }
.Ltmp25:
0x2ec: {  	_ = 	snop;
	(pc) =	sbr.rel @!p4 .LBB2_33-.Ltmp25, $1  }
0x2ed: {  	_ =	sdelay $0x3  }
.Ltmp26:
0x2ee: {  	(pc) =	sbr.rel @!p0 .LBB2_32-.Ltmp26, $2  }
0x2ef: {  	_ =	sdelay $0x2  }
0x2f0: {  	s16 =	smov.u32 s18  }
.LBB2_31:
.Ltmp27:
0x2f1: {  	(pc) =	sbr.rel .LBB2_32-.Ltmp27, $2  }
0x2f2: {  	_ =	sdelay $0x2  }
0x2f3: {  	s16 =	smov.u32 s19  }
.LBB2_28:
0x2f4: {  	s17 =	rddreg [dreg:$0x14]  }
0x2f5: {  	[hbm:s17], [sflag:s0] =	dma.local [spmem:s16], $0x2BF2  }
0x2f6: {  	_ =	swait.ge [sflag:s29], $0x2BF2  }
0x2f7: {  	s21 =	sld [smem:$0x7AE];
	_ =	sdelay $0x2  }
0x2f8: {  	p4 =	seq.s32 s21, $0x1  }
.Ltmp28:
0x2f9: {  	_ = 	snop;
	(pc) =	sbr.rel @!p4 .LBB2_33-.Ltmp28, $3  }
0x2fa: {  	_ =	sdelay $0x1  }
0x2fb: {  	[sflag:s29] =	ssyncset.done $0x0  }
0x2fc: {  	s16 =	smov.u32 s18;
	[sflag:s29] =	ssyncadd.s32 $0xFFFFD40E  }
.LBB2_32:
0x2fd: {  	s17 =	sld [smem:$0x7FA];
	_ =	sdelay $0x1  }
0x2fe: {  	s0 =	sshll.u32 s26, $0x6  }
0x2ff: {  	s16 =	sadd.s32 $0x83D6, s16;
	s0 =	sor.u32 $0x1C05, s0;
	s17 =	sshrl.u32 s17, $0x3  }
0x300: {  	[hbm:s16], [sflag:s0] =	dma.local [spmem:s17], $0x2BF2  }
0x301: {  	_ =	swait.ge [sflag:s29], $0x2BF2  }
0x302: {  	[sflag:s29] =	ssyncset.done $0x0  }
0x303: {  	[sflag:s29] =	ssyncadd.s32 $0xFFFFD40E  }
.LBB2_33:
.Ltmp29:
0x304: {  	(pc) =	sbr.rel @!p1 .LBB2_37-.Ltmp29, $1  }
0x305: {  	_ =	sdelay $0x3  }
.Ltmp30:
0x306: {  	(pc) =	sbr.rel @!p0 .LBB2_36-.Ltmp30, $3  }
0x307: {  	s0 =	sld [smem:$0x7F9];
	_ =	sdelay $0x1  }
0x308: {  	s21 =	sshll.u32 s26, $0x6  }
0x309: {  	s16 =	sshrl.u32 s0, $0x3;
	s0 =	sor.u32 $0x1C05, s21  }
0x30a: {  	s17 =	rddreg [dreg:$0x17]  }
0x30b: {  	[hbm:s17], [sflag:s0] =	dma.local [spmem:s16], $0x2BF2  }
0x30c: {  	_ =	swait.ge [sflag:s29], $0x2BF2  }
0x30d: {  	s21 =	sld [smem:$0x7AD];
	_ =	sdelay $0x2  }
0x30e: {  	p1 =	seq.s32 s21, $0x1  }
.Ltmp31:
0x30f: {  	_ = 	snop;
	(pc) =	sbr.rel @p1 .LBB2_39-.Ltmp31, $4  }
.Ltmp32:
0x310: {  	_ = 	snop;
	(pc) =	sbr.rel @!p1 .LBB2_41-.Ltmp32, $4  }
0x311: {  	_ = 	snop  }
0x312: {  	[sflag:s29] =	ssyncset.done $0x0  }
0x313: {  	[sflag:s29] =	ssyncadd.s32 $0xFFFFD40E  }
0x314: {  	_ = 	snop  }
.LBB2_37:
0x315: {  	s0 =	sld [smem:$0x7AD];
	_ =	sdelay $0x2  }
0x316: {  	p1 =	seq.s32 s0, $0x1  }
.Ltmp33:
0x317: {  	_ = 	snop;
	(pc) =	sbr.rel @!p1 .LBB2_41-.Ltmp33, $1  }
0x318: {  	_ =	sdelay $0x3  }
.Ltmp34:
0x319: {  	(pc) =	sbr.rel @!p0 .LBB2_40-.Ltmp34, $2  }
0x31a: {  	_ =	sdelay $0x2  }
0x31b: {  	s16 =	smov.u32 s18  }
.LBB2_39:
.Ltmp35:
0x31c: {  	(pc) =	sbr.rel .LBB2_40-.Ltmp35, $2  }
0x31d: {  	_ =	sdelay $0x2  }
0x31e: {  	s16 =	smov.u32 s19  }
.LBB2_36:
0x31f: {  	s17 =	rddreg [dreg:$0x16]  }
0x320: {  	[hbm:s17], [sflag:s0] =	dma.local [spmem:s16], $0x2BF2  }
0x321: {  	_ =	swait.ge [sflag:s29], $0x2BF2  }
0x322: {  	s21 =	sld [smem:$0x7AD];
	_ =	sdelay $0x2  }
0x323: {  	p1 =	seq.s32 s21, $0x1  }
.Ltmp36:
0x324: {  	_ = 	snop;
	(pc) =	sbr.rel @!p1 .LBB2_41-.Ltmp36, $3  }
0x325: {  	_ =	sdelay $0x1  }
0x326: {  	[sflag:s29] =	ssyncset.done $0x0  }
0x327: {  	s16 =	smov.u32 s18;
	[sflag:s29] =	ssyncadd.s32 $0xFFFFD40E  }
.LBB2_40:
0x328: {  	s17 =	sld [smem:$0x7F8];
	_ =	sdelay $0x1  }
0x329: {  	s0 =	sshll.u32 s26, $0x6  }
0x32a: {  	s16 =	sadd.s32 $0xDBBA, s16;
	s0 =	sor.u32 $0x1C05, s0;
	s17 =	sshrl.u32 s17, $0x3  }
0x32b: {  	[hbm:s16], [sflag:s0] =	dma.local [spmem:s17], $0x2BF2  }
0x32c: {  	_ =	swait.ge [sflag:s29], $0x2BF2  }
0x32d: {  	[sflag:s29] =	ssyncset.done $0x0  }
0x32e: {  	[sflag:s29] =	ssyncadd.s32 $0xFFFFD40E  }
.LBB2_41:
0x32f: {  	s0 =	sld [smem:$0x7B0];
	_ =	sdelay $0x2  }
0x330: {  	p1 =	seq.s32 s0, $0x1  }
.Ltmp37:
0x331: {  	_ = 	snop;
	(pc) =	sbr.rel @!p1 .LBB2_45-.Ltmp37, $1  }
0x332: {  	_ =	sdelay $0x3  }
.Ltmp38:
0x333: {  	(pc) =	sbr.rel @!p0 .LBB2_44-.Ltmp38, $3  }
0x334: {  	s0 =	sld [smem:$0x7F7];
	_ =	sdelay $0x1  }
0x335: {  	s21 =	sshll.u32 s26, $0x6  }
0x336: {  	s16 =	sshrl.u32 s0, $0x3;
	s0 =	sor.u32 $0x1C05, s21  }
0x337: {  	s17 =	rddreg [dreg:$0x19]  }
0x338: {  	[hbm:s17], [sflag:s0] =	dma.local [spmem:s16], $0x2BF2  }
.Ltmp39:
0x339: {  	_ = 	snop;
	(pc) =	sbr.rel @p2 .LBB2_47-.Ltmp39, $4  }
.Ltmp40:
0x33a: {  	_ = 	snop;
	(pc) =	sbr.rel @!p2 .LBB2_49-.Ltmp40, $4  }
0x33b: {  	_ =	swait.ge [sflag:s29], $0x2BF2  }
0x33c: {  	[sflag:s29] =	ssyncset.done $0x0  }
0x33d: {  	[sflag:s29] =	ssyncadd.s32 $0xFFFFD40E  }
0x33e: {  	_ = 	snop  }
.LBB2_45:
.Ltmp41:
0x33f: {  	(pc) =	sbr.rel @!p2 .LBB2_49-.Ltmp41, $1  }
0x340: {  	_ =	sdelay $0x3  }
.Ltmp42:
0x341: {  	(pc) =	sbr.rel @!p0 .LBB2_48-.Ltmp42, $2  }
0x342: {  	_ =	sdelay $0x2  }
0x343: {  	s16 =	smov.u32 s18  }
.LBB2_47:
.Ltmp43:
0x344: {  	(pc) =	sbr.rel .LBB2_48-.Ltmp43, $2  }
0x345: {  	_ =	sdelay $0x2  }
0x346: {  	s16 =	smov.u32 s19  }
.LBB2_44:
.Ltmp44:
0x347: {  	s17 =	rddreg [dreg:$0x18];
	(pc) =	sbr.rel @!p2 .LBB2_49-.Ltmp44, $4  }
0x348: {  	[hbm:s17], [sflag:s0] =	dma.local [spmem:s16], $0x2BF2  }
0x349: {  	_ =	swait.ge [sflag:s29], $0x2BF2  }
0x34a: {  	[sflag:s29] =	ssyncset.done $0x0  }
0x34b: {  	s16 =	smov.u32 s18;
	[sflag:s29] =	ssyncadd.s32 $0xFFFFD40E  }
.LBB2_48:
0x34c: {  	s17 =	sld [smem:$0x7F6];
	_ =	sdelay $0x1  }
0x34d: {  	s0 =	sshll.u32 s26, $0x6  }
0x34e: {  	s16 =	sadd.s32 $0x1339E, s16;
	s0 =	sor.u32 $0x1C05, s0;
	s17 =	sshrl.u32 s17, $0x3  }
0x34f: {  	[hbm:s16], [sflag:s0] =	dma.local [spmem:s17], $0x2BF2  }
0x350: {  	_ =	swait.ge [sflag:s29], $0x2BF2  }
0x351: {  	[sflag:s29] =	ssyncset.done $0x0  }
0x352: {  	[sflag:s29] =	ssyncadd.s32 $0xFFFFD40E  }
.LBB2_49:
0x353: {  	s0 =	sld [smem:$0x7B1];
	_ =	sdelay $0x2  }
0x354: {  	p1 =	seq.s32 s0, $0x1  }
.Ltmp45:
0x355: {  	_ = 	snop;
	(pc) =	sbr.rel @!p1 .LBB2_53-.Ltmp45, $1  }
0x356: {  	_ =	sdelay $0x3  }
.Ltmp46:
0x357: {  	(pc) =	sbr.rel @!p0 .LBB2_52-.Ltmp46, $3  }
0x358: {  	s0 =	sld [smem:$0x7F1];
	_ =	sdelay $0x1  }
0x359: {  	s21 =	sshll.u32 s26, $0x6  }
0x35a: {  	s16 =	sshrl.u32 s0, $0x3;
	s0 =	sor.u32 $0x1C05, s21  }
0x35b: {  	s17 =	rddreg [dreg:$0x1b]  }
0x35c: {  	[hbm:s17], [sflag:s0] =	dma.local [spmem:s16], $0x2BF2  }
0x35d: {  	_ =	swait.ge [sflag:s29], $0x2BF2  }
0x35e: {  	s21 =	sld [smem:$0x7AC];
	_ =	sdelay $0x2  }
0x35f: {  	p1 =	seq.s32 s21, $0x1  }
.Ltmp47:
0x360: {  	_ = 	snop;
	(pc) =	sbr.rel @p1 .LBB2_55-.Ltmp47, $4  }
.Ltmp48:
0x361: {  	_ = 	snop;
	(pc) =	sbr.rel @!p1 .LBB2_57-.Ltmp48, $4  }
0x362: {  	_ = 	snop  }
0x363: {  	[sflag:s29] =	ssyncset.done $0x0  }
0x364: {  	[sflag:s29] =	ssyncadd.s32 $0xFFFFD40E  }
0x365: {  	_ = 	snop  }
.LBB2_53:
0x366: {  	s0 =	sld [smem:$0x7AC];
	_ =	sdelay $0x2  }
0x367: {  	p1 =	seq.s32 s0, $0x1  }
.Ltmp49:
0x368: {  	_ = 	snop;
	(pc) =	sbr.rel @!p1 .LBB2_57-.Ltmp49, $1  }
0x369: {  	_ =	sdelay $0x3  }
.Ltmp50:
0x36a: {  	(pc) =	sbr.rel @!p0 .LBB2_56-.Ltmp50, $2  }
0x36b: {  	_ =	sdelay $0x2  }
0x36c: {  	s16 =	smov.u32 s18  }
.LBB2_55:
.Ltmp51:
0x36d: {  	(pc) =	sbr.rel .LBB2_56-.Ltmp51, $2  }
0x36e: {  	_ =	sdelay $0x2  }
0x36f: {  	s16 =	smov.u32 s19  }
.LBB2_52:
0x370: {  	s17 =	rddreg [dreg:$0x1a]  }
0x371: {  	[hbm:s17], [sflag:s0] =	dma.local [spmem:s16], $0x2BF2  }
0x372: {  	_ =	swait.ge [sflag:s29], $0x2BF2  }
0x373: {  	s21 =	sld [smem:$0x7AC];
	_ =	sdelay $0x2  }
0x374: {  	p1 =	seq.s32 s21, $0x1  }
.Ltmp52:
0x375: {  	_ = 	snop;
	(pc) =	sbr.rel @!p1 .LBB2_57-.Ltmp52, $3  }
0x376: {  	_ =	sdelay $0x1  }
0x377: {  	[sflag:s29] =	ssyncset.done $0x0  }
0x378: {  	s16 =	smov.u32 s18;
	[sflag:s29] =	ssyncadd.s32 $0xFFFFD40E  }
.LBB2_56:
0x379: {  	s17 =	sld [smem:$0x7EC];
	_ =	sdelay $0x1  }
0x37a: {  	s0 =	sshll.u32 s26, $0x6  }
0x37b: {  	s16 =	sadd.s32 $0x18B82, s16;
	s0 =	sor.u32 $0x1C05, s0;
	s17 =	sshrl.u32 s17, $0x3  }
0x37c: {  	[hbm:s16], [sflag:s0] =	dma.local [spmem:s17], $0x2BF2  }
0x37d: {  	_ =	swait.ge [sflag:s29], $0x2BF2  }
0x37e: {  	[sflag:s29] =	ssyncset.done $0x0  }
0x37f: {  	[sflag:s29] =	ssyncadd.s32 $0xFFFFD40E  }
.LBB2_57:
.Ltmp53:
0x380: {  	(pc) =	sbr.rel @!p3 .LBB2_61-.Ltmp53, $1  }
0x381: {  	_ =	sdelay $0x3  }
.Ltmp54:
0x382: {  	(pc) =	sbr.rel @!p0 .LBB2_60-.Ltmp54, $3  }
0x383: {  	s0 =	sld [smem:$0x7E7];
	_ =	sdelay $0x1  }
0x384: {  	s21 =	sshll.u32 s26, $0x6  }
0x385: {  	s16 =	sshrl.u32 s0, $0x3;
	s0 =	sor.u32 $0x1C05, s21  }
0x386: {  	s17 =	rddreg [dreg:$0x1d]  }
0x387: {  	[hbm:s17], [sflag:s0] =	dma.local [spmem:s16], $0x2BF2  }
0x388: {  	_ =	swait.ge [sflag:s29], $0x2BF2  }
0x389: {  	s21 =	sld [smem:$0x7AB];
	_ =	sdelay $0x2  }
0x38a: {  	p1 =	seq.s32 s21, $0x1  }
.Ltmp55:
0x38b: {  	_ = 	snop;
	(pc) =	sbr.rel @p1 .LBB2_63-.Ltmp55, $4  }
.Ltmp56:
0x38c: {  	_ = 	snop;
	(pc) =	sbr.rel @!p1 .LBB2_65-.Ltmp56, $4  }
0x38d: {  	_ = 	snop  }
0x38e: {  	[sflag:s29] =	ssyncset.done $0x0  }
0x38f: {  	[sflag:s29] =	ssyncadd.s32 $0xFFFFD40E  }
0x390: {  	_ = 	snop  }
.LBB2_61:
0x391: {  	s0 =	sld [smem:$0x7AB];
	_ =	sdelay $0x2  }
0x392: {  	p1 =	seq.s32 s0, $0x1  }
.Ltmp57:
0x393: {  	_ = 	snop;
	(pc) =	sbr.rel @!p1 .LBB2_65-.Ltmp57, $1  }
0x394: {  	_ =	sdelay $0x3  }
.Ltmp58:
0x395: {  	(pc) =	sbr.rel @!p0 .LBB2_64-.Ltmp58, $2  }
0x396: {  	_ =	sdelay $0x2  }
0x397: {  	s16 =	smov.u32 s18  }
.LBB2_63:
.Ltmp59:
0x398: {  	(pc) =	sbr.rel .LBB2_64-.Ltmp59, $2  }
0x399: {  	_ =	sdelay $0x2  }
0x39a: {  	s16 =	smov.u32 s19  }
.LBB2_60:
0x39b: {  	s17 =	rddreg [dreg:$0x1c]  }
0x39c: {  	[hbm:s17], [sflag:s0] =	dma.local [spmem:s16], $0x2BF2  }
0x39d: {  	_ =	swait.ge [sflag:s29], $0x2BF2  }
0x39e: {  	s21 =	sld [smem:$0x7AB];
	_ =	sdelay $0x2  }
0x39f: {  	p1 =	seq.s32 s21, $0x1  }
.Ltmp60:
0x3a0: {  	_ = 	snop;
	(pc) =	sbr.rel @!p1 .LBB2_65-.Ltmp60, $3  }
0x3a1: {  	_ =	sdelay $0x1  }
0x3a2: {  	[sflag:s29] =	ssyncset.done $0x0  }
0x3a3: {  	s16 =	smov.u32 s18;
	[sflag:s29] =	ssyncadd.s32 $0xFFFFD40E  }
.LBB2_64:
0x3a4: {  	s17 =	sld [smem:$0x7E2];
	_ =	sdelay $0x1  }
0x3a5: {  	s0 =	sshll.u32 s26, $0x6  }
0x3a6: {  	s16 =	sadd.s32 $0x1E366, s16;
	s0 =	sor.u32 $0x1C05, s0;
	s17 =	sshrl.u32 s17, $0x3  }
0x3a7: {  	[hbm:s16], [sflag:s0] =	dma.local [spmem:s17], $0x2BF2  }
0x3a8: {  	_ =	swait.ge [sflag:s29], $0x2BF2  }
0x3a9: {  	[sflag:s29] =	ssyncset.done $0x0  }
0x3aa: {  	[sflag:s29] =	ssyncadd.s32 $0xFFFFD40E  }
.LBB2_65:
0x3ab: {  	s0 =	sld [smem:$0x7B2];
	_ =	sdelay $0x2  }
0x3ac: {  	p1 =	seq.s32 s0, $0x1  }
.Ltmp61:
0x3ad: {  	_ = 	snop;
	(pc) =	sbr.rel @!p1 .LBB2_69-.Ltmp61, $1  }
0x3ae: {  	_ =	sdelay $0x3  }
.Ltmp62:
0x3af: {  	(pc) =	sbr.rel @!p0 .LBB2_68-.Ltmp62, $3  }
0x3b0: {  	s0 =	sld [smem:$0x7DB];
	_ =	sdelay $0x1  }
0x3b1: {  	s21 =	sshll.u32 s26, $0x6  }
0x3b2: {  	s16 =	sshrl.u32 s0, $0x3;
	s0 =	sor.u32 $0x1C05, s21  }
0x3b3: {  	s17 =	rddreg [dreg:$0x1f]  }
0x3b4: {  	[hbm:s17], [sflag:s0] =	dma.local [spmem:s16], $0x2BF2  }
0x3b5: {  	_ =	swait.ge [sflag:s29], $0x2BF2  }
0x3b6: {  	s21 =	sld [smem:$0x7AA];
	_ =	sdelay $0x2  }
0x3b7: {  	p1 =	seq.s32 s21, $0x1  }
.Ltmp63:
0x3b8: {  	_ = 	snop;
	(pc) =	sbr.rel @p1 .LBB2_71-.Ltmp63, $4  }
.Ltmp64:
0x3b9: {  	_ = 	snop;
	(pc) =	sbr.rel @!p1 .LBB2_73-.Ltmp64, $4  }
0x3ba: {  	_ = 	snop  }
0x3bb: {  	[sflag:s29] =	ssyncset.done $0x0  }
0x3bc: {  	[sflag:s29] =	ssyncadd.s32 $0xFFFFD40E  }
0x3bd: {  	_ = 	snop  }
.LBB2_69:
0x3be: {  	s0 =	sld [smem:$0x7AA];
	_ =	sdelay $0x2  }
0x3bf: {  	p1 =	seq.s32 s0, $0x1  }
.Ltmp65:
0x3c0: {  	_ = 	snop;
	(pc) =	sbr.rel @!p1 .LBB2_73-.Ltmp65, $1  }
0x3c1: {  	_ =	sdelay $0x3  }
.Ltmp66:
0x3c2: {  	(pc) =	sbr.rel @!p0 .LBB2_72-.Ltmp66, $2  }
0x3c3: {  	_ =	sdelay $0x2  }
0x3c4: {  	s16 =	smov.u32 s18  }
.LBB2_71:
.Ltmp67:
0x3c5: {  	(pc) =	sbr.rel .LBB2_72-.Ltmp67, $2  }
0x3c6: {  	_ =	sdelay $0x2  }
0x3c7: {  	s16 =	smov.u32 s19  }
.LBB2_68:
0x3c8: {  	s17 =	rddreg [dreg:$0x1e]  }
0x3c9: {  	[hbm:s17], [sflag:s0] =	dma.local [spmem:s16], $0x2BF2  }
0x3ca: {  	_ =	swait.ge [sflag:s29], $0x2BF2  }
0x3cb: {  	s21 =	sld [smem:$0x7AA];
	_ =	sdelay $0x2  }
0x3cc: {  	p1 =	seq.s32 s21, $0x1  }
.Ltmp68:
0x3cd: {  	_ = 	snop;
	(pc) =	sbr.rel @!p1 .LBB2_73-.Ltmp68, $3  }
0x3ce: {  	_ =	sdelay $0x1  }
0x3cf: {  	[sflag:s29] =	ssyncset.done $0x0  }
0x3d0: {  	s16 =	smov.u32 s18;
	[sflag:s29] =	ssyncadd.s32 $0xFFFFD40E  }
.LBB2_72:
0x3d1: {  	s17 =	sld [smem:$0x7D1];
	_ =	sdelay $0x1  }
0x3d2: {  	s0 =	sshll.u32 s26, $0x6  }
0x3d3: {  	s16 =	sadd.s32 $0x23B4A, s16;
	s0 =	sor.u32 $0x1C05, s0;
	s17 =	sshrl.u32 s17, $0x3  }
0x3d4: {  	[hbm:s16], [sflag:s0] =	dma.local [spmem:s17], $0x2BF2  }
0x3d5: {  	_ =	swait.ge [sflag:s29], $0x2BF2  }
0x3d6: {  	[sflag:s29] =	ssyncset.done $0x0  }
0x3d7: {  	[sflag:s29] =	ssyncadd.s32 $0xFFFFD40E  }
.LBB2_73:
0x3d8: {  	s0 =	sld [smem:$0x7B3];
	_ =	sdelay $0x2  }
0x3d9: {  	p1 =	seq.s32 s0, $0x1  }
.Ltmp69:
0x3da: {  	_ = 	snop;
	(pc) =	sbr.rel @!p1 .LBB2_77-.Ltmp69, $1  }
0x3db: {  	_ =	sdelay $0x3  }
.Ltmp70:
0x3dc: {  	(pc) =	sbr.rel @!p0 .LBB2_76-.Ltmp70, $3  }
0x3dd: {  	s0 =	sld [smem:$0x7C8];
	_ =	sdelay $0x1  }
0x3de: {  	s21 =	sshll.u32 s26, $0x6  }
0x3df: {  	s16 =	sshrl.u32 s0, $0x3;
	s0 =	sor.u32 $0x1C05, s21  }
0x3e0: {  	s17 =	sld [smem:$0x7B8];
	_ =	sdelay $0x2  }
0x3e1: {  	[hbm:s17], [sflag:s0] =	dma.local [spmem:s16], $0x2BF2  }
0x3e2: {  	_ =	swait.ge [sflag:s29], $0x2BF2  }
0x3e3: {  	s21 =	sld [smem:$0x7A9];
	_ =	sdelay $0x2  }
0x3e4: {  	p0 =	seq.s32 s21, $0x1  }
.Ltmp71:
0x3e5: {  	_ = 	snop;
	(pc) =	sbr.rel @p0 .LBB2_79-.Ltmp71, $4  }
.Ltmp72:
0x3e6: {  	_ = 	snop;
	(pc) =	sbr.rel @!p0 .LBB2_81-.Ltmp72, $4  }
0x3e7: {  	_ = 	snop  }
0x3e8: {  	[sflag:s29] =	ssyncset.done $0x0  }
0x3e9: {  	[sflag:s29] =	ssyncadd.s32 $0xFFFFD40E  }
0x3ea: {  	_ = 	snop  }
.LBB2_77:
0x3eb: {  	s0 =	sld [smem:$0x7A9];
	_ =	sdelay $0x2  }
0x3ec: {  	p1 =	seq.s32 s0, $0x1  }
.Ltmp73:
0x3ed: {  	_ = 	snop;
	(pc) =	sbr.rel @!p1 .LBB2_81-.Ltmp73, $1  }
0x3ee: {  	_ =	sdelay $0x3  }
.Ltmp74:
0x3ef: {  	(pc) =	sbr.rel @!p0 .LBB2_80-.Ltmp74, $4  }
.Ltmp75:
0x3f0: {  	(pc) =	sbr.rel @p0 .LBB2_79-.Ltmp75, $4  }
0x3f1: {  	_ = 	snop  }
0x3f2: {  	_ = 	snop  }
0x3f3: {  	s16 =	smov.u32 s18  }
0x3f4: {  	_ = 	snop  }
.LBB2_76:
0x3f5: {  	s17 =	sld [smem:$0x7B7];
	_ =	sdelay $0x2  }
0x3f6: {  	[hbm:s17], [sflag:s0] =	dma.local [spmem:s16], $0x2BF2  }
0x3f7: {  	_ =	swait.ge [sflag:s29], $0x2BF2  }
0x3f8: {  	s21 =	sld [smem:$0x7A9];
	_ =	sdelay $0x2  }
0x3f9: {  	p0 =	seq.s32 s21, $0x1  }
.Ltmp76:
0x3fa: {  	_ = 	snop;
	(pc) =	sbr.rel @p0 .LBB2_80-.Ltmp76, $4  }
.Ltmp77:
0x3fb: {  	_ = 	snop;
	(pc) =	sbr.rel @!p0 .LBB2_81-.Ltmp77, $4  }
0x3fc: {  	_ = 	snop  }
0x3fd: {  	[sflag:s29] =	ssyncset.done $0x0  }
0x3fe: {  	s16 =	smov.u32 s18;
	[sflag:s29] =	ssyncadd.s32 $0xFFFFD40E  }
0x3ff: {  	_ = 	snop  }
.LBB2_82:
0x400: {  	_ =	sfence.sel $0x180000  }
0x401: {  	[bflag:$0x0] =	sbarrier.arrive $0xFFFF  }
0x402: {  	_ =	strace $0x9000004A  }
0x403: {  	[bflag:$0x2] =	sbarrier.arrive $0xFFFF  }
0x404: {  	s0 =	rddreg [dreg:$0x3]  }
0x405: {  	s0 =	sadd.s32 @!p6 $0x100000, s0  }
0x406: {  	[sflag:s0] =	ssyncadd.tile.s32 @!p6 $0x1;
	_ =	shalt  }
.Lfunc_end2:
_tile_overlayer_lowered:
.L_overlay_start_2:
0x407: {  	(tag) =	ssettag $0x2  }
0x408: {  	s0 =	rddreg [dreg:$0x0];
	s2 =	stileid.u32  }
0x409: {  	s1 =	rddreg [dreg:$0x1];
	p0 =	sne.s32 s2, $0x0  }
0x40a: {  	s3 =	rddreg [dreg:$0x2];
	[bflag:$0x3] =	sbarrier.arrive $0xFFFF;
	s2 =	simm.s32 @!p0 $0x1C05  }
0x40b: {  	[timem:s3], [sflag:s2] =	dma.local @!p0 [hbm:s0], s1  }
0x40c: {  	s0 =	simm.s32 @!p0 $0x5  }
0x40d: {  	_ =	swait.ge @!p0 [sflag:s0], s1  }
0x40e: {  	s1 =	ssub.s32 @!p0 $0x0, s1;
	[sflag:s0] =	ssyncset.done @!p0 $0x0  }
0x40f: {  	[sflag:s0] =	ssyncadd.s32 @!p0 s1  }
0x410: {  	[bflag:$0x3] =	sbarrier.arrive $0xFFFF  }
0x411: {  	_ =	shalt  }

// kernel: kernel.13.cloned.1.call-start
scs
__scs_entry_jumppad:
0x0: {  	(pc) =	sbr.rel $0x88, $3  }
0x1: {  	(tag) =	ssettag $0x0;
	lr =	simm.s32 $0x1  }
0x2: {  	[smem:$0x3F98] =	sst lr;
	_ =	strace $0xD0000000  }
0x3: {  	_ = 	snop  }
0x4: {  	_ = 	snop  }
0x5: {  	_ = 	snop  }
0x6: {  	_ = 	snop  }
0x7: {  	_ = 	snop  }
__scs_overlays_trampoline_lowered:
0x8: {  	[smem:$0x3FA7] =	sst s0  }
0x9: {  	[smem:$0x3FA8] =	sst s1  }
0xa: {  	[smem:$0x3FA9] =	sst s2  }
0xb: {  	[smem:$0x3FAA] =	sst s3  }
0xc: {  	[smem:$0x3FAB] =	sst s4  }
0xd: {  	[smem:$0x3FAC] =	sst s5  }
0xe: {  	[smem:$0x3FAD] =	sst s6  }
0xf: {  	[smem:$0x3FAE] =	sst s7  }
0x10: {  	[smem:$0x3FAF] =	sst s8  }
0x11: {  	[smem:$0x3FB0] =	sst s9;
	s0 =	simm.s32 @!p0 $0x0  }
0x12: {  	s1 =	sld [smem:$0x3F96];
	s0 =	simm.s32 @p0 $0x1  }
0x13: {  	[smem:$0x3FB1] =	sst s0;
	s0 =	simm.s32 @!p1 $0x0  }
0x14: {  	s2 =	sld [smem:$0x3F95];
	s0 =	simm.s32 @p1 $0x1  }
0x15: {  	[smem:$0x3FB2] =	sst s0;
	s0 =	simm.s32 @!p2 $0x0  }
0x16: {  	s3 =	sld [smem:$0x3FDB];
	s0 =	simm.s32 @p2 $0x1  }
0x17: {  	s4 =	simm.s32 $0x1BF5;
	[smem:$0x3FB4] =	sst s0  }
0x18: {  	s0 =	sld [smem:$0x3F97];
	_ =	swait.ge [sflag:s4], $0x0  }
0x19: {  	s7 =	sld [smem:$0x3F98]  }
0x1a: {  	s8 =	sadd.s32 $0xFFFFE003, lr  }
0x1b: {  	s9 =	sadd.s32 $0xFFFFFEF7, lr;
	s5 =	simm.s32 $0xFFFFFFFF;
	p2 =	slt.u32 s8, $0xFFFFF086  }
0x1c: {  	p1 =	slt.u32 s9, $0xF7A;
	s5 =	simm.s32 @!p2 $0x0  }
0x1d: {  	s5 =	simm.s32 @p1 $0x1;
	p0 =	seq.s32 s7, s2  }
0x1e: {  	s7 =	smul.u32 @!p0 $0xF7A, s2;
	p2 =	seq.s32 @!p0 s5, $0x0  }
0x1f: {  	s9 =	smul.u32 $0xF7A, s1;
	s8 =	simm.s32 @!p0 $0x1BF5;
	p2 =	por !p2, p0  }
0x20: {  	[sflag:s8] =	ssyncset.s32 @!p0 $0xFFFFF086;
	s6 =	sadd.s32 @!p0 s3, s7;
	s7 =	simm.s32 @!p0 $0x108  }
0x21: {  	s3 =	sadd.s32 s3, s9;
	s6 =	sadd.s32 @!p0 $0x88, s6;
	s7 =	simm.s32 @p2 $0x1082  }
0x22: {  	[simem:s7], [sflag:s8] =	dma.local @!p0 [hbm:s6], $0xF7A  }
0x23: {  	s9 =	sor.u32 $0xD0000000, s2;
	s6 =	simm.s32 $0x108;
	_ =	swait.ge @!p0 [sflag:s8], $0x0  }
0x24: {  	s3 =	sadd.s32 $0x88, s3;
	s6 =	simm.s32 @!p1 $0x1082;
	[sflag:s4] =	ssyncset.s32 $0xFFFFF086  }
0x25: {  	[simem:s6], [sflag:s4] =	dma.local [hbm:s3], $0xF7A  }
0x26: {  	[smem:$0x3F98] =	sst s1;
	(tag) =	ssettag s2;
	_ =	strace s9  }
0x27: {  	s1 =	sld [smem:$0x3FA8]  }
0x28: {  	s2 =	sld [smem:$0x3FA9]  }
0x29: {  	s4 =	sld [smem:$0x3FAB]  }
0x2a: {  	p0 =	seq.s32 s5, $0x0;
	s5 =	sld [smem:$0x3FAC]  }
0x2b: {  	s6 =	sld [smem:$0x3FAD]  }
0x2c: {  	s7 =	sld [smem:$0x3FAE]  }
0x2d: {  	s3 =	simm.s32 $0x108;
	s8 =	sld [smem:$0x3FAF]  }
0x2e: {  	s3 =	simm.s32 @!p0 $0x1082;
	s9 =	sld [smem:$0x3FB0]  }
0x2f: {  	lr =	sadd.s32 s0, s3;
	s0 =	sld [smem:$0x3FA7]  }
0x30: {  	s3 =	sld [smem:$0x3FAA]  }
0x31: {  	[smem:$0x3FB3] =	sst s10  }
0x32: {  	s10 =	sld [smem:$0x3FB1];
	_ =	sdelay $0x3  }
0x33: {  	p0 =	seq.s32 s10, $0x1;
	s10 =	sld [smem:$0x3FB3];
	_ =	sdelay $0x3  }
0x34: {  	[smem:$0x3FB3] =	sst s10  }
0x35: {  	s10 =	sld [smem:$0x3FB2];
	_ =	sdelay $0x3  }
0x36: {  	p1 =	seq.s32 s10, $0x1;
	s10 =	sld [smem:$0x3FB3];
	_ =	sdelay $0x3  }
0x37: {  	[smem:$0x3FB3] =	sst s10  }
0x38: {  	s10 =	sld [smem:$0x3FB4]  }
0x39: {  	_ = 	snop;
	(pc) =	sbr.ind lr, $3  }
0x3a: {  	_ = 	snop  }
0x3b: {  	_ = 	snop  }
0x3c: {  	p2 =	seq.s32 s10, $0x1;
	s10 =	sld [smem:$0x3FB3]  }
0x3d: {  	_ =	shalt  }
0x3e: {  	_ =	shalt  }
0x3f: {  	_ =	shalt  }
0x40: {  	_ =	shalt  }
0x41: {  	_ =	shalt  }
0x42: {  	_ =	shalt  }
0x43: {  	_ =	shalt  }
0x44: {  	_ =	shalt  }
0x45: {  	_ =	shalt  }
0x46: {  	_ =	shalt  }
0x47: {  	_ =	shalt  }
0x48: {  	_ =	shalt  }
0x49: {  	_ =	shalt  }
0x4a: {  	_ =	shalt  }
0x4b: {  	_ =	shalt  }
0x4c: {  	_ =	shalt  }
0x4d: {  	_ =	shalt  }
0x4e: {  	_ =	shalt  }
0x4f: {  	_ =	shalt  }
0x50: {  	_ =	shalt  }
0x51: {  	_ =	shalt  }
0x52: {  	_ =	shalt  }
0x53: {  	_ =	shalt  }
0x54: {  	_ =	shalt  }
0x55: {  	_ =	shalt  }
0x56: {  	_ =	shalt  }
0x57: {  	_ =	shalt  }
0x58: {  	_ =	shalt  }
0x59: {  	_ =	shalt  }
0x5a: {  	_ =	shalt  }
0x5b: {  	_ =	shalt  }
0x5c: {  	_ =	shalt  }
0x5d: {  	_ =	shalt  }
0x5e: {  	_ =	shalt  }
0x5f: {  	_ =	shalt  }
0x60: {  	_ =	shalt  }
0x61: {  	_ =	shalt  }
0x62: {  	_ =	shalt  }
0x63: {  	_ =	shalt  }
0x64: {  	_ =	shalt  }
0x65: {  	_ =	shalt  }
0x66: {  	_ =	shalt  }
0x67: {  	_ =	shalt  }
0x68: {  	_ =	shalt  }
0x69: {  	_ =	shalt  }
0x6a: {  	_ =	shalt  }
0x6b: {  	_ =	shalt  }
0x6c: {  	_ =	shalt  }
0x6d: {  	_ =	shalt  }
0x6e: {  	_ =	shalt  }
0x6f: {  	_ =	shalt  }
0x70: {  	_ =	shalt  }
0x71: {  	_ =	shalt  }
0x72: {  	_ =	shalt  }
0x73: {  	_ =	shalt  }
0x74: {  	_ =	shalt  }
0x75: {  	_ =	shalt  }
0x76: {  	_ =	shalt  }
0x77: {  	_ =	shalt  }
0x78: {  	_ =	shalt  }
0x79: {  	_ =	shalt  }
0x7a: {  	_ =	shalt  }
0x7b: {  	_ =	shalt  }
0x7c: {  	_ =	shalt  }
0x7d: {  	_ =	shalt  }
0x7e: {  	_ =	shalt  }
0x7f: {  	_ =	shalt  }
0x80: {  	_ =	shalt  }
0x81: {  	_ =	shalt  }
0x82: {  	_ =	shalt  }
0x83: {  	_ =	shalt  }
0x84: {  	_ =	shalt  }
0x85: {  	_ =	shalt  }
0x86: {  	_ =	shalt  }
0x87: {  	_ =	shalt  }
.Lfunc_end0:
.L_simem_size_0:
called_computation.2_lowered:
.L_overlay_start_0:
0x88: {  	s2 =	sld [smem:$0x3FD9]  }
0x89: {  	s3 =	sld [smem:$0x3FFE];
	_ =	sdelay $0x1  }
0x8a: {  	s1 =	srdreg.scid  }
0x8b: {  	s0 =	sand.u32 $0x1, s1  }
0x8c: {  	s17 =	sshll.u32 s0, $0xA;
	s2 =	sadd.s32 s3, s2  }
0x8d: {  	s2 =	sadd.s32 s2, s17  }
0x8e: {  	[smem:$0x3FBF] =	sst s2  }
0x8f: {  	_ = 	snop  }
0x90: {  	s2 =	sld [smem:$0x3FC9]  }
0x91: {  	s18 =	sld [smem:$0x3FD0];
	(tm) =	ssettm $0x1  }
0x92: {  	s4 =	sld [smem:$0x3FFB];
	_ =	sdelay $0x3  }
0x93: {  	_ =	strace s4  }
0x94: {  	s4 =	sld [smem:$0x3FFC];
	_ =	sdelay $0x3  }
0x95: {  	_ =	strace s4  }
0x96: {  	s4 =	sld [smem:$0x3FFD];
	_ =	sdelay $0x3  }
0x97: {  	_ =	strace s4  }
0x98: {  	_ =	strace $0x8FFFFFFF  }
0x99: {  	s19 =	sld [smem:$0x3FDB];
	_ =	sdelay $0x1  }
0x9a: {  	s5 =	simm.s32 $_scs_section_size  }
0x9b: {  	s6 =	simm.s32 $_size__tile_overlayer_lowered;
	s7 =	simm.s32 $_tile_overlayer_lowered  }
0x9c: {  	s22 =	simm.s32 $0x1BFF;
	s21 =	sshll.u32 s7, $0x1;
	s4 =	sadd.s32 s5, s19  }
0x9d: {  	s8 =	simm.s32 $0x0;
	s20 =	sshll.u32 s6, $0x1;
	s6 =	sadd.s32 s21, s4  }
0x9e: {  	[timem:s8], [sflag:s22] =	dma.local [hbm:s6], s20  }
0x9f: {  	_ =	swait.ge [sflag:s22], s20  }
0xa0: {  	s5 =	ssub.s32 $0x0, s20;
	[sflag:s22] =	ssyncset.done $0x0  }
0xa1: {  	[sflag:s22] =	ssyncadd.s32 s5;
	_ =	sdelay $0x1  }
0xa2: {  	s23 =	simm.s32 $0x1B8B  }
0xa3: {  	_ =	swait.ge [sflag:s23], $0x1  }
0xa4: {  	[sflag:s23] =	ssyncset.done $0x0  }
0xa5: {  	s25 =	simm.s32 $0x1B8E;
	s24 =	sld [smem:$0x3FFE];
	[sflag:s23] =	ssyncadd.s32 $0xFFFFFFFF  }
0xa6: {  	s26 =	simm.s32 $execute0_lowered;
	[smem:$0x3FD2] =	sst s25  }
0xa7: {  	s6 =	sshll.u32 s26, $0x1;
	_ =	strace $0x8000004C;
	[dreg:$0x1] =	wrdreg $0xFFFFFFFF  }
0xa8: {  	s28 =	simm.s32 $_size_execute0_lowered;
	s4 =	sadd.s32 s4, s6;
	[dreg:$0x0] =	wrdreg $0x0  }
0xa9: {  	s6 =	sshll.u32 s28, $0x1;
	[dreg:$0x2] =	wrdreg s4  }
0xaa: {  	[dreg:$0x3] =	wrdreg s6  }
0xab: {  	[dreg:$0x4] =	wrdreg $0xC0  }
0xac: {  	_ =	task [dreg:s8], $0x5FFFF  }
0xad: {  	[dreg:$0x1] =	wrdreg $0xFFFFFFFF  }
0xae: {  	[dreg:$0x0] =	wrdreg $0x60  }
0xaf: {  	[dreg:$0x2] =	wrdreg s24  }
0xb0: {  	[dreg:$0x3] =	wrdreg s2  }
0xb1: {  	[dreg:$0x4] =	wrdreg s18  }
0xb2: {  	[dreg:$0x5] =	wrdreg $0x9  }
0xb3: {  	_ =	task.clear_ibuf [dreg:s8], $0x6FFFF;
	_ =	strace $0x9000004C  }
0xb4: {  	s29 =	simm.s32 $0x9;
	_ =	strace $0x8000004E  }
0xb5: {  	_ =	swait.ge [sflag:s29], $0x1  }
0xb6: {  	[sflag:s29] =	ssyncadd.s32 $0xFFFFFFFF  }
0xb7: {  	_ =	strace $0x9000004E  }
0xb8: {  	_ =	sfence  }
0xb9: {  	s30 =	sld [smem:$0x0];
	_ =	sdelay $0x2  }
0xba: {  	s31 =	sshll.u32 s1, $0xD;
	s1 =	sshrl.u32 s1, $0x2  }
0xbb: {  	s3 =	sand.u32 $0x4000, s31;
	s1 =	sadd.s32 s1, s30  }
0xbc: {  	s0 =	sor.u32 s3, s0;
	s1 =	sshll.u32 s1, $0x11  }
0xbd: {  	s0 =	sor.u32 s1, s0  }
0xbe: {  	s0 =	sadd.s32 $0x8F2B, s0  }
0xbf: {  	[sflag:s0] =	ssyncadd.remote.s32 $0x1  }
0xc0: {  	_ =	sfence.sel $0xFFFF  }
0xc1: {  	[dreg:$0x0] =	wrdreg $0xFFFFFFFF;
	(pc) =	sbr.abs _section_cstart, $3  }
0xc2: {  	[dreg:$0x1] =	wrdreg $0xFFFFFFFF  }
0xc3: {  	_ =	task.clear_ibuf [dreg:s8], $0x2FFFF;
	_ =	strace $0x9FFFFFFF  }
0xc4: {  	(tm) =	ssettm $0x7FFFFFFF  }
0xc5: {  	_ =	shalt  }
tec
execute0_lowered:
.L_overlay_start_1:
0x0: {  	(tag) =	ssettag $0x1  }
0x1: {  	s4 =	rddreg [dreg:$0x0]  }
0x2: {  	s5 =	rddreg [dreg:$0x1]  }
0x3: {  	s6 =	rddreg [dreg:$0x2]  }
0x4: {  	s0 =	rddreg [dreg:$0x3]  }
0x5: {  	s2 =	simm.s32 $0x0;
	s3 =	srdreg.scid;
	s1 =	stileid.u32  }
0x6: {  	s11 =	simm.s32 $0x9080;
	s12 =	simm.s32 $0x0;
	[smem:$0x7FF] =	sst s2  }
0x7: {  	s7 =	sand.u32 $0x1, s3;
	s3 =	sadd.s32 $0x16400, s4;
	s8 =	sshll.u32 s1, $0x8  }
0x8: {  	s4 =	sadd.s32 $0x42400, s4;
	s9 =	sshll.u32 s7, $0x7;
	s7 =	ssub.s32 $0x2, s7  }
0x9: {  	_ =	strace $0x8000004D;
	s8 =	sor.u32 s9, s8;
	s31 =	sshrl.u32 s7, $0x1  }
0xa: {  	s9 =	simm.s32 $0x80;
	s10 =	sshrl.u32 s8, $0x3;
	s8 =	sshll.u32 s8, $0x4  }
0xb: {  	s7 =	ssub.s32 s7, s31;
	s5 =	sadd.s32 s5, s10;
	s6 =	sadd.s32 s6, s8  }
0xc: {  	s7 =	smax.u32 s7, $0x1;
	s8 =	simm.s32 $0x1;
	s10 =	simm.s32 $0x4880  }
.LBB2_1:
0xd: {  	[tilespmem:s2], [sflag:$0x1] =	stream.linear.gather [hbm4b:s5+s2], $0x80, $0x38;
	[tilespmem:$0xD080] =	vst v63  }
0xe: {  	_ =	swait.ge [sflag:s8], $0x80  }
0xf: {  	v0 =	vmov s2;
	[sflag:s8] =	ssyncset.done $0x0  }
0x10: {  	v0 =	vmul.u32 $0x90, v0;
	[sflag:s8] =	ssyncadd.s32 $0xFFFFFF80  }
0x11: {  	[tilespmem:s9], [sflag:$0x1] =	stream.indirect.gather [hbm4b:s3+s9], $0x90, s2, s9, $0xb8;
	[tilespmem:$0xD080] =	vst v63  }
0x12: {  	v0 =	vadd.s32 $0x80, v0;
	_ =	swait.ge [sflag:s8], $0x4800  }
0x13: {  	v0 =	vbroadcast v0, $0x0;
	[sflag:s8] =	ssyncset.done $0x0  }
0x14: {  	[sflag:s8] =	ssyncadd.s32 $0xFFFFB800  }
0x15: {  	[tilespmem:s10], [sflag:$0x1] =	stream.indirect.gather [hbm4b:s4+s9], $0x90, s2, s9, $0xb8;
	[tilespmem:$0xD080] =	vst v63  }
0x16: {  	_ =	swait.ge [sflag:s8], $0x4800  }
0x17: {  	[sflag:s8] =	ssyncset.done $0x0  }
0x18: {  	[sflag:s8] =	ssyncadd.s32 $0xFFFFB800  }
0x19: {  	v1 =	vld.idx.msk [tilespmem:v0+s9+$0x0], $0xffff  }
0x1a: {  	v0 =	vld.idx.msk [tilespmem:v0+s10+$0x0], $0xffff;
	_ =	sdelay $0x4  }
0x1b: {  	v0 =	vadd.f32 v0, v1;
	_ =	sdelay $0x1  }
0x1c: {  	(erf) = vrcp.f32 v0;
	_ =	sdelay $0x1  }
0x1d: {  	s14 =	simm.s32 $0xC0  }
0x1e: {  	s15 =	simm.s32 $0x48C0;
	v2 =	vld [tilespmem:s14+$0xFFFFFFC0]  }
0x1f: {  	v1 =	vld [tilespmem:s15+$0xFFFFFFC0];
	_ =	sdelay $0x4  }
0x20: {  	vm0 =	vgt.f32 v0, $0.0e+00;
	v1 =	vadd.f32 v1, v2;
	v0 =	vpop (erf)  }
0x21: {  	v0 =	vnsel vm0, $0x0, v0  }
0x22: {  	v1 =	vmul.f32 v0, v1  }
0x23: {  	s13 =	simm.s32 $0x90C0  }
0x24: {  	[tilespmem:s13+$0xFFFFFFC0] =	vst v1  }
0x25: {  	v1 =	vld [tilespmem:s14+$0xFFFFFFD0]  }
0x26: {  	v2 =	vld [tilespmem:s15+$0xFFFFFFD0];
	_ =	sdelay $0x4  }
0x27: {  	v1 =	vadd.f32 v2, v1;
	_ =	sdelay $0x1  }
0x28: {  	v1 =	vmul.f32 v1, v0;
	_ =	sdelay $0x1  }
0x29: {  	[tilespmem:s13+$0xFFFFFFD0] =	vst v1  }
0x2a: {  	v1 =	vld [tilespmem:s14+$0xFFFFFFE0]  }
0x2b: {  	v2 =	vld [tilespmem:s15+$0xFFFFFFE0];
	_ =	sdelay $0x4  }
0x2c: {  	v1 =	vadd.f32 v2, v1;
	_ =	sdelay $0x1  }
0x2d: {  	v1 =	vmul.f32 v1, v0;
	_ =	sdelay $0x1  }
0x2e: {  	[tilespmem:s13+$0xFFFFFFE0] =	vst v1  }
0x2f: {  	v1 =	vld [tilespmem:s14+$0xFFFFFFF0]  }
0x30: {  	v2 =	vld [tilespmem:s15+$0xFFFFFFF0];
	_ =	sdelay $0x4  }
0x31: {  	v1 =	vadd.f32 v2, v1;
	_ =	sdelay $0x1  }
0x32: {  	v1 =	vmul.f32 v1, v0;
	_ =	sdelay $0x1  }
0x33: {  	[tilespmem:s13+$0xFFFFFFF0] =	vst v1  }
0x34: {  	v1 =	vld [tilespmem:s14+$0x0]  }
0x35: {  	v2 =	vld [tilespmem:s15+$0x0];
	_ =	sdelay $0x4  }
0x36: {  	v1 =	vadd.f32 v2, v1;
	_ =	sdelay $0x1  }
0x37: {  	v1 =	vmul.f32 v1, v0;
	_ =	sdelay $0x1  }
0x38: {  	[tilespmem:s13+$0x0] =	vst v1  }
0x39: {  	v1 =	vld [tilespmem:s14+$0x10]  }
0x3a: {  	v2 =	vld [tilespmem:s15+$0x10];
	_ =	sdelay $0x4  }
0x3b: {  	v1 =	vadd.f32 v2, v1;
	_ =	sdelay $0x1  }
0x3c: {  	v1 =	vmul.f32 v1, v0;
	_ =	sdelay $0x1  }
0x3d: {  	[tilespmem:s13+$0x10] =	vst v1  }
0x3e: {  	v1 =	vld [tilespmem:s14+$0x20]  }
0x3f: {  	v2 =	vld [tilespmem:s15+$0x20];
	_ =	sdelay $0x4  }
0x40: {  	v1 =	vadd.f32 v2, v1;
	_ =	sdelay $0x1  }
0x41: {  	v1 =	vmul.f32 v1, v0;
	_ =	sdelay $0x1  }
0x42: {  	[tilespmem:s13+$0x20] =	vst v1  }
0x43: {  	s16 =	simm.s32 $0x1;
	v1 =	vld [tilespmem:s14+$0x30]  }
0x44: {  	s19 =	simm.s32 $0x2;
	v3 =	vmov s16;
	s16 =	simm.s32 $0x90C0;
	v2 =	vld [tilespmem:s15+$0x30];
	s15 =	simm.s32 $0x4950  }
.LBB2_2:
0x45: {  	s13 =	sadd.s32 $0x80, s13  }
0x46: {  	v3 =	vmul.u32 $0x90, v3;
	s14 =	sadd.s32 $0x90, s14;
	s18 =	smov.u32 s19;
	s17 =	sadd.s32 $0x1, s19  }
0x47: {  	p0 =	sne.s32 s19, $0x7F  }
0x48: {  	v3 =	vadd.s32 $0x80, v3  }
0x49: {  	v3 =	vbroadcast v3, $0x0  }
0x4a: {  	v1 =	vadd.f32 v2, v1;
	_ =	sdelay $0x1  }
0x4b: {  	v0 =	vmul.f32 v1, v0;
	_ =	sdelay $0x1  }
0x4c: {  	[tilespmem:s16+$0x30] =	vst v0;
	s16 =	smov.u32 s13  }
0x4d: {  	v0 =	vld.idx.msk [tilespmem:v3+s9+$0x0], $0xffff  }
0x4e: {  	v1 =	vld.idx.msk [tilespmem:v3+s10+$0x0], $0xffff;
	_ =	sdelay $0x5  }
0x4f: {  	v0 =	vadd.f32 v1, v0;
	_ =	sdelay $0x1  }
0x50: {  	(erf) = vrcp.f32 v0;
	_ =	sdelay $0x1  }
0x51: {  	v1 =	vld [tilespmem:s15+$0xFFFFFFC0]  }
0x52: {  	v2 =	vld [tilespmem:s14+$0xFFFFFFC0];
	_ =	sdelay $0x4  }
0x53: {  	vm0 =	vgt.f32 v0, $0.0e+00;
	v1 =	vadd.f32 v1, v2  }
0x54: {  	v0 =	vpop (erf)  }
0x55: {  	v0 =	vnsel vm0, $0x0, v0  }
0x56: {  	v1 =	vmul.f32 v0, v1;
	_ =	sdelay $0x1  }
0x57: {  	[tilespmem:s13+$0xFFFFFFC0] =	vst v1  }
0x58: {  	v1 =	vld [tilespmem:s14+$0xFFFFFFD0]  }
0x59: {  	v2 =	vld [tilespmem:s15+$0xFFFFFFD0];
	_ =	sdelay $0x4  }
0x5a: {  	v1 =	vadd.f32 v2, v1;
	_ =	sdelay $0x1  }
0x5b: {  	v1 =	vmul.f32 v1, v0;
	_ =	sdelay $0x1  }
0x5c: {  	[tilespmem:s13+$0xFFFFFFD0] =	vst v1  }
0x5d: {  	v1 =	vld [tilespmem:s14+$0xFFFFFFE0]  }
0x5e: {  	v2 =	vld [tilespmem:s15+$0xFFFFFFE0];
	_ =	sdelay $0x4  }
0x5f: {  	v1 =	vadd.f32 v2, v1;
	_ =	sdelay $0x1  }
0x60: {  	v1 =	vmul.f32 v1, v0;
	_ =	sdelay $0x1  }
0x61: {  	[tilespmem:s13+$0xFFFFFFE0] =	vst v1  }
0x62: {  	v1 =	vld [tilespmem:s14+$0xFFFFFFF0]  }
0x63: {  	v2 =	vld [tilespmem:s15+$0xFFFFFFF0];
	_ =	sdelay $0x4  }
0x64: {  	v1 =	vadd.f32 v2, v1;
	_ =	sdelay $0x1  }
0x65: {  	v1 =	vmul.f32 v1, v0;
	_ =	sdelay $0x1  }
0x66: {  	[tilespmem:s13+$0xFFFFFFF0] =	vst v1  }
0x67: {  	v1 =	vld [tilespmem:s14+$0x0]  }
0x68: {  	v2 =	vld [tilespmem:s15+$0x0];
	_ =	sdelay $0x4  }
0x69: {  	v1 =	vadd.f32 v2, v1;
	_ =	sdelay $0x1  }
0x6a: {  	v1 =	vmul.f32 v1, v0;
	_ =	sdelay $0x1  }
0x6b: {  	[tilespmem:s13+$0x0] =	vst v1  }
0x6c: {  	v1 =	vld [tilespmem:s14+$0x10]  }
0x6d: {  	v2 =	vld [tilespmem:s15+$0x10];
	_ =	sdelay $0x4  }
0x6e: {  	v1 =	vadd.f32 v2, v1;
	_ =	sdelay $0x1  }
0x6f: {  	v1 =	vmul.f32 v1, v0;
	_ =	sdelay $0x1  }
0x70: {  	[tilespmem:s13+$0x10] =	vst v1  }
0x71: {  	v1 =	vld [tilespmem:s14+$0x20]  }
0x72: {  	v2 =	vld [tilespmem:s15+$0x20];
	_ =	sdelay $0x4  }
0x73: {  	v1 =	vadd.f32 v2, v1;
	_ =	sdelay $0x1  }
.Ltmp0:
0x74: {  	v1 =	vmul.f32 v1, v0;
	(pc) =	sbr.rel @p0 .LBB2_2-.Ltmp0, $4  }
0x75: {  	_ = 	snop  }
0x76: {  	[tilespmem:s13+$0x20] =	vst v1  }
0x77: {  	v1 =	vld [tilespmem:s14+$0x30]  }
0x78: {  	s19 =	smov.u32 s17;
	v3 =	vmov s18;
	v2 =	vld [tilespmem:s15+$0x30];
	s15 =	sadd.s32 $0x90, s15  }
0x79: {  	v3 =	vmul.u32 $0x90, v3;
	_ =	sdelay $0x1  }
0x7a: {  	v3 =	vadd.s32 $0x80, v3  }
0x7b: {  	v3 =	vbroadcast v3, $0x0  }
0x7c: {  	v1 =	vadd.f32 v2, v1;
	_ =	sdelay $0x1  }
0x7d: {  	v0 =	vmul.f32 v1, v0;
	_ =	sdelay $0x1  }
0x7e: {  	[tilespmem:s16+$0x30] =	vst v0  }
0x7f: {  	v0 =	vld.idx.msk [tilespmem:v3+s9+$0x0], $0xffff  }
0x80: {  	v52 =	vld.idx.msk [tilespmem:v3+s10+$0x0], $0xffff;
	_ =	sdelay $0x4  }
0x81: {  	v0 =	vadd.f32 v52, v0;
	_ =	sdelay $0x1  }
0x82: {  	(erf) = vrcp.f32 v0;
	_ =	sdelay $0x2  }
0x83: {  	s14 =	sadd.s32 $0x90, s14;
	v53 =	vld [tilespmem:s15+$0xFFFFFFC0]  }
0x84: {  	v54 =	vld [tilespmem:s14+$0xFFFFFFC0];
	_ =	sdelay $0x4  }
0x85: {  	v55 =	vadd.f32 v53, v54;
	vm0 =	vgt.f32 v0, $0.0e+00;
	v56 =	vpop (erf)  }
0x86: {  	v1 =	vnsel vm0, $0x0, v56  }
0x87: {  	v0 =	vmul.f32 v1, v55  }
0x88: {  	s13 =	sadd.s32 $0x80, s13  }
0x89: {  	[tilespmem:s13+$0xFFFFFFC0] =	vst v0  }
0x8a: {  	v0 =	vld [tilespmem:s14+$0xFFFFFFD0]  }
0x8b: {  	v57 =	vld [tilespmem:s15+$0xFFFFFFD0];
	_ =	sdelay $0x4  }
0x8c: {  	v0 =	vadd.f32 v57, v0;
	_ =	sdelay $0x1  }
0x8d: {  	v0 =	vmul.f32 v0, v1;
	_ =	sdelay $0x1  }
0x8e: {  	[tilespmem:s13+$0xFFFFFFD0] =	vst v0  }
0x8f: {  	v0 =	vld [tilespmem:s14+$0xFFFFFFE0]  }
0x90: {  	v58 =	vld [tilespmem:s15+$0xFFFFFFE0];
	_ =	sdelay $0x4  }
0x91: {  	v0 =	vadd.f32 v58, v0;
	_ =	sdelay $0x1  }
0x92: {  	v0 =	vmul.f32 v0, v1;
	_ =	sdelay $0x1  }
0x93: {  	[tilespmem:s13+$0xFFFFFFE0] =	vst v0  }
0x94: {  	v0 =	vld [tilespmem:s14+$0xFFFFFFF0]  }
0x95: {  	v59 =	vld [tilespmem:s15+$0xFFFFFFF0];
	_ =	sdelay $0x4  }
0x96: {  	v0 =	vadd.f32 v59, v0;
	_ =	sdelay $0x1  }
0x97: {  	v0 =	vmul.f32 v0, v1;
	_ =	sdelay $0x1  }
0x98: {  	[tilespmem:s13+$0xFFFFFFF0] =	vst v0  }
0x99: {  	v0 =	vld [tilespmem:s14+$0x0]  }
0x9a: {  	v60 =	vld [tilespmem:s15+$0x0];
	_ =	sdelay $0x4  }
0x9b: {  	v0 =	vadd.f32 v60, v0;
	_ =	sdelay $0x1  }
0x9c: {  	v0 =	vmul.f32 v0, v1;
	_ =	sdelay $0x1  }
0x9d: {  	[tilespmem:s13+$0x0] =	vst v0  }
0x9e: {  	v0 =	vld [tilespmem:s14+$0x10]  }
0x9f: {  	v61 =	vld [tilespmem:s15+$0x10];
	_ =	sdelay $0x4  }
0xa0: {  	v0 =	vadd.f32 v61, v0;
	_ =	sdelay $0x1  }
0xa1: {  	v0 =	vmul.f32 v0, v1;
	_ =	sdelay $0x1  }
0xa2: {  	[tilespmem:s13+$0x10] =	vst v0  }
0xa3: {  	v0 =	vld [tilespmem:s14+$0x20]  }
0xa4: {  	v62 =	vld [tilespmem:s15+$0x20];
	_ =	sdelay $0x4  }
0xa5: {  	v0 =	vadd.f32 v62, v0;
	_ =	sdelay $0x1  }
0xa6: {  	v0 =	vmul.f32 v0, v1;
	_ =	sdelay $0x1  }
0xa7: {  	[tilespmem:s13+$0x20] =	vst v0  }
0xa8: {  	v0 =	vld [tilespmem:s14+$0x30]  }
0xa9: {  	v63 =	vld [tilespmem:s15+$0x30];
	_ =	sdelay $0x4  }
0xaa: {  	v0 =	vadd.f32 v63, v0;
	_ =	sdelay $0x1  }
0xab: {  	s12 =	sadd.s32 $0x1, s12;
	v0 =	vmul.f32 v0, v1  }
0xac: {  	p0 =	sne.s32 s12, s7  }
.Ltmp1:
0xad: {  	[tilespmem:s13+$0x30] =	vst v0;
	(pc) =	sbr.rel @p0 .LBB2_1-.Ltmp1, $4  }
0xae: {  	[hbm4b:s6+s2] =	stream.linear.scatter [tilespmem:s11], [sflag:$0x1], $0x4000, $0x38;
	[tilespmem:$0xD080] =	vst v63  }
0xaf: {  	_ =	swait.ge [sflag:s8], $0x4000  }
0xb0: {  	[sflag:s8] =	ssyncset.done $0x0  }
0xb1: {  	[sflag:s8] =	ssyncadd.s32 $0xFFFFC000  }
0xb2: {  	_ =	sfence.sel $0x180000  }
0xb3: {  	[bflag:$0x0] =	sbarrier.arrive $0xFFFF  }
0xb4: {  	p0 =	sne.s32 s1, $0x0;
	_ =	strace $0x9000004D  }
0xb5: {  	s0 =	sadd.s32 @!p0 $0x100000, s0;
	[bflag:$0x2] =	sbarrier.arrive $0xFFFF  }
0xb6: {  	[sflag:s0] =	ssyncadd.tile.s32 @!p0 $0x1;
	_ =	shalt  }
.Lfunc_end2:
_tile_overlayer_lowered:
.L_overlay_start_2:
0xb7: {  	(tag) =	ssettag $0x2  }
0xb8: {  	s0 =	rddreg [dreg:$0x0];
	s2 =	stileid.u32  }
0xb9: {  	s1 =	rddreg [dreg:$0x1];
	p0 =	sne.s32 s2, $0x0  }
0xba: {  	s3 =	rddreg [dreg:$0x2];
	[bflag:$0x3] =	sbarrier.arrive $0xFFFF;
	s2 =	simm.s32 @!p0 $0x1C01  }
0xbb: {  	[timem:s3], [sflag:s2] =	dma.local @!p0 [hbm:s0], s1  }
0xbc: {  	s0 =	simm.s32 @!p0 $0x1  }
0xbd: {  	_ =	swait.ge @!p0 [sflag:s0], s1  }
0xbe: {  	s1 =	ssub.s32 @!p0 $0x0, s1;
	[sflag:s0] =	ssyncset.done @!p0 $0x0  }
0xbf: {  	[sflag:s0] =	ssyncadd.s32 @!p0 s1  }
0xc0: {  	[bflag:$0x3] =	sbarrier.arrive $0xFFFF  }
0xc1: {  	_ =	shalt  }

// kernel: kernel.7.cloned.1.call-start
scs
__scs_entry_jumppad:
0x0: {  	(pc) =	sbr.rel $0x88, $3  }
0x1: {  	(tag) =	ssettag $0x0;
	lr =	simm.s32 $0x1  }
0x2: {  	[smem:$0x3F98] =	sst lr;
	_ =	strace $0xD0000000  }
0x3: {  	_ = 	snop  }
0x4: {  	_ = 	snop  }
0x5: {  	_ = 	snop  }
0x6: {  	_ = 	snop  }
0x7: {  	_ = 	snop  }
__scs_overlays_trampoline_lowered:
0x8: {  	[smem:$0x3FA7] =	sst s0  }
0x9: {  	[smem:$0x3FA8] =	sst s1  }
0xa: {  	[smem:$0x3FA9] =	sst s2  }
0xb: {  	[smem:$0x3FAA] =	sst s3  }
0xc: {  	[smem:$0x3FAB] =	sst s4  }
0xd: {  	[smem:$0x3FAC] =	sst s5  }
0xe: {  	[smem:$0x3FAD] =	sst s6  }
0xf: {  	[smem:$0x3FAE] =	sst s7  }
0x10: {  	[smem:$0x3FAF] =	sst s8  }
0x11: {  	[smem:$0x3FB0] =	sst s9;
	s0 =	simm.s32 @!p0 $0x0  }
0x12: {  	s1 =	sld [smem:$0x3F96];
	s0 =	simm.s32 @p0 $0x1  }
0x13: {  	[smem:$0x3FB1] =	sst s0;
	s0 =	simm.s32 @!p1 $0x0  }
0x14: {  	s2 =	sld [smem:$0x3F95];
	s0 =	simm.s32 @p1 $0x1  }
0x15: {  	[smem:$0x3FB2] =	sst s0;
	s0 =	simm.s32 @!p2 $0x0  }
0x16: {  	s3 =	sld [smem:$0x3FDB];
	s0 =	simm.s32 @p2 $0x1  }
0x17: {  	s4 =	simm.s32 $0x1BF5;
	[smem:$0x3FB4] =	sst s0  }
0x18: {  	s0 =	sld [smem:$0x3F97];
	_ =	swait.ge [sflag:s4], $0x0  }
0x19: {  	s7 =	sld [smem:$0x3F98]  }
0x1a: {  	s8 =	sadd.s32 $0xFFFFE003, lr  }
0x1b: {  	s9 =	sadd.s32 $0xFFFFFEF7, lr;
	s5 =	simm.s32 $0xFFFFFFFF;
	p2 =	slt.u32 s8, $0xFFFFF086  }
0x1c: {  	p1 =	slt.u32 s9, $0xF7A;
	s5 =	simm.s32 @!p2 $0x0  }
0x1d: {  	s5 =	simm.s32 @p1 $0x1;
	p0 =	seq.s32 s7, s2  }
0x1e: {  	s7 =	smul.u32 @!p0 $0xF7A, s2;
	p2 =	seq.s32 @!p0 s5, $0x0  }
0x1f: {  	s9 =	smul.u32 $0xF7A, s1;
	s8 =	simm.s32 @!p0 $0x1BF5;
	p2 =	por !p2, p0  }
0x20: {  	[sflag:s8] =	ssyncset.s32 @!p0 $0xFFFFF086;
	s6 =	sadd.s32 @!p0 s3, s7;
	s7 =	simm.s32 @!p0 $0x108  }
0x21: {  	s3 =	sadd.s32 s3, s9;
	s6 =	sadd.s32 @!p0 $0x88, s6;
	s7 =	simm.s32 @p2 $0x1082  }
0x22: {  	[simem:s7], [sflag:s8] =	dma.local @!p0 [hbm:s6], $0xF7A  }
0x23: {  	s9 =	sor.u32 $0xD0000000, s2;
	s6 =	simm.s32 $0x108;
	_ =	swait.ge @!p0 [sflag:s8], $0x0  }
0x24: {  	s3 =	sadd.s32 $0x88, s3;
	s6 =	simm.s32 @!p1 $0x1082;
	[sflag:s4] =	ssyncset.s32 $0xFFFFF086  }
0x25: {  	[simem:s6], [sflag:s4] =	dma.local [hbm:s3], $0xF7A  }
0x26: {  	[smem:$0x3F98] =	sst s1;
	(tag) =	ssettag s2;
	_ =	strace s9  }
0x27: {  	s1 =	sld [smem:$0x3FA8]  }
0x28: {  	s2 =	sld [smem:$0x3FA9]  }
0x29: {  	s4 =	sld [smem:$0x3FAB]  }
0x2a: {  	p0 =	seq.s32 s5, $0x0;
	s5 =	sld [smem:$0x3FAC]  }
0x2b: {  	s6 =	sld [smem:$0x3FAD]  }
0x2c: {  	s7 =	sld [smem:$0x3FAE]  }
0x2d: {  	s3 =	simm.s32 $0x108;
	s8 =	sld [smem:$0x3FAF]  }
0x2e: {  	s3 =	simm.s32 @!p0 $0x1082;
	s9 =	sld [smem:$0x3FB0]  }
0x2f: {  	lr =	sadd.s32 s0, s3;
	s0 =	sld [smem:$0x3FA7]  }
0x30: {  	s3 =	sld [smem:$0x3FAA]  }
0x31: {  	[smem:$0x3FB3] =	sst s10  }
0x32: {  	s10 =	sld [smem:$0x3FB1];
	_ =	sdelay $0x3  }
0x33: {  	p0 =	seq.s32 s10, $0x1;
	s10 =	sld [smem:$0x3FB3];
	_ =	sdelay $0x3  }
0x34: {  	[smem:$0x3FB3] =	sst s10  }
0x35: {  	s10 =	sld [smem:$0x3FB2];
	_ =	sdelay $0x3  }
0x36: {  	p1 =	seq.s32 s10, $0x1;
	s10 =	sld [smem:$0x3FB3];
	_ =	sdelay $0x3  }
0x37: {  	[smem:$0x3FB3] =	sst s10  }
0x38: {  	s10 =	sld [smem:$0x3FB4]  }
0x39: {  	_ = 	snop;
	(pc) =	sbr.ind lr, $3  }
0x3a: {  	_ = 	snop  }
0x3b: {  	_ = 	snop  }
0x3c: {  	p2 =	seq.s32 s10, $0x1;
	s10 =	sld [smem:$0x3FB3]  }
0x3d: {  	_ =	shalt  }
0x3e: {  	_ =	shalt  }
0x3f: {  	_ =	shalt  }
0x40: {  	_ =	shalt  }
0x41: {  	_ =	shalt  }
0x42: {  	_ =	shalt  }
0x43: {  	_ =	shalt  }
0x44: {  	_ =	shalt  }
0x45: {  	_ =	shalt  }
0x46: {  	_ =	shalt  }
0x47: {  	_ =	shalt  }
0x48: {  	_ =	shalt  }
0x49: {  	_ =	shalt  }
0x4a: {  	_ =	shalt  }
0x4b: {  	_ =	shalt  }
0x4c: {  	_ =	shalt  }
0x4d: {  	_ =	shalt  }
0x4e: {  	_ =	shalt  }
0x4f: {  	_ =	shalt  }
0x50: {  	_ =	shalt  }
0x51: {  	_ =	shalt  }
0x52: {  	_ =	shalt  }
0x53: {  	_ =	shalt  }
0x54: {  	_ =	shalt  }
0x55: {  	_ =	shalt  }
0x56: {  	_ =	shalt  }
0x57: {  	_ =	shalt  }
0x58: {  	_ =	shalt  }
0x59: {  	_ =	shalt  }
0x5a: {  	_ =	shalt  }
0x5b: {  	_ =	shalt  }
0x5c: {  	_ =	shalt  }
0x5d: {  	_ =	shalt  }
0x5e: {  	_ =	shalt  }
0x5f: {  	_ =	shalt  }
0x60: {  	_ =	shalt  }
0x61: {  	_ =	shalt  }
0x62: {  	_ =	shalt  }
0x63: {  	_ =	shalt  }
0x64: {  	_ =	shalt  }
0x65: {  	_ =	shalt  }
0x66: {  	_ =	shalt  }
0x67: {  	_ =	shalt  }
0x68: {  	_ =	shalt  }
0x69: {  	_ =	shalt  }
0x6a: {  	_ =	shalt  }
0x6b: {  	_ =	shalt  }
0x6c: {  	_ =	shalt  }
0x6d: {  	_ =	shalt  }
0x6e: {  	_ =	shalt  }
0x6f: {  	_ =	shalt  }
0x70: {  	_ =	shalt  }
0x71: {  	_ =	shalt  }
0x72: {  	_ =	shalt  }
0x73: {  	_ =	shalt  }
0x74: {  	_ =	shalt  }
0x75: {  	_ =	shalt  }
0x76: {  	_ =	shalt  }
0x77: {  	_ =	shalt  }
0x78: {  	_ =	shalt  }
0x79: {  	_ =	shalt  }
0x7a: {  	_ =	shalt  }
0x7b: {  	_ =	shalt  }
0x7c: {  	_ =	shalt  }
0x7d: {  	_ =	shalt  }
0x7e: {  	_ =	shalt  }
0x7f: {  	_ =	shalt  }
0x80: {  	_ =	shalt  }
0x81: {  	_ =	shalt  }
0x82: {  	_ =	shalt  }
0x83: {  	_ =	shalt  }
0x84: {  	_ =	shalt  }
0x85: {  	_ =	shalt  }
0x86: {  	_ =	shalt  }
0x87: {  	_ =	shalt  }
.Lfunc_end0:
.L_simem_size_0:
called_computation_lowered:
.L_overlay_start_0:
0x88: {  	s2 =	sld [smem:$0x3FD9]  }
0x89: {  	s3 =	sld [smem:$0x3FFE];
	_ =	sdelay $0x1  }
0x8a: {  	s1 =	srdreg.scid  }
0x8b: {  	s0 =	sand.u32 $0x1, s1  }
0x8c: {  	s17 =	sshll.u32 s0, $0xA;
	s2 =	sadd.s32 s3, s2  }
0x8d: {  	s2 =	sadd.s32 s2, s17  }
0x8e: {  	[smem:$0x3FBF] =	sst s2  }
0x8f: {  	_ = 	snop  }
0x90: {  	s2 =	sld [smem:$0x3FD0];
	(tm) =	ssettm $0x1  }
0x91: {  	s18 =	sld [smem:$0x3FFB];
	_ =	sdelay $0x3  }
0x92: {  	_ =	strace s18  }
0x93: {  	s3 =	sld [smem:$0x3FFC];
	_ =	sdelay $0x3  }
0x94: {  	_ =	strace s3  }
0x95: {  	s3 =	sld [smem:$0x3FFD];
	_ =	sdelay $0x3  }
0x96: {  	_ =	strace s3  }
0x97: {  	_ =	strace $0x8FFFFFFF  }
0x98: {  	s19 =	sld [smem:$0x3FDB];
	_ =	sdelay $0x1  }
0x99: {  	s4 =	simm.s32 $_scs_section_size  }
0x9a: {  	s5 =	simm.s32 $_size__tile_overlayer_lowered;
	s6 =	simm.s32 $_tile_overlayer_lowered  }
0x9b: {  	s22 =	simm.s32 $0x1BFF;
	s21 =	sshll.u32 s6, $0x1;
	s3 =	sadd.s32 s4, s19  }
0x9c: {  	s7 =	simm.s32 $0x0;
	s20 =	sshll.u32 s5, $0x1;
	s5 =	sadd.s32 s21, s3  }
0x9d: {  	[timem:s7], [sflag:s22] =	dma.local [hbm:s5], s20  }
0x9e: {  	_ =	swait.ge [sflag:s22], s20  }
0x9f: {  	s4 =	ssub.s32 $0x0, s20;
	[sflag:s22] =	ssyncset.done $0x0  }
0xa0: {  	[sflag:s22] =	ssyncadd.s32 s4;
	_ =	sdelay $0x1  }
0xa1: {  	s23 =	simm.s32 $0x1B8B  }
0xa2: {  	_ =	swait.ge [sflag:s23], $0x1  }
0xa3: {  	[sflag:s23] =	ssyncset.done $0x0  }
0xa4: {  	s25 =	simm.s32 $0x1B8E;
	s24 =	sld [smem:$0x3FFE];
	[sflag:s23] =	ssyncadd.s32 $0xFFFFFFFF  }
0xa5: {  	s26 =	simm.s32 $execute0_lowered;
	[smem:$0x3FD2] =	sst s25  }
0xa6: {  	s5 =	sshll.u32 s26, $0x1;
	_ =	strace $0x80000046;
	[dreg:$0x1] =	wrdreg $0xFFFFFFFF  }
0xa7: {  	s28 =	simm.s32 $_size_execute0_lowered;
	s3 =	sadd.s32 s3, s5;
	[dreg:$0x0] =	wrdreg $0x0  }
0xa8: {  	s5 =	sshll.u32 s28, $0x1;
	[dreg:$0x2] =	wrdreg s3  }
0xa9: {  	[dreg:$0x3] =	wrdreg s5  }
0xaa: {  	[dreg:$0x4] =	wrdreg $0xC0  }
0xab: {  	_ =	task [dreg:s7], $0x5FFFF  }
0xac: {  	[dreg:$0x1] =	wrdreg $0xFFFFFFFF  }
0xad: {  	[dreg:$0x0] =	wrdreg $0x60  }
0xae: {  	[dreg:$0x2] =	wrdreg s24  }
0xaf: {  	[dreg:$0x3] =	wrdreg s2  }
0xb0: {  	[dreg:$0x4] =	wrdreg $0x9  }
0xb1: {  	_ =	task.clear_ibuf [dreg:s7], $0x5FFFF;
	_ =	strace $0x90000046  }
0xb2: {  	s29 =	simm.s32 $0x9;
	_ =	strace $0x80000048  }
0xb3: {  	_ =	swait.ge [sflag:s29], $0x1  }
0xb4: {  	[sflag:s29] =	ssyncadd.s32 $0xFFFFFFFF  }
0xb5: {  	_ =	strace $0x90000048  }
0xb6: {  	_ =	sfence  }
0xb7: {  	s30 =	sld [smem:$0x0];
	_ =	sdelay $0x2  }
0xb8: {  	s31 =	sshll.u32 s1, $0xD;
	s1 =	sshrl.u32 s1, $0x2  }
0xb9: {  	s3 =	sand.u32 $0x4000, s31;
	s1 =	sadd.s32 s1, s30  }
0xba: {  	s0 =	sor.u32 s3, s0;
	s1 =	sshll.u32 s1, $0x11  }
0xbb: {  	s0 =	sor.u32 s1, s0  }
0xbc: {  	s0 =	sadd.s32 $0x8F2B, s0  }
0xbd: {  	[sflag:s0] =	ssyncadd.remote.s32 $0x1  }
0xbe: {  	_ =	sfence.sel $0xFFFF  }
0xbf: {  	[dreg:$0x0] =	wrdreg $0xFFFFFFFF;
	(pc) =	sbr.abs _section_cstart, $3  }
0xc0: {  	[dreg:$0x1] =	wrdreg $0xFFFFFFFF  }
0xc1: {  	_ =	task.clear_ibuf [dreg:s7], $0x2FFFF;
	_ =	strace $0x9FFFFFFF  }
0xc2: {  	(tm) =	ssettm $0x7FFFFFFF  }
0xc3: {  	_ =	shalt  }
tec
execute0_lowered:
.L_overlay_start_1:
0x0: {  	(tag) =	ssettag $0x1  }
0x1: {  	s0 =	rddreg [dreg:$0x0]  }
0x2: {  	s2 =	rddreg [dreg:$0x1]  }
0x3: {  	s1 =	srdreg.scid;
	s4 =	stileid.u32;
	s3 =	simm.s32 $0x0  }
0x4: {  	s17 =	simm.s32 $0x7;
	s19 =	simm.s32 $0x80;
	s20 =	simm.s32 $0x180  }
0x5: {  	s23 =	simm.s32 $0x2;
	s28 =	simm.s32 $0x8200;
	s29 =	simm.s32 $0x4  }
0x6: {  	s30 =	simm.s32 $0xA200;
	s31 =	simm.s32 $0x5;
	s1 =	sand.u32 $0x1, s1  }
0x7: {  	s4 =	sshll.u32 s4, $0x1;
	[smem:$0x7FF] =	sst s3;
	s5 =	sadd.s32 $0x1FA00, s0  }
0x8: {  	s6 =	sadd.s32 $0x2000, s0;
	s7 =	sadd.s32 $0x33400, s0;
	s8 =	sor.u32 s1, s4  }
0x9: {  	_ =	strace $0x80000047;
	s1 =	ssub.s32 $0x2, s1;
	s9 =	smul.u32 $0x2800, s8  }
0xa: {  	s4 =	sadd.s32 $0xC000, s0;
	s24 =	sshrl.u32 s1, $0x1;
	s8 =	smul.u32 $0xA0000, s8  }
0xb: {  	s0 =	ssub.s32 s1, s24;
	s24 =	simm.s32 $0x2200;
	s10 =	sshrl.u32 s9, $0x3  }
0xc: {  	s13 =	sor.u32 $0x100, s9;
	s14 =	sor.u32 $0x2000, s8;
	s15 =	sor.u32 $0x180, s9  }
.Ltmp0:
0xd: {  	s16 =	smax.u32 s0, $0x1;
	s11 =	sadd.s32 s2, s10;
	(pc) =	sbr.rel .LBB2_1-.Ltmp0, $4  }
0xe: {  	s25 =	sor.u32 $0x10, s10;
	s10 =	sadd.s32 s6, s10;
	[dreg:$0x3] =	wrdreg s11  }
0xf: {  	s0 =	simm.s32 $0x6;
	[dreg:$0x4] =	wrdreg s10;
	s26 =	sadd.s32 s2, s25  }
0x10: {  	s1 =	sadd.s32 s6, s25;
	s25 =	simm.s32 $0x6200;
	[dreg:$0x5] =	wrdreg s26  }
0x11: {  	[dreg:$0x6] =	wrdreg s1;
	s26 =	simm.s32 $0x3;
	s1 =	simm.s32 $0x0  }
.LBB2_8:
0x12: {  	s1 =	sadd.s32 $0x1, s1  }
0x13: {  	_ =	swait.ge [sflag:s31], $0x2000;
	p0 =	sne.s32 s1, s16  }
.Ltmp1:
0x14: {  	[sflag:s31] =	ssyncset.done $0x0;
	(pc) =	sbr.rel @!p0 .LBB2_9-.Ltmp1, $4  }
0x15: {  	[sflag:s31] =	ssyncadd.s32 $0xFFFFE000  }
0x16: {  	_ =	swait.ge [sflag:s0], $0x2000  }
0x17: {  	[sflag:s0] =	ssyncset.done $0x0  }
0x18: {  	[sflag:s0] =	ssyncadd.s32 $0xFFFFE000  }
.LBB2_1:
0x19: {  	s9 =	rddreg [dreg:$0x3]  }
0x1a: {  	[tilespmem:s3], [sflag:$0x7] =	stream.linear.gather [hbm4b:s9+s3], $0x80, $0x38;
	[tilespmem:$0xC200] =	vst v63  }
0x1b: {  	_ =	swait.ge [sflag:s17], $0x80  }
0x1c: {  	[sflag:s17] =	ssyncset.done $0x0  }
0x1d: {  	s10 =	simm.s32 $0x100;
	s11 =	rddreg [dreg:$0x4];
	[sflag:s17] =	ssyncadd.s32 $0xFFFFFF80  }
0x1e: {  	[tilespmem:s10], [sflag:$0x7] =	stream.linear.gather [hbm4b:s11+s3], $0x80, $0x38;
	[tilespmem:$0xC200] =	vst v63  }
0x1f: {  	_ =	swait.ge [sflag:s17], $0x80  }
0x20: {  	[sflag:s17] =	ssyncset.done $0x0  }
0x21: {  	s12 =	rddreg [dreg:$0x5];
	[sflag:s17] =	ssyncadd.s32 $0xFFFFFF80  }
0x22: {  	[tilespmem:s19], [sflag:$0x2] =	stream.linear.gather [hbm4b:s12+s3], $0x80, $0x38;
	[tilespmem:$0xC200] =	vst v63  }
0x23: {  	s18 =	rddreg [dreg:$0x6]  }
0x24: {  	[tilespmem:s20], [sflag:$0x2] =	stream.linear.gather [hbm4b:s18+s3], $0x80, $0x38;
	[tilespmem:$0xC200] =	vst v63  }
0x25: {  	s21 =	simm.s32 $0x200  }
0x26: {  	[tilespmem:s21], [sflag:$0x3] =	stream.indirect.gather [hbm4b:s4+s19], $0x40, s3, s19, $0xb8;
	[tilespmem:$0xC200] =	vst v63  }
0x27: {  	s22 =	simm.s32 $0x4200;
	s21 =	simm.s32 $0x0  }
0x28: {  	[tilespmem:s22], [sflag:$0x3] =	stream.indirect.gather [hbm4b:s5+s19], $0x40, s10, s19, $0xb8;
	[tilespmem:$0xC200] =	vst v63  }
.LBB2_2:
0x29: {  	_ =	swait.ge [sflag:s23], $0x80  }
0x2a: {  	[sflag:s23] =	ssyncset.done $0x0  }
0x2b: {  	[sflag:s23] =	ssyncadd.s32 $0xFFFFFF80  }
0x2c: {  	_ =	swait.ge [sflag:s23], $0x80  }
0x2d: {  	[sflag:s23] =	ssyncset.done $0x0  }
0x2e: {  	[sflag:s23] =	ssyncadd.s32 $0xFFFFFF80  }
0x2f: {  	[tilespmem:s24], [sflag:$0x4] =	stream.indirect.gather [hbm4b:s4+s19], $0x40, s19, s19, $0xb8;
	[tilespmem:$0xC200] =	vst v63  }
0x30: {  	_ = 	snop  }
0x31: {  	[tilespmem:s25], [sflag:$0x4] =	stream.indirect.gather [hbm4b:s5+s19], $0x40, s20, s19, $0xb8;
	[tilespmem:$0xC200] =	vst v63  }
0x32: {  	_ =	swait.ge [sflag:s26], $0x2000  }
0x33: {  	[sflag:s26] =	ssyncset.done $0x0  }
0x34: {  	[sflag:s26] =	ssyncadd.s32 $0xFFFFE000  }
0x35: {  	_ =	swait.ge [sflag:s26], $0x2000  }
0x36: {  	p0 =	seq.s32 s21, $0x0;
	[sflag:s26] =	ssyncset.done $0x0  }
0x37: {  	s9 =	simm.s32 @!p0 $0x5;
	[sflag:s26] =	ssyncadd.s32 $0xFFFFE000  }
0x38: {  	_ =	swait.ge @!p0 [sflag:s9], $0x2000  }
0x39: {  	[sflag:s9] =	ssyncset.done @!p0 $0x0  }
0x3a: {  	[sflag:s9] =	ssyncadd.s32 @!p0 $0xFFFFE000;
	s9 =	simm.s32 $0x0  }
0x3b: {  	v2 =	vld [tilespmem:s9+$0x230]  }
0x3c: {  	v4 =	vld [tilespmem:s9+$0x4230]  }
0x3d: {  	v5 =	vld [tilespmem:s9+$0x200]  }
0x3e: {  	v6 =	vld [tilespmem:s9+$0x4200]  }
0x3f: {  	v1 =	vld [tilespmem:s9+$0x210]  }
0x40: {  	v3 =	vld [tilespmem:s9+$0x4210]  }
0x41: {  	v0 =	vld [tilespmem:s9+$0x220];
	v7 =	vadd.bf16 v4, v2  }
0x42: {  	s10 =	simm.s32 $0x40;
	v4 =	vld [tilespmem:s9+$0x4220]  }
0x43: {  	s22 =	sshll.u32 s21, $0x8;
	s11 =	simm.s32 $0x200;
	v2 =	vld [tilespmem:s10+$0x230];
	v5 =	vadd.bf16 v6, v5;
	[tilespmem:s9+$0x8230] =	vst v7  }
.LBB2_3:
0x44: {  	p1 =	sne.s32 s11, $0x7F00;
	v6 =	vld [tilespmem:s10+$0x4230]  }
0x45: {  	v7 =	vld [tilespmem:s10+$0x200];
	[tilespmem:s9+$0x8200] =	vst v5;
	v3 =	vadd.bf16 v3, v1  }
0x46: {  	v5 =	vld [tilespmem:s10+$0x4200]  }
.Ltmp2:
0x47: {  	v1 =	vld [tilespmem:s10+$0x210];
	[tilespmem:s9+$0x8210] =	vst v3;
	v4 =	vadd.bf16 v4, v0;
	(pc) =	sbr.rel @p1 .LBB2_3-.Ltmp2, $4  }
0x48: {  	v3 =	vld [tilespmem:s10+$0x4210]  }
0x49: {  	v0 =	vld [tilespmem:s10+$0x220];
	v6 =	vadd.bf16 v6, v2;
	[tilespmem:s9+$0x8220] =	vst v4;
	s9 =	smov.u32 s10  }
0x4a: {  	s10 =	sshra.s32 s11, $0x2;
	v4 =	vld [tilespmem:s9+$0x4220]  }
0x4b: {  	s11 =	sadd.s32 $0x100, s11;
	v2 =	vld [tilespmem:s10+$0x230];
	v5 =	vadd.bf16 v5, v7;
	[tilespmem:s9+$0x8230] =	vst v6  }
0x4c: {  	v6 =	vld [tilespmem:s10+$0x4230]  }
0x4d: {  	v7 =	vld [tilespmem:s10+$0x200];
	[tilespmem:s9+$0x8200] =	vst v5;
	v1 =	vadd.bf16 v3, v1  }
0x4e: {  	v3 =	vld [tilespmem:s10+$0x4200]  }
0x4f: {  	v5 =	vld [tilespmem:s10+$0x210];
	[tilespmem:s9+$0x8210] =	vst v1;
	v0 =	vadd.bf16 v4, v0  }
0x50: {  	v1 =	vld [tilespmem:s10+$0x4210]  }
0x51: {  	v4 =	vld [tilespmem:s10+$0x220];
	[tilespmem:s9+$0x8220] =	vst v0  }
0x52: {  	v0 =	vld [tilespmem:s10+$0x4220];
	_ =	sdelay $0x1  }
0x53: {  	v2 =	vadd.bf16 v6, v2  }
0x54: {  	v3 =	vadd.bf16 v3, v7  }
0x55: {  	s9 =	sshll.u32 s21, $0xE;
	[tilespmem:s10+$0x8230] =	vst v2;
	v1 =	vadd.bf16 v1, v5  }
0x56: {  	s11 =	sadd.s32 s8, s9;
	[tilespmem:s10+$0x8200] =	vst v3;
	v0 =	vadd.bf16 v0, v4  }
0x57: {  	p1 =	seq.s32 s21, $0x27;
	s11 =	sshrl.u32 s11, $0x3;
	[tilespmem:s10+$0x8210] =	vst v1  }
0x58: {  	s18 =	sadd.s32 s7, s11;
	[tilespmem:s10+$0x8220] =	vst v0;
	s10 =	sadd.s32 @!p1 s22, s13  }
0x59: {  	[hbm4b:s18+s3] =	stream.linear.scatter [tilespmem:s28], [sflag:$0x5], $0x2000, $0x38;
	[tilespmem:$0xC200] =	vst v63  }
0x5a: {  	s10 =	sshrl.u32 @!p1 s10, $0x3  }
0x5b: {  	s12 =	simm.s32 @!p1 $0x0;
	s11 =	sadd.s32 @!p1 s2, s10  }
0x5c: {  	[tilespmem:s12], [sflag:$0x1] =	stream.linear.gather @!p1 [hbm4b:s11+s12], $0x80, $0x38;
	[tilespmem:$0xC200] =	vst v63  }
0x5d: {  	s10 =	sadd.s32 @!p1 s6, s10;
	s11 =	simm.s32 @!p1 $0x100  }
0x5e: {  	[tilespmem:s11], [sflag:$0x1] =	stream.linear.gather @!p1 [hbm4b:s10+s12], $0x80, $0x38;
	[tilespmem:$0xC200] =	vst v63  }
0x5f: {  	s10 =	simm.s32 @!p1 $0x1  }
0x60: {  	_ =	swait.ge @!p1 [sflag:s10], $0x80  }
0x61: {  	[sflag:s10] =	ssyncset.done @!p1 $0x0  }
0x62: {  	[sflag:s10] =	ssyncadd.s32 @!p1 $0xFFFFFF80  }
0x63: {  	_ =	swait.ge @!p1 [sflag:s10], $0x80  }
0x64: {  	[sflag:s10] =	ssyncset.done @!p1 $0x0  }
0x65: {  	s18 =	simm.s32 @!p1 $0x200;
	[sflag:s10] =	ssyncadd.s32 @!p1 $0xFFFFFF80;
	s10 =	simm.s32 @!p1 $0x80  }
0x66: {  	[tilespmem:s18], [sflag:$0x3] =	stream.indirect.gather @!p1 [hbm4b:s4+s10], $0x40, s12, s10, $0xb8;
	[tilespmem:$0xC200] =	vst v63  }
0x67: {  	s12 =	simm.s32 @!p1 $0x4200  }
0x68: {  	[tilespmem:s12], [sflag:$0x3] =	stream.indirect.gather @!p1 [hbm4b:s5+s10], $0x40, s11, s10, $0xb8;
	[tilespmem:$0xC200] =	vst v63  }
0x69: {  	_ =	swait.ge [sflag:s29], $0x2000  }
0x6a: {  	[sflag:s29] =	ssyncset.done $0x0  }
0x6b: {  	[sflag:s29] =	ssyncadd.s32 $0xFFFFE000  }
0x6c: {  	_ =	swait.ge [sflag:s29], $0x2000  }
0x6d: {  	[sflag:s29] =	ssyncset.done $0x0  }
0x6e: {  	s10 =	simm.s32 @!p0 $0x6;
	[sflag:s29] =	ssyncadd.s32 $0xFFFFE000  }
0x6f: {  	_ =	swait.ge @!p0 [sflag:s10], $0x2000  }
0x70: {  	[sflag:s10] =	ssyncset.done @!p0 $0x0  }
0x71: {  	s11 =	simm.s32 $0x0;
	[sflag:s10] =	ssyncadd.s32 @!p0 $0xFFFFE000  }
0x72: {  	v2 =	vld [tilespmem:s11+$0x2230]  }
0x73: {  	v4 =	vld [tilespmem:s11+$0x6230]  }
0x74: {  	v5 =	vld [tilespmem:s11+$0x2200]  }
0x75: {  	v6 =	vld [tilespmem:s11+$0x6200]  }
0x76: {  	v1 =	vld [tilespmem:s11+$0x2210]  }
0x77: {  	v3 =	vld [tilespmem:s11+$0x6210]  }
0x78: {  	v0 =	vld [tilespmem:s11+$0x2220];
	v7 =	vadd.bf16 v4, v2  }
0x79: {  	s10 =	simm.s32 $0x40;
	v4 =	vld [tilespmem:s11+$0x6220]  }
0x7a: {  	s12 =	simm.s32 $0x200;
	v2 =	vld [tilespmem:s10+$0x2230];
	v5 =	vadd.bf16 v6, v5;
	[tilespmem:s11+$0xA230] =	vst v7  }
.LBB2_5:
0x7b: {  	p0 =	sne.s32 s12, $0x7F00;
	v6 =	vld [tilespmem:s10+$0x6230]  }
0x7c: {  	v7 =	vld [tilespmem:s10+$0x2200];
	[tilespmem:s11+$0xA200] =	vst v5;
	v3 =	vadd.bf16 v3, v1  }
0x7d: {  	v5 =	vld [tilespmem:s10+$0x6200]  }
.Ltmp3:
0x7e: {  	v1 =	vld [tilespmem:s10+$0x2210];
	[tilespmem:s11+$0xA210] =	vst v3;
	v4 =	vadd.bf16 v4, v0;
	(pc) =	sbr.rel @p0 .LBB2_5-.Ltmp3, $4  }
0x7f: {  	v3 =	vld [tilespmem:s10+$0x6210]  }
0x80: {  	v0 =	vld [tilespmem:s10+$0x2220];
	v6 =	vadd.bf16 v6, v2;
	[tilespmem:s11+$0xA220] =	vst v4;
	s11 =	smov.u32 s10  }
0x81: {  	s10 =	sshra.s32 s12, $0x2;
	v4 =	vld [tilespmem:s11+$0x6220]  }
0x82: {  	s12 =	sadd.s32 $0x100, s12;
	v2 =	vld [tilespmem:s10+$0x2230];
	v5 =	vadd.bf16 v5, v7;
	[tilespmem:s11+$0xA230] =	vst v6  }
0x83: {  	v6 =	vld [tilespmem:s10+$0x6230]  }
0x84: {  	v7 =	vld [tilespmem:s10+$0x2200];
	[tilespmem:s11+$0xA200] =	vst v5;
	v1 =	vadd.bf16 v3, v1  }
0x85: {  	v62 =	vld [tilespmem:s10+$0x6200]  }
0x86: {  	v5 =	vld [tilespmem:s10+$0x2210];
	[tilespmem:s11+$0xA210] =	vst v1;
	v0 =	vadd.bf16 v4, v0  }
0x87: {  	v1 =	vld [tilespmem:s10+$0x6210]  }
0x88: {  	v63 =	vld [tilespmem:s10+$0x2220];
	[tilespmem:s11+$0xA220] =	vst v0  }
0x89: {  	v0 =	vld [tilespmem:s10+$0x6220];
	_ =	sdelay $0x1  }
0x8a: {  	v2 =	vadd.bf16 v6, v2  }
0x8b: {  	v3 =	vadd.bf16 v62, v7  }
.Ltmp4:
0x8c: {  	[tilespmem:s10+$0xA230] =	vst v2;
	v1 =	vadd.bf16 v1, v5;
	(pc) =	sbr.rel @p1 .LBB2_8-.Ltmp4, $4  }
0x8d: {  	s9 =	sadd.s32 s9, s14;
	[tilespmem:s10+$0xA200] =	vst v3;
	v0 =	vadd.bf16 v0, v63  }
0x8e: {  	s9 =	sshrl.u32 s9, $0x3;
	[tilespmem:s10+$0xA210] =	vst v1  }
0x8f: {  	s9 =	sadd.s32 s7, s9;
	[tilespmem:s10+$0xA220] =	vst v0  }
0x90: {  	[hbm4b:s9+s3] =	stream.linear.scatter [tilespmem:s30], [sflag:$0x6], $0x2000, $0x38;
	[tilespmem:$0xC200] =	vst v63  }
0x91: {  	s9 =	sadd.s32 s22, s15  }
.Ltmp5:
0x92: {  	s9 =	sshrl.u32 s9, $0x3;
	(pc) =	sbr.rel .LBB2_2-.Ltmp5, $4  }
0x93: {  	s10 =	sadd.s32 s2, s9  }
0x94: {  	[tilespmem:s19], [sflag:$0x2] =	stream.linear.gather [hbm4b:s10+s3], $0x80, $0x38;
	[tilespmem:$0xC200] =	vst v63  }
0x95: {  	s21 =	sadd.s32 $0x1, s21;
	s9 =	sadd.s32 s6, s9  }
0x96: {  	[tilespmem:s20], [sflag:$0x2] =	stream.linear.gather [hbm4b:s9+s3], $0x80, $0x38;
	[tilespmem:$0xC200] =	vst v63  }
.LBB2_9:
0x97: {  	_ =	sfence.sel $0x180000  }
0x98: {  	[bflag:$0x0] =	sbarrier.arrive $0xFFFF  }
0x99: {  	_ =	strace $0x90000047  }
0x9a: {  	s0 =	stileid.u32;
	[bflag:$0x2] =	sbarrier.arrive $0xFFFF  }
0x9b: {  	p0 =	sne.s32 s0, $0x0;
	s0 =	rddreg [dreg:$0x2]  }
0x9c: {  	s0 =	sadd.s32 @!p0 $0x100000, s0  }
0x9d: {  	[sflag:s0] =	ssyncadd.tile.s32 @!p0 $0x1;
	_ =	shalt  }
.Lfunc_end2:
_tile_overlayer_lowered:
.L_overlay_start_2:
0x9e: {  	(tag) =	ssettag $0x2  }
0x9f: {  	s0 =	rddreg [dreg:$0x0];
	s2 =	stileid.u32  }
0xa0: {  	s1 =	rddreg [dreg:$0x1];
	p0 =	sne.s32 s2, $0x0  }
0xa1: {  	s3 =	rddreg [dreg:$0x2];
	[bflag:$0x3] =	sbarrier.arrive $0xFFFF;
	s2 =	simm.s32 @!p0 $0x1C07  }
0xa2: {  	[timem:s3], [sflag:s2] =	dma.local @!p0 [hbm:s0], s1  }
0xa3: {  	s0 =	simm.s32 @!p0 $0x7  }
0xa4: {  	_ =	swait.ge @!p0 [sflag:s0], s1  }
0xa5: {  	s1 =	ssub.s32 @!p0 $0x0, s1;
	[sflag:s0] =	ssyncset.done @!p0 $0x0  }
0xa6: {  	[sflag:s0] =	ssyncadd.s32 @!p0 s1  }
0xa7: {  	[bflag:$0x3] =	sbarrier.arrive $0xFFFF  }
0xa8: {  	_ =	shalt  }

</sc_bundles>
